<compile_context>
chip_gen: v7x
topology: tpu7x:2x2x1
jax: 0.10.2.dev20260603
libtpu: 0.0.44.dev20260713+nightly
codegen_flags: <defaults>
</compile_context>

<pallas_src>
import functools
import numpy as np
import jax
import jax.numpy as jnp
from jax import lax
from jax.experimental import pallas as pl
from jax.experimental.pallas import tpu as pltpu
from jax.experimental.pallas import tpu_sc as plsc

B = 16384
SEQ = 50
D = 64
NC, NS, L = 2, 16, 16
NW = NC * NS
B_BLK = 256
NBB = B // B_BLK
BLKS_PER_W = SEQ * NBB // NW
NVR = D // L


def _make_pe_const():
    position = np.arange(0, SEQ, dtype=np.float32)[:, None]
    div_term = np.exp(
        np.arange(0, D, 2, dtype=np.float32) * (-np.log(10000.0) / D))
    pe = np.zeros((SEQ, D), dtype=np.float32)
    pe[:, 0::2] = np.sin(position * div_term)
    pe[:, 1::2] = np.cos(position * div_term)
    return jnp.asarray(pe)


_MESH = plsc.VectorSubcoreMesh(core_axis_name="c", subcore_axis_name="s")


@functools.partial(
    pl.kernel,
    mesh=_MESH,
    compiler_params=pltpu.CompilerParams(
        use_tc_tiling_on_sc=False, needs_layout_passes=False),
    out_type=jax.ShapeDtypeStruct((SEQ, D, B), jnp.float32),
    scratch_types=[
        pltpu.VMEM((2, B_BLK), jnp.int32),
        pltpu.VMEM((2, B_BLK, D), jnp.float32),
        pltpu.VMEM((2, D, B_BLK + 1), jnp.float32),
        pltpu.VMEM((SEQ, D), jnp.float32),
    ]
    + [pltpu.SemaphoreType.DMA] * 4,
)
def _embed_pe(tok_hbm, table_hbm, pe_hbm, out_hbm, idx_v, rows_v, stage_v,
              pe_v, gsem0, gsem1, osem0, osem1):
    gsem = (gsem0, gsem1)
    osem = (osem0, osem1)
    wid = lax.axis_index("s") * NC + lax.axis_index("c")
    pltpu.sync_copy(pe_hbm, pe_v)

    iota = lax.iota(jnp.int32, L)
    row_idx = [jg * L + iota for jg in range(NVR)]
    zero_v = iota - iota

    def load_idx(c, bf):
        p = c // 2
        b0 = (2 * wid + (c % 2)) * B_BLK
        pltpu.sync_copy(tok_hbm.at[p, pl.ds(b0, B_BLK)], idx_v.at[bf])
        for k in range(B_BLK // L):
            sl = pl.ds(k * L, L)
            idx_v[bf, sl] = idx_v[bf, sl] * 2

    def start_gather(bf):
        pltpu.async_copy(table_hbm.at[idx_v.at[bf]], rows_v.at[bf], gsem[bf])

    def wait_gather(bf):
        pltpu.make_async_copy(
            table_hbm.at[idx_v.at[bf]], rows_v.at[bf], gsem[bf]).wait()

    def wait_out(bf):
        pltpu.make_async_copy(
            stage_v.at[bf, :, pl.ds(0, B_BLK)],
            out_hbm.at[0, :, pl.ds(0, B_BLK)], osem[bf]).wait()

    load_idx(0, 0)
    start_gather(0)

    def pair_body(i, carry):
        for par in range(2):
            c = 2 * i + par
            bf = par
            nbf = 1 - par

            @pl.when(c + 1 < BLKS_PER_W)
            def _issue_next():
                load_idx(c + 1, nbf)
                start_gather(nbf)

            wait_gather(bf)

            @pl.when(c >= 2)
            def _drain_stage():
                wait_out(bf)

            p = c // 2
            b0 = (2 * wid + par) * B_BLK
            pe_regs = [pe_v[p, pl.ds(jg * L, L)] for jg in range(NVR)]
            rows_b = rows_v.at[bf]
            stage_b = stage_v.at[bf]

            @plsc.parallel_loop(0, B_BLK, step=8, unroll=2)
            def s_body(s0):
                for ds_ in range(8):
                    s = s0 + ds_
                    col_idx = zero_v + s
                    for jg in range(NVR):
                        v = rows_b[s, pl.ds(jg * L, L)] + pe_regs[jg]
                        plsc.store_scatter(
                            stage_b, [row_idx[jg], col_idx], v)
            pltpu.async_copy(
                stage_v.at[bf, :, pl.ds(0, B_BLK)],
                out_hbm.at[p, :, pl.ds(b0, B_BLK)], osem[bf])
        return carry

    lax.fori_loop(0, BLKS_PER_W // 2, pair_body, 0)
    wait_out(0)
    wait_out(1)


def kernel(tokens, table):
    pe = _make_pe_const()
    tbl2 = jnp.pad(table, ((0, 0), (0, D))).reshape(2 * table.shape[0], D)
    tok_t = tokens.T.astype(jnp.int32)
    out_t = _embed_pe(tok_t, tbl2, pe)
    return jnp.transpose(out_t, (2, 0, 1))

# --- scband reference (transcript-rebuilt; emitter-appended) ---
"""Pipeline reference for scband-gpt-transformer-65429531787937 (READ-ONLY COPY).

The authoritative reference and input builder live on the scoring server;
editing this copy changes nothing except your own understanding.
"""

import jax, jax.numpy as jnp
import numpy as np


def _make_pe(d_model=64, max_len=100):
    position = np.arange(0, max_len, dtype=np.float32)[:, None]
    div_term = np.exp(np.arange(0, d_model, 2, dtype=np.float32) * (-np.log(10000.0) / d_model))
    pe = np.zeros((max_len, d_model), dtype=np.float32)
    pe[:, 0::2] = np.sin(position * div_term)
    pe[:, 1::2] = np.cos(position * div_term)
    return jnp.asarray(pe)[None]  # [1, max_len, d_model]


def setup_inputs(seed: int = 0) -> dict:
    key = jax.random.key(seed)
    k1, k2 = jax.random.split(key)
    tokens = jax.random.randint(k1, (16384, 50), 0, 1000000)
    table = jax.random.normal(k2, (1000000, 64), dtype=jnp.float32)
    return {"tokens": tokens, "table": table}


def reference(tokens, table):
    pe = _make_pe(d_model=64, max_len=100)
    embed = jnp.take(table, tokens, axis=0)  # [B, L, 64]
    out = embed + pe[:, :tokens.shape[1]]
    return out

if __name__ == "__main__":
    import jax
    _d = setup_inputs()
    print(jax.jit(kernel)(*tuple(_d.values())))

</pallas_src>

<mosaic_0001>
#map = affine_map<(d0, d1) -> (0, 0)>
#map1 = affine_map<(d0, d1) -> (0, 0, 0)>
module attributes {stable_mosaic.version = 14 : i64} {
  func.func @_embed_pe(%arg0: i32, %arg1: i32, %arg2: memref<50x16384xi32, #tpu.memory_space<hbm>>, %arg3: memref<2000000x64xf32, #tpu.memory_space<hbm>>, %arg4: memref<50x64xf32, #tpu.memory_space<hbm>>, %arg5: memref<50x64x16384xf32, #tpu.memory_space<hbm>>, %arg6: memref<2x256xi32, #tpu.memory_space<vmem>>, %arg7: memref<2x256x64xf32, #tpu.memory_space<vmem>>, %arg8: memref<2x64x257xf32, #tpu.memory_space<vmem>>, %arg9: memref<50x64xf32, #tpu.memory_space<vmem>>, %arg10: memref<!tpu.dma_semaphore, #tpu.memory_space<semaphore_mem>>, %arg11: memref<!tpu.dma_semaphore, #tpu.memory_space<semaphore_mem>>, %arg12: memref<!tpu.dma_semaphore, #tpu.memory_space<semaphore_mem>>, %arg13: memref<!tpu.dma_semaphore, #tpu.memory_space<semaphore_mem>>) attributes {dimension_semantics = [#tpu.dimension_semantics<core_parallel>, #tpu.dimension_semantics<subcore_parallel>], iteration_bounds = array<i64: 2, 16>, scalar_prefetch = 0 : i64, scratch_operands = 8 : i64, tpu.core_type = #tpu.core_type<sc_vector_subcore>, window_params = [{transform_indices = #map}, {transform_indices = #map}, {transform_indices = #map}, {transform_indices = #map1}]} {
    %mul3A = arith.constant 2 : i32
    %mul3A_0 = arith.muli %arg1, %mul3A : i32
    %add3A = arith.addi %mul3A_0, %arg0 : i32
    "tpu.region"() ({
      %run_scoped3A_245 = tpu.sem_alloc : memref<!tpu.dma_semaphore, #tpu.memory_space<semaphore_mem>>
      tpu.enqueue_dma source(%arg4 : memref<50x64xf32, #tpu.memory_space<hbm>>) target(%arg9 : memref<50x64xf32, #tpu.memory_space<vmem>>) target_semaphore(%run_scoped3A_245 : memref<!tpu.dma_semaphore, #tpu.memory_space<semaphore_mem>>)
      tpu.wait_dma2 semaphore(%run_scoped3A_245 : memref<!tpu.dma_semaphore, #tpu.memory_space<semaphore_mem>>) src(%arg4 : memref<50x64xf32, #tpu.memory_space<hbm>>) dst(%arg9 : memref<50x64xf32, #tpu.memory_space<vmem>>)
      tpu.yield
    }) : () -> ()
    %iota3A = tpu.iota {dimensions = array<i32: 0>} : vector<16xi32>
    %add3A_1 = arith.constant 0 : i32
    %add3A_2 = vector.broadcast %add3A_1 : i32 to vector<16xi32>
    %add3A_3 = arith.addi %add3A_2, %iota3A : vector<16xi32>
    %add3A_4 = arith.constant 16 : i32
    %add3A_5 = vector.broadcast %add3A_4 : i32 to vector<16xi32>
    %add3A_6 = arith.addi %add3A_5, %iota3A : vector<16xi32>
    %add3A_7 = arith.constant 32 : i32
    %add3A_8 = vector.broadcast %add3A_7 : i32 to vector<16xi32>
    %add3A_9 = arith.addi %add3A_8, %iota3A : vector<16xi32>
    %add3A_10 = arith.constant 48 : i32
    %add3A_11 = vector.broadcast %add3A_10 : i32 to vector<16xi32>
    %add3A_12 = arith.addi %add3A_11, %iota3A : vector<16xi32>
    %sub3A = arith.subi %iota3A, %iota3A : vector<16xi32>
    %mul3A_13 = arith.constant 2 : i32
    %mul3A_14 = arith.muli %mul3A_13, %add3A : i32
    %add3A_15 = arith.constant 0 : i32
    %add3A_16 = arith.addi %mul3A_14, %add3A_15 : i32
    %mul3A_17 = arith.constant 256 : i32
    %mul3A_18 = arith.muli %add3A_16, %mul3A_17 : i32
    %run_scoped3A = arith.constant 0 : i32
    %run_scoped3A_19 = arith.constant 0 : i32
    "tpu.region"() ({
      %run_scoped3A_245 = tpu.sem_alloc : memref<!tpu.dma_semaphore, #tpu.memory_space<semaphore_mem>>
      %dma_start3A_246 = arith.constant 0 : i32
      %dma_start3A_247 = tpu.memref_slice %arg6[%run_scoped3A_19, %dma_start3A_246] : memref<2x256xi32, #tpu.memory_space<vmem>> -> memref<1x256xi32, #tpu.memory_space<vmem>>
      %dma_start3A_248 = tpu.memref_squeeze %dma_start3A_247 : memref<1x256xi32, #tpu.memory_space<vmem>> -> memref<256xi32, #tpu.memory_space<vmem>>
      %dma_start3A_249 = tpu.memref_slice %arg2[%run_scoped3A, %mul3A_18] : memref<50x16384xi32, #tpu.memory_space<hbm>> -> memref<1x256xi32, #tpu.memory_space<hbm>>
      %dma_start3A_250 = tpu.memref_squeeze %dma_start3A_249 : memref<1x256xi32, #tpu.memory_space<hbm>> -> memref<256xi32, #tpu.memory_space<hbm>>
      %dma_start3A_251 = arith.constant 0 : i32
      %dma_start3A_252 = tpu.memref_slice %arg6[%run_scoped3A_19, %dma_start3A_251] : memref<2x256xi32, #tpu.memory_space<vmem>> -> memref<1x256xi32, #tpu.memory_space<vmem>>
      %dma_start3A_253 = tpu.memref_squeeze %dma_start3A_252 : memref<1x256xi32, #tpu.memory_space<vmem>> -> memref<256xi32, #tpu.memory_space<vmem>>
      %dma_start3A_254 = tpu.memref_slice %arg2[%run_scoped3A, %mul3A_18] : memref<50x16384xi32, #tpu.memory_space<hbm>> -> memref<1x256xi32, #tpu.memory_space<hbm>>
      %dma_start3A_255 = tpu.memref_squeeze %dma_start3A_254 : memref<1x256xi32, #tpu.memory_space<hbm>> -> memref<256xi32, #tpu.memory_space<hbm>>
      tpu.enqueue_dma source(%dma_start3A_255 : memref<256xi32, #tpu.memory_space<hbm>>) target(%dma_start3A_253 : memref<256xi32, #tpu.memory_space<vmem>>) target_semaphore(%run_scoped3A_245 : memref<!tpu.dma_semaphore, #tpu.memory_space<semaphore_mem>>)
      %dma_wait3A_256 = arith.constant 0 : i32
      %dma_wait3A_257 = tpu.memref_slice %arg6[%run_scoped3A_19, %dma_wait3A_256] : memref<2x256xi32, #tpu.memory_space<vmem>> -> memref<1x256xi32, #tpu.memory_space<vmem>>
      %dma_wait3A_258 = tpu.memref_squeeze %dma_wait3A_257 : memref<1x256xi32, #tpu.memory_space<vmem>> -> memref<256xi32, #tpu.memory_space<vmem>>
      %dma_wait3A_259 = tpu.memref_slice %arg2[%run_scoped3A, %mul3A_18] : memref<50x16384xi32, #tpu.memory_space<hbm>> -> memref<1x256xi32, #tpu.memory_space<hbm>>
      %dma_wait3A_260 = tpu.memref_squeeze %dma_wait3A_259 : memref<1x256xi32, #tpu.memory_space<hbm>> -> memref<256xi32, #tpu.memory_space<hbm>>
      %dma_wait3A_261 = arith.constant 0 : i32
      %dma_wait3A_262 = tpu.memref_slice %arg6[%run_scoped3A_19, %dma_wait3A_261] : memref<2x256xi32, #tpu.memory_space<vmem>> -> memref<1x256xi32, #tpu.memory_space<vmem>>
      %dma_wait3A_263 = tpu.memref_squeeze %dma_wait3A_262 : memref<1x256xi32, #tpu.memory_space<vmem>> -> memref<256xi32, #tpu.memory_space<vmem>>
      %dma_wait3A_264 = tpu.memref_slice %arg2[%run_scoped3A, %mul3A_18] : memref<50x16384xi32, #tpu.memory_space<hbm>> -> memref<1x256xi32, #tpu.memory_space<hbm>>
      %dma_wait3A_265 = tpu.memref_squeeze %dma_wait3A_264 : memref<1x256xi32, #tpu.memory_space<hbm>> -> memref<256xi32, #tpu.memory_space<hbm>>
      tpu.wait_dma2 semaphore(%run_scoped3A_245 : memref<!tpu.dma_semaphore, #tpu.memory_space<semaphore_mem>>) src(%dma_wait3A_265 : memref<256xi32, #tpu.memory_space<hbm>>) dst(%dma_wait3A_263 : memref<256xi32, #tpu.memory_space<vmem>>)
      tpu.yield
    }) : () -> ()
    %get3A = arith.constant 0 : i32
    %get3A_20 = arith.index_cast %get3A : i32 to index
    %get3A_21 = arith.constant 0 : index
    %get3A_22 = tpu.vector_load %arg6[%get3A_20, %get3A_21] {strides = array<i32>} : memref<2x256xi32, #tpu.memory_space<vmem>>, vector<16xi32>,
    %mul3A_23 = arith.constant 2 : i32
    %mul3A_24 = vector.broadcast %mul3A_23 : i32 to vector<16xi32>
    %mul3A_25 = arith.muli %get3A_22, %mul3A_24 : vector<16xi32>
    %swap3A = arith.constant 0 : i32
    %swap3A_26 = arith.index_cast %swap3A : i32 to index
    %swap3A_27 = arith.constant 0 : index
    %swap3A_28 = tpu.vector_load %arg6[%swap3A_26, %swap3A_27] {strides = array<i32>} : memref<2x256xi32, #tpu.memory_space<vmem>>, vector<16xi32>,
    tpu.vector_store %arg6[%swap3A_26, %swap3A_27], %mul3A_25 {strides = array<i32>} : memref<2x256xi32, #tpu.memory_space<vmem>>, vector<16xi32>,
    %get3A_29 = arith.constant 0 : i32
    %get3A_30 = arith.index_cast %get3A_29 : i32 to index
    %get3A_31 = arith.constant 16 : index
    %get3A_32 = tpu.vector_load %arg6[%get3A_30, %get3A_31] {strides = array<i32>} : memref<2x256xi32, #tpu.memory_space<vmem>>, vector<16xi32>,
    %mul3A_33 = arith.constant 2 : i32
    %mul3A_34 = vector.broadcast %mul3A_33 : i32 to vector<16xi32>
    %mul3A_35 = arith.muli %get3A_32, %mul3A_34 : vector<16xi32>
    %swap3A_36 = arith.constant 0 : i32
    %swap3A_37 = arith.index_cast %swap3A_36 : i32 to index
    %swap3A_38 = arith.constant 16 : index
    %swap3A_39 = tpu.vector_load %arg6[%swap3A_37, %swap3A_38] {strides = array<i32>} : memref<2x256xi32, #tpu.memory_space<vmem>>, vector<16xi32>,
    tpu.vector_store %arg6[%swap3A_37, %swap3A_38], %mul3A_35 {strides = array<i32>} : memref<2x256xi32, #tpu.memory_space<vmem>>, vector<16xi32>,
    %get3A_40 = arith.constant 0 : i32
    %get3A_41 = arith.index_cast %get3A_40 : i32 to index
    %get3A_42 = arith.constant 32 : index
    %get3A_43 = tpu.vector_load %arg6[%get3A_41, %get3A_42] {strides = array<i32>} : memref<2x256xi32, #tpu.memory_space<vmem>>, vector<16xi32>,
    %mul3A_44 = arith.constant 2 : i32
    %mul3A_45 = vector.broadcast %mul3A_44 : i32 to vector<16xi32>
    %mul3A_46 = arith.muli %get3A_43, %mul3A_45 : vector<16xi32>
    %swap3A_47 = arith.constant 0 : i32
    %swap3A_48 = arith.index_cast %swap3A_47 : i32 to index
    %swap3A_49 = arith.constant 32 : index
    %swap3A_50 = tpu.vector_load %arg6[%swap3A_48, %swap3A_49] {strides = array<i32>} : memref<2x256xi32, #tpu.memory_space<vmem>>, vector<16xi32>,
    tpu.vector_store %arg6[%swap3A_48, %swap3A_49], %mul3A_46 {strides = array<i32>} : memref<2x256xi32, #tpu.memory_space<vmem>>, vector<16xi32>,
    %get3A_51 = arith.constant 0 : i32
    %get3A_52 = arith.index_cast %get3A_51 : i32 to index
    %get3A_53 = arith.constant 48 : index
    %get3A_54 = tpu.vector_load %arg6[%get3A_52, %get3A_53] {strides = array<i32>} : memref<2x256xi32, #tpu.memory_space<vmem>>, vector<16xi32>,
    %mul3A_55 = arith.constant 2 : i32
    %mul3A_56 = vector.broadcast %mul3A_55 : i32 to vector<16xi32>
    %mul3A_57 = arith.muli %get3A_54, %mul3A_56 : vector<16xi32>
    %swap3A_58 = arith.constant 0 : i32
    %swap3A_59 = arith.index_cast %swap3A_58 : i32 to index
    %swap3A_60 = arith.constant 48 : index
    %swap3A_61 = tpu.vector_load %arg6[%swap3A_59, %swap3A_60] {strides = array<i32>} : memref<2x256xi32, #tpu.memory_space<vmem>>, vector<16xi32>,
    tpu.vector_store %arg6[%swap3A_59, %swap3A_60], %mul3A_57 {strides = array<i32>} : memref<2x256xi32, #tpu.memory_space<vmem>>, vector<16xi32>,
    %get3A_62 = arith.constant 0 : i32
    %get3A_63 = arith.index_cast %get3A_62 : i32 to index
    %get3A_64 = arith.constant 64 : index
    %get3A_65 = tpu.vector_load %arg6[%get3A_63, %get3A_64] {strides = array<i32>} : memref<2x256xi32, #tpu.memory_space<vmem>>, vector<16xi32>,
    %mul3A_66 = arith.constant 2 : i32
    %mul3A_67 = vector.broadcast %mul3A_66 : i32 to vector<16xi32>
    %mul3A_68 = arith.muli %get3A_65, %mul3A_67 : vector<16xi32>
    %swap3A_69 = arith.constant 0 : i32
    %swap3A_70 = arith.index_cast %swap3A_69 : i32 to index
    %swap3A_71 = arith.constant 64 : index
    %swap3A_72 = tpu.vector_load %arg6[%swap3A_70, %swap3A_71] {strides = array<i32>} : memref<2x256xi32, #tpu.memory_space<vmem>>, vector<16xi32>,
    tpu.vector_store %arg6[%swap3A_70, %swap3A_71], %mul3A_68 {strides = array<i32>} : memref<2x256xi32, #tpu.memory_space<vmem>>, vector<16xi32>,
    %get3A_73 = arith.constant 0 : i32
    %get3A_74 = arith.index_cast %get3A_73 : i32 to index
    %get3A_75 = arith.constant 80 : index
    %get3A_76 = tpu.vector_load %arg6[%get3A_74, %get3A_75] {strides = array<i32>} : memref<2x256xi32, #tpu.memory_space<vmem>>, vector<16xi32>,
    %mul3A_77 = arith.constant 2 : i32
    %mul3A_78 = vector.broadcast %mul3A_77 : i32 to vector<16xi32>
    %mul3A_79 = arith.muli %get3A_76, %mul3A_78 : vector<16xi32>
    %swap3A_80 = arith.constant 0 : i32
    %swap3A_81 = arith.index_cast %swap3A_80 : i32 to index
    %swap3A_82 = arith.constant 80 : index
    %swap3A_83 = tpu.vector_load %arg6[%swap3A_81, %swap3A_82] {strides = array<i32>} : memref<2x256xi32, #tpu.memory_space<vmem>>, vector<16xi32>,
    tpu.vector_store %arg6[%swap3A_81, %swap3A_82], %mul3A_79 {strides = array<i32>} : memref<2x256xi32, #tpu.memory_space<vmem>>, vector<16xi32>,
    %get3A_84 = arith.constant 0 : i32
    %get3A_85 = arith.index_cast %get3A_84 : i32 to index
    %get3A_86 = arith.constant 96 : index
    %get3A_87 = tpu.vector_load %arg6[%get3A_85, %get3A_86] {strides = array<i32>} : memref<2x256xi32, #tpu.memory_space<vmem>>, vector<16xi32>,
    %mul3A_88 = arith.constant 2 : i32
    %mul3A_89 = vector.broadcast %mul3A_88 : i32 to vector<16xi32>
    %mul3A_90 = arith.muli %get3A_87, %mul3A_89 : vector<16xi32>
    %swap3A_91 = arith.constant 0 : i32
    %swap3A_92 = arith.index_cast %swap3A_91 : i32 to index
    %swap3A_93 = arith.constant 96 : index
    %swap3A_94 = tpu.vector_load %arg6[%swap3A_92, %swap3A_93] {strides = array<i32>} : memref<2x256xi32, #tpu.memory_space<vmem>>, vector<16xi32>,
    tpu.vector_store %arg6[%swap3A_92, %swap3A_93], %mul3A_90 {strides = array<i32>} : memref<2x256xi32, #tpu.memory_space<vmem>>, vector<16xi32>,
    %get3A_95 = arith.constant 0 : i32
    %get3A_96 = arith.index_cast %get3A_95 : i32 to index
    %get3A_97 = arith.constant 112 : index
    %get3A_98 = tpu.vector_load %arg6[%get3A_96, %get3A_97] {strides = array<i32>} : memref<2x256xi32, #tpu.memory_space<vmem>>, vector<16xi32>,
    %mul3A_99 = arith.constant 2 : i32
    %mul3A_100 = vector.broadcast %mul3A_99 : i32 to vector<16xi32>
    %mul3A_101 = arith.muli %get3A_98, %mul3A_100 : vector<16xi32>
    %swap3A_102 = arith.constant 0 : i32
    %swap3A_103 = arith.index_cast %swap3A_102 : i32 to index
    %swap3A_104 = arith.constant 112 : index
    %swap3A_105 = tpu.vector_load %arg6[%swap3A_103, %swap3A_104] {strides = array<i32>} : memref<2x256xi32, #tpu.memory_space<vmem>>, vector<16xi32>,
    tpu.vector_store %arg6[%swap3A_103, %swap3A_104], %mul3A_101 {strides = array<i32>} : memref<2x256xi32, #tpu.memory_space<vmem>>, vector<16xi32>,
    %get3A_106 = arith.constant 0 : i32
    %get3A_107 = arith.index_cast %get3A_106 : i32 to index
    %get3A_108 = arith.constant 128 : index
    %get3A_109 = tpu.vector_load %arg6[%get3A_107, %get3A_108] {strides = array<i32>} : memref<2x256xi32, #tpu.memory_space<vmem>>, vector<16xi32>,
    %mul3A_110 = arith.constant 2 : i32
    %mul3A_111 = vector.broadcast %mul3A_110 : i32 to vector<16xi32>
    %mul3A_112 = arith.muli %get3A_109, %mul3A_111 : vector<16xi32>
    %swap3A_113 = arith.constant 0 : i32
    %swap3A_114 = arith.index_cast %swap3A_113 : i32 to index
    %swap3A_115 = arith.constant 128 : index
    %swap3A_116 = tpu.vector_load %arg6[%swap3A_114, %swap3A_115] {strides = array<i32>} : memref<2x256xi32, #tpu.memory_space<vmem>>, vector<16xi32>,
    tpu.vector_store %arg6[%swap3A_114, %swap3A_115], %mul3A_112 {strides = array<i32>} : memref<2x256xi32, #tpu.memory_space<vmem>>, vector<16xi32>,
    %get3A_117 = arith.constant 0 : i32
    %get3A_118 = arith.index_cast %get3A_117 : i32 to index
    %get3A_119 = arith.constant 144 : index
    %get3A_120 = tpu.vector_load %arg6[%get3A_118, %get3A_119] {strides = array<i32>} : memref<2x256xi32, #tpu.memory_space<vmem>>, vector<16xi32>,
    %mul3A_121 = arith.constant 2 : i32
    %mul3A_122 = vector.broadcast %mul3A_121 : i32 to vector<16xi32>
    %mul3A_123 = arith.muli %get3A_120, %mul3A_122 : vector<16xi32>
    %swap3A_124 = arith.constant 0 : i32
    %swap3A_125 = arith.index_cast %swap3A_124 : i32 to index
    %swap3A_126 = arith.constant 144 : index
    %swap3A_127 = tpu.vector_load %arg6[%swap3A_125, %swap3A_126] {strides = array<i32>} : memref<2x256xi32, #tpu.memory_space<vmem>>, vector<16xi32>,
    tpu.vector_store %arg6[%swap3A_125, %swap3A_126], %mul3A_123 {strides = array<i32>} : memref<2x256xi32, #tpu.memory_space<vmem>>, vector<16xi32>,
    %get3A_128 = arith.constant 0 : i32
    %get3A_129 = arith.index_cast %get3A_128 : i32 to index
    %get3A_130 = arith.constant 160 : index
    %get3A_131 = tpu.vector_load %arg6[%get3A_129, %get3A_130] {strides = array<i32>} : memref<2x256xi32, #tpu.memory_space<vmem>>, vector<16xi32>,
    %mul3A_132 = arith.constant 2 : i32
    %mul3A_133 = vector.broadcast %mul3A_132 : i32 to vector<16xi32>
    %mul3A_134 = arith.muli %get3A_131, %mul3A_133 : vector<16xi32>
    %swap3A_135 = arith.constant 0 : i32
    %swap3A_136 = arith.index_cast %swap3A_135 : i32 to index
    %swap3A_137 = arith.constant 160 : index
    %swap3A_138 = tpu.vector_load %arg6[%swap3A_136, %swap3A_137] {strides = array<i32>} : memref<2x256xi32, #tpu.memory_space<vmem>>, vector<16xi32>,
    tpu.vector_store %arg6[%swap3A_136, %swap3A_137], %mul3A_134 {strides = array<i32>} : memref<2x256xi32, #tpu.memory_space<vmem>>, vector<16xi32>,
    %get3A_139 = arith.constant 0 : i32
    %get3A_140 = arith.index_cast %get3A_139 : i32 to index
    %get3A_141 = arith.constant 176 : index
    %get3A_142 = tpu.vector_load %arg6[%get3A_140, %get3A_141] {strides = array<i32>} : memref<2x256xi32, #tpu.memory_space<vmem>>, vector<16xi32>,
    %mul3A_143 = arith.constant 2 : i32
    %mul3A_144 = vector.broadcast %mul3A_143 : i32 to vector<16xi32>
    %mul3A_145 = arith.muli %get3A_142, %mul3A_144 : vector<16xi32>
    %swap3A_146 = arith.constant 0 : i32
    %swap3A_147 = arith.index_cast %swap3A_146 : i32 to index
    %swap3A_148 = arith.constant 176 : index
    %swap3A_149 = tpu.vector_load %arg6[%swap3A_147, %swap3A_148] {strides = array<i32>} : memref<2x256xi32, #tpu.memory_space<vmem>>, vector<16xi32>,
    tpu.vector_store %arg6[%swap3A_147, %swap3A_148], %mul3A_145 {strides = array<i32>} : memref<2x256xi32, #tpu.memory_space<vmem>>, vector<16xi32>,
    %get3A_150 = arith.constant 0 : i32
    %get3A_151 = arith.index_cast %get3A_150 : i32 to index
    %get3A_152 = arith.constant 192 : index
    %get3A_153 = tpu.vector_load %arg6[%get3A_151, %get3A_152] {strides = array<i32>} : memref<2x256xi32, #tpu.memory_space<vmem>>, vector<16xi32>,
    %mul3A_154 = arith.constant 2 : i32
    %mul3A_155 = vector.broadcast %mul3A_154 : i32 to vector<16xi32>
    %mul3A_156 = arith.muli %get3A_153, %mul3A_155 : vector<16xi32>
    %swap3A_157 = arith.constant 0 : i32
    %swap3A_158 = arith.index_cast %swap3A_157 : i32 to index
    %swap3A_159 = arith.constant 192 : index
    %swap3A_160 = tpu.vector_load %arg6[%swap3A_158, %swap3A_159] {strides = array<i32>} : memref<2x256xi32, #tpu.memory_space<vmem>>, vector<16xi32>,
    tpu.vector_store %arg6[%swap3A_158, %swap3A_159], %mul3A_156 {strides = array<i32>} : memref<2x256xi32, #tpu.memory_space<vmem>>, vector<16xi32>,
    %get3A_161 = arith.constant 0 : i32
    %get3A_162 = arith.index_cast %get3A_161 : i32 to index
    %get3A_163 = arith.constant 208 : index
    %get3A_164 = tpu.vector_load %arg6[%get3A_162, %get3A_163] {strides = array<i32>} : memref<2x256xi32, #tpu.memory_space<vmem>>, vector<16xi32>,
    %mul3A_165 = arith.constant 2 : i32
    %mul3A_166 = vector.broadcast %mul3A_165 : i32 to vector<16xi32>
    %mul3A_167 = arith.muli %get3A_164, %mul3A_166 : vector<16xi32>
    %swap3A_168 = arith.constant 0 : i32
    %swap3A_169 = arith.index_cast %swap3A_168 : i32 to index
    %swap3A_170 = arith.constant 208 : index
    %swap3A_171 = tpu.vector_load %arg6[%swap3A_169, %swap3A_170] {strides = array<i32>} : memref<2x256xi32, #tpu.memory_space<vmem>>, vector<16xi32>,
    tpu.vector_store %arg6[%swap3A_169, %swap3A_170], %mul3A_167 {strides = array<i32>} : memref<2x256xi32, #tpu.memory_space<vmem>>, vector<16xi32>,
    %get3A_172 = arith.constant 0 : i32
    %get3A_173 = arith.index_cast %get3A_172 : i32 to index
    %get3A_174 = arith.constant 224 : index
    %get3A_175 = tpu.vector_load %arg6[%get3A_173, %get3A_174] {strides = array<i32>} : memref<2x256xi32, #tpu.memory_space<vmem>>, vector<16xi32>,
    %mul3A_176 = arith.constant 2 : i32
    %mul3A_177 = vector.broadcast %mul3A_176 : i32 to vector<16xi32>
    %mul3A_178 = arith.muli %get3A_175, %mul3A_177 : vector<16xi32>
    %swap3A_179 = arith.constant 0 : i32
    %swap3A_180 = arith.index_cast %swap3A_179 : i32 to index
    %swap3A_181 = arith.constant 224 : index
    %swap3A_182 = tpu.vector_load %arg6[%swap3A_180, %swap3A_181] {strides = array<i32>} : memref<2x256xi32, #tpu.memory_space<vmem>>, vector<16xi32>,
    tpu.vector_store %arg6[%swap3A_180, %swap3A_181], %mul3A_178 {strides = array<i32>} : memref<2x256xi32, #tpu.memory_space<vmem>>, vector<16xi32>,
    %get3A_183 = arith.constant 0 : i32
    %get3A_184 = arith.index_cast %get3A_183 : i32 to index
    %get3A_185 = arith.constant 240 : index
    %get3A_186 = tpu.vector_load %arg6[%get3A_184, %get3A_185] {strides = array<i32>} : memref<2x256xi32, #tpu.memory_space<vmem>>, vector<16xi32>,
    %mul3A_187 = arith.constant 2 : i32
    %mul3A_188 = vector.broadcast %mul3A_187 : i32 to vector<16xi32>
    %mul3A_189 = arith.muli %get3A_186, %mul3A_188 : vector<16xi32>
    %swap3A_190 = arith.constant 0 : i32
    %swap3A_191 = arith.index_cast %swap3A_190 : i32 to index
    %swap3A_192 = arith.constant 240 : index
    %swap3A_193 = tpu.vector_load %arg6[%swap3A_191, %swap3A_192] {strides = array<i32>} : memref<2x256xi32, #tpu.memory_space<vmem>>, vector<16xi32>,
    tpu.vector_store %arg6[%swap3A_191, %swap3A_192], %mul3A_189 {strides = array<i32>} : memref<2x256xi32, #tpu.memory_space<vmem>>, vector<16xi32>,
    %dma_start3A = arith.constant 0 : i32
    %dma_start3A_194 = arith.constant 0 : i32
    %dma_start3A_195 = arith.constant 0 : i32
    %dma_start3A_196 = arith.constant 0 : i32
    %dma_start3A_197 = tpu.memref_slice %arg7[%dma_start3A_194, %dma_start3A_195, %dma_start3A_196] : memref<2x256x64xf32, #tpu.memory_space<vmem>> -> memref<1x256x64xf32, #tpu.memory_space<vmem>>
    %dma_start3A_198 = tpu.memref_squeeze %dma_start3A_197 : memref<1x256x64xf32, #tpu.memory_space<vmem>> -> memref<256x64xf32, #tpu.memory_space<vmem>>
    %dma_start3A_199 = arith.constant 0 : i32
    %dma_start3A_200 = tpu.memref_slice %arg6[%dma_start3A, %dma_start3A_199] : memref<2x256xi32, #tpu.memory_space<vmem>> -> memref<1x256xi32, #tpu.memory_space<vmem>>
    %dma_start3A_201 = tpu.memref_squeeze %dma_start3A_200 : memref<1x256xi32, #tpu.memory_space<vmem>> -> memref<256xi32, #tpu.memory_space<vmem>>
    %dma_start3A_202 = arith.constant 0 : i32
    %dma_start3A_203 = arith.constant 0 : i32
    %dma_start3A_204 = tpu.memref_slice %arg3[%dma_start3A_202, %dma_start3A_203] : memref<2000000x64xf32, #tpu.memory_space<hbm>> -> memref<2000000x64xf32, #tpu.memory_space<hbm>>
    tpu.enqueue_indirect_dma source(%dma_start3A_204 : memref<2000000x64xf32, #tpu.memory_space<hbm>>) target(%dma_start3A_198 : memref<256x64xf32, #tpu.memory_space<vmem>>) offsets(%dma_start3A_201 : memref<256xi32, #tpu.memory_space<vmem>>) semaphore(%arg10 : memref<!tpu.dma_semaphore, #tpu.memory_space<semaphore_mem>>)
    %scan3A = arith.constant 0 : i32
    %scan3A_205 = arith.constant 0 : i32
    %scan3A_206 = arith.constant 50 : i32
    %scan3A_207 = arith.addi %scan3A_205, %scan3A_206 : i32
    %scan3A_208 = arith.constant 1 : i32
    scf.for %scan3A_245 = %scan3A_205 to %scan3A_207 step %scan3A_208  : i32 {
      %mul3A_246 = arith.constant 2 : i32
      %mul3A_247 = arith.muli %mul3A_246, %scan3A_245 : i32
      %add3A_248 = arith.constant 0 : i32
      %add3A_249 = arith.addi %mul3A_247, %add3A_248 : i32
      %add3A_250 = arith.constant 1 : i32
      %add3A_251 = arith.addi %add3A_249, %add3A_250 : i32
      %lt3A = arith.constant 100 : i32
      %lt3A_252 = arith.cmpi slt, %add3A_251, %lt3A : i32
      %convert_element_type3A = arith.extui %lt3A_252 : i1 to i32
      %cond3A = arith.constant 0 : i32
      %cond3A_253 = arith.cmpi ne, %convert_element_type3A, %cond3A : i32
      scf.if %cond3A_253 {
        %add3A_414 = arith.constant 1 : i32
        %add3A_415 = arith.addi %add3A_249, %add3A_414 : i32
        %jit3A_416 = arith.constant 2 : i32
        %div3A_417 = arith.divsi %add3A_415, %jit3A_416 : i32
        %sign3A_418 = arith.constant 0 : i32
        %sign3A_419 = arith.cmpi sgt, %add3A_415, %sign3A_418 : i32
        %sign3A_420 = arith.extui %sign3A_419 : i1 to i32
        %sign3A_421 = arith.constant 0 : i32
        %sign3A_422 = arith.cmpi slt, %add3A_415, %sign3A_421 : i32
        %sign3A_423 = arith.extui %sign3A_422 : i1 to i32
        %sign3A_424 = arith.subi %sign3A_420, %sign3A_423 : i32
        %sign3A_425 = arith.constant 0 : i32
        %sign3A_426 = arith.cmpi sgt, %jit3A_416, %sign3A_425 : i32
        %sign3A_427 = arith.extui %sign3A_426 : i1 to i32
        %sign3A_428 = arith.constant 0 : i32
        %sign3A_429 = arith.cmpi slt, %jit3A_416, %sign3A_428 : i32
        %sign3A_430 = arith.extui %sign3A_429 : i1 to i32
        %sign3A_431 = arith.subi %sign3A_427, %sign3A_430 : i32
        %ne3A_432 = arith.cmpi ne, %sign3A_424, %sign3A_431 : i32
        %rem3A_433 = arith.remsi %add3A_415, %jit3A_416 : i32
        %ne3A_434 = arith.constant 0 : i32
        %ne3A_435 = arith.cmpi ne, %rem3A_433, %ne3A_434 : i32
        %and3A_436 = arith.andi %ne3A_432, %ne3A_435 : i1
        %sub3A_437 = arith.constant 1 : i32
        %sub3A_438 = arith.subi %div3A_417, %sub3A_437 : i32
        %select_n3A_439 = arith.select %and3A_436, %sub3A_438, %div3A_417 : i32
        %mul3A_440 = arith.constant 2 : i32
        %mul3A_441 = arith.muli %mul3A_440, %add3A : i32
        %jit3A_442 = arith.constant 2 : i32
        %eq3A = arith.constant 0 : i32
        %eq3A_443 = arith.cmpi eq, %jit3A_442, %eq3A : i32
        %jit3A_444 = arith.constant 1 : i32
        %select_n3A_445 = arith.select %eq3A_443, %jit3A_444, %jit3A_442 : i32
        %rem3A_446 = arith.remsi %add3A_415, %select_n3A_445 : i32
        %ne3A_447 = arith.constant 0 : i32
        %ne3A_448 = arith.cmpi ne, %rem3A_446, %ne3A_447 : i32
        %lt3A_449 = arith.constant 0 : i32
        %lt3A_450 = arith.cmpi slt, %rem3A_446, %lt3A_449 : i32
        %lt3A_451 = arith.constant 0 : i32
        %lt3A_452 = arith.cmpi slt, %select_n3A_445, %lt3A_451 : i32
        %ne3A_453 = arith.xori %lt3A_450, %lt3A_452 : i1
        %and3A_454 = arith.andi %ne3A_453, %ne3A_448 : i1
        %add3A_455 = arith.addi %rem3A_446, %select_n3A_445 : i32
        %select_n3A_456 = arith.select %and3A_454, %add3A_455, %rem3A_446 : i32
        %add3A_457 = arith.addi %mul3A_441, %select_n3A_456 : i32
        %mul3A_458 = arith.constant 256 : i32
        %mul3A_459 = arith.muli %add3A_457, %mul3A_458 : i32
        %run_scoped3A_460 = arith.constant 1 : i32
        "tpu.region"() ({
          %run_scoped3A_649 = tpu.sem_alloc : memref<!tpu.dma_semaphore, #tpu.memory_space<semaphore_mem>>
          %dma_start3A_650 = arith.constant 0 : i32
          %dma_start3A_651 = tpu.memref_slice %arg6[%run_scoped3A_460, %dma_start3A_650] : memref<2x256xi32, #tpu.memory_space<vmem>> -> memref<1x256xi32, #tpu.memory_space<vmem>>
          %dma_start3A_652 = tpu.memref_squeeze %dma_start3A_651 : memref<1x256xi32, #tpu.memory_space<vmem>> -> memref<256xi32, #tpu.memory_space<vmem>>
          %dma_start3A_653 = tpu.memref_slice %arg2[%select_n3A_439, %mul3A_459] : memref<50x16384xi32, #tpu.memory_space<hbm>> -> memref<1x256xi32, #tpu.memory_space<hbm>>
          %dma_start3A_654 = tpu.memref_squeeze %dma_start3A_653 : memref<1x256xi32, #tpu.memory_space<hbm>> -> memref<256xi32, #tpu.memory_space<hbm>>
          %dma_start3A_655 = arith.constant 0 : i32
          %dma_start3A_656 = tpu.memref_slice %arg6[%run_scoped3A_460, %dma_start3A_655] : memref<2x256xi32, #tpu.memory_space<vmem>> -> memref<1x256xi32, #tpu.memory_space<vmem>>
          %dma_start3A_657 = tpu.memref_squeeze %dma_start3A_656 : memref<1x256xi32, #tpu.memory_space<vmem>> -> memref<256xi32, #tpu.memory_space<vmem>>
          %dma_start3A_658 = tpu.memref_slice %arg2[%select_n3A_439, %mul3A_459] : memref<50x16384xi32, #tpu.memory_space<hbm>> -> memref<1x256xi32, #tpu.memory_space<hbm>>
          %dma_start3A_659 = tpu.memref_squeeze %dma_start3A_658 : memref<1x256xi32, #tpu.memory_space<hbm>> -> memref<256xi32, #tpu.memory_space<hbm>>
          tpu.enqueue_dma source(%dma_start3A_659 : memref<256xi32, #tpu.memory_space<hbm>>) target(%dma_start3A_657 : memref<256xi32, #tpu.memory_space<vmem>>) target_semaphore(%run_scoped3A_649 : memref<!tpu.dma_semaphore, #tpu.memory_space<semaphore_mem>>)
          %dma_wait3A_660 = arith.constant 0 : i32
          %dma_wait3A_661 = tpu.memref_slice %arg6[%run_scoped3A_460, %dma_wait3A_660] : memref<2x256xi32, #tpu.memory_space<vmem>> -> memref<1x256xi32, #tpu.memory_space<vmem>>
          %dma_wait3A_662 = tpu.memref_squeeze %dma_wait3A_661 : memref<1x256xi32, #tpu.memory_space<vmem>> -> memref<256xi32, #tpu.memory_space<vmem>>
          %dma_wait3A_663 = tpu.memref_slice %arg2[%select_n3A_439, %mul3A_459] : memref<50x16384xi32, #tpu.memory_space<hbm>> -> memref<1x256xi32, #tpu.memory_space<hbm>>
          %dma_wait3A_664 = tpu.memref_squeeze %dma_wait3A_663 : memref<1x256xi32, #tpu.memory_space<hbm>> -> memref<256xi32, #tpu.memory_space<hbm>>
          %dma_wait3A_665 = arith.constant 0 : i32
          %dma_wait3A_666 = tpu.memref_slice %arg6[%run_scoped3A_460, %dma_wait3A_665] : memref<2x256xi32, #tpu.memory_space<vmem>> -> memref<1x256xi32, #tpu.memory_space<vmem>>
          %dma_wait3A_667 = tpu.memref_squeeze %dma_wait3A_666 : memref<1x256xi32, #tpu.memory_space<vmem>> -> memref<256xi32, #tpu.memory_space<vmem>>
          %dma_wait3A_668 = tpu.memref_slice %arg2[%select_n3A_439, %mul3A_459] : memref<50x16384xi32, #tpu.memory_space<hbm>> -> memref<1x256xi32, #tpu.memory_space<hbm>>
          %dma_wait3A_669 = tpu.memref_squeeze %dma_wait3A_668 : memref<1x256xi32, #tpu.memory_space<hbm>> -> memref<256xi32, #tpu.memory_space<hbm>>
          tpu.wait_dma2 semaphore(%run_scoped3A_649 : memref<!tpu.dma_semaphore, #tpu.memory_space<semaphore_mem>>) src(%dma_wait3A_669 : memref<256xi32, #tpu.memory_space<hbm>>) dst(%dma_wait3A_667 : memref<256xi32, #tpu.memory_space<vmem>>)
          tpu.yield
        }) : () -> ()
        %get3A_461 = arith.constant 1 : i32
        %get3A_462 = arith.index_cast %get3A_461 : i32 to index
        %get3A_463 = arith.constant 0 : index
        %get3A_464 = tpu.vector_load %arg6[%get3A_462, %get3A_463] {strides = array<i32>} : memref<2x256xi32, #tpu.memory_space<vmem>>, vector<16xi32>,
        %mul3A_465 = arith.constant 2 : i32
        %mul3A_466 = vector.broadcast %mul3A_465 : i32 to vector<16xi32>
        %mul3A_467 = arith.muli %get3A_464, %mul3A_466 : vector<16xi32>
        %swap3A_468 = arith.constant 1 : i32
        %swap3A_469 = arith.index_cast %swap3A_468 : i32 to index
        %swap3A_470 = arith.constant 0 : index
        %swap3A_471 = tpu.vector_load %arg6[%swap3A_469, %swap3A_470] {strides = array<i32>} : memref<2x256xi32, #tpu.memory_space<vmem>>, vector<16xi32>,
        tpu.vector_store %arg6[%swap3A_469, %swap3A_470], %mul3A_467 {strides = array<i32>} : memref<2x256xi32, #tpu.memory_space<vmem>>, vector<16xi32>,
        %get3A_472 = arith.constant 1 : i32
        %get3A_473 = arith.index_cast %get3A_472 : i32 to index
        %get3A_474 = arith.constant 16 : index
        %get3A_475 = tpu.vector_load %arg6[%get3A_473, %get3A_474] {strides = array<i32>} : memref<2x256xi32, #tpu.memory_space<vmem>>, vector<16xi32>,
        %mul3A_476 = arith.constant 2 : i32
        %mul3A_477 = vector.broadcast %mul3A_476 : i32 to vector<16xi32>
        %mul3A_478 = arith.muli %get3A_475, %mul3A_477 : vector<16xi32>
        %swap3A_479 = arith.constant 1 : i32
        %swap3A_480 = arith.index_cast %swap3A_479 : i32 to index
        %swap3A_481 = arith.constant 16 : index
        %swap3A_482 = tpu.vector_load %arg6[%swap3A_480, %swap3A_481] {strides = array<i32>} : memref<2x256xi32, #tpu.memory_space<vmem>>, vector<16xi32>,
        tpu.vector_store %arg6[%swap3A_480, %swap3A_481], %mul3A_478 {strides = array<i32>} : memref<2x256xi32, #tpu.memory_space<vmem>>, vector<16xi32>,
        %get3A_483 = arith.constant 1 : i32
        %get3A_484 = arith.index_cast %get3A_483 : i32 to index
        %get3A_485 = arith.constant 32 : index
        %get3A_486 = tpu.vector_load %arg6[%get3A_484, %get3A_485] {strides = array<i32>} : memref<2x256xi32, #tpu.memory_space<vmem>>, vector<16xi32>,
        %mul3A_487 = arith.constant 2 : i32
        %mul3A_488 = vector.broadcast %mul3A_487 : i32 to vector<16xi32>
        %mul3A_489 = arith.muli %get3A_486, %mul3A_488 : vector<16xi32>
        %swap3A_490 = arith.constant 1 : i32
        %swap3A_491 = arith.index_cast %swap3A_490 : i32 to index
        %swap3A_492 = arith.constant 32 : index
        %swap3A_493 = tpu.vector_load %arg6[%swap3A_491, %swap3A_492] {strides = array<i32>} : memref<2x256xi32, #tpu.memory_space<vmem>>, vector<16xi32>,
        tpu.vector_store %arg6[%swap3A_491, %swap3A_492], %mul3A_489 {strides = array<i32>} : memref<2x256xi32, #tpu.memory_space<vmem>>, vector<16xi32>,
        %get3A_494 = arith.constant 1 : i32
        %get3A_495 = arith.index_cast %get3A_494 : i32 to index
        %get3A_496 = arith.constant 48 : index
        %get3A_497 = tpu.vector_load %arg6[%get3A_495, %get3A_496] {strides = array<i32>} : memref<2x256xi32, #tpu.memory_space<vmem>>, vector<16xi32>,
        %mul3A_498 = arith.constant 2 : i32
        %mul3A_499 = vector.broadcast %mul3A_498 : i32 to vector<16xi32>
        %mul3A_500 = arith.muli %get3A_497, %mul3A_499 : vector<16xi32>
        %swap3A_501 = arith.constant 1 : i32
        %swap3A_502 = arith.index_cast %swap3A_501 : i32 to index
        %swap3A_503 = arith.constant 48 : index
        %swap3A_504 = tpu.vector_load %arg6[%swap3A_502, %swap3A_503] {strides = array<i32>} : memref<2x256xi32, #tpu.memory_space<vmem>>, vector<16xi32>,
        tpu.vector_store %arg6[%swap3A_502, %swap3A_503], %mul3A_500 {strides = array<i32>} : memref<2x256xi32, #tpu.memory_space<vmem>>, vector<16xi32>,
        %get3A_505 = arith.constant 1 : i32
        %get3A_506 = arith.index_cast %get3A_505 : i32 to index
        %get3A_507 = arith.constant 64 : index
        %get3A_508 = tpu.vector_load %arg6[%get3A_506, %get3A_507] {strides = array<i32>} : memref<2x256xi32, #tpu.memory_space<vmem>>, vector<16xi32>,
        %mul3A_509 = arith.constant 2 : i32
        %mul3A_510 = vector.broadcast %mul3A_509 : i32 to vector<16xi32>
        %mul3A_511 = arith.muli %get3A_508, %mul3A_510 : vector<16xi32>
        %swap3A_512 = arith.constant 1 : i32
        %swap3A_513 = arith.index_cast %swap3A_512 : i32 to index
        %swap3A_514 = arith.constant 64 : index
        %swap3A_515 = tpu.vector_load %arg6[%swap3A_513, %swap3A_514] {strides = array<i32>} : memref<2x256xi32, #tpu.memory_space<vmem>>, vector<16xi32>,
        tpu.vector_store %arg6[%swap3A_513, %swap3A_514], %mul3A_511 {strides = array<i32>} : memref<2x256xi32, #tpu.memory_space<vmem>>, vector<16xi32>,
        %get3A_516 = arith.constant 1 : i32
        %get3A_517 = arith.index_cast %get3A_516 : i32 to index
        %get3A_518 = arith.constant 80 : index
        %get3A_519 = tpu.vector_load %arg6[%get3A_517, %get3A_518] {strides = array<i32>} : memref<2x256xi32, #tpu.memory_space<vmem>>, vector<16xi32>,
        %mul3A_520 = arith.constant 2 : i32
        %mul3A_521 = vector.broadcast %mul3A_520 : i32 to vector<16xi32>
        %mul3A_522 = arith.muli %get3A_519, %mul3A_521 : vector<16xi32>
        %swap3A_523 = arith.constant 1 : i32
        %swap3A_524 = arith.index_cast %swap3A_523 : i32 to index
        %swap3A_525 = arith.constant 80 : index
        %swap3A_526 = tpu.vector_load %arg6[%swap3A_524, %swap3A_525] {strides = array<i32>} : memref<2x256xi32, #tpu.memory_space<vmem>>, vector<16xi32>,
        tpu.vector_store %arg6[%swap3A_524, %swap3A_525], %mul3A_522 {strides = array<i32>} : memref<2x256xi32, #tpu.memory_space<vmem>>, vector<16xi32>,
        %get3A_527 = arith.constant 1 : i32
        %get3A_528 = arith.index_cast %get3A_527 : i32 to index
        %get3A_529 = arith.constant 96 : index
        %get3A_530 = tpu.vector_load %arg6[%get3A_528, %get3A_529] {strides = array<i32>} : memref<2x256xi32, #tpu.memory_space<vmem>>, vector<16xi32>,
        %mul3A_531 = arith.constant 2 : i32
        %mul3A_532 = vector.broadcast %mul3A_531 : i32 to vector<16xi32>
        %mul3A_533 = arith.muli %get3A_530, %mul3A_532 : vector<16xi32>
        %swap3A_534 = arith.constant 1 : i32
        %swap3A_535 = arith.index_cast %swap3A_534 : i32 to index
        %swap3A_536 = arith.constant 96 : index
        %swap3A_537 = tpu.vector_load %arg6[%swap3A_535, %swap3A_536] {strides = array<i32>} : memref<2x256xi32, #tpu.memory_space<vmem>>, vector<16xi32>,
        tpu.vector_store %arg6[%swap3A_535, %swap3A_536], %mul3A_533 {strides = array<i32>} : memref<2x256xi32, #tpu.memory_space<vmem>>, vector<16xi32>,
        %get3A_538 = arith.constant 1 : i32
        %get3A_539 = arith.index_cast %get3A_538 : i32 to index
        %get3A_540 = arith.constant 112 : index
        %get3A_541 = tpu.vector_load %arg6[%get3A_539, %get3A_540] {strides = array<i32>} : memref<2x256xi32, #tpu.memory_space<vmem>>, vector<16xi32>,
        %mul3A_542 = arith.constant 2 : i32
        %mul3A_543 = vector.broadcast %mul3A_542 : i32 to vector<16xi32>
        %mul3A_544 = arith.muli %get3A_541, %mul3A_543 : vector<16xi32>
        %swap3A_545 = arith.constant 1 : i32
        %swap3A_546 = arith.index_cast %swap3A_545 : i32 to index
        %swap3A_547 = arith.constant 112 : index
        %swap3A_548 = tpu.vector_load %arg6[%swap3A_546, %swap3A_547] {strides = array<i32>} : memref<2x256xi32, #tpu.memory_space<vmem>>, vector<16xi32>,
        tpu.vector_store %arg6[%swap3A_546, %swap3A_547], %mul3A_544 {strides = array<i32>} : memref<2x256xi32, #tpu.memory_space<vmem>>, vector<16xi32>,
        %get3A_549 = arith.constant 1 : i32
        %get3A_550 = arith.index_cast %get3A_549 : i32 to index
        %get3A_551 = arith.constant 128 : index
        %get3A_552 = tpu.vector_load %arg6[%get3A_550, %get3A_551] {strides = array<i32>} : memref<2x256xi32, #tpu.memory_space<vmem>>, vector<16xi32>,
        %mul3A_553 = arith.constant 2 : i32
        %mul3A_554 = vector.broadcast %mul3A_553 : i32 to vector<16xi32>
        %mul3A_555 = arith.muli %get3A_552, %mul3A_554 : vector<16xi32>
        %swap3A_556 = arith.constant 1 : i32
        %swap3A_557 = arith.index_cast %swap3A_556 : i32 to index
        %swap3A_558 = arith.constant 128 : index
        %swap3A_559 = tpu.vector_load %arg6[%swap3A_557, %swap3A_558] {strides = array<i32>} : memref<2x256xi32, #tpu.memory_space<vmem>>, vector<16xi32>,
        tpu.vector_store %arg6[%swap3A_557, %swap3A_558], %mul3A_555 {strides = array<i32>} : memref<2x256xi32, #tpu.memory_space<vmem>>, vector<16xi32>,
        %get3A_560 = arith.constant 1 : i32
        %get3A_561 = arith.index_cast %get3A_560 : i32 to index
        %get3A_562 = arith.constant 144 : index
        %get3A_563 = tpu.vector_load %arg6[%get3A_561, %get3A_562] {strides = array<i32>} : memref<2x256xi32, #tpu.memory_space<vmem>>, vector<16xi32>,
        %mul3A_564 = arith.constant 2 : i32
        %mul3A_565 = vector.broadcast %mul3A_564 : i32 to vector<16xi32>
        %mul3A_566 = arith.muli %get3A_563, %mul3A_565 : vector<16xi32>
        %swap3A_567 = arith.constant 1 : i32
        %swap3A_568 = arith.index_cast %swap3A_567 : i32 to index
        %swap3A_569 = arith.constant 144 : index
        %swap3A_570 = tpu.vector_load %arg6[%swap3A_568, %swap3A_569] {strides = array<i32>} : memref<2x256xi32, #tpu.memory_space<vmem>>, vector<16xi32>,
        tpu.vector_store %arg6[%swap3A_568, %swap3A_569], %mul3A_566 {strides = array<i32>} : memref<2x256xi32, #tpu.memory_space<vmem>>, vector<16xi32>,
        %get3A_571 = arith.constant 1 : i32
        %get3A_572 = arith.index_cast %get3A_571 : i32 to index
        %get3A_573 = arith.constant 160 : index
        %get3A_574 = tpu.vector_load %arg6[%get3A_572, %get3A_573] {strides = array<i32>} : memref<2x256xi32, #tpu.memory_space<vmem>>, vector<16xi32>,
        %mul3A_575 = arith.constant 2 : i32
        %mul3A_576 = vector.broadcast %mul3A_575 : i32 to vector<16xi32>
        %mul3A_577 = arith.muli %get3A_574, %mul3A_576 : vector<16xi32>
        %swap3A_578 = arith.constant 1 : i32
        %swap3A_579 = arith.index_cast %swap3A_578 : i32 to index
        %swap3A_580 = arith.constant 160 : index
        %swap3A_581 = tpu.vector_load %arg6[%swap3A_579, %swap3A_580] {strides = array<i32>} : memref<2x256xi32, #tpu.memory_space<vmem>>, vector<16xi32>,
        tpu.vector_store %arg6[%swap3A_579, %swap3A_580], %mul3A_577 {strides = array<i32>} : memref<2x256xi32, #tpu.memory_space<vmem>>, vector<16xi32>,
        %get3A_582 = arith.constant 1 : i32
        %get3A_583 = arith.index_cast %get3A_582 : i32 to index
        %get3A_584 = arith.constant 176 : index
        %get3A_585 = tpu.vector_load %arg6[%get3A_583, %get3A_584] {strides = array<i32>} : memref<2x256xi32, #tpu.memory_space<vmem>>, vector<16xi32>,
        %mul3A_586 = arith.constant 2 : i32
        %mul3A_587 = vector.broadcast %mul3A_586 : i32 to vector<16xi32>
        %mul3A_588 = arith.muli %get3A_585, %mul3A_587 : vector<16xi32>
        %swap3A_589 = arith.constant 1 : i32
        %swap3A_590 = arith.index_cast %swap3A_589 : i32 to index
        %swap3A_591 = arith.constant 176 : index
        %swap3A_592 = tpu.vector_load %arg6[%swap3A_590, %swap3A_591] {strides = array<i32>} : memref<2x256xi32, #tpu.memory_space<vmem>>, vector<16xi32>,
        tpu.vector_store %arg6[%swap3A_590, %swap3A_591], %mul3A_588 {strides = array<i32>} : memref<2x256xi32, #tpu.memory_space<vmem>>, vector<16xi32>,
        %get3A_593 = arith.constant 1 : i32
        %get3A_594 = arith.index_cast %get3A_593 : i32 to index
        %get3A_595 = arith.constant 192 : index
        %get3A_596 = tpu.vector_load %arg6[%get3A_594, %get3A_595] {strides = array<i32>} : memref<2x256xi32, #tpu.memory_space<vmem>>, vector<16xi32>,
        %mul3A_597 = arith.constant 2 : i32
        %mul3A_598 = vector.broadcast %mul3A_597 : i32 to vector<16xi32>
        %mul3A_599 = arith.muli %get3A_596, %mul3A_598 : vector<16xi32>
        %swap3A_600 = arith.constant 1 : i32
        %swap3A_601 = arith.index_cast %swap3A_600 : i32 to index
        %swap3A_602 = arith.constant 192 : index
        %swap3A_603 = tpu.vector_load %arg6[%swap3A_601, %swap3A_602] {strides = array<i32>} : memref<2x256xi32, #tpu.memory_space<vmem>>, vector<16xi32>,
        tpu.vector_store %arg6[%swap3A_601, %swap3A_602], %mul3A_599 {strides = array<i32>} : memref<2x256xi32, #tpu.memory_space<vmem>>, vector<16xi32>,
        %get3A_604 = arith.constant 1 : i32
        %get3A_605 = arith.index_cast %get3A_604 : i32 to index
        %get3A_606 = arith.constant 208 : index
        %get3A_607 = tpu.vector_load %arg6[%get3A_605, %get3A_606] {strides = array<i32>} : memref<2x256xi32, #tpu.memory_space<vmem>>, vector<16xi32>,
        %mul3A_608 = arith.constant 2 : i32
        %mul3A_609 = vector.broadcast %mul3A_608 : i32 to vector<16xi32>
        %mul3A_610 = arith.muli %get3A_607, %mul3A_609 : vector<16xi32>
        %swap3A_611 = arith.constant 1 : i32
        %swap3A_612 = arith.index_cast %swap3A_611 : i32 to index
        %swap3A_613 = arith.constant 208 : index
        %swap3A_614 = tpu.vector_load %arg6[%swap3A_612, %swap3A_613] {strides = array<i32>} : memref<2x256xi32, #tpu.memory_space<vmem>>, vector<16xi32>,
        tpu.vector_store %arg6[%swap3A_612, %swap3A_613], %mul3A_610 {strides = array<i32>} : memref<2x256xi32, #tpu.memory_space<vmem>>, vector<16xi32>,
        %get3A_615 = arith.constant 1 : i32
        %get3A_616 = arith.index_cast %get3A_615 : i32 to index
        %get3A_617 = arith.constant 224 : index
        %get3A_618 = tpu.vector_load %arg6[%get3A_616, %get3A_617] {strides = array<i32>} : memref<2x256xi32, #tpu.memory_space<vmem>>, vector<16xi32>,
        %mul3A_619 = arith.constant 2 : i32
        %mul3A_620 = vector.broadcast %mul3A_619 : i32 to vector<16xi32>
        %mul3A_621 = arith.muli %get3A_618, %mul3A_620 : vector<16xi32>
        %swap3A_622 = arith.constant 1 : i32
        %swap3A_623 = arith.index_cast %swap3A_622 : i32 to index
        %swap3A_624 = arith.constant 224 : index
        %swap3A_625 = tpu.vector_load %arg6[%swap3A_623, %swap3A_624] {strides = array<i32>} : memref<2x256xi32, #tpu.memory_space<vmem>>, vector<16xi32>,
        tpu.vector_store %arg6[%swap3A_623, %swap3A_624], %mul3A_621 {strides = array<i32>} : memref<2x256xi32, #tpu.memory_space<vmem>>, vector<16xi32>,
        %get3A_626 = arith.constant 1 : i32
        %get3A_627 = arith.index_cast %get3A_626 : i32 to index
        %get3A_628 = arith.constant 240 : index
        %get3A_629 = tpu.vector_load %arg6[%get3A_627, %get3A_628] {strides = array<i32>} : memref<2x256xi32, #tpu.memory_space<vmem>>, vector<16xi32>,
        %mul3A_630 = arith.constant 2 : i32
        %mul3A_631 = vector.broadcast %mul3A_630 : i32 to vector<16xi32>
        %mul3A_632 = arith.muli %get3A_629, %mul3A_631 : vector<16xi32>
        %swap3A_633 = arith.constant 1 : i32
        %swap3A_634 = arith.index_cast %swap3A_633 : i32 to index
        %swap3A_635 = arith.constant 240 : index
        %swap3A_636 = tpu.vector_load %arg6[%swap3A_634, %swap3A_635] {strides = array<i32>} : memref<2x256xi32, #tpu.memory_space<vmem>>, vector<16xi32>,
        tpu.vector_store %arg6[%swap3A_634, %swap3A_635], %mul3A_632 {strides = array<i32>} : memref<2x256xi32, #tpu.memory_space<vmem>>, vector<16xi32>,
        %dma_start3A_637 = arith.constant 1 : i32
        %dma_start3A_638 = arith.constant 1 : i32
        %dma_start3A_639 = arith.constant 0 : i32
        %dma_start3A_640 = arith.constant 0 : i32
        %dma_start3A_641 = tpu.memref_slice %arg7[%dma_start3A_638, %dma_start3A_639, %dma_start3A_640] : memref<2x256x64xf32, #tpu.memory_space<vmem>> -> memref<1x256x64xf32, #tpu.memory_space<vmem>>
        %dma_start3A_642 = tpu.memref_squeeze %dma_start3A_641 : memref<1x256x64xf32, #tpu.memory_space<vmem>> -> memref<256x64xf32, #tpu.memory_space<vmem>>
        %dma_start3A_643 = arith.constant 0 : i32
        %dma_start3A_644 = tpu.memref_slice %arg6[%dma_start3A_637, %dma_start3A_643] : memref<2x256xi32, #tpu.memory_space<vmem>> -> memref<1x256xi32, #tpu.memory_space<vmem>>
        %dma_start3A_645 = tpu.memref_squeeze %dma_start3A_644 : memref<1x256xi32, #tpu.memory_space<vmem>> -> memref<256xi32, #tpu.memory_space<vmem>>
        %dma_start3A_646 = arith.constant 0 : i32
        %dma_start3A_647 = arith.constant 0 : i32
        %dma_start3A_648 = tpu.memref_slice %arg3[%dma_start3A_646, %dma_start3A_647] : memref<2000000x64xf32, #tpu.memory_space<hbm>> -> memref<2000000x64xf32, #tpu.memory_space<hbm>>
        tpu.enqueue_indirect_dma source(%dma_start3A_648 : memref<2000000x64xf32, #tpu.memory_space<hbm>>) target(%dma_start3A_642 : memref<256x64xf32, #tpu.memory_space<vmem>>) offsets(%dma_start3A_645 : memref<256xi32, #tpu.memory_space<vmem>>) semaphore(%arg11 : memref<!tpu.dma_semaphore, #tpu.memory_space<semaphore_mem>>)
      } else {
      }
      %dma_wait3A_254 = arith.constant 0 : i32
      %dma_wait3A_255 = arith.constant 0 : i32
      %dma_wait3A_256 = arith.constant 0 : i32
      %dma_wait3A_257 = arith.constant 0 : i32
      %dma_wait3A_258 = tpu.memref_slice %arg7[%dma_wait3A_255, %dma_wait3A_256, %dma_wait3A_257] : memref<2x256x64xf32, #tpu.memory_space<vmem>> -> memref<1x256x64xf32, #tpu.memory_space<vmem>>
      %dma_wait3A_259 = tpu.memref_squeeze %dma_wait3A_258 : memref<1x256x64xf32, #tpu.memory_space<vmem>> -> memref<256x64xf32, #tpu.memory_space<vmem>>
      %dma_wait3A_260 = arith.constant 0 : i32
      %dma_wait3A_261 = tpu.memref_slice %arg6[%dma_wait3A_254, %dma_wait3A_260] : memref<2x256xi32, #tpu.memory_space<vmem>> -> memref<1x256xi32, #tpu.memory_space<vmem>>
      %dma_wait3A_262 = tpu.memref_squeeze %dma_wait3A_261 : memref<1x256xi32, #tpu.memory_space<vmem>> -> memref<256xi32, #tpu.memory_space<vmem>>
      %dma_wait3A_263 = arith.constant 0 : i32
      %dma_wait3A_264 = arith.constant 0 : i32
      %dma_wait3A_265 = tpu.memref_slice %arg3[%dma_wait3A_263, %dma_wait3A_264] : memref<2000000x64xf32, #tpu.memory_space<hbm>> -> memref<2000000x64xf32, #tpu.memory_space<hbm>>
      tpu.wait_indirect_dma semaphore(%arg10 : memref<!tpu.dma_semaphore, #tpu.memory_space<semaphore_mem>>) src(%dma_wait3A_265 : memref<2000000x64xf32, #tpu.memory_space<hbm>>) dst(%dma_wait3A_259 : memref<256x64xf32, #tpu.memory_space<vmem>>)
      %ge3A = arith.constant 2 : i32
      %ge3A_266 = arith.cmpi sge, %add3A_249, %ge3A : i32
      %convert_element_type3A_267 = arith.extui %ge3A_266 : i1 to i32
      %cond3A_268 = arith.constant 0 : i32
      %cond3A_269 = arith.cmpi ne, %convert_element_type3A_267, %cond3A_268 : i32
      scf.if %cond3A_269 {
        %dma_wait3A_414 = arith.constant 0 : i32
        %dma_wait3A_415 = arith.constant 0 : i32
        %dma_wait3A_416 = arith.constant 0 : i32
        %dma_wait3A_417 = arith.constant 0 : i32
        %dma_wait3A_418 = tpu.memref_slice %arg8[%dma_wait3A_414, %dma_wait3A_416, %dma_wait3A_417] : memref<2x64x257xf32, #tpu.memory_space<vmem>> -> memref<1x64x256xf32, #tpu.memory_space<vmem>>
        %dma_wait3A_419 = tpu.memref_squeeze %dma_wait3A_418 : memref<1x64x256xf32, #tpu.memory_space<vmem>> -> memref<64x256xf32, #tpu.memory_space<vmem>>
        %dma_wait3A_420 = arith.constant 0 : i32
        %dma_wait3A_421 = arith.constant 0 : i32
        %dma_wait3A_422 = tpu.memref_slice %arg5[%dma_wait3A_415, %dma_wait3A_420, %dma_wait3A_421] : memref<50x64x16384xf32, #tpu.memory_space<hbm>> -> memref<1x64x256xf32, #tpu.memory_space<hbm>>
        %dma_wait3A_423 = tpu.memref_squeeze %dma_wait3A_422 : memref<1x64x256xf32, #tpu.memory_space<hbm>> -> memref<64x256xf32, #tpu.memory_space<hbm>>
        %dma_wait3A_424 = arith.constant 0 : i32
        %dma_wait3A_425 = arith.constant 0 : i32
        %dma_wait3A_426 = tpu.memref_slice %arg5[%dma_wait3A_415, %dma_wait3A_424, %dma_wait3A_425] : memref<50x64x16384xf32, #tpu.memory_space<hbm>> -> memref<1x64x256xf32, #tpu.memory_space<hbm>>
        %dma_wait3A_427 = tpu.memref_squeeze %dma_wait3A_426 : memref<1x64x256xf32, #tpu.memory_space<hbm>> -> memref<64x256xf32, #tpu.memory_space<hbm>>
        %dma_wait3A_428 = arith.constant 0 : i32
        %dma_wait3A_429 = arith.constant 0 : i32
        %dma_wait3A_430 = tpu.memref_slice %arg8[%dma_wait3A_414, %dma_wait3A_428, %dma_wait3A_429] : memref<2x64x257xf32, #tpu.memory_space<vmem>> -> memref<1x64x256xf32, #tpu.memory_space<vmem>>
        %dma_wait3A_431 = tpu.memref_squeeze %dma_wait3A_430 : memref<1x64x256xf32, #tpu.memory_space<vmem>> -> memref<64x256xf32, #tpu.memory_space<vmem>>
        tpu.wait_dma2 semaphore(%arg12 : memref<!tpu.dma_semaphore, #tpu.memory_space<semaphore_mem>>) src(%dma_wait3A_431 : memref<64x256xf32, #tpu.memory_space<vmem>>) dst(%dma_wait3A_427 : memref<64x256xf32, #tpu.memory_space<hbm>>)
      } else {
      }
      %jit3A = arith.constant 2 : i32
      %div3A = arith.divsi %add3A_249, %jit3A : i32
      %sign3A = arith.constant 0 : i32
      %sign3A_270 = arith.cmpi sgt, %add3A_249, %sign3A : i32
      %sign3A_271 = arith.extui %sign3A_270 : i1 to i32
      %sign3A_272 = arith.constant 0 : i32
      %sign3A_273 = arith.cmpi slt, %add3A_249, %sign3A_272 : i32
      %sign3A_274 = arith.extui %sign3A_273 : i1 to i32
      %sign3A_275 = arith.subi %sign3A_271, %sign3A_274 : i32
      %sign3A_276 = arith.constant 0 : i32
      %sign3A_277 = arith.cmpi sgt, %jit3A, %sign3A_276 : i32
      %sign3A_278 = arith.extui %sign3A_277 : i1 to i32
      %sign3A_279 = arith.constant 0 : i32
      %sign3A_280 = arith.cmpi slt, %jit3A, %sign3A_279 : i32
      %sign3A_281 = arith.extui %sign3A_280 : i1 to i32
      %sign3A_282 = arith.subi %sign3A_278, %sign3A_281 : i32
      %ne3A = arith.cmpi ne, %sign3A_275, %sign3A_282 : i32
      %rem3A = arith.remsi %add3A_249, %jit3A : i32
      %ne3A_283 = arith.constant 0 : i32
      %ne3A_284 = arith.cmpi ne, %rem3A, %ne3A_283 : i32
      %and3A = arith.andi %ne3A, %ne3A_284 : i1
      %sub3A_285 = arith.constant 1 : i32
      %sub3A_286 = arith.subi %div3A, %sub3A_285 : i32
      %select_n3A = arith.select %and3A, %sub3A_286, %div3A : i32
      %mul3A_287 = arith.constant 2 : i32
      %mul3A_288 = arith.muli %mul3A_287, %add3A : i32
      %add3A_289 = arith.constant 0 : i32
      %add3A_290 = arith.addi %mul3A_288, %add3A_289 : i32
      %mul3A_291 = arith.constant 256 : i32
      %mul3A_292 = arith.muli %add3A_290, %mul3A_291 : i32
      %get3A_293 = arith.index_cast %select_n3A : i32 to index
      %get3A_294 = arith.constant 0 : index
      %get3A_295 = tpu.vector_load %arg9[%get3A_293, %get3A_294] {strides = array<i32>} : memref<50x64xf32, #tpu.memory_space<vmem>>, vector<16xf32>,
      %get3A_296 = arith.index_cast %select_n3A : i32 to index
      %get3A_297 = arith.constant 16 : index
      %get3A_298 = tpu.vector_load %arg9[%get3A_296, %get3A_297] {strides = array<i32>} : memref<50x64xf32, #tpu.memory_space<vmem>>, vector<16xf32>,
      %get3A_299 = arith.index_cast %select_n3A : i32 to index
      %get3A_300 = arith.constant 32 : index
      %get3A_301 = tpu.vector_load %arg9[%get3A_299, %get3A_300] {strides = array<i32>} : memref<50x64xf32, #tpu.memory_space<vmem>>, vector<16xf32>,
      %get3A_302 = arith.index_cast %select_n3A : i32 to index
      %get3A_303 = arith.constant 48 : index
      %get3A_304 = tpu.vector_load %arg9[%get3A_302, %get3A_303] {strides = array<i32>} : memref<50x64xf32, #tpu.memory_space<vmem>>, vector<16xf32>,
      %parallel_loop3A = arith.constant 0 : i32
      %parallel_loop3A_305 = arith.constant 256 : i32
      %parallel_loop3A_306 = arith.constant 8 : i32
      %parallel_loop3A_307 = arith.constant 0 : i32
      %parallel_loop3A_308 = arith.constant 0 : i32
      scf.for %parallel_loop3A_414 = %parallel_loop3A to %parallel_loop3A_305 step %parallel_loop3A_306  : i32 {
        %parallel_loop3A_415 = arith.constant 0 : i32
        %parallel_loop3A_416 = arith.addi %parallel_loop3A_414, %parallel_loop3A_415 : i32
        %parallel_loop3A_417 = vector.broadcast %parallel_loop3A_416 : i32 to vector<16xi32>
        %parallel_loop3A_418 = arith.addi %sub3A, %parallel_loop3A_417 : vector<16xi32>
        %parallel_loop3A_419 = arith.constant 0 : i32
        %parallel_loop3A_420 = arith.constant 0 : i32
        %parallel_loop3A_421 = tpu.memref_slice %arg7[%parallel_loop3A_307, %parallel_loop3A_419, %parallel_loop3A_420] : memref<2x256x64xf32, #tpu.memory_space<vmem>> -> memref<1x256x64xf32, #tpu.memory_space<vmem>>
        %parallel_loop3A_422 = tpu.memref_squeeze %parallel_loop3A_421 : memref<1x256x64xf32, #tpu.memory_space<vmem>> -> memref<256x64xf32, #tpu.memory_space<vmem>>
        %parallel_loop3A_423 = arith.index_cast %parallel_loop3A_416 : i32 to index
        %parallel_loop3A_424 = arith.constant 0 : index
        %parallel_loop3A_425 = tpu.vector_load %parallel_loop3A_422[%parallel_loop3A_423, %parallel_loop3A_424] {strides = array<i32>} : memref<256x64xf32, #tpu.memory_space<vmem>>, vector<16xf32>,
        %parallel_loop3A_426 = arith.addf %parallel_loop3A_425, %get3A_295 : vector<16xf32>
        %parallel_loop3A_427 = arith.constant 0 : i32
        %parallel_loop3A_428 = arith.constant 0 : i32
        %parallel_loop3A_429 = tpu.memref_slice %arg8[%parallel_loop3A_308, %parallel_loop3A_427, %parallel_loop3A_428] : memref<2x64x257xf32, #tpu.memory_space<vmem>> -> memref<1x64x257xf32, #tpu.memory_space<vmem>>
        %parallel_loop3A_430 = tpu.memref_squeeze %parallel_loop3A_429 : memref<1x64x257xf32, #tpu.memory_space<vmem>> -> memref<64x257xf32, #tpu.memory_space<vmem>>
        tpu.vector_store_idx %parallel_loop3A_430[%add3A_3, %parallel_loop3A_418], %parallel_loop3A_426 : memref<64x257xf32, #tpu.memory_space<vmem>>[vector<16xi32>, vector<16xi32>], vector<16xf32>,
        %parallel_loop3A_431 = arith.constant 0 : i32
        %parallel_loop3A_432 = arith.constant 0 : i32
        %parallel_loop3A_433 = tpu.memref_slice %arg7[%parallel_loop3A_307, %parallel_loop3A_431, %parallel_loop3A_432] : memref<2x256x64xf32, #tpu.memory_space<vmem>> -> memref<1x256x64xf32, #tpu.memory_space<vmem>>
        %parallel_loop3A_434 = tpu.memref_squeeze %parallel_loop3A_433 : memref<1x256x64xf32, #tpu.memory_space<vmem>> -> memref<256x64xf32, #tpu.memory_space<vmem>>
        %parallel_loop3A_435 = arith.index_cast %parallel_loop3A_416 : i32 to index
        %parallel_loop3A_436 = arith.constant 16 : index
        %parallel_loop3A_437 = tpu.vector_load %parallel_loop3A_434[%parallel_loop3A_435, %parallel_loop3A_436] {strides = array<i32>} : memref<256x64xf32, #tpu.memory_space<vmem>>, vector<16xf32>,
        %parallel_loop3A_438 = arith.addf %parallel_loop3A_437, %get3A_298 : vector<16xf32>
        %parallel_loop3A_439 = arith.constant 0 : i32
        %parallel_loop3A_440 = arith.constant 0 : i32
        %parallel_loop3A_441 = tpu.memref_slice %arg8[%parallel_loop3A_308, %parallel_loop3A_439, %parallel_loop3A_440] : memref<2x64x257xf32, #tpu.memory_space<vmem>> -> memref<1x64x257xf32, #tpu.memory_space<vmem>>
        %parallel_loop3A_442 = tpu.memref_squeeze %parallel_loop3A_441 : memref<1x64x257xf32, #tpu.memory_space<vmem>> -> memref<64x257xf32, #tpu.memory_space<vmem>>
        tpu.vector_store_idx %parallel_loop3A_442[%add3A_6, %parallel_loop3A_418], %parallel_loop3A_438 : memref<64x257xf32, #tpu.memory_space<vmem>>[vector<16xi32>, vector<16xi32>], vector<16xf32>,
        %parallel_loop3A_443 = arith.constant 0 : i32
        %parallel_loop3A_444 = arith.constant 0 : i32
        %parallel_loop3A_445 = tpu.memref_slice %arg7[%parallel_loop3A_307, %parallel_loop3A_443, %parallel_loop3A_444] : memref<2x256x64xf32, #tpu.memory_space<vmem>> -> memref<1x256x64xf32, #tpu.memory_space<vmem>>
        %parallel_loop3A_446 = tpu.memref_squeeze %parallel_loop3A_445 : memref<1x256x64xf32, #tpu.memory_space<vmem>> -> memref<256x64xf32, #tpu.memory_space<vmem>>
        %parallel_loop3A_447 = arith.index_cast %parallel_loop3A_416 : i32 to index
        %parallel_loop3A_448 = arith.constant 32 : index
        %parallel_loop3A_449 = tpu.vector_load %parallel_loop3A_446[%parallel_loop3A_447, %parallel_loop3A_448] {strides = array<i32>} : memref<256x64xf32, #tpu.memory_space<vmem>>, vector<16xf32>,
        %parallel_loop3A_450 = arith.addf %parallel_loop3A_449, %get3A_301 : vector<16xf32>
        %parallel_loop3A_451 = arith.constant 0 : i32
        %parallel_loop3A_452 = arith.constant 0 : i32
        %parallel_loop3A_453 = tpu.memref_slice %arg8[%parallel_loop3A_308, %parallel_loop3A_451, %parallel_loop3A_452] : memref<2x64x257xf32, #tpu.memory_space<vmem>> -> memref<1x64x257xf32, #tpu.memory_space<vmem>>
        %parallel_loop3A_454 = tpu.memref_squeeze %parallel_loop3A_453 : memref<1x64x257xf32, #tpu.memory_space<vmem>> -> memref<64x257xf32, #tpu.memory_space<vmem>>
        tpu.vector_store_idx %parallel_loop3A_454[%add3A_9, %parallel_loop3A_418], %parallel_loop3A_450 : memref<64x257xf32, #tpu.memory_space<vmem>>[vector<16xi32>, vector<16xi32>], vector<16xf32>,
        %parallel_loop3A_455 = arith.constant 0 : i32
        %parallel_loop3A_456 = arith.constant 0 : i32
        %parallel_loop3A_457 = tpu.memref_slice %arg7[%parallel_loop3A_307, %parallel_loop3A_455, %parallel_loop3A_456] : memref<2x256x64xf32, #tpu.memory_space<vmem>> -> memref<1x256x64xf32, #tpu.memory_space<vmem>>
        %parallel_loop3A_458 = tpu.memref_squeeze %parallel_loop3A_457 : memref<1x256x64xf32, #tpu.memory_space<vmem>> -> memref<256x64xf32, #tpu.memory_space<vmem>>
        %parallel_loop3A_459 = arith.index_cast %parallel_loop3A_416 : i32 to index
        %parallel_loop3A_460 = arith.constant 48 : index
        %parallel_loop3A_461 = tpu.vector_load %parallel_loop3A_458[%parallel_loop3A_459, %parallel_loop3A_460] {strides = array<i32>} : memref<256x64xf32, #tpu.memory_space<vmem>>, vector<16xf32>,
        %parallel_loop3A_462 = arith.addf %parallel_loop3A_461, %get3A_304 : vector<16xf32>
        %parallel_loop3A_463 = arith.constant 0 : i32
        %parallel_loop3A_464 = arith.constant 0 : i32
        %parallel_loop3A_465 = tpu.memref_slice %arg8[%parallel_loop3A_308, %parallel_loop3A_463, %parallel_loop3A_464] : memref<2x64x257xf32, #tpu.memory_space<vmem>> -> memref<1x64x257xf32, #tpu.memory_space<vmem>>
        %parallel_loop3A_466 = tpu.memref_squeeze %parallel_loop3A_465 : memref<1x64x257xf32, #tpu.memory_space<vmem>> -> memref<64x257xf32, #tpu.memory_space<vmem>>
        tpu.vector_store_idx %parallel_loop3A_466[%add3A_12, %parallel_loop3A_418], %parallel_loop3A_462 : memref<64x257xf32, #tpu.memory_space<vmem>>[vector<16xi32>, vector<16xi32>], vector<16xf32>,
        %parallel_loop3A_467 = arith.constant 1 : i32
        %parallel_loop3A_468 = arith.addi %parallel_loop3A_414, %parallel_loop3A_467 : i32
        %parallel_loop3A_469 = vector.broadcast %parallel_loop3A_468 : i32 to vector<16xi32>
        %parallel_loop3A_470 = arith.addi %sub3A, %parallel_loop3A_469 : vector<16xi32>
        %parallel_loop3A_471 = arith.constant 0 : i32
        %parallel_loop3A_472 = arith.constant 0 : i32
        %parallel_loop3A_473 = tpu.memref_slice %arg7[%parallel_loop3A_307, %parallel_loop3A_471, %parallel_loop3A_472] : memref<2x256x64xf32, #tpu.memory_space<vmem>> -> memref<1x256x64xf32, #tpu.memory_space<vmem>>
        %parallel_loop3A_474 = tpu.memref_squeeze %parallel_loop3A_473 : memref<1x256x64xf32, #tpu.memory_space<vmem>> -> memref<256x64xf32, #tpu.memory_space<vmem>>
        %parallel_loop3A_475 = arith.index_cast %parallel_loop3A_468 : i32 to index
        %parallel_loop3A_476 = arith.constant 0 : index
        %parallel_loop3A_477 = tpu.vector_load %parallel_loop3A_474[%parallel_loop3A_475, %parallel_loop3A_476] {strides = array<i32>} : memref<256x64xf32, #tpu.memory_space<vmem>>, vector<16xf32>,
        %parallel_loop3A_478 = arith.addf %parallel_loop3A_477, %get3A_295 : vector<16xf32>
        %parallel_loop3A_479 = arith.constant 0 : i32
        %parallel_loop3A_480 = arith.constant 0 : i32
        %parallel_loop3A_481 = tpu.memref_slice %arg8[%parallel_loop3A_308, %parallel_loop3A_479, %parallel_loop3A_480] : memref<2x64x257xf32, #tpu.memory_space<vmem>> -> memref<1x64x257xf32, #tpu.memory_space<vmem>>
        %parallel_loop3A_482 = tpu.memref_squeeze %parallel_loop3A_481 : memref<1x64x257xf32, #tpu.memory_space<vmem>> -> memref<64x257xf32, #tpu.memory_space<vmem>>
        tpu.vector_store_idx %parallel_loop3A_482[%add3A_3, %parallel_loop3A_470], %parallel_loop3A_478 : memref<64x257xf32, #tpu.memory_space<vmem>>[vector<16xi32>, vector<16xi32>], vector<16xf32>,
        %parallel_loop3A_483 = arith.constant 0 : i32
        %parallel_loop3A_484 = arith.constant 0 : i32
        %parallel_loop3A_485 = tpu.memref_slice %arg7[%parallel_loop3A_307, %parallel_loop3A_483, %parallel_loop3A_484] : memref<2x256x64xf32, #tpu.memory_space<vmem>> -> memref<1x256x64xf32, #tpu.memory_space<vmem>>
        %parallel_loop3A_486 = tpu.memref_squeeze %parallel_loop3A_485 : memref<1x256x64xf32, #tpu.memory_space<vmem>> -> memref<256x64xf32, #tpu.memory_space<vmem>>
        %parallel_loop3A_487 = arith.index_cast %parallel_loop3A_468 : i32 to index
        %parallel_loop3A_488 = arith.constant 16 : index
        %parallel_loop3A_489 = tpu.vector_load %parallel_loop3A_486[%parallel_loop3A_487, %parallel_loop3A_488] {strides = array<i32>} : memref<256x64xf32, #tpu.memory_space<vmem>>, vector<16xf32>,
        %parallel_loop3A_490 = arith.addf %parallel_loop3A_489, %get3A_298 : vector<16xf32>
        %parallel_loop3A_491 = arith.constant 0 : i32
        %parallel_loop3A_492 = arith.constant 0 : i32
        %parallel_loop3A_493 = tpu.memref_slice %arg8[%parallel_loop3A_308, %parallel_loop3A_491, %parallel_loop3A_492] : memref<2x64x257xf32, #tpu.memory_space<vmem>> -> memref<1x64x257xf32, #tpu.memory_space<vmem>>
        %parallel_loop3A_494 = tpu.memref_squeeze %parallel_loop3A_493 : memref<1x64x257xf32, #tpu.memory_space<vmem>> -> memref<64x257xf32, #tpu.memory_space<vmem>>
        tpu.vector_store_idx %parallel_loop3A_494[%add3A_6, %parallel_loop3A_470], %parallel_loop3A_490 : memref<64x257xf32, #tpu.memory_space<vmem>>[vector<16xi32>, vector<16xi32>], vector<16xf32>,
        %parallel_loop3A_495 = arith.constant 0 : i32
        %parallel_loop3A_496 = arith.constant 0 : i32
        %parallel_loop3A_497 = tpu.memref_slice %arg7[%parallel_loop3A_307, %parallel_loop3A_495, %parallel_loop3A_496] : memref<2x256x64xf32, #tpu.memory_space<vmem>> -> memref<1x256x64xf32, #tpu.memory_space<vmem>>
        %parallel_loop3A_498 = tpu.memref_squeeze %parallel_loop3A_497 : memref<1x256x64xf32, #tpu.memory_space<vmem>> -> memref<256x64xf32, #tpu.memory_space<vmem>>
        %parallel_loop3A_499 = arith.index_cast %parallel_loop3A_468 : i32 to index
        %parallel_loop3A_500 = arith.constant 32 : index
        %parallel_loop3A_501 = tpu.vector_load %parallel_loop3A_498[%parallel_loop3A_499, %parallel_loop3A_500] {strides = array<i32>} : memref<256x64xf32, #tpu.memory_space<vmem>>, vector<16xf32>,
        %parallel_loop3A_502 = arith.addf %parallel_loop3A_501, %get3A_301 : vector<16xf32>
        %parallel_loop3A_503 = arith.constant 0 : i32
        %parallel_loop3A_504 = arith.constant 0 : i32
        %parallel_loop3A_505 = tpu.memref_slice %arg8[%parallel_loop3A_308, %parallel_loop3A_503, %parallel_loop3A_504] : memref<2x64x257xf32, #tpu.memory_space<vmem>> -> memref<1x64x257xf32, #tpu.memory_space<vmem>>
        %parallel_loop3A_506 = tpu.memref_squeeze %parallel_loop3A_505 : memref<1x64x257xf32, #tpu.memory_space<vmem>> -> memref<64x257xf32, #tpu.memory_space<vmem>>
        tpu.vector_store_idx %parallel_loop3A_506[%add3A_9, %parallel_loop3A_470], %parallel_loop3A_502 : memref<64x257xf32, #tpu.memory_space<vmem>>[vector<16xi32>, vector<16xi32>], vector<16xf32>,
        %parallel_loop3A_507 = arith.constant 0 : i32
        %parallel_loop3A_508 = arith.constant 0 : i32
        %parallel_loop3A_509 = tpu.memref_slice %arg7[%parallel_loop3A_307, %parallel_loop3A_507, %parallel_loop3A_508] : memref<2x256x64xf32, #tpu.memory_space<vmem>> -> memref<1x256x64xf32, #tpu.memory_space<vmem>>
        %parallel_loop3A_510 = tpu.memref_squeeze %parallel_loop3A_509 : memref<1x256x64xf32, #tpu.memory_space<vmem>> -> memref<256x64xf32, #tpu.memory_space<vmem>>
        %parallel_loop3A_511 = arith.index_cast %parallel_loop3A_468 : i32 to index
        %parallel_loop3A_512 = arith.constant 48 : index
        %parallel_loop3A_513 = tpu.vector_load %parallel_loop3A_510[%parallel_loop3A_511, %parallel_loop3A_512] {strides = array<i32>} : memref<256x64xf32, #tpu.memory_space<vmem>>, vector<16xf32>,
        %parallel_loop3A_514 = arith.addf %parallel_loop3A_513, %get3A_304 : vector<16xf32>
        %parallel_loop3A_515 = arith.constant 0 : i32
        %parallel_loop3A_516 = arith.constant 0 : i32
        %parallel_loop3A_517 = tpu.memref_slice %arg8[%parallel_loop3A_308, %parallel_loop3A_515, %parallel_loop3A_516] : memref<2x64x257xf32, #tpu.memory_space<vmem>> -> memref<1x64x257xf32, #tpu.memory_space<vmem>>
        %parallel_loop3A_518 = tpu.memref_squeeze %parallel_loop3A_517 : memref<1x64x257xf32, #tpu.memory_space<vmem>> -> memref<64x257xf32, #tpu.memory_space<vmem>>
        tpu.vector_store_idx %parallel_loop3A_518[%add3A_12, %parallel_loop3A_470], %parallel_loop3A_514 : memref<64x257xf32, #tpu.memory_space<vmem>>[vector<16xi32>, vector<16xi32>], vector<16xf32>,
        %parallel_loop3A_519 = arith.constant 2 : i32
        %parallel_loop3A_520 = arith.addi %parallel_loop3A_414, %parallel_loop3A_519 : i32
        %parallel_loop3A_521 = vector.broadcast %parallel_loop3A_520 : i32 to vector<16xi32>
        %parallel_loop3A_522 = arith.addi %sub3A, %parallel_loop3A_521 : vector<16xi32>
        %parallel_loop3A_523 = arith.constant 0 : i32
        %parallel_loop3A_524 = arith.constant 0 : i32
        %parallel_loop3A_525 = tpu.memref_slice %arg7[%parallel_loop3A_307, %parallel_loop3A_523, %parallel_loop3A_524] : memref<2x256x64xf32, #tpu.memory_space<vmem>> -> memref<1x256x64xf32, #tpu.memory_space<vmem>>
        %parallel_loop3A_526 = tpu.memref_squeeze %parallel_loop3A_525 : memref<1x256x64xf32, #tpu.memory_space<vmem>> -> memref<256x64xf32, #tpu.memory_space<vmem>>
        %parallel_loop3A_527 = arith.index_cast %parallel_loop3A_520 : i32 to index
        %parallel_loop3A_528 = arith.constant 0 : index
        %parallel_loop3A_529 = tpu.vector_load %parallel_loop3A_526[%parallel_loop3A_527, %parallel_loop3A_528] {strides = array<i32>} : memref<256x64xf32, #tpu.memory_space<vmem>>, vector<16xf32>,
        %parallel_loop3A_530 = arith.addf %parallel_loop3A_529, %get3A_295 : vector<16xf32>
        %parallel_loop3A_531 = arith.constant 0 : i32
        %parallel_loop3A_532 = arith.constant 0 : i32
        %parallel_loop3A_533 = tpu.memref_slice %arg8[%parallel_loop3A_308, %parallel_loop3A_531, %parallel_loop3A_532] : memref<2x64x257xf32, #tpu.memory_space<vmem>> -> memref<1x64x257xf32, #tpu.memory_space<vmem>>
        %parallel_loop3A_534 = tpu.memref_squeeze %parallel_loop3A_533 : memref<1x64x257xf32, #tpu.memory_space<vmem>> -> memref<64x257xf32, #tpu.memory_space<vmem>>
        tpu.vector_store_idx %parallel_loop3A_534[%add3A_3, %parallel_loop3A_522], %parallel_loop3A_530 : memref<64x257xf32, #tpu.memory_space<vmem>>[vector<16xi32>, vector<16xi32>], vector<16xf32>,
        %parallel_loop3A_535 = arith.constant 0 : i32
        %parallel_loop3A_536 = arith.constant 0 : i32
        %parallel_loop3A_537 = tpu.memref_slice %arg7[%parallel_loop3A_307, %parallel_loop3A_535, %parallel_loop3A_536] : memref<2x256x64xf32, #tpu.memory_space<vmem>> -> memref<1x256x64xf32, #tpu.memory_space<vmem>>
        %parallel_loop3A_538 = tpu.memref_squeeze %parallel_loop3A_537 : memref<1x256x64xf32, #tpu.memory_space<vmem>> -> memref<256x64xf32, #tpu.memory_space<vmem>>
        %parallel_loop3A_539 = arith.index_cast %parallel_loop3A_520 : i32 to index
        %parallel_loop3A_540 = arith.constant 16 : index
        %parallel_loop3A_541 = tpu.vector_load %parallel_loop3A_538[%parallel_loop3A_539, %parallel_loop3A_540] {strides = array<i32>} : memref<256x64xf32, #tpu.memory_space<vmem>>, vector<16xf32>,
        %parallel_loop3A_542 = arith.addf %parallel_loop3A_541, %get3A_298 : vector<16xf32>
        %parallel_loop3A_543 = arith.constant 0 : i32
        %parallel_loop3A_544 = arith.constant 0 : i32
        %parallel_loop3A_545 = tpu.memref_slice %arg8[%parallel_loop3A_308, %parallel_loop3A_543, %parallel_loop3A_544] : memref<2x64x257xf32, #tpu.memory_space<vmem>> -> memref<1x64x257xf32, #tpu.memory_space<vmem>>
        %parallel_loop3A_546 = tpu.memref_squeeze %parallel_loop3A_545 : memref<1x64x257xf32, #tpu.memory_space<vmem>> -> memref<64x257xf32, #tpu.memory_space<vmem>>
        tpu.vector_store_idx %parallel_loop3A_546[%add3A_6, %parallel_loop3A_522], %parallel_loop3A_542 : memref<64x257xf32, #tpu.memory_space<vmem>>[vector<16xi32>, vector<16xi32>], vector<16xf32>,
        %parallel_loop3A_547 = arith.constant 0 : i32
        %parallel_loop3A_548 = arith.constant 0 : i32
        %parallel_loop3A_549 = tpu.memref_slice %arg7[%parallel_loop3A_307, %parallel_loop3A_547, %parallel_loop3A_548] : memref<2x256x64xf32, #tpu.memory_space<vmem>> -> memref<1x256x64xf32, #tpu.memory_space<vmem>>
        %parallel_loop3A_550 = tpu.memref_squeeze %parallel_loop3A_549 : memref<1x256x64xf32, #tpu.memory_space<vmem>> -> memref<256x64xf32, #tpu.memory_space<vmem>>
        %parallel_loop3A_551 = arith.index_cast %parallel_loop3A_520 : i32 to index
        %parallel_loop3A_552 = arith.constant 32 : index
        %parallel_loop3A_553 = tpu.vector_load %parallel_loop3A_550[%parallel_loop3A_551, %parallel_loop3A_552] {strides = array<i32>} : memref<256x64xf32, #tpu.memory_space<vmem>>, vector<16xf32>,
        %parallel_loop3A_554 = arith.addf %parallel_loop3A_553, %get3A_301 : vector<16xf32>
        %parallel_loop3A_555 = arith.constant 0 : i32
        %parallel_loop3A_556 = arith.constant 0 : i32
        %parallel_loop3A_557 = tpu.memref_slice %arg8[%parallel_loop3A_308, %parallel_loop3A_555, %parallel_loop3A_556] : memref<2x64x257xf32, #tpu.memory_space<vmem>> -> memref<1x64x257xf32, #tpu.memory_space<vmem>>
        %parallel_loop3A_558 = tpu.memref_squeeze %parallel_loop3A_557 : memref<1x64x257xf32, #tpu.memory_space<vmem>> -> memref<64x257xf32, #tpu.memory_space<vmem>>
        tpu.vector_store_idx %parallel_loop3A_558[%add3A_9, %parallel_loop3A_522], %parallel_loop3A_554 : memref<64x257xf32, #tpu.memory_space<vmem>>[vector<16xi32>, vector<16xi32>], vector<16xf32>,
        %parallel_loop3A_559 = arith.constant 0 : i32
        %parallel_loop3A_560 = arith.constant 0 : i32
        %parallel_loop3A_561 = tpu.memref_slice %arg7[%parallel_loop3A_307, %parallel_loop3A_559, %parallel_loop3A_560] : memref<2x256x64xf32, #tpu.memory_space<vmem>> -> memref<1x256x64xf32, #tpu.memory_space<vmem>>
        %parallel_loop3A_562 = tpu.memref_squeeze %parallel_loop3A_561 : memref<1x256x64xf32, #tpu.memory_space<vmem>> -> memref<256x64xf32, #tpu.memory_space<vmem>>
        %parallel_loop3A_563 = arith.index_cast %parallel_loop3A_520 : i32 to index
        %parallel_loop3A_564 = arith.constant 48 : index
        %parallel_loop3A_565 = tpu.vector_load %parallel_loop3A_562[%parallel_loop3A_563, %parallel_loop3A_564] {strides = array<i32>} : memref<256x64xf32, #tpu.memory_space<vmem>>, vector<16xf32>,
        %parallel_loop3A_566 = arith.addf %parallel_loop3A_565, %get3A_304 : vector<16xf32>
        %parallel_loop3A_567 = arith.constant 0 : i32
        %parallel_loop3A_568 = arith.constant 0 : i32
        %parallel_loop3A_569 = tpu.memref_slice %arg8[%parallel_loop3A_308, %parallel_loop3A_567, %parallel_loop3A_568] : memref<2x64x257xf32, #tpu.memory_space<vmem>> -> memref<1x64x257xf32, #tpu.memory_space<vmem>>
        %parallel_loop3A_570 = tpu.memref_squeeze %parallel_loop3A_569 : memref<1x64x257xf32, #tpu.memory_space<vmem>> -> memref<64x257xf32, #tpu.memory_space<vmem>>
        tpu.vector_store_idx %parallel_loop3A_570[%add3A_12, %parallel_loop3A_522], %parallel_loop3A_566 : memref<64x257xf32, #tpu.memory_space<vmem>>[vector<16xi32>, vector<16xi32>], vector<16xf32>,
        %parallel_loop3A_571 = arith.constant 3 : i32
        %parallel_loop3A_572 = arith.addi %parallel_loop3A_414, %parallel_loop3A_571 : i32
        %parallel_loop3A_573 = vector.broadcast %parallel_loop3A_572 : i32 to vector<16xi32>
        %parallel_loop3A_574 = arith.addi %sub3A, %parallel_loop3A_573 : vector<16xi32>
        %parallel_loop3A_575 = arith.constant 0 : i32
        %parallel_loop3A_576 = arith.constant 0 : i32
        %parallel_loop3A_577 = tpu.memref_slice %arg7[%parallel_loop3A_307, %parallel_loop3A_575, %parallel_loop3A_576] : memref<2x256x64xf32, #tpu.memory_space<vmem>> -> memref<1x256x64xf32, #tpu.memory_space<vmem>>
        %parallel_loop3A_578 = tpu.memref_squeeze %parallel_loop3A_577 : memref<1x256x64xf32, #tpu.memory_space<vmem>> -> memref<256x64xf32, #tpu.memory_space<vmem>>
        %parallel_loop3A_579 = arith.index_cast %parallel_loop3A_572 : i32 to index
        %parallel_loop3A_580 = arith.constant 0 : index
        %parallel_loop3A_581 = tpu.vector_load %parallel_loop3A_578[%parallel_loop3A_579, %parallel_loop3A_580] {strides = array<i32>} : memref<256x64xf32, #tpu.memory_space<vmem>>, vector<16xf32>,
        %parallel_loop3A_582 = arith.addf %parallel_loop3A_581, %get3A_295 : vector<16xf32>
        %parallel_loop3A_583 = arith.constant 0 : i32
        %parallel_loop3A_584 = arith.constant 0 : i32
        %parallel_loop3A_585 = tpu.memref_slice %arg8[%parallel_loop3A_308, %parallel_loop3A_583, %parallel_loop3A_584] : memref<2x64x257xf32, #tpu.memory_space<vmem>> -> memref<1x64x257xf32, #tpu.memory_space<vmem>>
        %parallel_loop3A_586 = tpu.memref_squeeze %parallel_loop3A_585 : memref<1x64x257xf32, #tpu.memory_space<vmem>> -> memref<64x257xf32, #tpu.memory_space<vmem>>
        tpu.vector_store_idx %parallel_loop3A_586[%add3A_3, %parallel_loop3A_574], %parallel_loop3A_582 : memref<64x257xf32, #tpu.memory_space<vmem>>[vector<16xi32>, vector<16xi32>], vector<16xf32>,
        %parallel_loop3A_587 = arith.constant 0 : i32
        %parallel_loop3A_588 = arith.constant 0 : i32
        %parallel_loop3A_589 = tpu.memref_slice %arg7[%parallel_loop3A_307, %parallel_loop3A_587, %parallel_loop3A_588] : memref<2x256x64xf32, #tpu.memory_space<vmem>> -> memref<1x256x64xf32, #tpu.memory_space<vmem>>
        %parallel_loop3A_590 = tpu.memref_squeeze %parallel_loop3A_589 : memref<1x256x64xf32, #tpu.memory_space<vmem>> -> memref<256x64xf32, #tpu.memory_space<vmem>>
        %parallel_loop3A_591 = arith.index_cast %parallel_loop3A_572 : i32 to index
        %parallel_loop3A_592 = arith.constant 16 : index
        %parallel_loop3A_593 = tpu.vector_load %parallel_loop3A_590[%parallel_loop3A_591, %parallel_loop3A_592] {strides = array<i32>} : memref<256x64xf32, #tpu.memory_space<vmem>>, vector<16xf32>,
        %parallel_loop3A_594 = arith.addf %parallel_loop3A_593, %get3A_298 : vector<16xf32>
        %parallel_loop3A_595 = arith.constant 0 : i32
        %parallel_loop3A_596 = arith.constant 0 : i32
        %parallel_loop3A_597 = tpu.memref_slice %arg8[%parallel_loop3A_308, %parallel_loop3A_595, %parallel_loop3A_596] : memref<2x64x257xf32, #tpu.memory_space<vmem>> -> memref<1x64x257xf32, #tpu.memory_space<vmem>>
        %parallel_loop3A_598 = tpu.memref_squeeze %parallel_loop3A_597 : memref<1x64x257xf32, #tpu.memory_space<vmem>> -> memref<64x257xf32, #tpu.memory_space<vmem>>
        tpu.vector_store_idx %parallel_loop3A_598[%add3A_6, %parallel_loop3A_574], %parallel_loop3A_594 : memref<64x257xf32, #tpu.memory_space<vmem>>[vector<16xi32>, vector<16xi32>], vector<16xf32>,
        %parallel_loop3A_599 = arith.constant 0 : i32
        %parallel_loop3A_600 = arith.constant 0 : i32
        %parallel_loop3A_601 = tpu.memref_slice %arg7[%parallel_loop3A_307, %parallel_loop3A_599, %parallel_loop3A_600] : memref<2x256x64xf32, #tpu.memory_space<vmem>> -> memref<1x256x64xf32, #tpu.memory_space<vmem>>
        %parallel_loop3A_602 = tpu.memref_squeeze %parallel_loop3A_601 : memref<1x256x64xf32, #tpu.memory_space<vmem>> -> memref<256x64xf32, #tpu.memory_space<vmem>>
        %parallel_loop3A_603 = arith.index_cast %parallel_loop3A_572 : i32 to index
        %parallel_loop3A_604 = arith.constant 32 : index
        %parallel_loop3A_605 = tpu.vector_load %parallel_loop3A_602[%parallel_loop3A_603, %parallel_loop3A_604] {strides = array<i32>} : memref<256x64xf32, #tpu.memory_space<vmem>>, vector<16xf32>,
        %parallel_loop3A_606 = arith.addf %parallel_loop3A_605, %get3A_301 : vector<16xf32>
        %parallel_loop3A_607 = arith.constant 0 : i32
        %parallel_loop3A_608 = arith.constant 0 : i32
        %parallel_loop3A_609 = tpu.memref_slice %arg8[%parallel_loop3A_308, %parallel_loop3A_607, %parallel_loop3A_608] : memref<2x64x257xf32, #tpu.memory_space<vmem>> -> memref<1x64x257xf32, #tpu.memory_space<vmem>>
        %parallel_loop3A_610 = tpu.memref_squeeze %parallel_loop3A_609 : memref<1x64x257xf32, #tpu.memory_space<vmem>> -> memref<64x257xf32, #tpu.memory_space<vmem>>
        tpu.vector_store_idx %parallel_loop3A_610[%add3A_9, %parallel_loop3A_574], %parallel_loop3A_606 : memref<64x257xf32, #tpu.memory_space<vmem>>[vector<16xi32>, vector<16xi32>], vector<16xf32>,
        %parallel_loop3A_611 = arith.constant 0 : i32
        %parallel_loop3A_612 = arith.constant 0 : i32
        %parallel_loop3A_613 = tpu.memref_slice %arg7[%parallel_loop3A_307, %parallel_loop3A_611, %parallel_loop3A_612] : memref<2x256x64xf32, #tpu.memory_space<vmem>> -> memref<1x256x64xf32, #tpu.memory_space<vmem>>
        %parallel_loop3A_614 = tpu.memref_squeeze %parallel_loop3A_613 : memref<1x256x64xf32, #tpu.memory_space<vmem>> -> memref<256x64xf32, #tpu.memory_space<vmem>>
        %parallel_loop3A_615 = arith.index_cast %parallel_loop3A_572 : i32 to index
        %parallel_loop3A_616 = arith.constant 48 : index
        %parallel_loop3A_617 = tpu.vector_load %parallel_loop3A_614[%parallel_loop3A_615, %parallel_loop3A_616] {strides = array<i32>} : memref<256x64xf32, #tpu.memory_space<vmem>>, vector<16xf32>,
        %parallel_loop3A_618 = arith.addf %parallel_loop3A_617, %get3A_304 : vector<16xf32>
        %parallel_loop3A_619 = arith.constant 0 : i32
        %parallel_loop3A_620 = arith.constant 0 : i32
        %parallel_loop3A_621 = tpu.memref_slice %arg8[%parallel_loop3A_308, %parallel_loop3A_619, %parallel_loop3A_620] : memref<2x64x257xf32, #tpu.memory_space<vmem>> -> memref<1x64x257xf32, #tpu.memory_space<vmem>>
        %parallel_loop3A_622 = tpu.memref_squeeze %parallel_loop3A_621 : memref<1x64x257xf32, #tpu.memory_space<vmem>> -> memref<64x257xf32, #tpu.memory_space<vmem>>
        tpu.vector_store_idx %parallel_loop3A_622[%add3A_12, %parallel_loop3A_574], %parallel_loop3A_618 : memref<64x257xf32, #tpu.memory_space<vmem>>[vector<16xi32>, vector<16xi32>], vector<16xf32>,
        %parallel_loop3A_623 = arith.constant 4 : i32
        %parallel_loop3A_624 = arith.addi %parallel_loop3A_414, %parallel_loop3A_623 : i32
        %parallel_loop3A_625 = vector.broadcast %parallel_loop3A_624 : i32 to vector<16xi32>
        %parallel_loop3A_626 = arith.addi %sub3A, %parallel_loop3A_625 : vector<16xi32>
        %parallel_loop3A_627 = arith.constant 0 : i32
        %parallel_loop3A_628 = arith.constant 0 : i32
        %parallel_loop3A_629 = tpu.memref_slice %arg7[%parallel_loop3A_307, %parallel_loop3A_627, %parallel_loop3A_628] : memref<2x256x64xf32, #tpu.memory_space<vmem>> -> memref<1x256x64xf32, #tpu.memory_space<vmem>>
        %parallel_loop3A_630 = tpu.memref_squeeze %parallel_loop3A_629 : memref<1x256x64xf32, #tpu.memory_space<vmem>> -> memref<256x64xf32, #tpu.memory_space<vmem>>
        %parallel_loop3A_631 = arith.index_cast %parallel_loop3A_624 : i32 to index
        %parallel_loop3A_632 = arith.constant 0 : index
        %parallel_loop3A_633 = tpu.vector_load %parallel_loop3A_630[%parallel_loop3A_631, %parallel_loop3A_632] {strides = array<i32>} : memref<256x64xf32, #tpu.memory_space<vmem>>, vector<16xf32>,
        %parallel_loop3A_634 = arith.addf %parallel_loop3A_633, %get3A_295 : vector<16xf32>
        %parallel_loop3A_635 = arith.constant 0 : i32
        %parallel_loop3A_636 = arith.constant 0 : i32
        %parallel_loop3A_637 = tpu.memref_slice %arg8[%parallel_loop3A_308, %parallel_loop3A_635, %parallel_loop3A_636] : memref<2x64x257xf32, #tpu.memory_space<vmem>> -> memref<1x64x257xf32, #tpu.memory_space<vmem>>
        %parallel_loop3A_638 = tpu.memref_squeeze %parallel_loop3A_637 : memref<1x64x257xf32, #tpu.memory_space<vmem>> -> memref<64x257xf32, #tpu.memory_space<vmem>>
        tpu.vector_store_idx %parallel_loop3A_638[%add3A_3, %parallel_loop3A_626], %parallel_loop3A_634 : memref<64x257xf32, #tpu.memory_space<vmem>>[vector<16xi32>, vector<16xi32>], vector<16xf32>,
        %parallel_loop3A_639 = arith.constant 0 : i32
        %parallel_loop3A_640 = arith.constant 0 : i32
        %parallel_loop3A_641 = tpu.memref_slice %arg7[%parallel_loop3A_307, %parallel_loop3A_639, %parallel_loop3A_640] : memref<2x256x64xf32, #tpu.memory_space<vmem>> -> memref<1x256x64xf32, #tpu.memory_space<vmem>>
        %parallel_loop3A_642 = tpu.memref_squeeze %parallel_loop3A_641 : memref<1x256x64xf32, #tpu.memory_space<vmem>> -> memref<256x64xf32, #tpu.memory_space<vmem>>
        %parallel_loop3A_643 = arith.index_cast %parallel_loop3A_624 : i32 to index
        %parallel_loop3A_644 = arith.constant 16 : index
        %parallel_loop3A_645 = tpu.vector_load %parallel_loop3A_642[%parallel_loop3A_643, %parallel_loop3A_644] {strides = array<i32>} : memref<256x64xf32, #tpu.memory_space<vmem>>, vector<16xf32>,
        %parallel_loop3A_646 = arith.addf %parallel_loop3A_645, %get3A_298 : vector<16xf32>
        %parallel_loop3A_647 = arith.constant 0 : i32
        %parallel_loop3A_648 = arith.constant 0 : i32
        %parallel_loop3A_649 = tpu.memref_slice %arg8[%parallel_loop3A_308, %parallel_loop3A_647, %parallel_loop3A_648] : memref<2x64x257xf32, #tpu.memory_space<vmem>> -> memref<1x64x257xf32, #tpu.memory_space<vmem>>
        %parallel_loop3A_650 = tpu.memref_squeeze %parallel_loop3A_649 : memref<1x64x257xf32, #tpu.memory_space<vmem>> -> memref<64x257xf32, #tpu.memory_space<vmem>>
        tpu.vector_store_idx %parallel_loop3A_650[%add3A_6, %parallel_loop3A_626], %parallel_loop3A_646 : memref<64x257xf32, #tpu.memory_space<vmem>>[vector<16xi32>, vector<16xi32>], vector<16xf32>,
        %parallel_loop3A_651 = arith.constant 0 : i32
        %parallel_loop3A_652 = arith.constant 0 : i32
        %parallel_loop3A_653 = tpu.memref_slice %arg7[%parallel_loop3A_307, %parallel_loop3A_651, %parallel_loop3A_652] : memref<2x256x64xf32, #tpu.memory_space<vmem>> -> memref<1x256x64xf32, #tpu.memory_space<vmem>>
        %parallel_loop3A_654 = tpu.memref_squeeze %parallel_loop3A_653 : memref<1x256x64xf32, #tpu.memory_space<vmem>> -> memref<256x64xf32, #tpu.memory_space<vmem>>
        %parallel_loop3A_655 = arith.index_cast %parallel_loop3A_624 : i32 to index
        %parallel_loop3A_656 = arith.constant 32 : index
        %parallel_loop3A_657 = tpu.vector_load %parallel_loop3A_654[%parallel_loop3A_655, %parallel_loop3A_656] {strides = array<i32>} : memref<256x64xf32, #tpu.memory_space<vmem>>, vector<16xf32>,
        %parallel_loop3A_658 = arith.addf %parallel_loop3A_657, %get3A_301 : vector<16xf32>
        %parallel_loop3A_659 = arith.constant 0 : i32
        %parallel_loop3A_660 = arith.constant 0 : i32
        %parallel_loop3A_661 = tpu.memref_slice %arg8[%parallel_loop3A_308, %parallel_loop3A_659, %parallel_loop3A_660] : memref<2x64x257xf32, #tpu.memory_space<vmem>> -> memref<1x64x257xf32, #tpu.memory_space<vmem>>
        %parallel_loop3A_662 = tpu.memref_squeeze %parallel_loop3A_661 : memref<1x64x257xf32, #tpu.memory_space<vmem>> -> memref<64x257xf32, #tpu.memory_space<vmem>>
        tpu.vector_store_idx %parallel_loop3A_662[%add3A_9, %parallel_loop3A_626], %parallel_loop3A_658 : memref<64x257xf32, #tpu.memory_space<vmem>>[vector<16xi32>, vector<16xi32>], vector<16xf32>,
        %parallel_loop3A_663 = arith.constant 0 : i32
        %parallel_loop3A_664 = arith.constant 0 : i32
        %parallel_loop3A_665 = tpu.memref_slice %arg7[%parallel_loop3A_307, %parallel_loop3A_663, %parallel_loop3A_664] : memref<2x256x64xf32, #tpu.memory_space<vmem>> -> memref<1x256x64xf32, #tpu.memory_space<vmem>>
        %parallel_loop3A_666 = tpu.memref_squeeze %parallel_loop3A_665 : memref<1x256x64xf32, #tpu.memory_space<vmem>> -> memref<256x64xf32, #tpu.memory_space<vmem>>
        %parallel_loop3A_667 = arith.index_cast %parallel_loop3A_624 : i32 to index
        %parallel_loop3A_668 = arith.constant 48 : index
        %parallel_loop3A_669 = tpu.vector_load %parallel_loop3A_666[%parallel_loop3A_667, %parallel_loop3A_668] {strides = array<i32>} : memref<256x64xf32, #tpu.memory_space<vmem>>, vector<16xf32>,
        %parallel_loop3A_670 = arith.addf %parallel_loop3A_669, %get3A_304 : vector<16xf32>
        %parallel_loop3A_671 = arith.constant 0 : i32
        %parallel_loop3A_672 = arith.constant 0 : i32
        %parallel_loop3A_673 = tpu.memref_slice %arg8[%parallel_loop3A_308, %parallel_loop3A_671, %parallel_loop3A_672] : memref<2x64x257xf32, #tpu.memory_space<vmem>> -> memref<1x64x257xf32, #tpu.memory_space<vmem>>
        %parallel_loop3A_674 = tpu.memref_squeeze %parallel_loop3A_673 : memref<1x64x257xf32, #tpu.memory_space<vmem>> -> memref<64x257xf32, #tpu.memory_space<vmem>>
        tpu.vector_store_idx %parallel_loop3A_674[%add3A_12, %parallel_loop3A_626], %parallel_loop3A_670 : memref<64x257xf32, #tpu.memory_space<vmem>>[vector<16xi32>, vector<16xi32>], vector<16xf32>,
        %parallel_loop3A_675 = arith.constant 5 : i32
        %parallel_loop3A_676 = arith.addi %parallel_loop3A_414, %parallel_loop3A_675 : i32
        %parallel_loop3A_677 = vector.broadcast %parallel_loop3A_676 : i32 to vector<16xi32>
        %parallel_loop3A_678 = arith.addi %sub3A, %parallel_loop3A_677 : vector<16xi32>
        %parallel_loop3A_679 = arith.constant 0 : i32
        %parallel_loop3A_680 = arith.constant 0 : i32
        %parallel_loop3A_681 = tpu.memref_slice %arg7[%parallel_loop3A_307, %parallel_loop3A_679, %parallel_loop3A_680] : memref<2x256x64xf32, #tpu.memory_space<vmem>> -> memref<1x256x64xf32, #tpu.memory_space<vmem>>
        %parallel_loop3A_682 = tpu.memref_squeeze %parallel_loop3A_681 : memref<1x256x64xf32, #tpu.memory_space<vmem>> -> memref<256x64xf32, #tpu.memory_space<vmem>>
        %parallel_loop3A_683 = arith.index_cast %parallel_loop3A_676 : i32 to index
        %parallel_loop3A_684 = arith.constant 0 : index
        %parallel_loop3A_685 = tpu.vector_load %parallel_loop3A_682[%parallel_loop3A_683, %parallel_loop3A_684] {strides = array<i32>} : memref<256x64xf32, #tpu.memory_space<vmem>>, vector<16xf32>,
        %parallel_loop3A_686 = arith.addf %parallel_loop3A_685, %get3A_295 : vector<16xf32>
        %parallel_loop3A_687 = arith.constant 0 : i32
        %parallel_loop3A_688 = arith.constant 0 : i32
        %parallel_loop3A_689 = tpu.memref_slice %arg8[%parallel_loop3A_308, %parallel_loop3A_687, %parallel_loop3A_688] : memref<2x64x257xf32, #tpu.memory_space<vmem>> -> memref<1x64x257xf32, #tpu.memory_space<vmem>>
        %parallel_loop3A_690 = tpu.memref_squeeze %parallel_loop3A_689 : memref<1x64x257xf32, #tpu.memory_space<vmem>> -> memref<64x257xf32, #tpu.memory_space<vmem>>
        tpu.vector_store_idx %parallel_loop3A_690[%add3A_3, %parallel_loop3A_678], %parallel_loop3A_686 : memref<64x257xf32, #tpu.memory_space<vmem>>[vector<16xi32>, vector<16xi32>], vector<16xf32>,
        %parallel_loop3A_691 = arith.constant 0 : i32
        %parallel_loop3A_692 = arith.constant 0 : i32
        %parallel_loop3A_693 = tpu.memref_slice %arg7[%parallel_loop3A_307, %parallel_loop3A_691, %parallel_loop3A_692] : memref<2x256x64xf32, #tpu.memory_space<vmem>> -> memref<1x256x64xf32, #tpu.memory_space<vmem>>
        %parallel_loop3A_694 = tpu.memref_squeeze %parallel_loop3A_693 : memref<1x256x64xf32, #tpu.memory_space<vmem>> -> memref<256x64xf32, #tpu.memory_space<vmem>>
        %parallel_loop3A_695 = arith.index_cast %parallel_loop3A_676 : i32 to index
        %parallel_loop3A_696 = arith.constant 16 : index
        %parallel_loop3A_697 = tpu.vector_load %parallel_loop3A_694[%parallel_loop3A_695, %parallel_loop3A_696] {strides = array<i32>} : memref<256x64xf32, #tpu.memory_space<vmem>>, vector<16xf32>,
        %parallel_loop3A_698 = arith.addf %parallel_loop3A_697, %get3A_298 : vector<16xf32>
        %parallel_loop3A_699 = arith.constant 0 : i32
        %parallel_loop3A_700 = arith.constant 0 : i32
        %parallel_loop3A_701 = tpu.memref_slice %arg8[%parallel_loop3A_308, %parallel_loop3A_699, %parallel_loop3A_700] : memref<2x64x257xf32, #tpu.memory_space<vmem>> -> memref<1x64x257xf32, #tpu.memory_space<vmem>>
        %parallel_loop3A_702 = tpu.memref_squeeze %parallel_loop3A_701 : memref<1x64x257xf32, #tpu.memory_space<vmem>> -> memref<64x257xf32, #tpu.memory_space<vmem>>
        tpu.vector_store_idx %parallel_loop3A_702[%add3A_6, %parallel_loop3A_678], %parallel_loop3A_698 : memref<64x257xf32, #tpu.memory_space<vmem>>[vector<16xi32>, vector<16xi32>], vector<16xf32>,
        %parallel_loop3A_703 = arith.constant 0 : i32
        %parallel_loop3A_704 = arith.constant 0 : i32
        %parallel_loop3A_705 = tpu.memref_slice %arg7[%parallel_loop3A_307, %parallel_loop3A_703, %parallel_loop3A_704] : memref<2x256x64xf32, #tpu.memory_space<vmem>> -> memref<1x256x64xf32, #tpu.memory_space<vmem>>
        %parallel_loop3A_706 = tpu.memref_squeeze %parallel_loop3A_705 : memref<1x256x64xf32, #tpu.memory_space<vmem>> -> memref<256x64xf32, #tpu.memory_space<vmem>>
        %parallel_loop3A_707 = arith.index_cast %parallel_loop3A_676 : i32 to index
        %parallel_loop3A_708 = arith.constant 32 : index
        %parallel_loop3A_709 = tpu.vector_load %parallel_loop3A_706[%parallel_loop3A_707, %parallel_loop3A_708] {strides = array<i32>} : memref<256x64xf32, #tpu.memory_space<vmem>>, vector<16xf32>,
        %parallel_loop3A_710 = arith.addf %parallel_loop3A_709, %get3A_301 : vector<16xf32>
        %parallel_loop3A_711 = arith.constant 0 : i32
        %parallel_loop3A_712 = arith.constant 0 : i32
        %parallel_loop3A_713 = tpu.memref_slice %arg8[%parallel_loop3A_308, %parallel_loop3A_711, %parallel_loop3A_712] : memref<2x64x257xf32, #tpu.memory_space<vmem>> -> memref<1x64x257xf32, #tpu.memory_space<vmem>>
        %parallel_loop3A_714 = tpu.memref_squeeze %parallel_loop3A_713 : memref<1x64x257xf32, #tpu.memory_space<vmem>> -> memref<64x257xf32, #tpu.memory_space<vmem>>
        tpu.vector_store_idx %parallel_loop3A_714[%add3A_9, %parallel_loop3A_678], %parallel_loop3A_710 : memref<64x257xf32, #tpu.memory_space<vmem>>[vector<16xi32>, vector<16xi32>], vector<16xf32>,
        %parallel_loop3A_715 = arith.constant 0 : i32
        %parallel_loop3A_716 = arith.constant 0 : i32
        %parallel_loop3A_717 = tpu.memref_slice %arg7[%parallel_loop3A_307, %parallel_loop3A_715, %parallel_loop3A_716] : memref<2x256x64xf32, #tpu.memory_space<vmem>> -> memref<1x256x64xf32, #tpu.memory_space<vmem>>
        %parallel_loop3A_718 = tpu.memref_squeeze %parallel_loop3A_717 : memref<1x256x64xf32, #tpu.memory_space<vmem>> -> memref<256x64xf32, #tpu.memory_space<vmem>>
        %parallel_loop3A_719 = arith.index_cast %parallel_loop3A_676 : i32 to index
        %parallel_loop3A_720 = arith.constant 48 : index
        %parallel_loop3A_721 = tpu.vector_load %parallel_loop3A_718[%parallel_loop3A_719, %parallel_loop3A_720] {strides = array<i32>} : memref<256x64xf32, #tpu.memory_space<vmem>>, vector<16xf32>,
        %parallel_loop3A_722 = arith.addf %parallel_loop3A_721, %get3A_304 : vector<16xf32>
        %parallel_loop3A_723 = arith.constant 0 : i32
        %parallel_loop3A_724 = arith.constant 0 : i32
        %parallel_loop3A_725 = tpu.memref_slice %arg8[%parallel_loop3A_308, %parallel_loop3A_723, %parallel_loop3A_724] : memref<2x64x257xf32, #tpu.memory_space<vmem>> -> memref<1x64x257xf32, #tpu.memory_space<vmem>>
        %parallel_loop3A_726 = tpu.memref_squeeze %parallel_loop3A_725 : memref<1x64x257xf32, #tpu.memory_space<vmem>> -> memref<64x257xf32, #tpu.memory_space<vmem>>
        tpu.vector_store_idx %parallel_loop3A_726[%add3A_12, %parallel_loop3A_678], %parallel_loop3A_722 : memref<64x257xf32, #tpu.memory_space<vmem>>[vector<16xi32>, vector<16xi32>], vector<16xf32>,
        %parallel_loop3A_727 = arith.constant 6 : i32
        %parallel_loop3A_728 = arith.addi %parallel_loop3A_414, %parallel_loop3A_727 : i32
        %parallel_loop3A_729 = vector.broadcast %parallel_loop3A_728 : i32 to vector<16xi32>
        %parallel_loop3A_730 = arith.addi %sub3A, %parallel_loop3A_729 : vector<16xi32>
        %parallel_loop3A_731 = arith.constant 0 : i32
        %parallel_loop3A_732 = arith.constant 0 : i32
        %parallel_loop3A_733 = tpu.memref_slice %arg7[%parallel_loop3A_307, %parallel_loop3A_731, %parallel_loop3A_732] : memref<2x256x64xf32, #tpu.memory_space<vmem>> -> memref<1x256x64xf32, #tpu.memory_space<vmem>>
        %parallel_loop3A_734 = tpu.memref_squeeze %parallel_loop3A_733 : memref<1x256x64xf32, #tpu.memory_space<vmem>> -> memref<256x64xf32, #tpu.memory_space<vmem>>
        %parallel_loop3A_735 = arith.index_cast %parallel_loop3A_728 : i32 to index
        %parallel_loop3A_736 = arith.constant 0 : index
        %parallel_loop3A_737 = tpu.vector_load %parallel_loop3A_734[%parallel_loop3A_735, %parallel_loop3A_736] {strides = array<i32>} : memref<256x64xf32, #tpu.memory_space<vmem>>, vector<16xf32>,
        %parallel_loop3A_738 = arith.addf %parallel_loop3A_737, %get3A_295 : vector<16xf32>
        %parallel_loop3A_739 = arith.constant 0 : i32
        %parallel_loop3A_740 = arith.constant 0 : i32
        %parallel_loop3A_741 = tpu.memref_slice %arg8[%parallel_loop3A_308, %parallel_loop3A_739, %parallel_loop3A_740] : memref<2x64x257xf32, #tpu.memory_space<vmem>> -> memref<1x64x257xf32, #tpu.memory_space<vmem>>
        %parallel_loop3A_742 = tpu.memref_squeeze %parallel_loop3A_741 : memref<1x64x257xf32, #tpu.memory_space<vmem>> -> memref<64x257xf32, #tpu.memory_space<vmem>>
        tpu.vector_store_idx %parallel_loop3A_742[%add3A_3, %parallel_loop3A_730], %parallel_loop3A_738 : memref<64x257xf32, #tpu.memory_space<vmem>>[vector<16xi32>, vector<16xi32>], vector<16xf32>,
        %parallel_loop3A_743 = arith.constant 0 : i32
        %parallel_loop3A_744 = arith.constant 0 : i32
        %parallel_loop3A_745 = tpu.memref_slice %arg7[%parallel_loop3A_307, %parallel_loop3A_743, %parallel_loop3A_744] : memref<2x256x64xf32, #tpu.memory_space<vmem>> -> memref<1x256x64xf32, #tpu.memory_space<vmem>>
        %parallel_loop3A_746 = tpu.memref_squeeze %parallel_loop3A_745 : memref<1x256x64xf32, #tpu.memory_space<vmem>> -> memref<256x64xf32, #tpu.memory_space<vmem>>
        %parallel_loop3A_747 = arith.index_cast %parallel_loop3A_728 : i32 to index
        %parallel_loop3A_748 = arith.constant 16 : index
        %parallel_loop3A_749 = tpu.vector_load %parallel_loop3A_746[%parallel_loop3A_747, %parallel_loop3A_748] {strides = array<i32>} : memref<256x64xf32, #tpu.memory_space<vmem>>, vector<16xf32>,
        %parallel_loop3A_750 = arith.addf %parallel_loop3A_749, %get3A_298 : vector<16xf32>
        %parallel_loop3A_751 = arith.constant 0 : i32
        %parallel_loop3A_752 = arith.constant 0 : i32
        %parallel_loop3A_753 = tpu.memref_slice %arg8[%parallel_loop3A_308, %parallel_loop3A_751, %parallel_loop3A_752] : memref<2x64x257xf32, #tpu.memory_space<vmem>> -> memref<1x64x257xf32, #tpu.memory_space<vmem>>
        %parallel_loop3A_754 = tpu.memref_squeeze %parallel_loop3A_753 : memref<1x64x257xf32, #tpu.memory_space<vmem>> -> memref<64x257xf32, #tpu.memory_space<vmem>>
        tpu.vector_store_idx %parallel_loop3A_754[%add3A_6, %parallel_loop3A_730], %parallel_loop3A_750 : memref<64x257xf32, #tpu.memory_space<vmem>>[vector<16xi32>, vector<16xi32>], vector<16xf32>,
        %parallel_loop3A_755 = arith.constant 0 : i32
        %parallel_loop3A_756 = arith.constant 0 : i32
        %parallel_loop3A_757 = tpu.memref_slice %arg7[%parallel_loop3A_307, %parallel_loop3A_755, %parallel_loop3A_756] : memref<2x256x64xf32, #tpu.memory_space<vmem>> -> memref<1x256x64xf32, #tpu.memory_space<vmem>>
        %parallel_loop3A_758 = tpu.memref_squeeze %parallel_loop3A_757 : memref<1x256x64xf32, #tpu.memory_space<vmem>> -> memref<256x64xf32, #tpu.memory_space<vmem>>
        %parallel_loop3A_759 = arith.index_cast %parallel_loop3A_728 : i32 to index
        %parallel_loop3A_760 = arith.constant 32 : index
        %parallel_loop3A_761 = tpu.vector_load %parallel_loop3A_758[%parallel_loop3A_759, %parallel_loop3A_760] {strides = array<i32>} : memref<256x64xf32, #tpu.memory_space<vmem>>, vector<16xf32>,
        %parallel_loop3A_762 = arith.addf %parallel_loop3A_761, %get3A_301 : vector<16xf32>
        %parallel_loop3A_763 = arith.constant 0 : i32
        %parallel_loop3A_764 = arith.constant 0 : i32
        %parallel_loop3A_765 = tpu.memref_slice %arg8[%parallel_loop3A_308, %parallel_loop3A_763, %parallel_loop3A_764] : memref<2x64x257xf32, #tpu.memory_space<vmem>> -> memref<1x64x257xf32, #tpu.memory_space<vmem>>
        %parallel_loop3A_766 = tpu.memref_squeeze %parallel_loop3A_765 : memref<1x64x257xf32, #tpu.memory_space<vmem>> -> memref<64x257xf32, #tpu.memory_space<vmem>>
        tpu.vector_store_idx %parallel_loop3A_766[%add3A_9, %parallel_loop3A_730], %parallel_loop3A_762 : memref<64x257xf32, #tpu.memory_space<vmem>>[vector<16xi32>, vector<16xi32>], vector<16xf32>,
        %parallel_loop3A_767 = arith.constant 0 : i32
        %parallel_loop3A_768 = arith.constant 0 : i32
        %parallel_loop3A_769 = tpu.memref_slice %arg7[%parallel_loop3A_307, %parallel_loop3A_767, %parallel_loop3A_768] : memref<2x256x64xf32, #tpu.memory_space<vmem>> -> memref<1x256x64xf32, #tpu.memory_space<vmem>>
        %parallel_loop3A_770 = tpu.memref_squeeze %parallel_loop3A_769 : memref<1x256x64xf32, #tpu.memory_space<vmem>> -> memref<256x64xf32, #tpu.memory_space<vmem>>
        %parallel_loop3A_771 = arith.index_cast %parallel_loop3A_728 : i32 to index
        %parallel_loop3A_772 = arith.constant 48 : index
        %parallel_loop3A_773 = tpu.vector_load %parallel_loop3A_770[%parallel_loop3A_771, %parallel_loop3A_772] {strides = array<i32>} : memref<256x64xf32, #tpu.memory_space<vmem>>, vector<16xf32>,
        %parallel_loop3A_774 = arith.addf %parallel_loop3A_773, %get3A_304 : vector<16xf32>
        %parallel_loop3A_775 = arith.constant 0 : i32
        %parallel_loop3A_776 = arith.constant 0 : i32
        %parallel_loop3A_777 = tpu.memref_slice %arg8[%parallel_loop3A_308, %parallel_loop3A_775, %parallel_loop3A_776] : memref<2x64x257xf32, #tpu.memory_space<vmem>> -> memref<1x64x257xf32, #tpu.memory_space<vmem>>
        %parallel_loop3A_778 = tpu.memref_squeeze %parallel_loop3A_777 : memref<1x64x257xf32, #tpu.memory_space<vmem>> -> memref<64x257xf32, #tpu.memory_space<vmem>>
        tpu.vector_store_idx %parallel_loop3A_778[%add3A_12, %parallel_loop3A_730], %parallel_loop3A_774 : memref<64x257xf32, #tpu.memory_space<vmem>>[vector<16xi32>, vector<16xi32>], vector<16xf32>,
        %parallel_loop3A_779 = arith.constant 7 : i32
        %parallel_loop3A_780 = arith.addi %parallel_loop3A_414, %parallel_loop3A_779 : i32
        %parallel_loop3A_781 = vector.broadcast %parallel_loop3A_780 : i32 to vector<16xi32>
        %parallel_loop3A_782 = arith.addi %sub3A, %parallel_loop3A_781 : vector<16xi32>
        %parallel_loop3A_783 = arith.constant 0 : i32
        %parallel_loop3A_784 = arith.constant 0 : i32
        %parallel_loop3A_785 = tpu.memref_slice %arg7[%parallel_loop3A_307, %parallel_loop3A_783, %parallel_loop3A_784] : memref<2x256x64xf32, #tpu.memory_space<vmem>> -> memref<1x256x64xf32, #tpu.memory_space<vmem>>
        %parallel_loop3A_786 = tpu.memref_squeeze %parallel_loop3A_785 : memref<1x256x64xf32, #tpu.memory_space<vmem>> -> memref<256x64xf32, #tpu.memory_space<vmem>>
        %parallel_loop3A_787 = arith.index_cast %parallel_loop3A_780 : i32 to index
        %parallel_loop3A_788 = arith.constant 0 : index
        %parallel_loop3A_789 = tpu.vector_load %parallel_loop3A_786[%parallel_loop3A_787, %parallel_loop3A_788] {strides = array<i32>} : memref<256x64xf32, #tpu.memory_space<vmem>>, vector<16xf32>,
        %parallel_loop3A_790 = arith.addf %parallel_loop3A_789, %get3A_295 : vector<16xf32>
        %parallel_loop3A_791 = arith.constant 0 : i32
        %parallel_loop3A_792 = arith.constant 0 : i32
        %parallel_loop3A_793 = tpu.memref_slice %arg8[%parallel_loop3A_308, %parallel_loop3A_791, %parallel_loop3A_792] : memref<2x64x257xf32, #tpu.memory_space<vmem>> -> memref<1x64x257xf32, #tpu.memory_space<vmem>>
        %parallel_loop3A_794 = tpu.memref_squeeze %parallel_loop3A_793 : memref<1x64x257xf32, #tpu.memory_space<vmem>> -> memref<64x257xf32, #tpu.memory_space<vmem>>
        tpu.vector_store_idx %parallel_loop3A_794[%add3A_3, %parallel_loop3A_782], %parallel_loop3A_790 : memref<64x257xf32, #tpu.memory_space<vmem>>[vector<16xi32>, vector<16xi32>], vector<16xf32>,
        %parallel_loop3A_795 = arith.constant 0 : i32
        %parallel_loop3A_796 = arith.constant 0 : i32
        %parallel_loop3A_797 = tpu.memref_slice %arg7[%parallel_loop3A_307, %parallel_loop3A_795, %parallel_loop3A_796] : memref<2x256x64xf32, #tpu.memory_space<vmem>> -> memref<1x256x64xf32, #tpu.memory_space<vmem>>
        %parallel_loop3A_798 = tpu.memref_squeeze %parallel_loop3A_797 : memref<1x256x64xf32, #tpu.memory_space<vmem>> -> memref<256x64xf32, #tpu.memory_space<vmem>>
        %parallel_loop3A_799 = arith.index_cast %parallel_loop3A_780 : i32 to index
        %parallel_loop3A_800 = arith.constant 16 : index
        %parallel_loop3A_801 = tpu.vector_load %parallel_loop3A_798[%parallel_loop3A_799, %parallel_loop3A_800] {strides = array<i32>} : memref<256x64xf32, #tpu.memory_space<vmem>>, vector<16xf32>,
        %parallel_loop3A_802 = arith.addf %parallel_loop3A_801, %get3A_298 : vector<16xf32>
        %parallel_loop3A_803 = arith.constant 0 : i32
        %parallel_loop3A_804 = arith.constant 0 : i32
        %parallel_loop3A_805 = tpu.memref_slice %arg8[%parallel_loop3A_308, %parallel_loop3A_803, %parallel_loop3A_804] : memref<2x64x257xf32, #tpu.memory_space<vmem>> -> memref<1x64x257xf32, #tpu.memory_space<vmem>>
        %parallel_loop3A_806 = tpu.memref_squeeze %parallel_loop3A_805 : memref<1x64x257xf32, #tpu.memory_space<vmem>> -> memref<64x257xf32, #tpu.memory_space<vmem>>
        tpu.vector_store_idx %parallel_loop3A_806[%add3A_6, %parallel_loop3A_782], %parallel_loop3A_802 : memref<64x257xf32, #tpu.memory_space<vmem>>[vector<16xi32>, vector<16xi32>], vector<16xf32>,
        %parallel_loop3A_807 = arith.constant 0 : i32
        %parallel_loop3A_808 = arith.constant 0 : i32
        %parallel_loop3A_809 = tpu.memref_slice %arg7[%parallel_loop3A_307, %parallel_loop3A_807, %parallel_loop3A_808] : memref<2x256x64xf32, #tpu.memory_space<vmem>> -> memref<1x256x64xf32, #tpu.memory_space<vmem>>
        %parallel_loop3A_810 = tpu.memref_squeeze %parallel_loop3A_809 : memref<1x256x64xf32, #tpu.memory_space<vmem>> -> memref<256x64xf32, #tpu.memory_space<vmem>>
        %parallel_loop3A_811 = arith.index_cast %parallel_loop3A_780 : i32 to index
        %parallel_loop3A_812 = arith.constant 32 : index
        %parallel_loop3A_813 = tpu.vector_load %parallel_loop3A_810[%parallel_loop3A_811, %parallel_loop3A_812] {strides = array<i32>} : memref<256x64xf32, #tpu.memory_space<vmem>>, vector<16xf32>,
        %parallel_loop3A_814 = arith.addf %parallel_loop3A_813, %get3A_301 : vector<16xf32>
        %parallel_loop3A_815 = arith.constant 0 : i32
        %parallel_loop3A_816 = arith.constant 0 : i32
        %parallel_loop3A_817 = tpu.memref_slice %arg8[%parallel_loop3A_308, %parallel_loop3A_815, %parallel_loop3A_816] : memref<2x64x257xf32, #tpu.memory_space<vmem>> -> memref<1x64x257xf32, #tpu.memory_space<vmem>>
        %parallel_loop3A_818 = tpu.memref_squeeze %parallel_loop3A_817 : memref<1x64x257xf32, #tpu.memory_space<vmem>> -> memref<64x257xf32, #tpu.memory_space<vmem>>
        tpu.vector_store_idx %parallel_loop3A_818[%add3A_9, %parallel_loop3A_782], %parallel_loop3A_814 : memref<64x257xf32, #tpu.memory_space<vmem>>[vector<16xi32>, vector<16xi32>], vector<16xf32>,
        %parallel_loop3A_819 = arith.constant 0 : i32
        %parallel_loop3A_820 = arith.constant 0 : i32
        %parallel_loop3A_821 = tpu.memref_slice %arg7[%parallel_loop3A_307, %parallel_loop3A_819, %parallel_loop3A_820] : memref<2x256x64xf32, #tpu.memory_space<vmem>> -> memref<1x256x64xf32, #tpu.memory_space<vmem>>
        %parallel_loop3A_822 = tpu.memref_squeeze %parallel_loop3A_821 : memref<1x256x64xf32, #tpu.memory_space<vmem>> -> memref<256x64xf32, #tpu.memory_space<vmem>>
        %parallel_loop3A_823 = arith.index_cast %parallel_loop3A_780 : i32 to index
        %parallel_loop3A_824 = arith.constant 48 : index
        %parallel_loop3A_825 = tpu.vector_load %parallel_loop3A_822[%parallel_loop3A_823, %parallel_loop3A_824] {strides = array<i32>} : memref<256x64xf32, #tpu.memory_space<vmem>>, vector<16xf32>,
        %parallel_loop3A_826 = arith.addf %parallel_loop3A_825, %get3A_304 : vector<16xf32>
        %parallel_loop3A_827 = arith.constant 0 : i32
        %parallel_loop3A_828 = arith.constant 0 : i32
        %parallel_loop3A_829 = tpu.memref_slice %arg8[%parallel_loop3A_308, %parallel_loop3A_827, %parallel_loop3A_828] : memref<2x64x257xf32, #tpu.memory_space<vmem>> -> memref<1x64x257xf32, #tpu.memory_space<vmem>>
        %parallel_loop3A_830 = tpu.memref_squeeze %parallel_loop3A_829 : memref<1x64x257xf32, #tpu.memory_space<vmem>> -> memref<64x257xf32, #tpu.memory_space<vmem>>
        tpu.vector_store_idx %parallel_loop3A_830[%add3A_12, %parallel_loop3A_782], %parallel_loop3A_826 : memref<64x257xf32, #tpu.memory_space<vmem>>[vector<16xi32>, vector<16xi32>], vector<16xf32>,
      } {sc.loop_unroll_factor = 2 : i64, sc.parallel_access}
      %dma_start3A_309 = arith.constant 0 : i32
      %dma_start3A_310 = arith.constant 0 : i32
      %dma_start3A_311 = arith.constant 0 : i32
      %dma_start3A_312 = tpu.memref_slice %arg8[%dma_start3A_309, %dma_start3A_310, %dma_start3A_311] : memref<2x64x257xf32, #tpu.memory_space<vmem>> -> memref<1x64x256xf32, #tpu.memory_space<vmem>>
      %dma_start3A_313 = tpu.memref_squeeze %dma_start3A_312 : memref<1x64x256xf32, #tpu.memory_space<vmem>> -> memref<64x256xf32, #tpu.memory_space<vmem>>
      %dma_start3A_314 = arith.constant 0 : i32
      %dma_start3A_315 = tpu.memref_slice %arg5[%select_n3A, %dma_start3A_314, %mul3A_292] : memref<50x64x16384xf32, #tpu.memory_space<hbm>> -> memref<1x64x256xf32, #tpu.memory_space<hbm>>
      %dma_start3A_316 = tpu.memref_squeeze %dma_start3A_315 : memref<1x64x256xf32, #tpu.memory_space<hbm>> -> memref<64x256xf32, #tpu.memory_space<hbm>>
      %dma_start3A_317 = arith.constant 0 : i32
      %dma_start3A_318 = tpu.memref_slice %arg5[%select_n3A, %dma_start3A_317, %mul3A_292] : memref<50x64x16384xf32, #tpu.memory_space<hbm>> -> memref<1x64x256xf32, #tpu.memory_space<hbm>>
      %dma_start3A_319 = tpu.memref_squeeze %dma_start3A_318 : memref<1x64x256xf32, #tpu.memory_space<hbm>> -> memref<64x256xf32, #tpu.memory_space<hbm>>
      %dma_start3A_320 = arith.constant 0 : i32
      %dma_start3A_321 = arith.constant 0 : i32
      %dma_start3A_322 = tpu.memref_slice %arg8[%dma_start3A_309, %dma_start3A_320, %dma_start3A_321] : memref<2x64x257xf32, #tpu.memory_space<vmem>> -> memref<1x64x256xf32, #tpu.memory_space<vmem>>
      %dma_start3A_323 = tpu.memref_squeeze %dma_start3A_322 : memref<1x64x256xf32, #tpu.memory_space<vmem>> -> memref<64x256xf32, #tpu.memory_space<vmem>>
      tpu.enqueue_dma source(%dma_start3A_323 : memref<64x256xf32, #tpu.memory_space<vmem>>) target(%dma_start3A_319 : memref<64x256xf32, #tpu.memory_space<hbm>>) target_semaphore(%arg12 : memref<!tpu.dma_semaphore, #tpu.memory_space<semaphore_mem>>)
      %mul3A_324 = arith.constant 2 : i32
      %mul3A_325 = arith.muli %mul3A_324, %scan3A_245 : i32
      %add3A_326 = arith.constant 1 : i32
      %add3A_327 = arith.addi %mul3A_325, %add3A_326 : i32
      %add3A_328 = arith.constant 1 : i32
      %add3A_329 = arith.addi %add3A_327, %add3A_328 : i32
      %lt3A_330 = arith.constant 100 : i32
      %lt3A_331 = arith.cmpi slt, %add3A_329, %lt3A_330 : i32
      %convert_element_type3A_332 = arith.extui %lt3A_331 : i1 to i32
      %cond3A_333 = arith.constant 0 : i32
      %cond3A_334 = arith.cmpi ne, %convert_element_type3A_332, %cond3A_333 : i32
      scf.if %cond3A_334 {
        %add3A_414 = arith.constant 1 : i32
        %add3A_415 = arith.addi %add3A_327, %add3A_414 : i32
        %jit3A_416 = arith.constant 2 : i32
        %div3A_417 = arith.divsi %add3A_415, %jit3A_416 : i32
        %sign3A_418 = arith.constant 0 : i32
        %sign3A_419 = arith.cmpi sgt, %add3A_415, %sign3A_418 : i32
        %sign3A_420 = arith.extui %sign3A_419 : i1 to i32
        %sign3A_421 = arith.constant 0 : i32
        %sign3A_422 = arith.cmpi slt, %add3A_415, %sign3A_421 : i32
        %sign3A_423 = arith.extui %sign3A_422 : i1 to i32
        %sign3A_424 = arith.subi %sign3A_420, %sign3A_423 : i32
        %sign3A_425 = arith.constant 0 : i32
        %sign3A_426 = arith.cmpi sgt, %jit3A_416, %sign3A_425 : i32
        %sign3A_427 = arith.extui %sign3A_426 : i1 to i32
        %sign3A_428 = arith.constant 0 : i32
        %sign3A_429 = arith.cmpi slt, %jit3A_416, %sign3A_428 : i32
        %sign3A_430 = arith.extui %sign3A_429 : i1 to i32
        %sign3A_431 = arith.subi %sign3A_427, %sign3A_430 : i32
        %ne3A_432 = arith.cmpi ne, %sign3A_424, %sign3A_431 : i32
        %rem3A_433 = arith.remsi %add3A_415, %jit3A_416 : i32
        %ne3A_434 = arith.constant 0 : i32
        %ne3A_435 = arith.cmpi ne, %rem3A_433, %ne3A_434 : i32
        %and3A_436 = arith.andi %ne3A_432, %ne3A_435 : i1
        %sub3A_437 = arith.constant 1 : i32
        %sub3A_438 = arith.subi %div3A_417, %sub3A_437 : i32
        %select_n3A_439 = arith.select %and3A_436, %sub3A_438, %div3A_417 : i32
        %mul3A_440 = arith.constant 2 : i32
        %mul3A_441 = arith.muli %mul3A_440, %add3A : i32
        %jit3A_442 = arith.constant 2 : i32
        %eq3A = arith.constant 0 : i32
        %eq3A_443 = arith.cmpi eq, %jit3A_442, %eq3A : i32
        %jit3A_444 = arith.constant 1 : i32
        %select_n3A_445 = arith.select %eq3A_443, %jit3A_444, %jit3A_442 : i32
        %rem3A_446 = arith.remsi %add3A_415, %select_n3A_445 : i32
        %ne3A_447 = arith.constant 0 : i32
        %ne3A_448 = arith.cmpi ne, %rem3A_446, %ne3A_447 : i32
        %lt3A_449 = arith.constant 0 : i32
        %lt3A_450 = arith.cmpi slt, %rem3A_446, %lt3A_449 : i32
        %lt3A_451 = arith.constant 0 : i32
        %lt3A_452 = arith.cmpi slt, %select_n3A_445, %lt3A_451 : i32
        %ne3A_453 = arith.xori %lt3A_450, %lt3A_452 : i1
        %and3A_454 = arith.andi %ne3A_453, %ne3A_448 : i1
        %add3A_455 = arith.addi %rem3A_446, %select_n3A_445 : i32
        %select_n3A_456 = arith.select %and3A_454, %add3A_455, %rem3A_446 : i32
        %add3A_457 = arith.addi %mul3A_441, %select_n3A_456 : i32
        %mul3A_458 = arith.constant 256 : i32
        %mul3A_459 = arith.muli %add3A_457, %mul3A_458 : i32
        %run_scoped3A_460 = arith.constant 0 : i32
        "tpu.region"() ({
          %run_scoped3A_649 = tpu.sem_alloc : memref<!tpu.dma_semaphore, #tpu.memory_space<semaphore_mem>>
          %dma_start3A_650 = arith.constant 0 : i32
          %dma_start3A_651 = tpu.memref_slice %arg6[%run_scoped3A_460, %dma_start3A_650] : memref<2x256xi32, #tpu.memory_space<vmem>> -> memref<1x256xi32, #tpu.memory_space<vmem>>
          %dma_start3A_652 = tpu.memref_squeeze %dma_start3A_651 : memref<1x256xi32, #tpu.memory_space<vmem>> -> memref<256xi32, #tpu.memory_space<vmem>>
          %dma_start3A_653 = tpu.memref_slice %arg2[%select_n3A_439, %mul3A_459] : memref<50x16384xi32, #tpu.memory_space<hbm>> -> memref<1x256xi32, #tpu.memory_space<hbm>>
          %dma_start3A_654 = tpu.memref_squeeze %dma_start3A_653 : memref<1x256xi32, #tpu.memory_space<hbm>> -> memref<256xi32, #tpu.memory_space<hbm>>
          %dma_start3A_655 = arith.constant 0 : i32
          %dma_start3A_656 = tpu.memref_slice %arg6[%run_scoped3A_460, %dma_start3A_655] : memref<2x256xi32, #tpu.memory_space<vmem>> -> memref<1x256xi32, #tpu.memory_space<vmem>>
          %dma_start3A_657 = tpu.memref_squeeze %dma_start3A_656 : memref<1x256xi32, #tpu.memory_space<vmem>> -> memref<256xi32, #tpu.memory_space<vmem>>
          %dma_start3A_658 = tpu.memref_slice %arg2[%select_n3A_439, %mul3A_459] : memref<50x16384xi32, #tpu.memory_space<hbm>> -> memref<1x256xi32, #tpu.memory_space<hbm>>
          %dma_start3A_659 = tpu.memref_squeeze %dma_start3A_658 : memref<1x256xi32, #tpu.memory_space<hbm>> -> memref<256xi32, #tpu.memory_space<hbm>>
          tpu.enqueue_dma source(%dma_start3A_659 : memref<256xi32, #tpu.memory_space<hbm>>) target(%dma_start3A_657 : memref<256xi32, #tpu.memory_space<vmem>>) target_semaphore(%run_scoped3A_649 : memref<!tpu.dma_semaphore, #tpu.memory_space<semaphore_mem>>)
          %dma_wait3A_660 = arith.constant 0 : i32
          %dma_wait3A_661 = tpu.memref_slice %arg6[%run_scoped3A_460, %dma_wait3A_660] : memref<2x256xi32, #tpu.memory_space<vmem>> -> memref<1x256xi32, #tpu.memory_space<vmem>>
          %dma_wait3A_662 = tpu.memref_squeeze %dma_wait3A_661 : memref<1x256xi32, #tpu.memory_space<vmem>> -> memref<256xi32, #tpu.memory_space<vmem>>
          %dma_wait3A_663 = tpu.memref_slice %arg2[%select_n3A_439, %mul3A_459] : memref<50x16384xi32, #tpu.memory_space<hbm>> -> memref<1x256xi32, #tpu.memory_space<hbm>>
          %dma_wait3A_664 = tpu.memref_squeeze %dma_wait3A_663 : memref<1x256xi32, #tpu.memory_space<hbm>> -> memref<256xi32, #tpu.memory_space<hbm>>
          %dma_wait3A_665 = arith.constant 0 : i32
          %dma_wait3A_666 = tpu.memref_slice %arg6[%run_scoped3A_460, %dma_wait3A_665] : memref<2x256xi32, #tpu.memory_space<vmem>> -> memref<1x256xi32, #tpu.memory_space<vmem>>
          %dma_wait3A_667 = tpu.memref_squeeze %dma_wait3A_666 : memref<1x256xi32, #tpu.memory_space<vmem>> -> memref<256xi32, #tpu.memory_space<vmem>>
          %dma_wait3A_668 = tpu.memref_slice %arg2[%select_n3A_439, %mul3A_459] : memref<50x16384xi32, #tpu.memory_space<hbm>> -> memref<1x256xi32, #tpu.memory_space<hbm>>
          %dma_wait3A_669 = tpu.memref_squeeze %dma_wait3A_668 : memref<1x256xi32, #tpu.memory_space<hbm>> -> memref<256xi32, #tpu.memory_space<hbm>>
          tpu.wait_dma2 semaphore(%run_scoped3A_649 : memref<!tpu.dma_semaphore, #tpu.memory_space<semaphore_mem>>) src(%dma_wait3A_669 : memref<256xi32, #tpu.memory_space<hbm>>) dst(%dma_wait3A_667 : memref<256xi32, #tpu.memory_space<vmem>>)
          tpu.yield
        }) : () -> ()
        %get3A_461 = arith.constant 0 : i32
        %get3A_462 = arith.index_cast %get3A_461 : i32 to index
        %get3A_463 = arith.constant 0 : index
        %get3A_464 = tpu.vector_load %arg6[%get3A_462, %get3A_463] {strides = array<i32>} : memref<2x256xi32, #tpu.memory_space<vmem>>, vector<16xi32>,
        %mul3A_465 = arith.constant 2 : i32
        %mul3A_466 = vector.broadcast %mul3A_465 : i32 to vector<16xi32>
        %mul3A_467 = arith.muli %get3A_464, %mul3A_466 : vector<16xi32>
        %swap3A_468 = arith.constant 0 : i32
        %swap3A_469 = arith.index_cast %swap3A_468 : i32 to index
        %swap3A_470 = arith.constant 0 : index
        %swap3A_471 = tpu.vector_load %arg6[%swap3A_469, %swap3A_470] {strides = array<i32>} : memref<2x256xi32, #tpu.memory_space<vmem>>, vector<16xi32>,
        tpu.vector_store %arg6[%swap3A_469, %swap3A_470], %mul3A_467 {strides = array<i32>} : memref<2x256xi32, #tpu.memory_space<vmem>>, vector<16xi32>,
        %get3A_472 = arith.constant 0 : i32
        %get3A_473 = arith.index_cast %get3A_472 : i32 to index
        %get3A_474 = arith.constant 16 : index
        %get3A_475 = tpu.vector_load %arg6[%get3A_473, %get3A_474] {strides = array<i32>} : memref<2x256xi32, #tpu.memory_space<vmem>>, vector<16xi32>,
        %mul3A_476 = arith.constant 2 : i32
        %mul3A_477 = vector.broadcast %mul3A_476 : i32 to vector<16xi32>
        %mul3A_478 = arith.muli %get3A_475, %mul3A_477 : vector<16xi32>
        %swap3A_479 = arith.constant 0 : i32
        %swap3A_480 = arith.index_cast %swap3A_479 : i32 to index
        %swap3A_481 = arith.constant 16 : index
        %swap3A_482 = tpu.vector_load %arg6[%swap3A_480, %swap3A_481] {strides = array<i32>} : memref<2x256xi32, #tpu.memory_space<vmem>>, vector<16xi32>,
        tpu.vector_store %arg6[%swap3A_480, %swap3A_481], %mul3A_478 {strides = array<i32>} : memref<2x256xi32, #tpu.memory_space<vmem>>, vector<16xi32>,
        %get3A_483 = arith.constant 0 : i32
        %get3A_484 = arith.index_cast %get3A_483 : i32 to index
        %get3A_485 = arith.constant 32 : index
        %get3A_486 = tpu.vector_load %arg6[%get3A_484, %get3A_485] {strides = array<i32>} : memref<2x256xi32, #tpu.memory_space<vmem>>, vector<16xi32>,
        %mul3A_487 = arith.constant 2 : i32
        %mul3A_488 = vector.broadcast %mul3A_487 : i32 to vector<16xi32>
        %mul3A_489 = arith.muli %get3A_486, %mul3A_488 : vector<16xi32>
        %swap3A_490 = arith.constant 0 : i32
        %swap3A_491 = arith.index_cast %swap3A_490 : i32 to index
        %swap3A_492 = arith.constant 32 : index
        %swap3A_493 = tpu.vector_load %arg6[%swap3A_491, %swap3A_492] {strides = array<i32>} : memref<2x256xi32, #tpu.memory_space<vmem>>, vector<16xi32>,
        tpu.vector_store %arg6[%swap3A_491, %swap3A_492], %mul3A_489 {strides = array<i32>} : memref<2x256xi32, #tpu.memory_space<vmem>>, vector<16xi32>,
        %get3A_494 = arith.constant 0 : i32
        %get3A_495 = arith.index_cast %get3A_494 : i32 to index
        %get3A_496 = arith.constant 48 : index
        %get3A_497 = tpu.vector_load %arg6[%get3A_495, %get3A_496] {strides = array<i32>} : memref<2x256xi32, #tpu.memory_space<vmem>>, vector<16xi32>,
        %mul3A_498 = arith.constant 2 : i32
        %mul3A_499 = vector.broadcast %mul3A_498 : i32 to vector<16xi32>
        %mul3A_500 = arith.muli %get3A_497, %mul3A_499 : vector<16xi32>
        %swap3A_501 = arith.constant 0 : i32
        %swap3A_502 = arith.index_cast %swap3A_501 : i32 to index
        %swap3A_503 = arith.constant 48 : index
        %swap3A_504 = tpu.vector_load %arg6[%swap3A_502, %swap3A_503] {strides = array<i32>} : memref<2x256xi32, #tpu.memory_space<vmem>>, vector<16xi32>,
        tpu.vector_store %arg6[%swap3A_502, %swap3A_503], %mul3A_500 {strides = array<i32>} : memref<2x256xi32, #tpu.memory_space<vmem>>, vector<16xi32>,
        %get3A_505 = arith.constant 0 : i32
        %get3A_506 = arith.index_cast %get3A_505 : i32 to index
        %get3A_507 = arith.constant 64 : index
        %get3A_508 = tpu.vector_load %arg6[%get3A_506, %get3A_507] {strides = array<i32>} : memref<2x256xi32, #tpu.memory_space<vmem>>, vector<16xi32>,
        %mul3A_509 = arith.constant 2 : i32
        %mul3A_510 = vector.broadcast %mul3A_509 : i32 to vector<16xi32>
        %mul3A_511 = arith.muli %get3A_508, %mul3A_510 : vector<16xi32>
        %swap3A_512 = arith.constant 0 : i32
        %swap3A_513 = arith.index_cast %swap3A_512 : i32 to index
        %swap3A_514 = arith.constant 64 : index
        %swap3A_515 = tpu.vector_load %arg6[%swap3A_513, %swap3A_514] {strides = array<i32>} : memref<2x256xi32, #tpu.memory_space<vmem>>, vector<16xi32>,
        tpu.vector_store %arg6[%swap3A_513, %swap3A_514], %mul3A_511 {strides = array<i32>} : memref<2x256xi32, #tpu.memory_space<vmem>>, vector<16xi32>,
        %get3A_516 = arith.constant 0 : i32
        %get3A_517 = arith.index_cast %get3A_516 : i32 to index
        %get3A_518 = arith.constant 80 : index
        %get3A_519 = tpu.vector_load %arg6[%get3A_517, %get3A_518] {strides = array<i32>} : memref<2x256xi32, #tpu.memory_space<vmem>>, vector<16xi32>,
        %mul3A_520 = arith.constant 2 : i32
        %mul3A_521 = vector.broadcast %mul3A_520 : i32 to vector<16xi32>
        %mul3A_522 = arith.muli %get3A_519, %mul3A_521 : vector<16xi32>
        %swap3A_523 = arith.constant 0 : i32
        %swap3A_524 = arith.index_cast %swap3A_523 : i32 to index
        %swap3A_525 = arith.constant 80 : index
        %swap3A_526 = tpu.vector_load %arg6[%swap3A_524, %swap3A_525] {strides = array<i32>} : memref<2x256xi32, #tpu.memory_space<vmem>>, vector<16xi32>,
        tpu.vector_store %arg6[%swap3A_524, %swap3A_525], %mul3A_522 {strides = array<i32>} : memref<2x256xi32, #tpu.memory_space<vmem>>, vector<16xi32>,
        %get3A_527 = arith.constant 0 : i32
        %get3A_528 = arith.index_cast %get3A_527 : i32 to index
        %get3A_529 = arith.constant 96 : index
        %get3A_530 = tpu.vector_load %arg6[%get3A_528, %get3A_529] {strides = array<i32>} : memref<2x256xi32, #tpu.memory_space<vmem>>, vector<16xi32>,
        %mul3A_531 = arith.constant 2 : i32
        %mul3A_532 = vector.broadcast %mul3A_531 : i32 to vector<16xi32>
        %mul3A_533 = arith.muli %get3A_530, %mul3A_532 : vector<16xi32>
        %swap3A_534 = arith.constant 0 : i32
        %swap3A_535 = arith.index_cast %swap3A_534 : i32 to index
        %swap3A_536 = arith.constant 96 : index
        %swap3A_537 = tpu.vector_load %arg6[%swap3A_535, %swap3A_536] {strides = array<i32>} : memref<2x256xi32, #tpu.memory_space<vmem>>, vector<16xi32>,
        tpu.vector_store %arg6[%swap3A_535, %swap3A_536], %mul3A_533 {strides = array<i32>} : memref<2x256xi32, #tpu.memory_space<vmem>>, vector<16xi32>,
        %get3A_538 = arith.constant 0 : i32
        %get3A_539 = arith.index_cast %get3A_538 : i32 to index
        %get3A_540 = arith.constant 112 : index
        %get3A_541 = tpu.vector_load %arg6[%get3A_539, %get3A_540] {strides = array<i32>} : memref<2x256xi32, #tpu.memory_space<vmem>>, vector<16xi32>,
        %mul3A_542 = arith.constant 2 : i32
        %mul3A_543 = vector.broadcast %mul3A_542 : i32 to vector<16xi32>
        %mul3A_544 = arith.muli %get3A_541, %mul3A_543 : vector<16xi32>
        %swap3A_545 = arith.constant 0 : i32
        %swap3A_546 = arith.index_cast %swap3A_545 : i32 to index
        %swap3A_547 = arith.constant 112 : index
        %swap3A_548 = tpu.vector_load %arg6[%swap3A_546, %swap3A_547] {strides = array<i32>} : memref<2x256xi32, #tpu.memory_space<vmem>>, vector<16xi32>,
        tpu.vector_store %arg6[%swap3A_546, %swap3A_547], %mul3A_544 {strides = array<i32>} : memref<2x256xi32, #tpu.memory_space<vmem>>, vector<16xi32>,
        %get3A_549 = arith.constant 0 : i32
        %get3A_550 = arith.index_cast %get3A_549 : i32 to index
        %get3A_551 = arith.constant 128 : index
        %get3A_552 = tpu.vector_load %arg6[%get3A_550, %get3A_551] {strides = array<i32>} : memref<2x256xi32, #tpu.memory_space<vmem>>, vector<16xi32>,
        %mul3A_553 = arith.constant 2 : i32
        %mul3A_554 = vector.broadcast %mul3A_553 : i32 to vector<16xi32>
        %mul3A_555 = arith.muli %get3A_552, %mul3A_554 : vector<16xi32>
        %swap3A_556 = arith.constant 0 : i32
        %swap3A_557 = arith.index_cast %swap3A_556 : i32 to index
        %swap3A_558 = arith.constant 128 : index
        %swap3A_559 = tpu.vector_load %arg6[%swap3A_557, %swap3A_558] {strides = array<i32>} : memref<2x256xi32, #tpu.memory_space<vmem>>, vector<16xi32>,
        tpu.vector_store %arg6[%swap3A_557, %swap3A_558], %mul3A_555 {strides = array<i32>} : memref<2x256xi32, #tpu.memory_space<vmem>>, vector<16xi32>,
        %get3A_560 = arith.constant 0 : i32
        %get3A_561 = arith.index_cast %get3A_560 : i32 to index
        %get3A_562 = arith.constant 144 : index
        %get3A_563 = tpu.vector_load %arg6[%get3A_561, %get3A_562] {strides = array<i32>} : memref<2x256xi32, #tpu.memory_space<vmem>>, vector<16xi32>,
        %mul3A_564 = arith.constant 2 : i32
        %mul3A_565 = vector.broadcast %mul3A_564 : i32 to vector<16xi32>
        %mul3A_566 = arith.muli %get3A_563, %mul3A_565 : vector<16xi32>
        %swap3A_567 = arith.constant 0 : i32
        %swap3A_568 = arith.index_cast %swap3A_567 : i32 to index
        %swap3A_569 = arith.constant 144 : index
        %swap3A_570 = tpu.vector_load %arg6[%swap3A_568, %swap3A_569] {strides = array<i32>} : memref<2x256xi32, #tpu.memory_space<vmem>>, vector<16xi32>,
        tpu.vector_store %arg6[%swap3A_568, %swap3A_569], %mul3A_566 {strides = array<i32>} : memref<2x256xi32, #tpu.memory_space<vmem>>, vector<16xi32>,
        %get3A_571 = arith.constant 0 : i32
        %get3A_572 = arith.index_cast %get3A_571 : i32 to index
        %get3A_573 = arith.constant 160 : index
        %get3A_574 = tpu.vector_load %arg6[%get3A_572, %get3A_573] {strides = array<i32>} : memref<2x256xi32, #tpu.memory_space<vmem>>, vector<16xi32>,
        %mul3A_575 = arith.constant 2 : i32
        %mul3A_576 = vector.broadcast %mul3A_575 : i32 to vector<16xi32>
        %mul3A_577 = arith.muli %get3A_574, %mul3A_576 : vector<16xi32>
        %swap3A_578 = arith.constant 0 : i32
        %swap3A_579 = arith.index_cast %swap3A_578 : i32 to index
        %swap3A_580 = arith.constant 160 : index
        %swap3A_581 = tpu.vector_load %arg6[%swap3A_579, %swap3A_580] {strides = array<i32>} : memref<2x256xi32, #tpu.memory_space<vmem>>, vector<16xi32>,
        tpu.vector_store %arg6[%swap3A_579, %swap3A_580], %mul3A_577 {strides = array<i32>} : memref<2x256xi32, #tpu.memory_space<vmem>>, vector<16xi32>,
        %get3A_582 = arith.constant 0 : i32
        %get3A_583 = arith.index_cast %get3A_582 : i32 to index
        %get3A_584 = arith.constant 176 : index
        %get3A_585 = tpu.vector_load %arg6[%get3A_583, %get3A_584] {strides = array<i32>} : memref<2x256xi32, #tpu.memory_space<vmem>>, vector<16xi32>,
        %mul3A_586 = arith.constant 2 : i32
        %mul3A_587 = vector.broadcast %mul3A_586 : i32 to vector<16xi32>
        %mul3A_588 = arith.muli %get3A_585, %mul3A_587 : vector<16xi32>
        %swap3A_589 = arith.constant 0 : i32
        %swap3A_590 = arith.index_cast %swap3A_589 : i32 to index
        %swap3A_591 = arith.constant 176 : index
        %swap3A_592 = tpu.vector_load %arg6[%swap3A_590, %swap3A_591] {strides = array<i32>} : memref<2x256xi32, #tpu.memory_space<vmem>>, vector<16xi32>,
        tpu.vector_store %arg6[%swap3A_590, %swap3A_591], %mul3A_588 {strides = array<i32>} : memref<2x256xi32, #tpu.memory_space<vmem>>, vector<16xi32>,
        %get3A_593 = arith.constant 0 : i32
        %get3A_594 = arith.index_cast %get3A_593 : i32 to index
        %get3A_595 = arith.constant 192 : index
        %get3A_596 = tpu.vector_load %arg6[%get3A_594, %get3A_595] {strides = array<i32>} : memref<2x256xi32, #tpu.memory_space<vmem>>, vector<16xi32>,
        %mul3A_597 = arith.constant 2 : i32
        %mul3A_598 = vector.broadcast %mul3A_597 : i32 to vector<16xi32>
        %mul3A_599 = arith.muli %get3A_596, %mul3A_598 : vector<16xi32>
        %swap3A_600 = arith.constant 0 : i32
        %swap3A_601 = arith.index_cast %swap3A_600 : i32 to index
        %swap3A_602 = arith.constant 192 : index
        %swap3A_603 = tpu.vector_load %arg6[%swap3A_601, %swap3A_602] {strides = array<i32>} : memref<2x256xi32, #tpu.memory_space<vmem>>, vector<16xi32>,
        tpu.vector_store %arg6[%swap3A_601, %swap3A_602], %mul3A_599 {strides = array<i32>} : memref<2x256xi32, #tpu.memory_space<vmem>>, vector<16xi32>,
        %get3A_604 = arith.constant 0 : i32
        %get3A_605 = arith.index_cast %get3A_604 : i32 to index
        %get3A_606 = arith.constant 208 : index
        %get3A_607 = tpu.vector_load %arg6[%get3A_605, %get3A_606] {strides = array<i32>} : memref<2x256xi32, #tpu.memory_space<vmem>>, vector<16xi32>,
        %mul3A_608 = arith.constant 2 : i32
        %mul3A_609 = vector.broadcast %mul3A_608 : i32 to vector<16xi32>
        %mul3A_610 = arith.muli %get3A_607, %mul3A_609 : vector<16xi32>
        %swap3A_611 = arith.constant 0 : i32
        %swap3A_612 = arith.index_cast %swap3A_611 : i32 to index
        %swap3A_613 = arith.constant 208 : index
        %swap3A_614 = tpu.vector_load %arg6[%swap3A_612, %swap3A_613] {strides = array<i32>} : memref<2x256xi32, #tpu.memory_space<vmem>>, vector<16xi32>,
        tpu.vector_store %arg6[%swap3A_612, %swap3A_613], %mul3A_610 {strides = array<i32>} : memref<2x256xi32, #tpu.memory_space<vmem>>, vector<16xi32>,
        %get3A_615 = arith.constant 0 : i32
        %get3A_616 = arith.index_cast %get3A_615 : i32 to index
        %get3A_617 = arith.constant 224 : index
        %get3A_618 = tpu.vector_load %arg6[%get3A_616, %get3A_617] {strides = array<i32>} : memref<2x256xi32, #tpu.memory_space<vmem>>, vector<16xi32>,
        %mul3A_619 = arith.constant 2 : i32
        %mul3A_620 = vector.broadcast %mul3A_619 : i32 to vector<16xi32>
        %mul3A_621 = arith.muli %get3A_618, %mul3A_620 : vector<16xi32>
        %swap3A_622 = arith.constant 0 : i32
        %swap3A_623 = arith.index_cast %swap3A_622 : i32 to index
        %swap3A_624 = arith.constant 224 : index
        %swap3A_625 = tpu.vector_load %arg6[%swap3A_623, %swap3A_624] {strides = array<i32>} : memref<2x256xi32, #tpu.memory_space<vmem>>, vector<16xi32>,
        tpu.vector_store %arg6[%swap3A_623, %swap3A_624], %mul3A_621 {strides = array<i32>} : memref<2x256xi32, #tpu.memory_space<vmem>>, vector<16xi32>,
        %get3A_626 = arith.constant 0 : i32
        %get3A_627 = arith.index_cast %get3A_626 : i32 to index
        %get3A_628 = arith.constant 240 : index
        %get3A_629 = tpu.vector_load %arg6[%get3A_627, %get3A_628] {strides = array<i32>} : memref<2x256xi32, #tpu.memory_space<vmem>>, vector<16xi32>,
        %mul3A_630 = arith.constant 2 : i32
        %mul3A_631 = vector.broadcast %mul3A_630 : i32 to vector<16xi32>
        %mul3A_632 = arith.muli %get3A_629, %mul3A_631 : vector<16xi32>
        %swap3A_633 = arith.constant 0 : i32
        %swap3A_634 = arith.index_cast %swap3A_633 : i32 to index
        %swap3A_635 = arith.constant 240 : index
        %swap3A_636 = tpu.vector_load %arg6[%swap3A_634, %swap3A_635] {strides = array<i32>} : memref<2x256xi32, #tpu.memory_space<vmem>>, vector<16xi32>,
        tpu.vector_store %arg6[%swap3A_634, %swap3A_635], %mul3A_632 {strides = array<i32>} : memref<2x256xi32, #tpu.memory_space<vmem>>, vector<16xi32>,
        %dma_start3A_637 = arith.constant 0 : i32
        %dma_start3A_638 = arith.constant 0 : i32
        %dma_start3A_639 = arith.constant 0 : i32
        %dma_start3A_640 = arith.constant 0 : i32
        %dma_start3A_641 = tpu.memref_slice %arg7[%dma_start3A_638, %dma_start3A_639, %dma_start3A_640] : memref<2x256x64xf32, #tpu.memory_space<vmem>> -> memref<1x256x64xf32, #tpu.memory_space<vmem>>
        %dma_start3A_642 = tpu.memref_squeeze %dma_start3A_641 : memref<1x256x64xf32, #tpu.memory_space<vmem>> -> memref<256x64xf32, #tpu.memory_space<vmem>>
        %dma_start3A_643 = arith.constant 0 : i32
        %dma_start3A_644 = tpu.memref_slice %arg6[%dma_start3A_637, %dma_start3A_643] : memref<2x256xi32, #tpu.memory_space<vmem>> -> memref<1x256xi32, #tpu.memory_space<vmem>>
        %dma_start3A_645 = tpu.memref_squeeze %dma_start3A_644 : memref<1x256xi32, #tpu.memory_space<vmem>> -> memref<256xi32, #tpu.memory_space<vmem>>
        %dma_start3A_646 = arith.constant 0 : i32
        %dma_start3A_647 = arith.constant 0 : i32
        %dma_start3A_648 = tpu.memref_slice %arg3[%dma_start3A_646, %dma_start3A_647] : memref<2000000x64xf32, #tpu.memory_space<hbm>> -> memref<2000000x64xf32, #tpu.memory_space<hbm>>
        tpu.enqueue_indirect_dma source(%dma_start3A_648 : memref<2000000x64xf32, #tpu.memory_space<hbm>>) target(%dma_start3A_642 : memref<256x64xf32, #tpu.memory_space<vmem>>) offsets(%dma_start3A_645 : memref<256xi32, #tpu.memory_space<vmem>>) semaphore(%arg10 : memref<!tpu.dma_semaphore, #tpu.memory_space<semaphore_mem>>)
      } else {
      }
      %dma_wait3A_335 = arith.constant 1 : i32
      %dma_wait3A_336 = arith.constant 1 : i32
      %dma_wait3A_337 = arith.constant 0 : i32
      %dma_wait3A_338 = arith.constant 0 : i32
      %dma_wait3A_339 = tpu.memref_slice %arg7[%dma_wait3A_336, %dma_wait3A_337, %dma_wait3A_338] : memref<2x256x64xf32, #tpu.memory_space<vmem>> -> memref<1x256x64xf32, #tpu.memory_space<vmem>>
      %dma_wait3A_340 = tpu.memref_squeeze %dma_wait3A_339 : memref<1x256x64xf32, #tpu.memory_space<vmem>> -> memref<256x64xf32, #tpu.memory_space<vmem>>
      %dma_wait3A_341 = arith.constant 0 : i32
      %dma_wait3A_342 = tpu.memref_slice %arg6[%dma_wait3A_335, %dma_wait3A_341] : memref<2x256xi32, #tpu.memory_space<vmem>> -> memref<1x256xi32, #tpu.memory_space<vmem>>
      %dma_wait3A_343 = tpu.memref_squeeze %dma_wait3A_342 : memref<1x256xi32, #tpu.memory_space<vmem>> -> memref<256xi32, #tpu.memory_space<vmem>>
      %dma_wait3A_344 = arith.constant 0 : i32
      %dma_wait3A_345 = arith.constant 0 : i32
      %dma_wait3A_346 = tpu.memref_slice %arg3[%dma_wait3A_344, %dma_wait3A_345] : memref<2000000x64xf32, #tpu.memory_space<hbm>> -> memref<2000000x64xf32, #tpu.memory_space<hbm>>
      tpu.wait_indirect_dma semaphore(%arg11 : memref<!tpu.dma_semaphore, #tpu.memory_space<semaphore_mem>>) src(%dma_wait3A_346 : memref<2000000x64xf32, #tpu.memory_space<hbm>>) dst(%dma_wait3A_340 : memref<256x64xf32, #tpu.memory_space<vmem>>)
      %ge3A_347 = arith.constant 2 : i32
      %ge3A_348 = arith.cmpi sge, %add3A_327, %ge3A_347 : i32
      %convert_element_type3A_349 = arith.extui %ge3A_348 : i1 to i32
      %cond3A_350 = arith.constant 0 : i32
      %cond3A_351 = arith.cmpi ne, %convert_element_type3A_349, %cond3A_350 : i32
      scf.if %cond3A_351 {
        %dma_wait3A_414 = arith.constant 1 : i32
        %dma_wait3A_415 = arith.constant 0 : i32
        %dma_wait3A_416 = arith.constant 0 : i32
        %dma_wait3A_417 = arith.constant 0 : i32
        %dma_wait3A_418 = tpu.memref_slice %arg8[%dma_wait3A_414, %dma_wait3A_416, %dma_wait3A_417] : memref<2x64x257xf32, #tpu.memory_space<vmem>> -> memref<1x64x256xf32, #tpu.memory_space<vmem>>
        %dma_wait3A_419 = tpu.memref_squeeze %dma_wait3A_418 : memref<1x64x256xf32, #tpu.memory_space<vmem>> -> memref<64x256xf32, #tpu.memory_space<vmem>>
        %dma_wait3A_420 = arith.constant 0 : i32
        %dma_wait3A_421 = arith.constant 0 : i32
        %dma_wait3A_422 = tpu.memref_slice %arg5[%dma_wait3A_415, %dma_wait3A_420, %dma_wait3A_421] : memref<50x64x16384xf32, #tpu.memory_space<hbm>> -> memref<1x64x256xf32, #tpu.memory_space<hbm>>
        %dma_wait3A_423 = tpu.memref_squeeze %dma_wait3A_422 : memref<1x64x256xf32, #tpu.memory_space<hbm>> -> memref<64x256xf32, #tpu.memory_space<hbm>>
        %dma_wait3A_424 = arith.constant 0 : i32
        %dma_wait3A_425 = arith.constant 0 : i32
        %dma_wait3A_426 = tpu.memref_slice %arg5[%dma_wait3A_415, %dma_wait3A_424, %dma_wait3A_425] : memref<50x64x16384xf32, #tpu.memory_space<hbm>> -> memref<1x64x256xf32, #tpu.memory_space<hbm>>
        %dma_wait3A_427 = tpu.memref_squeeze %dma_wait3A_426 : memref<1x64x256xf32, #tpu.memory_space<hbm>> -> memref<64x256xf32, #tpu.memory_space<hbm>>
        %dma_wait3A_428 = arith.constant 0 : i32
        %dma_wait3A_429 = arith.constant 0 : i32
        %dma_wait3A_430 = tpu.memref_slice %arg8[%dma_wait3A_414, %dma_wait3A_428, %dma_wait3A_429] : memref<2x64x257xf32, #tpu.memory_space<vmem>> -> memref<1x64x256xf32, #tpu.memory_space<vmem>>
        %dma_wait3A_431 = tpu.memref_squeeze %dma_wait3A_430 : memref<1x64x256xf32, #tpu.memory_space<vmem>> -> memref<64x256xf32, #tpu.memory_space<vmem>>
        tpu.wait_dma2 semaphore(%arg13 : memref<!tpu.dma_semaphore, #tpu.memory_space<semaphore_mem>>) src(%dma_wait3A_431 : memref<64x256xf32, #tpu.memory_space<vmem>>) dst(%dma_wait3A_427 : memref<64x256xf32, #tpu.memory_space<hbm>>)
      } else {
      }
      %jit3A_352 = arith.constant 2 : i32
      %div3A_353 = arith.divsi %add3A_327, %jit3A_352 : i32
      %sign3A_354 = arith.constant 0 : i32
      %sign3A_355 = arith.cmpi sgt, %add3A_327, %sign3A_354 : i32
      %sign3A_356 = arith.extui %sign3A_355 : i1 to i32
      %sign3A_357 = arith.constant 0 : i32
      %sign3A_358 = arith.cmpi slt, %add3A_327, %sign3A_357 : i32
      %sign3A_359 = arith.extui %sign3A_358 : i1 to i32
      %sign3A_360 = arith.subi %sign3A_356, %sign3A_359 : i32
      %sign3A_361 = arith.constant 0 : i32
      %sign3A_362 = arith.cmpi sgt, %jit3A_352, %sign3A_361 : i32
      %sign3A_363 = arith.extui %sign3A_362 : i1 to i32
      %sign3A_364 = arith.constant 0 : i32
      %sign3A_365 = arith.cmpi slt, %jit3A_352, %sign3A_364 : i32
      %sign3A_366 = arith.extui %sign3A_365 : i1 to i32
      %sign3A_367 = arith.subi %sign3A_363, %sign3A_366 : i32
      %ne3A_368 = arith.cmpi ne, %sign3A_360, %sign3A_367 : i32
      %rem3A_369 = arith.remsi %add3A_327, %jit3A_352 : i32
      %ne3A_370 = arith.constant 0 : i32
      %ne3A_371 = arith.cmpi ne, %rem3A_369, %ne3A_370 : i32
      %and3A_372 = arith.andi %ne3A_368, %ne3A_371 : i1
      %sub3A_373 = arith.constant 1 : i32
      %sub3A_374 = arith.subi %div3A_353, %sub3A_373 : i32
      %select_n3A_375 = arith.select %and3A_372, %sub3A_374, %div3A_353 : i32
      %mul3A_376 = arith.constant 2 : i32
      %mul3A_377 = arith.muli %mul3A_376, %add3A : i32
      %add3A_378 = arith.constant 1 : i32
      %add3A_379 = arith.addi %mul3A_377, %add3A_378 : i32
      %mul3A_380 = arith.constant 256 : i32
      %mul3A_381 = arith.muli %add3A_379, %mul3A_380 : i32
      %get3A_382 = arith.index_cast %select_n3A_375 : i32 to index
      %get3A_383 = arith.constant 0 : index
      %get3A_384 = tpu.vector_load %arg9[%get3A_382, %get3A_383] {strides = array<i32>} : memref<50x64xf32, #tpu.memory_space<vmem>>, vector<16xf32>,
      %get3A_385 = arith.index_cast %select_n3A_375 : i32 to index
      %get3A_386 = arith.constant 16 : index
      %get3A_387 = tpu.vector_load %arg9[%get3A_385, %get3A_386] {strides = array<i32>} : memref<50x64xf32, #tpu.memory_space<vmem>>, vector<16xf32>,
      %get3A_388 = arith.index_cast %select_n3A_375 : i32 to index
      %get3A_389 = arith.constant 32 : index
      %get3A_390 = tpu.vector_load %arg9[%get3A_388, %get3A_389] {strides = array<i32>} : memref<50x64xf32, #tpu.memory_space<vmem>>, vector<16xf32>,
      %get3A_391 = arith.index_cast %select_n3A_375 : i32 to index
      %get3A_392 = arith.constant 48 : index
      %get3A_393 = tpu.vector_load %arg9[%get3A_391, %get3A_392] {strides = array<i32>} : memref<50x64xf32, #tpu.memory_space<vmem>>, vector<16xf32>,
      %parallel_loop3A_394 = arith.constant 0 : i32
      %parallel_loop3A_395 = arith.constant 256 : i32
      %parallel_loop3A_396 = arith.constant 8 : i32
      %parallel_loop3A_397 = arith.constant 1 : i32
      %parallel_loop3A_398 = arith.constant 1 : i32
      scf.for %parallel_loop3A_414 = %parallel_loop3A_394 to %parallel_loop3A_395 step %parallel_loop3A_396  : i32 {
        %parallel_loop3A_415 = arith.constant 0 : i32
        %parallel_loop3A_416 = arith.addi %parallel_loop3A_414, %parallel_loop3A_415 : i32
        %parallel_loop3A_417 = vector.broadcast %parallel_loop3A_416 : i32 to vector<16xi32>
        %parallel_loop3A_418 = arith.addi %sub3A, %parallel_loop3A_417 : vector<16xi32>
        %parallel_loop3A_419 = arith.constant 0 : i32
        %parallel_loop3A_420 = arith.constant 0 : i32
        %parallel_loop3A_421 = tpu.memref_slice %arg7[%parallel_loop3A_397, %parallel_loop3A_419, %parallel_loop3A_420] : memref<2x256x64xf32, #tpu.memory_space<vmem>> -> memref<1x256x64xf32, #tpu.memory_space<vmem>>
        %parallel_loop3A_422 = tpu.memref_squeeze %parallel_loop3A_421 : memref<1x256x64xf32, #tpu.memory_space<vmem>> -> memref<256x64xf32, #tpu.memory_space<vmem>>
        %parallel_loop3A_423 = arith.index_cast %parallel_loop3A_416 : i32 to index
        %parallel_loop3A_424 = arith.constant 0 : index
        %parallel_loop3A_425 = tpu.vector_load %parallel_loop3A_422[%parallel_loop3A_423, %parallel_loop3A_424] {strides = array<i32>} : memref<256x64xf32, #tpu.memory_space<vmem>>, vector<16xf32>,
        %parallel_loop3A_426 = arith.addf %parallel_loop3A_425, %get3A_384 : vector<16xf32>
        %parallel_loop3A_427 = arith.constant 0 : i32
        %parallel_loop3A_428 = arith.constant 0 : i32
        %parallel_loop3A_429 = tpu.memref_slice %arg8[%parallel_loop3A_398, %parallel_loop3A_427, %parallel_loop3A_428] : memref<2x64x257xf32, #tpu.memory_space<vmem>> -> memref<1x64x257xf32, #tpu.memory_space<vmem>>
        %parallel_loop3A_430 = tpu.memref_squeeze %parallel_loop3A_429 : memref<1x64x257xf32, #tpu.memory_space<vmem>> -> memref<64x257xf32, #tpu.memory_space<vmem>>
        tpu.vector_store_idx %parallel_loop3A_430[%add3A_3, %parallel_loop3A_418], %parallel_loop3A_426 : memref<64x257xf32, #tpu.memory_space<vmem>>[vector<16xi32>, vector<16xi32>], vector<16xf32>,
        %parallel_loop3A_431 = arith.constant 0 : i32
        %parallel_loop3A_432 = arith.constant 0 : i32
        %parallel_loop3A_433 = tpu.memref_slice %arg7[%parallel_loop3A_397, %parallel_loop3A_431, %parallel_loop3A_432] : memref<2x256x64xf32, #tpu.memory_space<vmem>> -> memref<1x256x64xf32, #tpu.memory_space<vmem>>
        %parallel_loop3A_434 = tpu.memref_squeeze %parallel_loop3A_433 : memref<1x256x64xf32, #tpu.memory_space<vmem>> -> memref<256x64xf32, #tpu.memory_space<vmem>>
        %parallel_loop3A_435 = arith.index_cast %parallel_loop3A_416 : i32 to index
        %parallel_loop3A_436 = arith.constant 16 : index
        %parallel_loop3A_437 = tpu.vector_load %parallel_loop3A_434[%parallel_loop3A_435, %parallel_loop3A_436] {strides = array<i32>} : memref<256x64xf32, #tpu.memory_space<vmem>>, vector<16xf32>,
        %parallel_loop3A_438 = arith.addf %parallel_loop3A_437, %get3A_387 : vector<16xf32>
        %parallel_loop3A_439 = arith.constant 0 : i32
        %parallel_loop3A_440 = arith.constant 0 : i32
        %parallel_loop3A_441 = tpu.memref_slice %arg8[%parallel_loop3A_398, %parallel_loop3A_439, %parallel_loop3A_440] : memref<2x64x257xf32, #tpu.memory_space<vmem>> -> memref<1x64x257xf32, #tpu.memory_space<vmem>>
        %parallel_loop3A_442 = tpu.memref_squeeze %parallel_loop3A_441 : memref<1x64x257xf32, #tpu.memory_space<vmem>> -> memref<64x257xf32, #tpu.memory_space<vmem>>
        tpu.vector_store_idx %parallel_loop3A_442[%add3A_6, %parallel_loop3A_418], %parallel_loop3A_438 : memref<64x257xf32, #tpu.memory_space<vmem>>[vector<16xi32>, vector<16xi32>], vector<16xf32>,
        %parallel_loop3A_443 = arith.constant 0 : i32
        %parallel_loop3A_444 = arith.constant 0 : i32
        %parallel_loop3A_445 = tpu.memref_slice %arg7[%parallel_loop3A_397, %parallel_loop3A_443, %parallel_loop3A_444] : memref<2x256x64xf32, #tpu.memory_space<vmem>> -> memref<1x256x64xf32, #tpu.memory_space<vmem>>
        %parallel_loop3A_446 = tpu.memref_squeeze %parallel_loop3A_445 : memref<1x256x64xf32, #tpu.memory_space<vmem>> -> memref<256x64xf32, #tpu.memory_space<vmem>>
        %parallel_loop3A_447 = arith.index_cast %parallel_loop3A_416 : i32 to index
        %parallel_loop3A_448 = arith.constant 32 : index
        %parallel_loop3A_449 = tpu.vector_load %parallel_loop3A_446[%parallel_loop3A_447, %parallel_loop3A_448] {strides = array<i32>} : memref<256x64xf32, #tpu.memory_space<vmem>>, vector<16xf32>,
        %parallel_loop3A_450 = arith.addf %parallel_loop3A_449, %get3A_390 : vector<16xf32>
        %parallel_loop3A_451 = arith.constant 0 : i32
        %parallel_loop3A_452 = arith.constant 0 : i32
        %parallel_loop3A_453 = tpu.memref_slice %arg8[%parallel_loop3A_398, %parallel_loop3A_451, %parallel_loop3A_452] : memref<2x64x257xf32, #tpu.memory_space<vmem>> -> memref<1x64x257xf32, #tpu.memory_space<vmem>>
        %parallel_loop3A_454 = tpu.memref_squeeze %parallel_loop3A_453 : memref<1x64x257xf32, #tpu.memory_space<vmem>> -> memref<64x257xf32, #tpu.memory_space<vmem>>
        tpu.vector_store_idx %parallel_loop3A_454[%add3A_9, %parallel_loop3A_418], %parallel_loop3A_450 : memref<64x257xf32, #tpu.memory_space<vmem>>[vector<16xi32>, vector<16xi32>], vector<16xf32>,
        %parallel_loop3A_455 = arith.constant 0 : i32
        %parallel_loop3A_456 = arith.constant 0 : i32
        %parallel_loop3A_457 = tpu.memref_slice %arg7[%parallel_loop3A_397, %parallel_loop3A_455, %parallel_loop3A_456] : memref<2x256x64xf32, #tpu.memory_space<vmem>> -> memref<1x256x64xf32, #tpu.memory_space<vmem>>
        %parallel_loop3A_458 = tpu.memref_squeeze %parallel_loop3A_457 : memref<1x256x64xf32, #tpu.memory_space<vmem>> -> memref<256x64xf32, #tpu.memory_space<vmem>>
        %parallel_loop3A_459 = arith.index_cast %parallel_loop3A_416 : i32 to index
        %parallel_loop3A_460 = arith.constant 48 : index
        %parallel_loop3A_461 = tpu.vector_load %parallel_loop3A_458[%parallel_loop3A_459, %parallel_loop3A_460] {strides = array<i32>} : memref<256x64xf32, #tpu.memory_space<vmem>>, vector<16xf32>,
        %parallel_loop3A_462 = arith.addf %parallel_loop3A_461, %get3A_393 : vector<16xf32>
        %parallel_loop3A_463 = arith.constant 0 : i32
        %parallel_loop3A_464 = arith.constant 0 : i32
        %parallel_loop3A_465 = tpu.memref_slice %arg8[%parallel_loop3A_398, %parallel_loop3A_463, %parallel_loop3A_464] : memref<2x64x257xf32, #tpu.memory_space<vmem>> -> memref<1x64x257xf32, #tpu.memory_space<vmem>>
        %parallel_loop3A_466 = tpu.memref_squeeze %parallel_loop3A_465 : memref<1x64x257xf32, #tpu.memory_space<vmem>> -> memref<64x257xf32, #tpu.memory_space<vmem>>
        tpu.vector_store_idx %parallel_loop3A_466[%add3A_12, %parallel_loop3A_418], %parallel_loop3A_462 : memref<64x257xf32, #tpu.memory_space<vmem>>[vector<16xi32>, vector<16xi32>], vector<16xf32>,
        %parallel_loop3A_467 = arith.constant 1 : i32
        %parallel_loop3A_468 = arith.addi %parallel_loop3A_414, %parallel_loop3A_467 : i32
        %parallel_loop3A_469 = vector.broadcast %parallel_loop3A_468 : i32 to vector<16xi32>
        %parallel_loop3A_470 = arith.addi %sub3A, %parallel_loop3A_469 : vector<16xi32>
        %parallel_loop3A_471 = arith.constant 0 : i32
        %parallel_loop3A_472 = arith.constant 0 : i32
        %parallel_loop3A_473 = tpu.memref_slice %arg7[%parallel_loop3A_397, %parallel_loop3A_471, %parallel_loop3A_472] : memref<2x256x64xf32, #tpu.memory_space<vmem>> -> memref<1x256x64xf32, #tpu.memory_space<vmem>>
        %parallel_loop3A_474 = tpu.memref_squeeze %parallel_loop3A_473 : memref<1x256x64xf32, #tpu.memory_space<vmem>> -> memref<256x64xf32, #tpu.memory_space<vmem>>
        %parallel_loop3A_475 = arith.index_cast %parallel_loop3A_468 : i32 to index
        %parallel_loop3A_476 = arith.constant 0 : index
        %parallel_loop3A_477 = tpu.vector_load %parallel_loop3A_474[%parallel_loop3A_475, %parallel_loop3A_476] {strides = array<i32>} : memref<256x64xf32, #tpu.memory_space<vmem>>, vector<16xf32>,
        %parallel_loop3A_478 = arith.addf %parallel_loop3A_477, %get3A_384 : vector<16xf32>
        %parallel_loop3A_479 = arith.constant 0 : i32
        %parallel_loop3A_480 = arith.constant 0 : i32
        %parallel_loop3A_481 = tpu.memref_slice %arg8[%parallel_loop3A_398, %parallel_loop3A_479, %parallel_loop3A_480] : memref<2x64x257xf32, #tpu.memory_space<vmem>> -> memref<1x64x257xf32, #tpu.memory_space<vmem>>
        %parallel_loop3A_482 = tpu.memref_squeeze %parallel_loop3A_481 : memref<1x64x257xf32, #tpu.memory_space<vmem>> -> memref<64x257xf32, #tpu.memory_space<vmem>>
        tpu.vector_store_idx %parallel_loop3A_482[%add3A_3, %parallel_loop3A_470], %parallel_loop3A_478 : memref<64x257xf32, #tpu.memory_space<vmem>>[vector<16xi32>, vector<16xi32>], vector<16xf32>,
        %parallel_loop3A_483 = arith.constant 0 : i32
        %parallel_loop3A_484 = arith.constant 0 : i32
        %parallel_loop3A_485 = tpu.memref_slice %arg7[%parallel_loop3A_397, %parallel_loop3A_483, %parallel_loop3A_484] : memref<2x256x64xf32, #tpu.memory_space<vmem>> -> memref<1x256x64xf32, #tpu.memory_space<vmem>>
        %parallel_loop3A_486 = tpu.memref_squeeze %parallel_loop3A_485 : memref<1x256x64xf32, #tpu.memory_space<vmem>> -> memref<256x64xf32, #tpu.memory_space<vmem>>
        %parallel_loop3A_487 = arith.index_cast %parallel_loop3A_468 : i32 to index
        %parallel_loop3A_488 = arith.constant 16 : index
        %parallel_loop3A_489 = tpu.vector_load %parallel_loop3A_486[%parallel_loop3A_487, %parallel_loop3A_488] {strides = array<i32>} : memref<256x64xf32, #tpu.memory_space<vmem>>, vector<16xf32>,
        %parallel_loop3A_490 = arith.addf %parallel_loop3A_489, %get3A_387 : vector<16xf32>
        %parallel_loop3A_491 = arith.constant 0 : i32
        %parallel_loop3A_492 = arith.constant 0 : i32
        %parallel_loop3A_493 = tpu.memref_slice %arg8[%parallel_loop3A_398, %parallel_loop3A_491, %parallel_loop3A_492] : memref<2x64x257xf32, #tpu.memory_space<vmem>> -> memref<1x64x257xf32, #tpu.memory_space<vmem>>
        %parallel_loop3A_494 = tpu.memref_squeeze %parallel_loop3A_493 : memref<1x64x257xf32, #tpu.memory_space<vmem>> -> memref<64x257xf32, #tpu.memory_space<vmem>>
        tpu.vector_store_idx %parallel_loop3A_494[%add3A_6, %parallel_loop3A_470], %parallel_loop3A_490 : memref<64x257xf32, #tpu.memory_space<vmem>>[vector<16xi32>, vector<16xi32>], vector<16xf32>,
        %parallel_loop3A_495 = arith.constant 0 : i32
        %parallel_loop3A_496 = arith.constant 0 : i32
        %parallel_loop3A_497 = tpu.memref_slice %arg7[%parallel_loop3A_397, %parallel_loop3A_495, %parallel_loop3A_496] : memref<2x256x64xf32, #tpu.memory_space<vmem>> -> memref<1x256x64xf32, #tpu.memory_space<vmem>>
        %parallel_loop3A_498 = tpu.memref_squeeze %parallel_loop3A_497 : memref<1x256x64xf32, #tpu.memory_space<vmem>> -> memref<256x64xf32, #tpu.memory_space<vmem>>
        %parallel_loop3A_499 = arith.index_cast %parallel_loop3A_468 : i32 to index
        %parallel_loop3A_500 = arith.constant 32 : index
        %parallel_loop3A_501 = tpu.vector_load %parallel_loop3A_498[%parallel_loop3A_499, %parallel_loop3A_500] {strides = array<i32>} : memref<256x64xf32, #tpu.memory_space<vmem>>, vector<16xf32>,
        %parallel_loop3A_502 = arith.addf %parallel_loop3A_501, %get3A_390 : vector<16xf32>
        %parallel_loop3A_503 = arith.constant 0 : i32
        %parallel_loop3A_504 = arith.constant 0 : i32
        %parallel_loop3A_505 = tpu.memref_slice %arg8[%parallel_loop3A_398, %parallel_loop3A_503, %parallel_loop3A_504] : memref<2x64x257xf32, #tpu.memory_space<vmem>> -> memref<1x64x257xf32, #tpu.memory_space<vmem>>
        %parallel_loop3A_506 = tpu.memref_squeeze %parallel_loop3A_505 : memref<1x64x257xf32, #tpu.memory_space<vmem>> -> memref<64x257xf32, #tpu.memory_space<vmem>>
        tpu.vector_store_idx %parallel_loop3A_506[%add3A_9, %parallel_loop3A_470], %parallel_loop3A_502 : memref<64x257xf32, #tpu.memory_space<vmem>>[vector<16xi32>, vector<16xi32>], vector<16xf32>,
        %parallel_loop3A_507 = arith.constant 0 : i32
        %parallel_loop3A_508 = arith.constant 0 : i32
        %parallel_loop3A_509 = tpu.memref_slice %arg7[%parallel_loop3A_397, %parallel_loop3A_507, %parallel_loop3A_508] : memref<2x256x64xf32, #tpu.memory_space<vmem>> -> memref<1x256x64xf32, #tpu.memory_space<vmem>>
        %parallel_loop3A_510 = tpu.memref_squeeze %parallel_loop3A_509 : memref<1x256x64xf32, #tpu.memory_space<vmem>> -> memref<256x64xf32, #tpu.memory_space<vmem>>
        %parallel_loop3A_511 = arith.index_cast %parallel_loop3A_468 : i32 to index
        %parallel_loop3A_512 = arith.constant 48 : index
        %parallel_loop3A_513 = tpu.vector_load %parallel_loop3A_510[%parallel_loop3A_511, %parallel_loop3A_512] {strides = array<i32>} : memref<256x64xf32, #tpu.memory_space<vmem>>, vector<16xf32>,
        %parallel_loop3A_514 = arith.addf %parallel_loop3A_513, %get3A_393 : vector<16xf32>
        %parallel_loop3A_515 = arith.constant 0 : i32
        %parallel_loop3A_516 = arith.constant 0 : i32
        %parallel_loop3A_517 = tpu.memref_slice %arg8[%parallel_loop3A_398, %parallel_loop3A_515, %parallel_loop3A_516] : memref<2x64x257xf32, #tpu.memory_space<vmem>> -> memref<1x64x257xf32, #tpu.memory_space<vmem>>
        %parallel_loop3A_518 = tpu.memref_squeeze %parallel_loop3A_517 : memref<1x64x257xf32, #tpu.memory_space<vmem>> -> memref<64x257xf32, #tpu.memory_space<vmem>>
        tpu.vector_store_idx %parallel_loop3A_518[%add3A_12, %parallel_loop3A_470], %parallel_loop3A_514 : memref<64x257xf32, #tpu.memory_space<vmem>>[vector<16xi32>, vector<16xi32>], vector<16xf32>,
        %parallel_loop3A_519 = arith.constant 2 : i32
        %parallel_loop3A_520 = arith.addi %parallel_loop3A_414, %parallel_loop3A_519 : i32
        %parallel_loop3A_521 = vector.broadcast %parallel_loop3A_520 : i32 to vector<16xi32>
        %parallel_loop3A_522 = arith.addi %sub3A, %parallel_loop3A_521 : vector<16xi32>
        %parallel_loop3A_523 = arith.constant 0 : i32
        %parallel_loop3A_524 = arith.constant 0 : i32
        %parallel_loop3A_525 = tpu.memref_slice %arg7[%parallel_loop3A_397, %parallel_loop3A_523, %parallel_loop3A_524] : memref<2x256x64xf32, #tpu.memory_space<vmem>> -> memref<1x256x64xf32, #tpu.memory_space<vmem>>
        %parallel_loop3A_526 = tpu.memref_squeeze %parallel_loop3A_525 : memref<1x256x64xf32, #tpu.memory_space<vmem>> -> memref<256x64xf32, #tpu.memory_space<vmem>>
        %parallel_loop3A_527 = arith.index_cast %parallel_loop3A_520 : i32 to index
        %parallel_loop3A_528 = arith.constant 0 : index
        %parallel_loop3A_529 = tpu.vector_load %parallel_loop3A_526[%parallel_loop3A_527, %parallel_loop3A_528] {strides = array<i32>} : memref<256x64xf32, #tpu.memory_space<vmem>>, vector<16xf32>,
        %parallel_loop3A_530 = arith.addf %parallel_loop3A_529, %get3A_384 : vector<16xf32>
        %parallel_loop3A_531 = arith.constant 0 : i32
        %parallel_loop3A_532 = arith.constant 0 : i32
        %parallel_loop3A_533 = tpu.memref_slice %arg8[%parallel_loop3A_398, %parallel_loop3A_531, %parallel_loop3A_532] : memref<2x64x257xf32, #tpu.memory_space<vmem>> -> memref<1x64x257xf32, #tpu.memory_space<vmem>>
        %parallel_loop3A_534 = tpu.memref_squeeze %parallel_loop3A_533 : memref<1x64x257xf32, #tpu.memory_space<vmem>> -> memref<64x257xf32, #tpu.memory_space<vmem>>
        tpu.vector_store_idx %parallel_loop3A_534[%add3A_3, %parallel_loop3A_522], %parallel_loop3A_530 : memref<64x257xf32, #tpu.memory_space<vmem>>[vector<16xi32>, vector<16xi32>], vector<16xf32>,
        %parallel_loop3A_535 = arith.constant 0 : i32
        %parallel_loop3A_536 = arith.constant 0 : i32
        %parallel_loop3A_537 = tpu.memref_slice %arg7[%parallel_loop3A_397, %parallel_loop3A_535, %parallel_loop3A_536] : memref<2x256x64xf32, #tpu.memory_space<vmem>> -> memref<1x256x64xf32, #tpu.memory_space<vmem>>
        %parallel_loop3A_538 = tpu.memref_squeeze %parallel_loop3A_537 : memref<1x256x64xf32, #tpu.memory_space<vmem>> -> memref<256x64xf32, #tpu.memory_space<vmem>>
        %parallel_loop3A_539 = arith.index_cast %parallel_loop3A_520 : i32 to index
        %parallel_loop3A_540 = arith.constant 16 : index
        %parallel_loop3A_541 = tpu.vector_load %parallel_loop3A_538[%parallel_loop3A_539, %parallel_loop3A_540] {strides = array<i32>} : memref<256x64xf32, #tpu.memory_space<vmem>>, vector<16xf32>,
        %parallel_loop3A_542 = arith.addf %parallel_loop3A_541, %get3A_387 : vector<16xf32>
        %parallel_loop3A_543 = arith.constant 0 : i32
        %parallel_loop3A_544 = arith.constant 0 : i32
        %parallel_loop3A_545 = tpu.memref_slice %arg8[%parallel_loop3A_398, %parallel_loop3A_543, %parallel_loop3A_544] : memref<2x64x257xf32, #tpu.memory_space<vmem>> -> memref<1x64x257xf32, #tpu.memory_space<vmem>>
        %parallel_loop3A_546 = tpu.memref_squeeze %parallel_loop3A_545 : memref<1x64x257xf32, #tpu.memory_space<vmem>> -> memref<64x257xf32, #tpu.memory_space<vmem>>
        tpu.vector_store_idx %parallel_loop3A_546[%add3A_6, %parallel_loop3A_522], %parallel_loop3A_542 : memref<64x257xf32, #tpu.memory_space<vmem>>[vector<16xi32>, vector<16xi32>], vector<16xf32>,
        %parallel_loop3A_547 = arith.constant 0 : i32
        %parallel_loop3A_548 = arith.constant 0 : i32
        %parallel_loop3A_549 = tpu.memref_slice %arg7[%parallel_loop3A_397, %parallel_loop3A_547, %parallel_loop3A_548] : memref<2x256x64xf32, #tpu.memory_space<vmem>> -> memref<1x256x64xf32, #tpu.memory_space<vmem>>
        %parallel_loop3A_550 = tpu.memref_squeeze %parallel_loop3A_549 : memref<1x256x64xf32, #tpu.memory_space<vmem>> -> memref<256x64xf32, #tpu.memory_space<vmem>>
        %parallel_loop3A_551 = arith.index_cast %parallel_loop3A_520 : i32 to index
        %parallel_loop3A_552 = arith.constant 32 : index
        %parallel_loop3A_553 = tpu.vector_load %parallel_loop3A_550[%parallel_loop3A_551, %parallel_loop3A_552] {strides = array<i32>} : memref<256x64xf32, #tpu.memory_space<vmem>>, vector<16xf32>,
        %parallel_loop3A_554 = arith.addf %parallel_loop3A_553, %get3A_390 : vector<16xf32>
        %parallel_loop3A_555 = arith.constant 0 : i32
        %parallel_loop3A_556 = arith.constant 0 : i32
        %parallel_loop3A_557 = tpu.memref_slice %arg8[%parallel_loop3A_398, %parallel_loop3A_555, %parallel_loop3A_556] : memref<2x64x257xf32, #tpu.memory_space<vmem>> -> memref<1x64x257xf32, #tpu.memory_space<vmem>>
        %parallel_loop3A_558 = tpu.memref_squeeze %parallel_loop3A_557 : memref<1x64x257xf32, #tpu.memory_space<vmem>> -> memref<64x257xf32, #tpu.memory_space<vmem>>
        tpu.vector_store_idx %parallel_loop3A_558[%add3A_9, %parallel_loop3A_522], %parallel_loop3A_554 : memref<64x257xf32, #tpu.memory_space<vmem>>[vector<16xi32>, vector<16xi32>], vector<16xf32>,
        %parallel_loop3A_559 = arith.constant 0 : i32
        %parallel_loop3A_560 = arith.constant 0 : i32
        %parallel_loop3A_561 = tpu.memref_slice %arg7[%parallel_loop3A_397, %parallel_loop3A_559, %parallel_loop3A_560] : memref<2x256x64xf32, #tpu.memory_space<vmem>> -> memref<1x256x64xf32, #tpu.memory_space<vmem>>
        %parallel_loop3A_562 = tpu.memref_squeeze %parallel_loop3A_561 : memref<1x256x64xf32, #tpu.memory_space<vmem>> -> memref<256x64xf32, #tpu.memory_space<vmem>>
        %parallel_loop3A_563 = arith.index_cast %parallel_loop3A_520 : i32 to index
        %parallel_loop3A_564 = arith.constant 48 : index
        %parallel_loop3A_565 = tpu.vector_load %parallel_loop3A_562[%parallel_loop3A_563, %parallel_loop3A_564] {strides = array<i32>} : memref<256x64xf32, #tpu.memory_space<vmem>>, vector<16xf32>,
        %parallel_loop3A_566 = arith.addf %parallel_loop3A_565, %get3A_393 : vector<16xf32>
        %parallel_loop3A_567 = arith.constant 0 : i32
        %parallel_loop3A_568 = arith.constant 0 : i32
        %parallel_loop3A_569 = tpu.memref_slice %arg8[%parallel_loop3A_398, %parallel_loop3A_567, %parallel_loop3A_568] : memref<2x64x257xf32, #tpu.memory_space<vmem>> -> memref<1x64x257xf32, #tpu.memory_space<vmem>>
        %parallel_loop3A_570 = tpu.memref_squeeze %parallel_loop3A_569 : memref<1x64x257xf32, #tpu.memory_space<vmem>> -> memref<64x257xf32, #tpu.memory_space<vmem>>
        tpu.vector_store_idx %parallel_loop3A_570[%add3A_12, %parallel_loop3A_522], %parallel_loop3A_566 : memref<64x257xf32, #tpu.memory_space<vmem>>[vector<16xi32>, vector<16xi32>], vector<16xf32>,
        %parallel_loop3A_571 = arith.constant 3 : i32
        %parallel_loop3A_572 = arith.addi %parallel_loop3A_414, %parallel_loop3A_571 : i32
        %parallel_loop3A_573 = vector.broadcast %parallel_loop3A_572 : i32 to vector<16xi32>
        %parallel_loop3A_574 = arith.addi %sub3A, %parallel_loop3A_573 : vector<16xi32>
        %parallel_loop3A_575 = arith.constant 0 : i32
        %parallel_loop3A_576 = arith.constant 0 : i32
        %parallel_loop3A_577 = tpu.memref_slice %arg7[%parallel_loop3A_397, %parallel_loop3A_575, %parallel_loop3A_576] : memref<2x256x64xf32, #tpu.memory_space<vmem>> -> memref<1x256x64xf32, #tpu.memory_space<vmem>>
        %parallel_loop3A_578 = tpu.memref_squeeze %parallel_loop3A_577 : memref<1x256x64xf32, #tpu.memory_space<vmem>> -> memref<256x64xf32, #tpu.memory_space<vmem>>
        %parallel_loop3A_579 = arith.index_cast %parallel_loop3A_572 : i32 to index
        %parallel_loop3A_580 = arith.constant 0 : index
        %parallel_loop3A_581 = tpu.vector_load %parallel_loop3A_578[%parallel_loop3A_579, %parallel_loop3A_580] {strides = array<i32>} : memref<256x64xf32, #tpu.memory_space<vmem>>, vector<16xf32>,
        %parallel_loop3A_582 = arith.addf %parallel_loop3A_581, %get3A_384 : vector<16xf32>
        %parallel_loop3A_583 = arith.constant 0 : i32
        %parallel_loop3A_584 = arith.constant 0 : i32
        %parallel_loop3A_585 = tpu.memref_slice %arg8[%parallel_loop3A_398, %parallel_loop3A_583, %parallel_loop3A_584] : memref<2x64x257xf32, #tpu.memory_space<vmem>> -> memref<1x64x257xf32, #tpu.memory_space<vmem>>
        %parallel_loop3A_586 = tpu.memref_squeeze %parallel_loop3A_585 : memref<1x64x257xf32, #tpu.memory_space<vmem>> -> memref<64x257xf32, #tpu.memory_space<vmem>>
        tpu.vector_store_idx %parallel_loop3A_586[%add3A_3, %parallel_loop3A_574], %parallel_loop3A_582 : memref<64x257xf32, #tpu.memory_space<vmem>>[vector<16xi32>, vector<16xi32>], vector<16xf32>,
        %parallel_loop3A_587 = arith.constant 0 : i32
        %parallel_loop3A_588 = arith.constant 0 : i32
        %parallel_loop3A_589 = tpu.memref_slice %arg7[%parallel_loop3A_397, %parallel_loop3A_587, %parallel_loop3A_588] : memref<2x256x64xf32, #tpu.memory_space<vmem>> -> memref<1x256x64xf32, #tpu.memory_space<vmem>>
        %parallel_loop3A_590 = tpu.memref_squeeze %parallel_loop3A_589 : memref<1x256x64xf32, #tpu.memory_space<vmem>> -> memref<256x64xf32, #tpu.memory_space<vmem>>
        %parallel_loop3A_591 = arith.index_cast %parallel_loop3A_572 : i32 to index
        %parallel_loop3A_592 = arith.constant 16 : index
        %parallel_loop3A_593 = tpu.vector_load %parallel_loop3A_590[%parallel_loop3A_591, %parallel_loop3A_592] {strides = array<i32>} : memref<256x64xf32, #tpu.memory_space<vmem>>, vector<16xf32>,
        %parallel_loop3A_594 = arith.addf %parallel_loop3A_593, %get3A_387 : vector<16xf32>
        %parallel_loop3A_595 = arith.constant 0 : i32
        %parallel_loop3A_596 = arith.constant 0 : i32
        %parallel_loop3A_597 = tpu.memref_slice %arg8[%parallel_loop3A_398, %parallel_loop3A_595, %parallel_loop3A_596] : memref<2x64x257xf32, #tpu.memory_space<vmem>> -> memref<1x64x257xf32, #tpu.memory_space<vmem>>
        %parallel_loop3A_598 = tpu.memref_squeeze %parallel_loop3A_597 : memref<1x64x257xf32, #tpu.memory_space<vmem>> -> memref<64x257xf32, #tpu.memory_space<vmem>>
        tpu.vector_store_idx %parallel_loop3A_598[%add3A_6, %parallel_loop3A_574], %parallel_loop3A_594 : memref<64x257xf32, #tpu.memory_space<vmem>>[vector<16xi32>, vector<16xi32>], vector<16xf32>,
        %parallel_loop3A_599 = arith.constant 0 : i32
        %parallel_loop3A_600 = arith.constant 0 : i32
        %parallel_loop3A_601 = tpu.memref_slice %arg7[%parallel_loop3A_397, %parallel_loop3A_599, %parallel_loop3A_600] : memref<2x256x64xf32, #tpu.memory_space<vmem>> -> memref<1x256x64xf32, #tpu.memory_space<vmem>>
        %parallel_loop3A_602 = tpu.memref_squeeze %parallel_loop3A_601 : memref<1x256x64xf32, #tpu.memory_space<vmem>> -> memref<256x64xf32, #tpu.memory_space<vmem>>
        %parallel_loop3A_603 = arith.index_cast %parallel_loop3A_572 : i32 to index
        %parallel_loop3A_604 = arith.constant 32 : index
        %parallel_loop3A_605 = tpu.vector_load %parallel_loop3A_602[%parallel_loop3A_603, %parallel_loop3A_604] {strides = array<i32>} : memref<256x64xf32, #tpu.memory_space<vmem>>, vector<16xf32>,
        %parallel_loop3A_606 = arith.addf %parallel_loop3A_605, %get3A_390 : vector<16xf32>
        %parallel_loop3A_607 = arith.constant 0 : i32
        %parallel_loop3A_608 = arith.constant 0 : i32
        %parallel_loop3A_609 = tpu.memref_slice %arg8[%parallel_loop3A_398, %parallel_loop3A_607, %parallel_loop3A_608] : memref<2x64x257xf32, #tpu.memory_space<vmem>> -> memref<1x64x257xf32, #tpu.memory_space<vmem>>
        %parallel_loop3A_610 = tpu.memref_squeeze %parallel_loop3A_609 : memref<1x64x257xf32, #tpu.memory_space<vmem>> -> memref<64x257xf32, #tpu.memory_space<vmem>>
        tpu.vector_store_idx %parallel_loop3A_610[%add3A_9, %parallel_loop3A_574], %parallel_loop3A_606 : memref<64x257xf32, #tpu.memory_space<vmem>>[vector<16xi32>, vector<16xi32>], vector<16xf32>,
        %parallel_loop3A_611 = arith.constant 0 : i32
        %parallel_loop3A_612 = arith.constant 0 : i32
        %parallel_loop3A_613 = tpu.memref_slice %arg7[%parallel_loop3A_397, %parallel_loop3A_611, %parallel_loop3A_612] : memref<2x256x64xf32, #tpu.memory_space<vmem>> -> memref<1x256x64xf32, #tpu.memory_space<vmem>>
        %parallel_loop3A_614 = tpu.memref_squeeze %parallel_loop3A_613 : memref<1x256x64xf32, #tpu.memory_space<vmem>> -> memref<256x64xf32, #tpu.memory_space<vmem>>
        %parallel_loop3A_615 = arith.index_cast %parallel_loop3A_572 : i32 to index
        %parallel_loop3A_616 = arith.constant 48 : index
        %parallel_loop3A_617 = tpu.vector_load %parallel_loop3A_614[%parallel_loop3A_615, %parallel_loop3A_616] {strides = array<i32>} : memref<256x64xf32, #tpu.memory_space<vmem>>, vector<16xf32>,
        %parallel_loop3A_618 = arith.addf %parallel_loop3A_617, %get3A_393 : vector<16xf32>
        %parallel_loop3A_619 = arith.constant 0 : i32
        %parallel_loop3A_620 = arith.constant 0 : i32
        %parallel_loop3A_621 = tpu.memref_slice %arg8[%parallel_loop3A_398, %parallel_loop3A_619, %parallel_loop3A_620] : memref<2x64x257xf32, #tpu.memory_space<vmem>> -> memref<1x64x257xf32, #tpu.memory_space<vmem>>
        %parallel_loop3A_622 = tpu.memref_squeeze %parallel_loop3A_621 : memref<1x64x257xf32, #tpu.memory_space<vmem>> -> memref<64x257xf32, #tpu.memory_space<vmem>>
        tpu.vector_store_idx %parallel_loop3A_622[%add3A_12, %parallel_loop3A_574], %parallel_loop3A_618 : memref<64x257xf32, #tpu.memory_space<vmem>>[vector<16xi32>, vector<16xi32>], vector<16xf32>,
        %parallel_loop3A_623 = arith.constant 4 : i32
        %parallel_loop3A_624 = arith.addi %parallel_loop3A_414, %parallel_loop3A_623 : i32
        %parallel_loop3A_625 = vector.broadcast %parallel_loop3A_624 : i32 to vector<16xi32>
        %parallel_loop3A_626 = arith.addi %sub3A, %parallel_loop3A_625 : vector<16xi32>
        %parallel_loop3A_627 = arith.constant 0 : i32
        %parallel_loop3A_628 = arith.constant 0 : i32
        %parallel_loop3A_629 = tpu.memref_slice %arg7[%parallel_loop3A_397, %parallel_loop3A_627, %parallel_loop3A_628] : memref<2x256x64xf32, #tpu.memory_space<vmem>> -> memref<1x256x64xf32, #tpu.memory_space<vmem>>
        %parallel_loop3A_630 = tpu.memref_squeeze %parallel_loop3A_629 : memref<1x256x64xf32, #tpu.memory_space<vmem>> -> memref<256x64xf32, #tpu.memory_space<vmem>>
        %parallel_loop3A_631 = arith.index_cast %parallel_loop3A_624 : i32 to index
        %parallel_loop3A_632 = arith.constant 0 : index
        %parallel_loop3A_633 = tpu.vector_load %parallel_loop3A_630[%parallel_loop3A_631, %parallel_loop3A_632] {strides = array<i32>} : memref<256x64xf32, #tpu.memory_space<vmem>>, vector<16xf32>,
        %parallel_loop3A_634 = arith.addf %parallel_loop3A_633, %get3A_384 : vector<16xf32>
        %parallel_loop3A_635 = arith.constant 0 : i32
        %parallel_loop3A_636 = arith.constant 0 : i32
        %parallel_loop3A_637 = tpu.memref_slice %arg8[%parallel_loop3A_398, %parallel_loop3A_635, %parallel_loop3A_636] : memref<2x64x257xf32, #tpu.memory_space<vmem>> -> memref<1x64x257xf32, #tpu.memory_space<vmem>>
        %parallel_loop3A_638 = tpu.memref_squeeze %parallel_loop3A_637 : memref<1x64x257xf32, #tpu.memory_space<vmem>> -> memref<64x257xf32, #tpu.memory_space<vmem>>
        tpu.vector_store_idx %parallel_loop3A_638[%add3A_3, %parallel_loop3A_626], %parallel_loop3A_634 : memref<64x257xf32, #tpu.memory_space<vmem>>[vector<16xi32>, vector<16xi32>], vector<16xf32>,
        %parallel_loop3A_639 = arith.constant 0 : i32
        %parallel_loop3A_640 = arith.constant 0 : i32
        %parallel_loop3A_641 = tpu.memref_slice %arg7[%parallel_loop3A_397, %parallel_loop3A_639, %parallel_loop3A_640] : memref<2x256x64xf32, #tpu.memory_space<vmem>> -> memref<1x256x64xf32, #tpu.memory_space<vmem>>
        %parallel_loop3A_642 = tpu.memref_squeeze %parallel_loop3A_641 : memref<1x256x64xf32, #tpu.memory_space<vmem>> -> memref<256x64xf32, #tpu.memory_space<vmem>>
        %parallel_loop3A_643 = arith.index_cast %parallel_loop3A_624 : i32 to index
        %parallel_loop3A_644 = arith.constant 16 : index
        %parallel_loop3A_645 = tpu.vector_load %parallel_loop3A_642[%parallel_loop3A_643, %parallel_loop3A_644] {strides = array<i32>} : memref<256x64xf32, #tpu.memory_space<vmem>>, vector<16xf32>,
        %parallel_loop3A_646 = arith.addf %parallel_loop3A_645, %get3A_387 : vector<16xf32>
        %parallel_loop3A_647 = arith.constant 0 : i32
        %parallel_loop3A_648 = arith.constant 0 : i32
        %parallel_loop3A_649 = tpu.memref_slice %arg8[%parallel_loop3A_398, %parallel_loop3A_647, %parallel_loop3A_648] : memref<2x64x257xf32, #tpu.memory_space<vmem>> -> memref<1x64x257xf32, #tpu.memory_space<vmem>>
        %parallel_loop3A_650 = tpu.memref_squeeze %parallel_loop3A_649 : memref<1x64x257xf32, #tpu.memory_space<vmem>> -> memref<64x257xf32, #tpu.memory_space<vmem>>
        tpu.vector_store_idx %parallel_loop3A_650[%add3A_6, %parallel_loop3A_626], %parallel_loop3A_646 : memref<64x257xf32, #tpu.memory_space<vmem>>[vector<16xi32>, vector<16xi32>], vector<16xf32>,
        %parallel_loop3A_651 = arith.constant 0 : i32
        %parallel_loop3A_652 = arith.constant 0 : i32
        %parallel_loop3A_653 = tpu.memref_slice %arg7[%parallel_loop3A_397, %parallel_loop3A_651, %parallel_loop3A_652] : memref<2x256x64xf32, #tpu.memory_space<vmem>> -> memref<1x256x64xf32, #tpu.memory_space<vmem>>
        %parallel_loop3A_654 = tpu.memref_squeeze %parallel_loop3A_653 : memref<1x256x64xf32, #tpu.memory_space<vmem>> -> memref<256x64xf32, #tpu.memory_space<vmem>>
        %parallel_loop3A_655 = arith.index_cast %parallel_loop3A_624 : i32 to index
        %parallel_loop3A_656 = arith.constant 32 : index
        %parallel_loop3A_657 = tpu.vector_load %parallel_loop3A_654[%parallel_loop3A_655, %parallel_loop3A_656] {strides = array<i32>} : memref<256x64xf32, #tpu.memory_space<vmem>>, vector<16xf32>,
        %parallel_loop3A_658 = arith.addf %parallel_loop3A_657, %get3A_390 : vector<16xf32>
        %parallel_loop3A_659 = arith.constant 0 : i32
        %parallel_loop3A_660 = arith.constant 0 : i32
        %parallel_loop3A_661 = tpu.memref_slice %arg8[%parallel_loop3A_398, %parallel_loop3A_659, %parallel_loop3A_660] : memref<2x64x257xf32, #tpu.memory_space<vmem>> -> memref<1x64x257xf32, #tpu.memory_space<vmem>>
        %parallel_loop3A_662 = tpu.memref_squeeze %parallel_loop3A_661 : memref<1x64x257xf32, #tpu.memory_space<vmem>> -> memref<64x257xf32, #tpu.memory_space<vmem>>
        tpu.vector_store_idx %parallel_loop3A_662[%add3A_9, %parallel_loop3A_626], %parallel_loop3A_658 : memref<64x257xf32, #tpu.memory_space<vmem>>[vector<16xi32>, vector<16xi32>], vector<16xf32>,
        %parallel_loop3A_663 = arith.constant 0 : i32
        %parallel_loop3A_664 = arith.constant 0 : i32
        %parallel_loop3A_665 = tpu.memref_slice %arg7[%parallel_loop3A_397, %parallel_loop3A_663, %parallel_loop3A_664] : memref<2x256x64xf32, #tpu.memory_space<vmem>> -> memref<1x256x64xf32, #tpu.memory_space<vmem>>
        %parallel_loop3A_666 = tpu.memref_squeeze %parallel_loop3A_665 : memref<1x256x64xf32, #tpu.memory_space<vmem>> -> memref<256x64xf32, #tpu.memory_space<vmem>>
        %parallel_loop3A_667 = arith.index_cast %parallel_loop3A_624 : i32 to index
        %parallel_loop3A_668 = arith.constant 48 : index
        %parallel_loop3A_669 = tpu.vector_load %parallel_loop3A_666[%parallel_loop3A_667, %parallel_loop3A_668] {strides = array<i32>} : memref<256x64xf32, #tpu.memory_space<vmem>>, vector<16xf32>,
        %parallel_loop3A_670 = arith.addf %parallel_loop3A_669, %get3A_393 : vector<16xf32>
        %parallel_loop3A_671 = arith.constant 0 : i32
        %parallel_loop3A_672 = arith.constant 0 : i32
        %parallel_loop3A_673 = tpu.memref_slice %arg8[%parallel_loop3A_398, %parallel_loop3A_671, %parallel_loop3A_672] : memref<2x64x257xf32, #tpu.memory_space<vmem>> -> memref<1x64x257xf32, #tpu.memory_space<vmem>>
        %parallel_loop3A_674 = tpu.memref_squeeze %parallel_loop3A_673 : memref<1x64x257xf32, #tpu.memory_space<vmem>> -> memref<64x257xf32, #tpu.memory_space<vmem>>
        tpu.vector_store_idx %parallel_loop3A_674[%add3A_12, %parallel_loop3A_626], %parallel_loop3A_670 : memref<64x257xf32, #tpu.memory_space<vmem>>[vector<16xi32>, vector<16xi32>], vector<16xf32>,
        %parallel_loop3A_675 = arith.constant 5 : i32
        %parallel_loop3A_676 = arith.addi %parallel_loop3A_414, %parallel_loop3A_675 : i32
        %parallel_loop3A_677 = vector.broadcast %parallel_loop3A_676 : i32 to vector<16xi32>
        %parallel_loop3A_678 = arith.addi %sub3A, %parallel_loop3A_677 : vector<16xi32>
        %parallel_loop3A_679 = arith.constant 0 : i32
        %parallel_loop3A_680 = arith.constant 0 : i32
        %parallel_loop3A_681 = tpu.memref_slice %arg7[%parallel_loop3A_397, %parallel_loop3A_679, %parallel_loop3A_680] : memref<2x256x64xf32, #tpu.memory_space<vmem>> -> memref<1x256x64xf32, #tpu.memory_space<vmem>>
        %parallel_loop3A_682 = tpu.memref_squeeze %parallel_loop3A_681 : memref<1x256x64xf32, #tpu.memory_space<vmem>> -> memref<256x64xf32, #tpu.memory_space<vmem>>
        %parallel_loop3A_683 = arith.index_cast %parallel_loop3A_676 : i32 to index
        %parallel_loop3A_684 = arith.constant 0 : index
        %parallel_loop3A_685 = tpu.vector_load %parallel_loop3A_682[%parallel_loop3A_683, %parallel_loop3A_684] {strides = array<i32>} : memref<256x64xf32, #tpu.memory_space<vmem>>, vector<16xf32>,
        %parallel_loop3A_686 = arith.addf %parallel_loop3A_685, %get3A_384 : vector<16xf32>
        %parallel_loop3A_687 = arith.constant 0 : i32
        %parallel_loop3A_688 = arith.constant 0 : i32
        %parallel_loop3A_689 = tpu.memref_slice %arg8[%parallel_loop3A_398, %parallel_loop3A_687, %parallel_loop3A_688] : memref<2x64x257xf32, #tpu.memory_space<vmem>> -> memref<1x64x257xf32, #tpu.memory_space<vmem>>
        %parallel_loop3A_690 = tpu.memref_squeeze %parallel_loop3A_689 : memref<1x64x257xf32, #tpu.memory_space<vmem>> -> memref<64x257xf32, #tpu.memory_space<vmem>>
        tpu.vector_store_idx %parallel_loop3A_690[%add3A_3, %parallel_loop3A_678], %parallel_loop3A_686 : memref<64x257xf32, #tpu.memory_space<vmem>>[vector<16xi32>, vector<16xi32>], vector<16xf32>,
        %parallel_loop3A_691 = arith.constant 0 : i32
        %parallel_loop3A_692 = arith.constant 0 : i32
        %parallel_loop3A_693 = tpu.memref_slice %arg7[%parallel_loop3A_397, %parallel_loop3A_691, %parallel_loop3A_692] : memref<2x256x64xf32, #tpu.memory_space<vmem>> -> memref<1x256x64xf32, #tpu.memory_space<vmem>>
        %parallel_loop3A_694 = tpu.memref_squeeze %parallel_loop3A_693 : memref<1x256x64xf32, #tpu.memory_space<vmem>> -> memref<256x64xf32, #tpu.memory_space<vmem>>
        %parallel_loop3A_695 = arith.index_cast %parallel_loop3A_676 : i32 to index
        %parallel_loop3A_696 = arith.constant 16 : index
        %parallel_loop3A_697 = tpu.vector_load %parallel_loop3A_694[%parallel_loop3A_695, %parallel_loop3A_696] {strides = array<i32>} : memref<256x64xf32, #tpu.memory_space<vmem>>, vector<16xf32>,
        %parallel_loop3A_698 = arith.addf %parallel_loop3A_697, %get3A_387 : vector<16xf32>
        %parallel_loop3A_699 = arith.constant 0 : i32
        %parallel_loop3A_700 = arith.constant 0 : i32
        %parallel_loop3A_701 = tpu.memref_slice %arg8[%parallel_loop3A_398, %parallel_loop3A_699, %parallel_loop3A_700] : memref<2x64x257xf32, #tpu.memory_space<vmem>> -> memref<1x64x257xf32, #tpu.memory_space<vmem>>
        %parallel_loop3A_702 = tpu.memref_squeeze %parallel_loop3A_701 : memref<1x64x257xf32, #tpu.memory_space<vmem>> -> memref<64x257xf32, #tpu.memory_space<vmem>>
        tpu.vector_store_idx %parallel_loop3A_702[%add3A_6, %parallel_loop3A_678], %parallel_loop3A_698 : memref<64x257xf32, #tpu.memory_space<vmem>>[vector<16xi32>, vector<16xi32>], vector<16xf32>,
        %parallel_loop3A_703 = arith.constant 0 : i32
        %parallel_loop3A_704 = arith.constant 0 : i32
        %parallel_loop3A_705 = tpu.memref_slice %arg7[%parallel_loop3A_397, %parallel_loop3A_703, %parallel_loop3A_704] : memref<2x256x64xf32, #tpu.memory_space<vmem>> -> memref<1x256x64xf32, #tpu.memory_space<vmem>>
        %parallel_loop3A_706 = tpu.memref_squeeze %parallel_loop3A_705 : memref<1x256x64xf32, #tpu.memory_space<vmem>> -> memref<256x64xf32, #tpu.memory_space<vmem>>
        %parallel_loop3A_707 = arith.index_cast %parallel_loop3A_676 : i32 to index
        %parallel_loop3A_708 = arith.constant 32 : index
        %parallel_loop3A_709 = tpu.vector_load %parallel_loop3A_706[%parallel_loop3A_707, %parallel_loop3A_708] {strides = array<i32>} : memref<256x64xf32, #tpu.memory_space<vmem>>, vector<16xf32>,
        %parallel_loop3A_710 = arith.addf %parallel_loop3A_709, %get3A_390 : vector<16xf32>
        %parallel_loop3A_711 = arith.constant 0 : i32
        %parallel_loop3A_712 = arith.constant 0 : i32
        %parallel_loop3A_713 = tpu.memref_slice %arg8[%parallel_loop3A_398, %parallel_loop3A_711, %parallel_loop3A_712] : memref<2x64x257xf32, #tpu.memory_space<vmem>> -> memref<1x64x257xf32, #tpu.memory_space<vmem>>
        %parallel_loop3A_714 = tpu.memref_squeeze %parallel_loop3A_713 : memref<1x64x257xf32, #tpu.memory_space<vmem>> -> memref<64x257xf32, #tpu.memory_space<vmem>>
        tpu.vector_store_idx %parallel_loop3A_714[%add3A_9, %parallel_loop3A_678], %parallel_loop3A_710 : memref<64x257xf32, #tpu.memory_space<vmem>>[vector<16xi32>, vector<16xi32>], vector<16xf32>,
        %parallel_loop3A_715 = arith.constant 0 : i32
        %parallel_loop3A_716 = arith.constant 0 : i32
        %parallel_loop3A_717 = tpu.memref_slice %arg7[%parallel_loop3A_397, %parallel_loop3A_715, %parallel_loop3A_716] : memref<2x256x64xf32, #tpu.memory_space<vmem>> -> memref<1x256x64xf32, #tpu.memory_space<vmem>>
        %parallel_loop3A_718 = tpu.memref_squeeze %parallel_loop3A_717 : memref<1x256x64xf32, #tpu.memory_space<vmem>> -> memref<256x64xf32, #tpu.memory_space<vmem>>
        %parallel_loop3A_719 = arith.index_cast %parallel_loop3A_676 : i32 to index
        %parallel_loop3A_720 = arith.constant 48 : index
        %parallel_loop3A_721 = tpu.vector_load %parallel_loop3A_718[%parallel_loop3A_719, %parallel_loop3A_720] {strides = array<i32>} : memref<256x64xf32, #tpu.memory_space<vmem>>, vector<16xf32>,
        %parallel_loop3A_722 = arith.addf %parallel_loop3A_721, %get3A_393 : vector<16xf32>
        %parallel_loop3A_723 = arith.constant 0 : i32
        %parallel_loop3A_724 = arith.constant 0 : i32
        %parallel_loop3A_725 = tpu.memref_slice %arg8[%parallel_loop3A_398, %parallel_loop3A_723, %parallel_loop3A_724] : memref<2x64x257xf32, #tpu.memory_space<vmem>> -> memref<1x64x257xf32, #tpu.memory_space<vmem>>
        %parallel_loop3A_726 = tpu.memref_squeeze %parallel_loop3A_725 : memref<1x64x257xf32, #tpu.memory_space<vmem>> -> memref<64x257xf32, #tpu.memory_space<vmem>>
        tpu.vector_store_idx %parallel_loop3A_726[%add3A_12, %parallel_loop3A_678], %parallel_loop3A_722 : memref<64x257xf32, #tpu.memory_space<vmem>>[vector<16xi32>, vector<16xi32>], vector<16xf32>,
        %parallel_loop3A_727 = arith.constant 6 : i32
        %parallel_loop3A_728 = arith.addi %parallel_loop3A_414, %parallel_loop3A_727 : i32
        %parallel_loop3A_729 = vector.broadcast %parallel_loop3A_728 : i32 to vector<16xi32>
        %parallel_loop3A_730 = arith.addi %sub3A, %parallel_loop3A_729 : vector<16xi32>
        %parallel_loop3A_731 = arith.constant 0 : i32
        %parallel_loop3A_732 = arith.constant 0 : i32
        %parallel_loop3A_733 = tpu.memref_slice %arg7[%parallel_loop3A_397, %parallel_loop3A_731, %parallel_loop3A_732] : memref<2x256x64xf32, #tpu.memory_space<vmem>> -> memref<1x256x64xf32, #tpu.memory_space<vmem>>
        %parallel_loop3A_734 = tpu.memref_squeeze %parallel_loop3A_733 : memref<1x256x64xf32, #tpu.memory_space<vmem>> -> memref<256x64xf32, #tpu.memory_space<vmem>>
        %parallel_loop3A_735 = arith.index_cast %parallel_loop3A_728 : i32 to index
        %parallel_loop3A_736 = arith.constant 0 : index
        %parallel_loop3A_737 = tpu.vector_load %parallel_loop3A_734[%parallel_loop3A_735, %parallel_loop3A_736] {strides = array<i32>} : memref<256x64xf32, #tpu.memory_space<vmem>>, vector<16xf32>,
        %parallel_loop3A_738 = arith.addf %parallel_loop3A_737, %get3A_384 : vector<16xf32>
        %parallel_loop3A_739 = arith.constant 0 : i32
        %parallel_loop3A_740 = arith.constant 0 : i32
        %parallel_loop3A_741 = tpu.memref_slice %arg8[%parallel_loop3A_398, %parallel_loop3A_739, %parallel_loop3A_740] : memref<2x64x257xf32, #tpu.memory_space<vmem>> -> memref<1x64x257xf32, #tpu.memory_space<vmem>>
        %parallel_loop3A_742 = tpu.memref_squeeze %parallel_loop3A_741 : memref<1x64x257xf32, #tpu.memory_space<vmem>> -> memref<64x257xf32, #tpu.memory_space<vmem>>
        tpu.vector_store_idx %parallel_loop3A_742[%add3A_3, %parallel_loop3A_730], %parallel_loop3A_738 : memref<64x257xf32, #tpu.memory_space<vmem>>[vector<16xi32>, vector<16xi32>], vector<16xf32>,
        %parallel_loop3A_743 = arith.constant 0 : i32
        %parallel_loop3A_744 = arith.constant 0 : i32
        %parallel_loop3A_745 = tpu.memref_slice %arg7[%parallel_loop3A_397, %parallel_loop3A_743, %parallel_loop3A_744] : memref<2x256x64xf32, #tpu.memory_space<vmem>> -> memref<1x256x64xf32, #tpu.memory_space<vmem>>
        %parallel_loop3A_746 = tpu.memref_squeeze %parallel_loop3A_745 : memref<1x256x64xf32, #tpu.memory_space<vmem>> -> memref<256x64xf32, #tpu.memory_space<vmem>>
        %parallel_loop3A_747 = arith.index_cast %parallel_loop3A_728 : i32 to index
        %parallel_loop3A_748 = arith.constant 16 : index
        %parallel_loop3A_749 = tpu.vector_load %parallel_loop3A_746[%parallel_loop3A_747, %parallel_loop3A_748] {strides = array<i32>} : memref<256x64xf32, #tpu.memory_space<vmem>>, vector<16xf32>,
        %parallel_loop3A_750 = arith.addf %parallel_loop3A_749, %get3A_387 : vector<16xf32>
        %parallel_loop3A_751 = arith.constant 0 : i32
        %parallel_loop3A_752 = arith.constant 0 : i32
        %parallel_loop3A_753 = tpu.memref_slice %arg8[%parallel_loop3A_398, %parallel_loop3A_751, %parallel_loop3A_752] : memref<2x64x257xf32, #tpu.memory_space<vmem>> -> memref<1x64x257xf32, #tpu.memory_space<vmem>>
        %parallel_loop3A_754 = tpu.memref_squeeze %parallel_loop3A_753 : memref<1x64x257xf32, #tpu.memory_space<vmem>> -> memref<64x257xf32, #tpu.memory_space<vmem>>
        tpu.vector_store_idx %parallel_loop3A_754[%add3A_6, %parallel_loop3A_730], %parallel_loop3A_750 : memref<64x257xf32, #tpu.memory_space<vmem>>[vector<16xi32>, vector<16xi32>], vector<16xf32>,
        %parallel_loop3A_755 = arith.constant 0 : i32
        %parallel_loop3A_756 = arith.constant 0 : i32
        %parallel_loop3A_757 = tpu.memref_slice %arg7[%parallel_loop3A_397, %parallel_loop3A_755, %parallel_loop3A_756] : memref<2x256x64xf32, #tpu.memory_space<vmem>> -> memref<1x256x64xf32, #tpu.memory_space<vmem>>
        %parallel_loop3A_758 = tpu.memref_squeeze %parallel_loop3A_757 : memref<1x256x64xf32, #tpu.memory_space<vmem>> -> memref<256x64xf32, #tpu.memory_space<vmem>>
        %parallel_loop3A_759 = arith.index_cast %parallel_loop3A_728 : i32 to index
        %parallel_loop3A_760 = arith.constant 32 : index
        %parallel_loop3A_761 = tpu.vector_load %parallel_loop3A_758[%parallel_loop3A_759, %parallel_loop3A_760] {strides = array<i32>} : memref<256x64xf32, #tpu.memory_space<vmem>>, vector<16xf32>,
        %parallel_loop3A_762 = arith.addf %parallel_loop3A_761, %get3A_390 : vector<16xf32>
        %parallel_loop3A_763 = arith.constant 0 : i32
        %parallel_loop3A_764 = arith.constant 0 : i32
        %parallel_loop3A_765 = tpu.memref_slice %arg8[%parallel_loop3A_398, %parallel_loop3A_763, %parallel_loop3A_764] : memref<2x64x257xf32, #tpu.memory_space<vmem>> -> memref<1x64x257xf32, #tpu.memory_space<vmem>>
        %parallel_loop3A_766 = tpu.memref_squeeze %parallel_loop3A_765 : memref<1x64x257xf32, #tpu.memory_space<vmem>> -> memref<64x257xf32, #tpu.memory_space<vmem>>
        tpu.vector_store_idx %parallel_loop3A_766[%add3A_9, %parallel_loop3A_730], %parallel_loop3A_762 : memref<64x257xf32, #tpu.memory_space<vmem>>[vector<16xi32>, vector<16xi32>], vector<16xf32>,
        %parallel_loop3A_767 = arith.constant 0 : i32
        %parallel_loop3A_768 = arith.constant 0 : i32
        %parallel_loop3A_769 = tpu.memref_slice %arg7[%parallel_loop3A_397, %parallel_loop3A_767, %parallel_loop3A_768] : memref<2x256x64xf32, #tpu.memory_space<vmem>> -> memref<1x256x64xf32, #tpu.memory_space<vmem>>
        %parallel_loop3A_770 = tpu.memref_squeeze %parallel_loop3A_769 : memref<1x256x64xf32, #tpu.memory_space<vmem>> -> memref<256x64xf32, #tpu.memory_space<vmem>>
        %parallel_loop3A_771 = arith.index_cast %parallel_loop3A_728 : i32 to index
        %parallel_loop3A_772 = arith.constant 48 : index
        %parallel_loop3A_773 = tpu.vector_load %parallel_loop3A_770[%parallel_loop3A_771, %parallel_loop3A_772] {strides = array<i32>} : memref<256x64xf32, #tpu.memory_space<vmem>>, vector<16xf32>,
        %parallel_loop3A_774 = arith.addf %parallel_loop3A_773, %get3A_393 : vector<16xf32>
        %parallel_loop3A_775 = arith.constant 0 : i32
        %parallel_loop3A_776 = arith.constant 0 : i32
        %parallel_loop3A_777 = tpu.memref_slice %arg8[%parallel_loop3A_398, %parallel_loop3A_775, %parallel_loop3A_776] : memref<2x64x257xf32, #tpu.memory_space<vmem>> -> memref<1x64x257xf32, #tpu.memory_space<vmem>>
        %parallel_loop3A_778 = tpu.memref_squeeze %parallel_loop3A_777 : memref<1x64x257xf32, #tpu.memory_space<vmem>> -> memref<64x257xf32, #tpu.memory_space<vmem>>
        tpu.vector_store_idx %parallel_loop3A_778[%add3A_12, %parallel_loop3A_730], %parallel_loop3A_774 : memref<64x257xf32, #tpu.memory_space<vmem>>[vector<16xi32>, vector<16xi32>], vector<16xf32>,
        %parallel_loop3A_779 = arith.constant 7 : i32
        %parallel_loop3A_780 = arith.addi %parallel_loop3A_414, %parallel_loop3A_779 : i32
        %parallel_loop3A_781 = vector.broadcast %parallel_loop3A_780 : i32 to vector<16xi32>
        %parallel_loop3A_782 = arith.addi %sub3A, %parallel_loop3A_781 : vector<16xi32>
        %parallel_loop3A_783 = arith.constant 0 : i32
        %parallel_loop3A_784 = arith.constant 0 : i32
        %parallel_loop3A_785 = tpu.memref_slice %arg7[%parallel_loop3A_397, %parallel_loop3A_783, %parallel_loop3A_784] : memref<2x256x64xf32, #tpu.memory_space<vmem>> -> memref<1x256x64xf32, #tpu.memory_space<vmem>>
        %parallel_loop3A_786 = tpu.memref_squeeze %parallel_loop3A_785 : memref<1x256x64xf32, #tpu.memory_space<vmem>> -> memref<256x64xf32, #tpu.memory_space<vmem>>
        %parallel_loop3A_787 = arith.index_cast %parallel_loop3A_780 : i32 to index
        %parallel_loop3A_788 = arith.constant 0 : index
        %parallel_loop3A_789 = tpu.vector_load %parallel_loop3A_786[%parallel_loop3A_787, %parallel_loop3A_788] {strides = array<i32>} : memref<256x64xf32, #tpu.memory_space<vmem>>, vector<16xf32>,
        %parallel_loop3A_790 = arith.addf %parallel_loop3A_789, %get3A_384 : vector<16xf32>
        %parallel_loop3A_791 = arith.constant 0 : i32
        %parallel_loop3A_792 = arith.constant 0 : i32
        %parallel_loop3A_793 = tpu.memref_slice %arg8[%parallel_loop3A_398, %parallel_loop3A_791, %parallel_loop3A_792] : memref<2x64x257xf32, #tpu.memory_space<vmem>> -> memref<1x64x257xf32, #tpu.memory_space<vmem>>
        %parallel_loop3A_794 = tpu.memref_squeeze %parallel_loop3A_793 : memref<1x64x257xf32, #tpu.memory_space<vmem>> -> memref<64x257xf32, #tpu.memory_space<vmem>>
        tpu.vector_store_idx %parallel_loop3A_794[%add3A_3, %parallel_loop3A_782], %parallel_loop3A_790 : memref<64x257xf32, #tpu.memory_space<vmem>>[vector<16xi32>, vector<16xi32>], vector<16xf32>,
        %parallel_loop3A_795 = arith.constant 0 : i32
        %parallel_loop3A_796 = arith.constant 0 : i32
        %parallel_loop3A_797 = tpu.memref_slice %arg7[%parallel_loop3A_397, %parallel_loop3A_795, %parallel_loop3A_796] : memref<2x256x64xf32, #tpu.memory_space<vmem>> -> memref<1x256x64xf32, #tpu.memory_space<vmem>>
        %parallel_loop3A_798 = tpu.memref_squeeze %parallel_loop3A_797 : memref<1x256x64xf32, #tpu.memory_space<vmem>> -> memref<256x64xf32, #tpu.memory_space<vmem>>
        %parallel_loop3A_799 = arith.index_cast %parallel_loop3A_780 : i32 to index
        %parallel_loop3A_800 = arith.constant 16 : index
        %parallel_loop3A_801 = tpu.vector_load %parallel_loop3A_798[%parallel_loop3A_799, %parallel_loop3A_800] {strides = array<i32>} : memref<256x64xf32, #tpu.memory_space<vmem>>, vector<16xf32>,
        %parallel_loop3A_802 = arith.addf %parallel_loop3A_801, %get3A_387 : vector<16xf32>
        %parallel_loop3A_803 = arith.constant 0 : i32
        %parallel_loop3A_804 = arith.constant 0 : i32
        %parallel_loop3A_805 = tpu.memref_slice %arg8[%parallel_loop3A_398, %parallel_loop3A_803, %parallel_loop3A_804] : memref<2x64x257xf32, #tpu.memory_space<vmem>> -> memref<1x64x257xf32, #tpu.memory_space<vmem>>
        %parallel_loop3A_806 = tpu.memref_squeeze %parallel_loop3A_805 : memref<1x64x257xf32, #tpu.memory_space<vmem>> -> memref<64x257xf32, #tpu.memory_space<vmem>>
        tpu.vector_store_idx %parallel_loop3A_806[%add3A_6, %parallel_loop3A_782], %parallel_loop3A_802 : memref<64x257xf32, #tpu.memory_space<vmem>>[vector<16xi32>, vector<16xi32>], vector<16xf32>,
        %parallel_loop3A_807 = arith.constant 0 : i32
        %parallel_loop3A_808 = arith.constant 0 : i32
        %parallel_loop3A_809 = tpu.memref_slice %arg7[%parallel_loop3A_397, %parallel_loop3A_807, %parallel_loop3A_808] : memref<2x256x64xf32, #tpu.memory_space<vmem>> -> memref<1x256x64xf32, #tpu.memory_space<vmem>>
        %parallel_loop3A_810 = tpu.memref_squeeze %parallel_loop3A_809 : memref<1x256x64xf32, #tpu.memory_space<vmem>> -> memref<256x64xf32, #tpu.memory_space<vmem>>
        %parallel_loop3A_811 = arith.index_cast %parallel_loop3A_780 : i32 to index
        %parallel_loop3A_812 = arith.constant 32 : index
        %parallel_loop3A_813 = tpu.vector_load %parallel_loop3A_810[%parallel_loop3A_811, %parallel_loop3A_812] {strides = array<i32>} : memref<256x64xf32, #tpu.memory_space<vmem>>, vector<16xf32>,
        %parallel_loop3A_814 = arith.addf %parallel_loop3A_813, %get3A_390 : vector<16xf32>
        %parallel_loop3A_815 = arith.constant 0 : i32
        %parallel_loop3A_816 = arith.constant 0 : i32
        %parallel_loop3A_817 = tpu.memref_slice %arg8[%parallel_loop3A_398, %parallel_loop3A_815, %parallel_loop3A_816] : memref<2x64x257xf32, #tpu.memory_space<vmem>> -> memref<1x64x257xf32, #tpu.memory_space<vmem>>
        %parallel_loop3A_818 = tpu.memref_squeeze %parallel_loop3A_817 : memref<1x64x257xf32, #tpu.memory_space<vmem>> -> memref<64x257xf32, #tpu.memory_space<vmem>>
        tpu.vector_store_idx %parallel_loop3A_818[%add3A_9, %parallel_loop3A_782], %parallel_loop3A_814 : memref<64x257xf32, #tpu.memory_space<vmem>>[vector<16xi32>, vector<16xi32>], vector<16xf32>,
        %parallel_loop3A_819 = arith.constant 0 : i32
        %parallel_loop3A_820 = arith.constant 0 : i32
        %parallel_loop3A_821 = tpu.memref_slice %arg7[%parallel_loop3A_397, %parallel_loop3A_819, %parallel_loop3A_820] : memref<2x256x64xf32, #tpu.memory_space<vmem>> -> memref<1x256x64xf32, #tpu.memory_space<vmem>>
        %parallel_loop3A_822 = tpu.memref_squeeze %parallel_loop3A_821 : memref<1x256x64xf32, #tpu.memory_space<vmem>> -> memref<256x64xf32, #tpu.memory_space<vmem>>
        %parallel_loop3A_823 = arith.index_cast %parallel_loop3A_780 : i32 to index
        %parallel_loop3A_824 = arith.constant 48 : index
        %parallel_loop3A_825 = tpu.vector_load %parallel_loop3A_822[%parallel_loop3A_823, %parallel_loop3A_824] {strides = array<i32>} : memref<256x64xf32, #tpu.memory_space<vmem>>, vector<16xf32>,
        %parallel_loop3A_826 = arith.addf %parallel_loop3A_825, %get3A_393 : vector<16xf32>
        %parallel_loop3A_827 = arith.constant 0 : i32
        %parallel_loop3A_828 = arith.constant 0 : i32
        %parallel_loop3A_829 = tpu.memref_slice %arg8[%parallel_loop3A_398, %parallel_loop3A_827, %parallel_loop3A_828] : memref<2x64x257xf32, #tpu.memory_space<vmem>> -> memref<1x64x257xf32, #tpu.memory_space<vmem>>
        %parallel_loop3A_830 = tpu.memref_squeeze %parallel_loop3A_829 : memref<1x64x257xf32, #tpu.memory_space<vmem>> -> memref<64x257xf32, #tpu.memory_space<vmem>>
        tpu.vector_store_idx %parallel_loop3A_830[%add3A_12, %parallel_loop3A_782], %parallel_loop3A_826 : memref<64x257xf32, #tpu.memory_space<vmem>>[vector<16xi32>, vector<16xi32>], vector<16xf32>,
      } {sc.loop_unroll_factor = 2 : i64, sc.parallel_access}
      %dma_start3A_399 = arith.constant 1 : i32
      %dma_start3A_400 = arith.constant 0 : i32
      %dma_start3A_401 = arith.constant 0 : i32
      %dma_start3A_402 = tpu.memref_slice %arg8[%dma_start3A_399, %dma_start3A_400, %dma_start3A_401] : memref<2x64x257xf32, #tpu.memory_space<vmem>> -> memref<1x64x256xf32, #tpu.memory_space<vmem>>
      %dma_start3A_403 = tpu.memref_squeeze %dma_start3A_402 : memref<1x64x256xf32, #tpu.memory_space<vmem>> -> memref<64x256xf32, #tpu.memory_space<vmem>>
      %dma_start3A_404 = arith.constant 0 : i32
      %dma_start3A_405 = tpu.memref_slice %arg5[%select_n3A_375, %dma_start3A_404, %mul3A_381] : memref<50x64x16384xf32, #tpu.memory_space<hbm>> -> memref<1x64x256xf32, #tpu.memory_space<hbm>>
      %dma_start3A_406 = tpu.memref_squeeze %dma_start3A_405 : memref<1x64x256xf32, #tpu.memory_space<hbm>> -> memref<64x256xf32, #tpu.memory_space<hbm>>
      %dma_start3A_407 = arith.constant 0 : i32
      %dma_start3A_408 = tpu.memref_slice %arg5[%select_n3A_375, %dma_start3A_407, %mul3A_381] : memref<50x64x16384xf32, #tpu.memory_space<hbm>> -> memref<1x64x256xf32, #tpu.memory_space<hbm>>
      %dma_start3A_409 = tpu.memref_squeeze %dma_start3A_408 : memref<1x64x256xf32, #tpu.memory_space<hbm>> -> memref<64x256xf32, #tpu.memory_space<hbm>>
      %dma_start3A_410 = arith.constant 0 : i32
      %dma_start3A_411 = arith.constant 0 : i32
      %dma_start3A_412 = tpu.memref_slice %arg8[%dma_start3A_399, %dma_start3A_410, %dma_start3A_411] : memref<2x64x257xf32, #tpu.memory_space<vmem>> -> memref<1x64x256xf32, #tpu.memory_space<vmem>>
      %dma_start3A_413 = tpu.memref_squeeze %dma_start3A_412 : memref<1x64x256xf32, #tpu.memory_space<vmem>> -> memref<64x256xf32, #tpu.memory_space<vmem>>
      tpu.enqueue_dma source(%dma_start3A_413 : memref<64x256xf32, #tpu.memory_space<vmem>>) target(%dma_start3A_409 : memref<64x256xf32, #tpu.memory_space<hbm>>) target_semaphore(%arg13 : memref<!tpu.dma_semaphore, #tpu.memory_space<semaphore_mem>>)
    }
    %scan3A_209 = arith.constant 50 : i32
    %dma_wait3A = arith.constant 0 : i32
    %dma_wait3A_210 = arith.constant 0 : i32
    %dma_wait3A_211 = arith.constant 0 : i32
    %dma_wait3A_212 = arith.constant 0 : i32
    %dma_wait3A_213 = tpu.memref_slice %arg8[%dma_wait3A, %dma_wait3A_211, %dma_wait3A_212] : memref<2x64x257xf32, #tpu.memory_space<vmem>> -> memref<1x64x256xf32, #tpu.memory_space<vmem>>
    %dma_wait3A_214 = tpu.memref_squeeze %dma_wait3A_213 : memref<1x64x256xf32, #tpu.memory_space<vmem>> -> memref<64x256xf32, #tpu.memory_space<vmem>>
    %dma_wait3A_215 = arith.constant 0 : i32
    %dma_wait3A_216 = arith.constant 0 : i32
    %dma_wait3A_217 = tpu.memref_slice %arg5[%dma_wait3A_210, %dma_wait3A_215, %dma_wait3A_216] : memref<50x64x16384xf32, #tpu.memory_space<hbm>> -> memref<1x64x256xf32, #tpu.memory_space<hbm>>
    %dma_wait3A_218 = tpu.memref_squeeze %dma_wait3A_217 : memref<1x64x256xf32, #tpu.memory_space<hbm>> -> memref<64x256xf32, #tpu.memory_space<hbm>>
    %dma_wait3A_219 = arith.constant 0 : i32
    %dma_wait3A_220 = arith.constant 0 : i32
    %dma_wait3A_221 = tpu.memref_slice %arg5[%dma_wait3A_210, %dma_wait3A_219, %dma_wait3A_220] : memref<50x64x16384xf32, #tpu.memory_space<hbm>> -> memref<1x64x256xf32, #tpu.memory_space<hbm>>
    %dma_wait3A_222 = tpu.memref_squeeze %dma_wait3A_221 : memref<1x64x256xf32, #tpu.memory_space<hbm>> -> memref<64x256xf32, #tpu.memory_space<hbm>>
    %dma_wait3A_223 = arith.constant 0 : i32
    %dma_wait3A_224 = arith.constant 0 : i32
    %dma_wait3A_225 = tpu.memref_slice %arg8[%dma_wait3A, %dma_wait3A_223, %dma_wait3A_224] : memref<2x64x257xf32, #tpu.memory_space<vmem>> -> memref<1x64x256xf32, #tpu.memory_space<vmem>>
    %dma_wait3A_226 = tpu.memref_squeeze %dma_wait3A_225 : memref<1x64x256xf32, #tpu.memory_space<vmem>> -> memref<64x256xf32, #tpu.memory_space<vmem>>
    tpu.wait_dma2 semaphore(%arg12 : memref<!tpu.dma_semaphore, #tpu.memory_space<semaphore_mem>>) src(%dma_wait3A_226 : memref<64x256xf32, #tpu.memory_space<vmem>>) dst(%dma_wait3A_222 : memref<64x256xf32, #tpu.memory_space<hbm>>)
    %dma_wait3A_227 = arith.constant 1 : i32
    %dma_wait3A_228 = arith.constant 0 : i32
    %dma_wait3A_229 = arith.constant 0 : i32
    %dma_wait3A_230 = arith.constant 0 : i32
    %dma_wait3A_231 = tpu.memref_slice %arg8[%dma_wait3A_227, %dma_wait3A_229, %dma_wait3A_230] : memref<2x64x257xf32, #tpu.memory_space<vmem>> -> memref<1x64x256xf32, #tpu.memory_space<vmem>>
    %dma_wait3A_232 = tpu.memref_squeeze %dma_wait3A_231 : memref<1x64x256xf32, #tpu.memory_space<vmem>> -> memref<64x256xf32, #tpu.memory_space<vmem>>
    %dma_wait3A_233 = arith.constant 0 : i32
    %dma_wait3A_234 = arith.constant 0 : i32
    %dma_wait3A_235 = tpu.memref_slice %arg5[%dma_wait3A_228, %dma_wait3A_233, %dma_wait3A_234] : memref<50x64x16384xf32, #tpu.memory_space<hbm>> -> memref<1x64x256xf32, #tpu.memory_space<hbm>>
    %dma_wait3A_236 = tpu.memref_squeeze %dma_wait3A_235 : memref<1x64x256xf32, #tpu.memory_space<hbm>> -> memref<64x256xf32, #tpu.memory_space<hbm>>
    %dma_wait3A_237 = arith.constant 0 : i32
    %dma_wait3A_238 = arith.constant 0 : i32
    %dma_wait3A_239 = tpu.memref_slice %arg5[%dma_wait3A_228, %dma_wait3A_237, %dma_wait3A_238] : memref<50x64x16384xf32, #tpu.memory_space<hbm>> -> memref<1x64x256xf32, #tpu.memory_space<hbm>>
    %dma_wait3A_240 = tpu.memref_squeeze %dma_wait3A_239 : memref<1x64x256xf32, #tpu.memory_space<hbm>> -> memref<64x256xf32, #tpu.memory_space<hbm>>
    %dma_wait3A_241 = arith.constant 0 : i32
    %dma_wait3A_242 = arith.constant 0 : i32
    %dma_wait3A_243 = tpu.memref_slice %arg8[%dma_wait3A_227, %dma_wait3A_241, %dma_wait3A_242] : memref<2x64x257xf32, #tpu.memory_space<vmem>> -> memref<1x64x256xf32, #tpu.memory_space<vmem>>
    %dma_wait3A_244 = tpu.memref_squeeze %dma_wait3A_243 : memref<1x64x256xf32, #tpu.memory_space<vmem>> -> memref<64x256xf32, #tpu.memory_space<vmem>>
    tpu.wait_dma2 semaphore(%arg13 : memref<!tpu.dma_semaphore, #tpu.memory_space<semaphore_mem>>) src(%dma_wait3A_244 : memref<64x256xf32, #tpu.memory_space<vmem>>) dst(%dma_wait3A_240 : memref<64x256xf32, #tpu.memory_space<hbm>>)
    return
  }
}

</mosaic_0001>

<sc_bundles>
// kernel: kernel.3.cloned.1.call-start
scs
__scs_entry_jumppad:
0x0: {  	(pc) =	sbr.rel $0x88, $3  }
0x1: {  	(tag) =	ssettag $0x0;
	lr =	simm.s32 $0x1  }
0x2: {  	[smem:$0x3F9F] =	sst lr;
	_ =	strace $0xD0000000  }
0x3: {  	_ = 	snop  }
0x4: {  	_ = 	snop  }
0x5: {  	_ = 	snop  }
0x6: {  	_ = 	snop  }
0x7: {  	_ = 	snop  }
__scs_overlays_trampoline_lowered:
0x8: {  	[smem:$0x3FAE] =	sst s0  }
0x9: {  	[smem:$0x3FAF] =	sst s1  }
0xa: {  	[smem:$0x3FB0] =	sst s2  }
0xb: {  	[smem:$0x3FB1] =	sst s3  }
0xc: {  	[smem:$0x3FB2] =	sst s4  }
0xd: {  	[smem:$0x3FB3] =	sst s5  }
0xe: {  	[smem:$0x3FB4] =	sst s6  }
0xf: {  	[smem:$0x3FB5] =	sst s7  }
0x10: {  	[smem:$0x3FB6] =	sst s8  }
0x11: {  	[smem:$0x3FB7] =	sst s9;
	s0 =	simm.s32 @!p0 $0x0  }
0x12: {  	s1 =	sld [smem:$0x3F9D];
	s0 =	simm.s32 @p0 $0x1  }
0x13: {  	[smem:$0x3FB8] =	sst s0;
	s0 =	simm.s32 @!p1 $0x0  }
0x14: {  	s2 =	sld [smem:$0x3F9C];
	s0 =	simm.s32 @p1 $0x1  }
0x15: {  	[smem:$0x3FB9] =	sst s0;
	s0 =	simm.s32 @!p2 $0x0  }
0x16: {  	s3 =	sld [smem:$0x3FDB];
	s0 =	simm.s32 @p2 $0x1  }
0x17: {  	s4 =	simm.s32 $0x1BF5;
	[smem:$0x3FBB] =	sst s0  }
0x18: {  	s0 =	sld [smem:$0x3F9E];
	_ =	swait.ge [sflag:s4], $0x0  }
0x19: {  	s7 =	sld [smem:$0x3F9F]  }
0x1a: {  	s8 =	sadd.s32 $0xFFFFE003, lr  }
0x1b: {  	s9 =	sadd.s32 $0xFFFFFEF7, lr;
	s5 =	simm.s32 $0xFFFFFFFF;
	p2 =	slt.u32 s8, $0xFFFFF086  }
0x1c: {  	p1 =	slt.u32 s9, $0xF7A;
	s5 =	simm.s32 @!p2 $0x0  }
0x1d: {  	s5 =	simm.s32 @p1 $0x1;
	p0 =	seq.s32 s7, s2  }
0x1e: {  	s7 =	smul.u32 @!p0 $0xF7A, s2;
	p2 =	seq.s32 @!p0 s5, $0x0  }
0x1f: {  	s9 =	smul.u32 $0xF7A, s1;
	s8 =	simm.s32 @!p0 $0x1BF5;
	p2 =	por !p2, p0  }
0x20: {  	[sflag:s8] =	ssyncset.s32 @!p0 $0xFFFFF086;
	s6 =	sadd.s32 @!p0 s3, s7;
	s7 =	simm.s32 @!p0 $0x108  }
0x21: {  	s3 =	sadd.s32 s3, s9;
	s6 =	sadd.s32 @!p0 $0x88, s6;
	s7 =	simm.s32 @p2 $0x1082  }
0x22: {  	[simem:s7], [sflag:s8] =	dma.local @!p0 [hbm:s6], $0xF7A  }
0x23: {  	s9 =	sor.u32 $0xD0000000, s2;
	s6 =	simm.s32 $0x108;
	_ =	swait.ge @!p0 [sflag:s8], $0x0  }
0x24: {  	s3 =	sadd.s32 $0x88, s3;
	s6 =	simm.s32 @!p1 $0x1082;
	[sflag:s4] =	ssyncset.s32 $0xFFFFF086  }
0x25: {  	[simem:s6], [sflag:s4] =	dma.local [hbm:s3], $0xF7A  }
0x26: {  	[smem:$0x3F9F] =	sst s1;
	(tag) =	ssettag s2;
	_ =	strace s9  }
0x27: {  	s1 =	sld [smem:$0x3FAF]  }
0x28: {  	s2 =	sld [smem:$0x3FB0]  }
0x29: {  	s4 =	sld [smem:$0x3FB2]  }
0x2a: {  	p0 =	seq.s32 s5, $0x0;
	s5 =	sld [smem:$0x3FB3]  }
0x2b: {  	s6 =	sld [smem:$0x3FB4]  }
0x2c: {  	s7 =	sld [smem:$0x3FB5]  }
0x2d: {  	s3 =	simm.s32 $0x108;
	s8 =	sld [smem:$0x3FB6]  }
0x2e: {  	s3 =	simm.s32 @!p0 $0x1082;
	s9 =	sld [smem:$0x3FB7]  }
0x2f: {  	lr =	sadd.s32 s0, s3;
	s0 =	sld [smem:$0x3FAE]  }
0x30: {  	s3 =	sld [smem:$0x3FB1]  }
0x31: {  	[smem:$0x3FBA] =	sst s10  }
0x32: {  	s10 =	sld [smem:$0x3FB8];
	_ =	sdelay $0x3  }
0x33: {  	p0 =	seq.s32 s10, $0x1;
	s10 =	sld [smem:$0x3FBA];
	_ =	sdelay $0x3  }
0x34: {  	[smem:$0x3FBA] =	sst s10  }
0x35: {  	s10 =	sld [smem:$0x3FB9];
	_ =	sdelay $0x3  }
0x36: {  	p1 =	seq.s32 s10, $0x1;
	s10 =	sld [smem:$0x3FBA];
	_ =	sdelay $0x3  }
0x37: {  	[smem:$0x3FBA] =	sst s10  }
0x38: {  	s10 =	sld [smem:$0x3FBB]  }
0x39: {  	_ = 	snop;
	(pc) =	sbr.ind lr, $3  }
0x3a: {  	_ = 	snop  }
0x3b: {  	_ = 	snop  }
0x3c: {  	p2 =	seq.s32 s10, $0x1;
	s10 =	sld [smem:$0x3FBA]  }
0x3d: {  	_ =	shalt  }
0x3e: {  	_ =	shalt  }
0x3f: {  	_ =	shalt  }
0x40: {  	_ =	shalt  }
0x41: {  	_ =	shalt  }
0x42: {  	_ =	shalt  }
0x43: {  	_ =	shalt  }
0x44: {  	_ =	shalt  }
0x45: {  	_ =	shalt  }
0x46: {  	_ =	shalt  }
0x47: {  	_ =	shalt  }
0x48: {  	_ =	shalt  }
0x49: {  	_ =	shalt  }
0x4a: {  	_ =	shalt  }
0x4b: {  	_ =	shalt  }
0x4c: {  	_ =	shalt  }
0x4d: {  	_ =	shalt  }
0x4e: {  	_ =	shalt  }
0x4f: {  	_ =	shalt  }
0x50: {  	_ =	shalt  }
0x51: {  	_ =	shalt  }
0x52: {  	_ =	shalt  }
0x53: {  	_ =	shalt  }
0x54: {  	_ =	shalt  }
0x55: {  	_ =	shalt  }
0x56: {  	_ =	shalt  }
0x57: {  	_ =	shalt  }
0x58: {  	_ =	shalt  }
0x59: {  	_ =	shalt  }
0x5a: {  	_ =	shalt  }
0x5b: {  	_ =	shalt  }
0x5c: {  	_ =	shalt  }
0x5d: {  	_ =	shalt  }
0x5e: {  	_ =	shalt  }
0x5f: {  	_ =	shalt  }
0x60: {  	_ =	shalt  }
0x61: {  	_ =	shalt  }
0x62: {  	_ =	shalt  }
0x63: {  	_ =	shalt  }
0x64: {  	_ =	shalt  }
0x65: {  	_ =	shalt  }
0x66: {  	_ =	shalt  }
0x67: {  	_ =	shalt  }
0x68: {  	_ =	shalt  }
0x69: {  	_ =	shalt  }
0x6a: {  	_ =	shalt  }
0x6b: {  	_ =	shalt  }
0x6c: {  	_ =	shalt  }
0x6d: {  	_ =	shalt  }
0x6e: {  	_ =	shalt  }
0x6f: {  	_ =	shalt  }
0x70: {  	_ =	shalt  }
0x71: {  	_ =	shalt  }
0x72: {  	_ =	shalt  }
0x73: {  	_ =	shalt  }
0x74: {  	_ =	shalt  }
0x75: {  	_ =	shalt  }
0x76: {  	_ =	shalt  }
0x77: {  	_ =	shalt  }
0x78: {  	_ =	shalt  }
0x79: {  	_ =	shalt  }
0x7a: {  	_ =	shalt  }
0x7b: {  	_ =	shalt  }
0x7c: {  	_ =	shalt  }
0x7d: {  	_ =	shalt  }
0x7e: {  	_ =	shalt  }
0x7f: {  	_ =	shalt  }
0x80: {  	_ =	shalt  }
0x81: {  	_ =	shalt  }
0x82: {  	_ =	shalt  }
0x83: {  	_ =	shalt  }
0x84: {  	_ =	shalt  }
0x85: {  	_ =	shalt  }
0x86: {  	_ =	shalt  }
0x87: {  	_ =	shalt  }
.Lfunc_end0:
.L_simem_size_0:
called_computation.1_lowered:
.L_overlay_start_0:
0x88: {  	s2 =	sld [smem:$0x3FD9]  }
0x89: {  	s3 =	sld [smem:$0x3FFE];
	_ =	sdelay $0x1  }
0x8a: {  	s1 =	srdreg.scid  }
0x8b: {  	s0 =	sand.u32 $0x1, s1  }
0x8c: {  	s17 =	sshll.u32 s0, $0xA;
	s2 =	sadd.s32 s3, s2  }
0x8d: {  	s2 =	sadd.s32 s2, s17  }
0x8e: {  	[smem:$0x3FC6] =	sst s2  }
0x8f: {  	_ = 	snop  }
0x90: {  	s2 =	sld [smem:$0x3FD0];
	(tm) =	ssettm $0x1  }
0x91: {  	s18 =	sld [smem:$0x3FFB];
	_ =	sdelay $0x3  }
0x92: {  	_ =	strace s18  }
0x93: {  	s3 =	sld [smem:$0x3FFC];
	_ =	sdelay $0x3  }
0x94: {  	_ =	strace s3  }
0x95: {  	s3 =	sld [smem:$0x3FFD];
	_ =	sdelay $0x3  }
0x96: {  	_ =	strace s3  }
0x97: {  	_ =	strace $0x8FFFFFFF  }
0x98: {  	s19 =	sld [smem:$0x3FDB];
	_ =	sdelay $0x1  }
0x99: {  	s4 =	simm.s32 $_scs_section_size  }
0x9a: {  	s5 =	simm.s32 $_size__tile_overlayer_lowered;
	s6 =	simm.s32 $_tile_overlayer_lowered  }
0x9b: {  	s22 =	simm.s32 $0x1BFF;
	s21 =	sshll.u32 s6, $0x1;
	s3 =	sadd.s32 s4, s19  }
0x9c: {  	s7 =	simm.s32 $0x0;
	s20 =	sshll.u32 s5, $0x1;
	s5 =	sadd.s32 s21, s3  }
0x9d: {  	[timem:s7], [sflag:s22] =	dma.local [hbm:s5], s20  }
0x9e: {  	_ =	swait.ge [sflag:s22], s20  }
0x9f: {  	s4 =	ssub.s32 $0x0, s20;
	[sflag:s22] =	ssyncset.done $0x0  }
0xa0: {  	[sflag:s22] =	ssyncadd.s32 s4;
	_ =	sdelay $0x1  }
0xa1: {  	s23 =	simm.s32 $0x1B8B  }
0xa2: {  	_ =	swait.ge [sflag:s23], $0x1  }
0xa3: {  	[sflag:s23] =	ssyncset.done $0x0  }
0xa4: {  	s25 =	simm.s32 $0x1B8E;
	s24 =	sld [smem:$0x3FFE];
	[sflag:s23] =	ssyncadd.s32 $0xFFFFFFFF  }
0xa5: {  	s26 =	simm.s32 $execute0_lowered;
	[smem:$0x3FD2] =	sst s25  }
0xa6: {  	s5 =	sshll.u32 s26, $0x1;
	_ =	strace $0x80000049;
	[dreg:$0x1] =	wrdreg $0xFFFFFFFF  }
0xa7: {  	s28 =	simm.s32 $_size_execute0_lowered;
	s3 =	sadd.s32 s3, s5;
	[dreg:$0x0] =	wrdreg $0x0  }
0xa8: {  	s5 =	sshll.u32 s28, $0x1;
	[dreg:$0x2] =	wrdreg s3  }
0xa9: {  	[dreg:$0x3] =	wrdreg s5  }
0xaa: {  	[dreg:$0x4] =	wrdreg $0xC0  }
0xab: {  	_ =	task [dreg:s7], $0x5FFFF  }
0xac: {  	[dreg:$0x1] =	wrdreg $0xFFFFFFFF  }
0xad: {  	[dreg:$0x0] =	wrdreg $0x60  }
0xae: {  	[dreg:$0x2] =	wrdreg s2  }
0xaf: {  	[dreg:$0x3] =	wrdreg s24  }
0xb0: {  	[dreg:$0x4] =	wrdreg $0x9  }
0xb1: {  	_ =	task.clear_ibuf [dreg:s7], $0x5FFFF;
	_ =	strace $0x90000049  }
0xb2: {  	s29 =	simm.s32 $0x9;
	_ =	strace $0x8000004B  }
0xb3: {  	_ =	swait.ge [sflag:s29], $0x1  }
0xb4: {  	[sflag:s29] =	ssyncadd.s32 $0xFFFFFFFF  }
0xb5: {  	_ =	strace $0x9000004B  }
0xb6: {  	_ =	sfence  }
0xb7: {  	s30 =	sld [smem:$0x0];
	_ =	sdelay $0x2  }
0xb8: {  	s31 =	sshll.u32 s1, $0xD;
	s1 =	sshrl.u32 s1, $0x2  }
0xb9: {  	s3 =	sand.u32 $0x4000, s31;
	s1 =	sadd.s32 s1, s30  }
0xba: {  	s0 =	sor.u32 s3, s0;
	s1 =	sshll.u32 s1, $0x11  }
0xbb: {  	s0 =	sor.u32 s1, s0  }
0xbc: {  	s0 =	sadd.s32 $0x8F2B, s0  }
0xbd: {  	[sflag:s0] =	ssyncadd.remote.s32 $0x1  }
0xbe: {  	_ =	sfence.sel $0xFFFF  }
0xbf: {  	[dreg:$0x0] =	wrdreg $0xFFFFFFFF;
	(pc) =	sbr.abs _section_cstart, $3  }
0xc0: {  	[dreg:$0x1] =	wrdreg $0xFFFFFFFF  }
0xc1: {  	_ =	task.clear_ibuf [dreg:s7], $0x2FFFF;
	_ =	strace $0x9FFFFFFF  }
0xc2: {  	(tm) =	ssettm $0x7FFFFFFF  }
0xc3: {  	_ =	shalt  }
tec
execute0_lowered:
.L_overlay_start_1:
0x0: {  	(tag) =	ssettag $0x1  }
0x1: {  	s0 =	rddreg [dreg:$0x0];
	v0 =	vlaneseq.u32  }
0x2: {  	s2 =	rddreg [dreg:$0x1];
	v0 =	vmul.u32 $0x108, v0  }
0x3: {  	s1 =	simm.s32 $0x0;
	v1 =	vimm.s32 $0x0;
	vm0 =	vcmask $0x300;
	s4 =	srdreg.scid;
	s6 =	stileid.u32  }
0x4: {  	s12 =	simm.s32 $0x5;
	s13 =	simm.s32 $0x100;
	s14 =	simm.s32 $0x200;
	v1 =	vsel vm0, $0x3, v1;
	v2 =	vadd.s32 $0x1080, v0  }
0x5: {  	s15 =	simm.s32 $0x4200;
	s16 =	simm.s32 $0x1;
	s17 =	simm.s32 $0x8200;
	v3 =	vadd.s32 $0x2100, v0;
	v4 =	vadd.s32 $0x3180, v0;
	v5 =	vor.u32 $0x1, v0  }
0x6: {  	s18 =	simm.s32 $0x2;
	s19 =	simm.s32 $0x4;
	s20 =	simm.s32 $0xC400;
	v6 =	vadd.s32 $0x1081, v0;
	v7 =	vadd.s32 $0x2101, v0;
	v8 =	vadd.s32 $0x3181, v0  }
0x7: {  	s21 =	simm.s32 $0x3;
	s22 =	simm.s32 $0x0;
	[smem:$0x7FF] =	sst s1;
	v9 =	vor.u32 $0x2, v0;
	v10 =	vadd.s32 $0x1082, v0;
	v11 =	vadd.s32 $0x2102, v0  }
0x8: {  	s3 =	sadd.s32 $0xF43200, s2;
	s4 =	sand.u32 $0x1, s4;
	s6 =	sshll.u32 s6, $0x7;
	v12 =	vadd.s32 $0x3182, v0;
	v13 =	vor.u32 $0x3, v0;
	v14 =	vadd.s32 $0x1083, v0  }
0x9: {  	s7 =	sadd.s32 $0xF43000, s2;
	s2 =	sadd.s32 $0xC00, s2;
	s5 =	ssub.s32 $0x2, s4;
	v15 =	vadd.s32 $0x2103, v0;
	v16 =	vadd.s32 $0x3183, v0;
	v17 =	vor.u32 $0x4, v0  }
0xa: {  	_ =	strace $0x8000004A;
	s4 =	sshll.u32 s4, $0x6;
	s29 =	sshrl.u32 s5, $0x1;
	v18 =	vadd.s32 $0x1084, v0;
	v19 =	vadd.s32 $0x2104, v0;
	v20 =	vadd.s32 $0x3184, v0  }
0xb: {  	[dreg:$0x3] =	wrdreg s7;
	s4 =	sor.u32 s4, s6;
	v21 =	vor.u32 $0x5, v0;
	v22 =	vadd.s32 $0x1085, v0;
	v23 =	vadd.s32 $0x2105, v0;
	s10 =	ssub.s32 s5, s29  }
0xc: {  	v24 =	vadd.s32 $0x3185, v0;
	v25 =	vor.u32 $0x6, v0;
	v26 =	vadd.s32 $0x1086, v0;
	s9 =	sor.u32 $0x20, s4;
	s30 =	sadd.s32 s0, s4;
	s7 =	sadd.s32 s2, s4  }
0xd: {  	v27 =	vadd.s32 $0x2106, v0;
	v28 =	vadd.s32 $0x3186, v0;
	v29 =	vor.u32 $0x7, v0;
	s6 =	sadd.s32 s0, s9;
	[dreg:$0x4] =	wrdreg s30;
	s31 =	smax.u32 s10, $0x1  }
0xe: {  	v30 =	vadd.s32 $0x1087, v0;
	v31 =	vadd.s32 $0x2107, v0;
	v32 =	vadd.s32 $0x3187, v0;
	s8 =	sadd.s32 $0x800, s30;
	s9 =	sadd.s32 s2, s9;
	[dreg:$0x5] =	wrdreg s31  }
.LBB2_1:
0xf: {  	s0 =	rddreg [dreg:$0x3];
	s2 =	simm.s32 $0x10600  }
0x10: {  	[tilespmem:s2], [sflag:$0x5] =	stream.linear.gather [hbm4b:s0+s1], $0xC80, $0x38;
	[tilespmem:$0x11280] =	vst v63  }
0x11: {  	_ =	swait.ge [sflag:s12], $0xC80  }
0x12: {  	[sflag:s12] =	ssyncset.done $0x0  }
0x13: {  	s31 =	rddreg [dreg:$0x4];
	[sflag:s12] =	ssyncadd.s32 $0xFFFFF380  }
0x14: {  	[tilespmem:s1], [sflag:$0x5] =	stream.linear.gather [hbm4b:s31+s1], $0x100, $0x38;
	[tilespmem:$0x11280] =	vst v63  }
0x15: {  	_ =	swait.ge [sflag:s12], $0x100  }
0x16: {  	[sflag:s12] =	ssyncset.done $0x0  }
0x17: {  	[sflag:s12] =	ssyncadd.s32 $0xFFFFFF00  }
0x18: {  	v33 =	vld [tilespmem:$0x0]  }
0x19: {  	v34 =	vld [tilespmem:$0x10]  }
0x1a: {  	v35 =	vld [tilespmem:$0x20]  }
0x1b: {  	v36 =	vld [tilespmem:$0x30]  }
0x1c: {  	v37 =	vld [tilespmem:$0x40]  }
0x1d: {  	v38 =	vld [tilespmem:$0x50];
	v33 =	vshll.u32 v33, $0x1  }
0x1e: {  	v40 =	vld [tilespmem:$0x60];
	v39 =	vshll.u32 v34, $0x1;
	[tilespmem:$0x0] =	vst v33  }
0x1f: {  	v42 =	vld [tilespmem:$0x70];
	v41 =	vshll.u32 v35, $0x1;
	[tilespmem:$0x10] =	vst v39  }
0x20: {  	v44 =	vld [tilespmem:$0x80];
	v43 =	vshll.u32 v36, $0x1;
	[tilespmem:$0x20] =	vst v41  }
0x21: {  	v46 =	vld [tilespmem:$0x90];
	v45 =	vshll.u32 v37, $0x1;
	[tilespmem:$0x30] =	vst v43  }
0x22: {  	v48 =	vld [tilespmem:$0xA0];
	v47 =	vshll.u32 v38, $0x1;
	[tilespmem:$0x40] =	vst v45  }
0x23: {  	v50 =	vld [tilespmem:$0xB0];
	v49 =	vshll.u32 v40, $0x1;
	[tilespmem:$0x50] =	vst v47  }
0x24: {  	v52 =	vld [tilespmem:$0xC0];
	v51 =	vshll.u32 v42, $0x1;
	[tilespmem:$0x60] =	vst v49  }
0x25: {  	v54 =	vld [tilespmem:$0xD0];
	v53 =	vshll.u32 v44, $0x1;
	[tilespmem:$0x70] =	vst v51  }
0x26: {  	v56 =	vld [tilespmem:$0xE0];
	v55 =	vshll.u32 v46, $0x1;
	[tilespmem:$0x80] =	vst v53  }
0x27: {  	v58 =	vld [tilespmem:$0xF0];
	v57 =	vshll.u32 v48, $0x1;
	[tilespmem:$0x90] =	vst v55  }
0x28: {  	v59 =	vshll.u32 v50, $0x1;
	[tilespmem:$0xA0] =	vst v57  }
0x29: {  	v60 =	vshll.u32 v52, $0x1;
	[tilespmem:$0xB0] =	vst v59  }
0x2a: {  	v61 =	vshll.u32 v54, $0x1;
	[tilespmem:$0xC0] =	vst v60  }
0x2b: {  	v62 =	vshll.u32 v56, $0x1;
	[tilespmem:$0xD0] =	vst v61  }
0x2c: {  	v63 =	vshll.u32 v58, $0x1;
	[tilespmem:$0xE0] =	vst v62  }
0x2d: {  	s23 =	simm.s32 $0x0;
	[tilespmem:$0xF0] =	vst v63  }
0x2e: {  	[tilespmem:s14], [sflag:$0x1] =	stream.indirect.gather [hbm4b:s3+s13], $0x40, s1, s13, $0xb8;
	[tilespmem:$0x11280] =	vst v63  }
.LBB2_2:
0x2f: {  	s26 =	sshll.u32 s23, $0xB  }
0x30: {  	s0 =	sadd.s32 s26, s6  }
0x31: {  	[tilespmem:s13], [sflag:$0x5] =	stream.linear.gather [hbm4b:s0+s1], $0x100, $0x38;
	[tilespmem:$0x11280] =	vst v63  }
0x32: {  	_ =	swait.ge [sflag:s12], $0x100  }
0x33: {  	[sflag:s12] =	ssyncset.done $0x0  }
0x34: {  	[sflag:s12] =	ssyncadd.s32 $0xFFFFFF00  }
0x35: {  	v33 =	vld [tilespmem:$0x100]  }
0x36: {  	v34 =	vld [tilespmem:$0x110]  }
0x37: {  	v35 =	vld [tilespmem:$0x120]  }
0x38: {  	v36 =	vld [tilespmem:$0x130]  }
0x39: {  	v37 =	vld [tilespmem:$0x140]  }
0x3a: {  	v38 =	vld [tilespmem:$0x150];
	v33 =	vshll.u32 v33, $0x1  }
0x3b: {  	v48 =	vld [tilespmem:$0x160];
	v47 =	vshll.u32 v34, $0x1;
	[tilespmem:$0x100] =	vst v33  }
0x3c: {  	v50 =	vld [tilespmem:$0x170];
	v49 =	vshll.u32 v35, $0x1;
	[tilespmem:$0x110] =	vst v47  }
0x3d: {  	v52 =	vld [tilespmem:$0x180];
	v51 =	vshll.u32 v36, $0x1;
	[tilespmem:$0x120] =	vst v49  }
0x3e: {  	v54 =	vld [tilespmem:$0x190];
	v53 =	vshll.u32 v37, $0x1;
	[tilespmem:$0x130] =	vst v51  }
0x3f: {  	v56 =	vld [tilespmem:$0x1A0];
	v55 =	vshll.u32 v38, $0x1;
	[tilespmem:$0x140] =	vst v53  }
0x40: {  	v58 =	vld [tilespmem:$0x1B0];
	v57 =	vshll.u32 v48, $0x1;
	[tilespmem:$0x150] =	vst v55  }
0x41: {  	v60 =	vld [tilespmem:$0x1C0];
	v59 =	vshll.u32 v50, $0x1;
	[tilespmem:$0x160] =	vst v57  }
0x42: {  	v62 =	vld [tilespmem:$0x1D0];
	v61 =	vshll.u32 v52, $0x1;
	[tilespmem:$0x170] =	vst v59  }
0x43: {  	v40 =	vld [tilespmem:$0x1E0];
	v63 =	vshll.u32 v54, $0x1;
	[tilespmem:$0x180] =	vst v61  }
0x44: {  	v42 =	vld [tilespmem:$0x1F0];
	v41 =	vshll.u32 v56, $0x1;
	[tilespmem:$0x190] =	vst v63  }
0x45: {  	v43 =	vshll.u32 v58, $0x1;
	[tilespmem:$0x1A0] =	vst v41  }
0x46: {  	v44 =	vshll.u32 v60, $0x1;
	[tilespmem:$0x1B0] =	vst v43  }
0x47: {  	v45 =	vshll.u32 v62, $0x1;
	[tilespmem:$0x1C0] =	vst v44  }
0x48: {  	v46 =	vshll.u32 v40, $0x1;
	[tilespmem:$0x1D0] =	vst v45  }
0x49: {  	[tilespmem:$0x1E0] =	vst v46;
	v47 =	vshll.u32 v42, $0x1  }
0x4a: {  	[tilespmem:$0x1F0] =	vst v47  }
0x4b: {  	[tilespmem:s15], [sflag:$0x2] =	stream.indirect.gather [hbm4b:s3+s13], $0x40, s13, s13, $0xb8;
	[tilespmem:$0x11280] =	vst v63  }
0x4c: {  	_ =	swait.ge [sflag:s16], $0x4000  }
0x4d: {  	p0 =	seq.s32 s23, $0x0;
	[sflag:s16] =	ssyncset.done $0x0  }
0x4e: {  	s0 =	simm.s32 @!p0 $0x3;
	[sflag:s16] =	ssyncadd.s32 $0xFFFFC000  }
0x4f: {  	s2 =	simm.s32 $0x8;
	_ =	swait.ge @!p0 [sflag:s0], $0x4000  }
0x50: {  	s4 =	sshll.u32 s23, $0x6;
	v48 =	vmov s2;
	[sflag:s0] =	ssyncset.done @!p0 $0x0  }
0x51: {  	s24 =	sand.u32 $0x3FFFFFC0, s4;
	v33 =	vshrl.u32 v48, $0x3;
	[sflag:s0] =	ssyncadd.s32 @!p0 $0xFFFFC000  }
0x52: {  	s25 =	simm.s32 $0x400;
	v33 =	vshll.u32 v33, v1;
	v36 =	vld [tilespmem:s24+$0x10600]  }
0x53: {  	v50 =	vbroadcast v33, $0x0;
	v49 =	vld [tilespmem:s25+$0x0]  }
0x54: {  	s29 =	simm.s32 $0x0  }
0x55: {  	v51 =	vmov s29;
	v39 =	vadd.s32 v0, v50  }
0x56: {  	v33 =	vshrl.u32 v51, $0x3  }
0x57: {  	v33 =	vshll.u32 v33, v1;
	v35 =	vld [tilespmem:s24+$0x10610]  }
0x58: {  	v40 =	vbroadcast v33, $0x0;
	v41 =	vld [tilespmem:s25+$0xFFFFFE00];
	v37 =	vadd.f32 v49, v36  }
0x59: {  	v34 =	vld [tilespmem:s24+$0x10620]  }
0x5a: {  	v42 =	vadd.s32 v0, v40;
	v33 =	vld [tilespmem:s24+$0x10630];
	[tilespmem:v39+s17+$0x0] =	vst.idx.msk $0xffff, v37  }
0x5b: {  	v37 =	vld [tilespmem:s25+$0x10];
	_ =	sdelay $0x1  }
0x5c: {  	v53 =	vadd.s32 v2, v50;
	v52 =	vadd.f32 v41, v36;
	_ =	sdelay $0x1  }
0x5d: {  	[tilespmem:v42+s17+$0x0] =	vst.idx.msk $0xffff, v52  }
0x5e: {  	v39 =	vld [tilespmem:s25+$0xFFFFFE10];
	v37 =	vadd.f32 v37, v35;
	_ =	sdelay $0x1  }
0x5f: {  	v54 =	vadd.s32 v2, v40;
	[tilespmem:v53+s17+$0x0] =	vst.idx.msk $0xffff, v37  }
0x60: {  	v37 =	vld [tilespmem:s25+$0x20];
	_ =	sdelay $0x1  }
0x61: {  	v55 =	vadd.s32 v3, v50;
	v39 =	vadd.f32 v39, v35;
	_ =	sdelay $0x1  }
0x62: {  	[tilespmem:v54+s17+$0x0] =	vst.idx.msk $0xffff, v39  }
0x63: {  	v39 =	vld [tilespmem:s25+$0xFFFFFE20];
	v37 =	vadd.f32 v37, v34;
	_ =	sdelay $0x1  }
0x64: {  	v56 =	vadd.s32 v3, v40;
	[tilespmem:v55+s17+$0x0] =	vst.idx.msk $0xffff, v37  }
0x65: {  	v37 =	vld [tilespmem:s25+$0x30];
	_ =	sdelay $0x1  }
0x66: {  	v38 =	vadd.s32 v4, v50;
	v39 =	vadd.f32 v39, v34;
	_ =	sdelay $0x1  }
0x67: {  	s11 =	simm.s32 $0x9;
	[tilespmem:v56+s17+$0x0] =	vst.idx.msk $0xffff, v39  }
0x68: {  	v57 =	vmov s11;
	v39 =	vld [tilespmem:s25+$0xFFFFFE30];
	v37 =	vadd.f32 v37, v33  }
0x69: {  	v41 =	vshrl.u32 v57, $0x3  }
0x6a: {  	v40 =	vadd.s32 v4, v40;
	v58 =	vshll.u32 v41, v1;
	[tilespmem:v38+s17+$0x0] =	vst.idx.msk $0xffff, v37  }
0x6b: {  	v37 =	vbroadcast v58, $0x0;
	v38 =	vld [tilespmem:s25+$0x40]  }
0x6c: {  	s2 =	simm.s32 $0x1  }
0x6d: {  	v59 =	vmov s2;
	v39 =	vadd.f32 v39, v33;
	v60 =	vadd.s32 v5, v37  }
0x6e: {  	v41 =	vshrl.u32 v59, $0x3  }
0x6f: {  	v41 =	vshll.u32 v41, v1;
	[tilespmem:v40+s17+$0x0] =	vst.idx.msk $0xffff, v39  }
0x70: {  	v61 =	vbroadcast v41, $0x0;
	v39 =	vld [tilespmem:s25+$0xFFFFFE40];
	v38 =	vadd.f32 v38, v36;
	_ =	sdelay $0x1  }
0x71: {  	v41 =	vadd.s32 v5, v61;
	[tilespmem:v60+s17+$0x0] =	vst.idx.msk $0xffff, v38  }
0x72: {  	v38 =	vld [tilespmem:s25+$0x50];
	_ =	sdelay $0x1  }
0x73: {  	v62 =	vadd.s32 v6, v37;
	v39 =	vadd.f32 v39, v36;
	_ =	sdelay $0x1  }
0x74: {  	[tilespmem:v41+s17+$0x0] =	vst.idx.msk $0xffff, v39  }
0x75: {  	v39 =	vld [tilespmem:s25+$0xFFFFFE50];
	v38 =	vadd.f32 v38, v35;
	_ =	sdelay $0x1  }
0x76: {  	v63 =	vadd.s32 v6, v61;
	[tilespmem:v62+s17+$0x0] =	vst.idx.msk $0xffff, v38  }
0x77: {  	v38 =	vld [tilespmem:s25+$0x60];
	_ =	sdelay $0x1  }
0x78: {  	v45 =	vadd.s32 v7, v37;
	v39 =	vadd.f32 v39, v35;
	_ =	sdelay $0x1  }
0x79: {  	[tilespmem:v63+s17+$0x0] =	vst.idx.msk $0xffff, v39  }
0x7a: {  	v39 =	vld [tilespmem:s25+$0xFFFFFE60];
	v38 =	vadd.f32 v38, v34;
	_ =	sdelay $0x1  }
0x7b: {  	v46 =	vadd.s32 v7, v61;
	[tilespmem:v45+s17+$0x0] =	vst.idx.msk $0xffff, v38  }
0x7c: {  	v38 =	vld [tilespmem:s25+$0x70];
	_ =	sdelay $0x1  }
0x7d: {  	v37 =	vadd.s32 v8, v37;
	v39 =	vadd.f32 v39, v34;
	_ =	sdelay $0x1  }
0x7e: {  	s4 =	simm.s32 $0xA;
	[tilespmem:v46+s17+$0x0] =	vst.idx.msk $0xffff, v39  }
0x7f: {  	v47 =	vmov s4;
	v39 =	vld [tilespmem:s25+$0xFFFFFE70];
	v38 =	vadd.f32 v38, v33  }
0x80: {  	v41 =	vshrl.u32 v47, $0x3  }
0x81: {  	v40 =	vadd.s32 v8, v61;
	v48 =	vshll.u32 v41, v1;
	[tilespmem:v37+s17+$0x0] =	vst.idx.msk $0xffff, v38  }
0x82: {  	v37 =	vbroadcast v48, $0x0;
	v38 =	vld [tilespmem:s25+$0x80]  }
0x83: {  	s5 =	simm.s32 $0x2  }
0x84: {  	v49 =	vmov s5;
	v39 =	vadd.f32 v39, v33;
	v50 =	vadd.s32 v9, v37  }
0x85: {  	s10 =	simm.s32 $0x18;
	v41 =	vshrl.u32 v49, $0x3  }
0x86: {  	v51 =	vmov s10;
	v41 =	vshll.u32 v41, v1;
	[tilespmem:v40+s17+$0x0] =	vst.idx.msk $0xffff, v39  }
0x87: {  	v52 =	vbroadcast v41, $0x0;
	v39 =	vshrl.u32 v51, $0x3;
	v53 =	vld [tilespmem:s25+$0xFFFFFE80];
	v38 =	vadd.f32 v38, v36  }
0x88: {  	s28 =	simm.s32 $0x800;
	v39 =	vshll.u32 v39, v1  }
0x89: {  	v44 =	vld [tilespmem:s28+$0x0];
	v43 =	vadd.s32 v9, v52;
	v39 =	vbroadcast v39, $0x0;
	[tilespmem:v50+s17+$0x0] =	vst.idx.msk $0xffff, v38  }
0x8a: {  	s30 =	simm.s32 $0x10;
	v38 =	vld [tilespmem:s25+$0x90]  }
0x8b: {  	v54 =	vmov s30;
	v45 =	vadd.s32 v0, v39  }
0x8c: {  	v42 =	vshrl.u32 v54, $0x3;
	v46 =	vadd.s32 v10, v37;
	v41 =	vadd.f32 v53, v36  }
0x8d: {  	v42 =	vshll.u32 v42, v1  }
0x8e: {  	v42 =	vbroadcast v42, $0x0;
	v55 =	vadd.f32 v44, v36;
	v47 =	vld [tilespmem:s28+$0xFFFFFE00];
	[tilespmem:v43+s17+$0x0] =	vst.idx.msk $0xffff, v41  }
0x8f: {  	v43 =	vld [tilespmem:s25+$0xFFFFFE90];
	v38 =	vadd.f32 v38, v35  }
0x90: {  	v56 =	vadd.s32 v0, v42;
	[tilespmem:v45+s17+$0x0] =	vst.idx.msk $0xffff, v55  }
0x91: {  	v57 =	vadd.s32 v10, v52;
	v41 =	vld [tilespmem:s28+$0x10];
	[tilespmem:v46+s17+$0x0] =	vst.idx.msk $0xffff, v38  }
0x92: {  	v38 =	vld [tilespmem:s25+$0xA0]  }
0x93: {  	v58 =	vadd.f32 v47, v36;
	v59 =	vadd.s32 v2, v39  }
0x94: {  	v48 =	vadd.s32 v11, v37;
	v43 =	vadd.f32 v43, v35  }
0x95: {  	[tilespmem:v56+s17+$0x0] =	vst.idx.msk $0xffff, v58  }
0x96: {  	v44 =	vld [tilespmem:s28+$0xFFFFFE10];
	v41 =	vadd.f32 v41, v35;
	[tilespmem:v57+s17+$0x0] =	vst.idx.msk $0xffff, v43  }
0x97: {  	v43 =	vld [tilespmem:s25+$0xFFFFFEA0];
	v38 =	vadd.f32 v38, v34  }
0x98: {  	v60 =	vadd.s32 v2, v42;
	[tilespmem:v59+s17+$0x0] =	vst.idx.msk $0xffff, v41  }
0x99: {  	v61 =	vadd.s32 v11, v52;
	v41 =	vld [tilespmem:s28+$0x20];
	[tilespmem:v48+s17+$0x0] =	vst.idx.msk $0xffff, v38  }
0x9a: {  	v38 =	vld [tilespmem:s25+$0xB0]  }
0x9b: {  	v44 =	vadd.f32 v44, v35;
	v62 =	vadd.s32 v3, v39  }
0x9c: {  	v37 =	vadd.s32 v12, v37;
	v43 =	vadd.f32 v43, v34  }
0x9d: {  	[tilespmem:v60+s17+$0x0] =	vst.idx.msk $0xffff, v44  }
0x9e: {  	s11 =	simm.s32 $0xB;
	v44 =	vld [tilespmem:s28+$0xFFFFFE20];
	v41 =	vadd.f32 v41, v34;
	[tilespmem:v61+s17+$0x0] =	vst.idx.msk $0xffff, v43  }
0x9f: {  	v63 =	vmov s11;
	v43 =	vld [tilespmem:s25+$0xFFFFFEB0];
	v38 =	vadd.f32 v38, v33  }
0xa0: {  	v49 =	vshrl.u32 v63, $0x3;
	v48 =	vadd.s32 v3, v42;
	[tilespmem:v62+s17+$0x0] =	vst.idx.msk $0xffff, v41  }
0xa1: {  	v40 =	vadd.s32 v12, v52;
	v51 =	vshll.u32 v49, v1;
	v50 =	vld [tilespmem:s28+$0x30];
	[tilespmem:v37+s17+$0x0] =	vst.idx.msk $0xffff, v38  }
0xa2: {  	v37 =	vbroadcast v51, $0x0;
	v38 =	vld [tilespmem:s25+$0xC0]  }
0xa3: {  	s2 =	simm.s32 $0x3;
	v52 =	vadd.f32 v44, v34;
	v39 =	vadd.s32 v4, v39  }
0xa4: {  	v53 =	vmov s2;
	v43 =	vadd.f32 v43, v33;
	v54 =	vadd.s32 v13, v37  }
0xa5: {  	s4 =	simm.s32 $0x19;
	v44 =	vshrl.u32 v53, $0x3;
	[tilespmem:v48+s17+$0x0] =	vst.idx.msk $0xffff, v52  }
0xa6: {  	v55 =	vshll.u32 v44, v1;
	v57 =	vmov s4;
	v56 =	vld [tilespmem:s28+$0xFFFFFE30];
	v45 =	vadd.f32 v50, v33;
	[tilespmem:v40+s17+$0x0] =	vst.idx.msk $0xffff, v43  }
0xa7: {  	v58 =	vshrl.u32 v57, $0x3;
	v40 =	vbroadcast v55, $0x0;
	v43 =	vld [tilespmem:s25+$0xFFFFFEC0];
	v38 =	vadd.f32 v38, v36  }
0xa8: {  	v59 =	vshll.u32 v58, v1;
	v42 =	vadd.s32 v4, v42;
	[tilespmem:v39+s17+$0x0] =	vst.idx.msk $0xffff, v45  }
0xa9: {  	v39 =	vbroadcast v59, $0x0;
	v60 =	vld [tilespmem:s28+$0x40];
	v61 =	vadd.s32 v13, v40;
	[tilespmem:v54+s17+$0x0] =	vst.idx.msk $0xffff, v38  }
0xaa: {  	s5 =	simm.s32 $0x11;
	v38 =	vld [tilespmem:s25+$0xD0]  }
0xab: {  	v62 =	vmov s5;
	v44 =	vadd.f32 v56, v33;
	v63 =	vadd.s32 v5, v39  }
0xac: {  	v46 =	vshrl.u32 v62, $0x3;
	v52 =	vadd.s32 v14, v37;
	v43 =	vadd.f32 v43, v36  }
0xad: {  	v46 =	vshll.u32 v46, v1;
	[tilespmem:v42+s17+$0x0] =	vst.idx.msk $0xffff, v44  }
0xae: {  	v44 =	vbroadcast v46, $0x0;
	v42 =	vld [tilespmem:s28+$0xFFFFFE40];
	v41 =	vadd.f32 v60, v36;
	[tilespmem:v61+s17+$0x0] =	vst.idx.msk $0xffff, v43  }
0xaf: {  	v43 =	vld [tilespmem:s25+$0xFFFFFED0];
	v38 =	vadd.f32 v38, v35  }
0xb0: {  	v53 =	vadd.s32 v5, v44;
	[tilespmem:v63+s17+$0x0] =	vst.idx.msk $0xffff, v41  }
0xb1: {  	v54 =	vadd.s32 v14, v40;
	v41 =	vld [tilespmem:s28+$0x50];
	[tilespmem:v52+s17+$0x0] =	vst.idx.msk $0xffff, v38  }
0xb2: {  	v38 =	vld [tilespmem:s25+$0xE0]  }
0xb3: {  	v55 =	vadd.s32 v6, v39;
	v42 =	vadd.f32 v42, v36  }
0xb4: {  	v56 =	vadd.s32 v15, v37;
	v43 =	vadd.f32 v43, v35  }
0xb5: {  	[tilespmem:v53+s17+$0x0] =	vst.idx.msk $0xffff, v42  }
0xb6: {  	v42 =	vld [tilespmem:s28+$0xFFFFFE50];
	v41 =	vadd.f32 v41, v35;
	[tilespmem:v54+s17+$0x0] =	vst.idx.msk $0xffff, v43  }
0xb7: {  	v43 =	vld [tilespmem:s25+$0xFFFFFEE0];
	v38 =	vadd.f32 v38, v34  }
0xb8: {  	v57 =	vadd.s32 v6, v44;
	[tilespmem:v55+s17+$0x0] =	vst.idx.msk $0xffff, v41  }
0xb9: {  	v58 =	vadd.s32 v15, v40;
	v41 =	vld [tilespmem:s28+$0x60];
	[tilespmem:v56+s17+$0x0] =	vst.idx.msk $0xffff, v38  }
0xba: {  	v38 =	vld [tilespmem:s25+$0xF0]  }
0xbb: {  	v59 =	vadd.s32 v7, v39;
	v42 =	vadd.f32 v42, v35  }
0xbc: {  	v37 =	vadd.s32 v16, v37;
	v43 =	vadd.f32 v43, v34  }
0xbd: {  	[tilespmem:v57+s17+$0x0] =	vst.idx.msk $0xffff, v42  }
0xbe: {  	s10 =	simm.s32 $0xC;
	v42 =	vld [tilespmem:s28+$0xFFFFFE60];
	v41 =	vadd.f32 v41, v34;
	[tilespmem:v58+s17+$0x0] =	vst.idx.msk $0xffff, v43  }
0xbf: {  	v60 =	vmov s10;
	v43 =	vld [tilespmem:s25+$0xFFFFFEF0];
	v38 =	vadd.f32 v38, v33  }
0xc0: {  	v61 =	vadd.s32 v7, v44;
	v62 =	vshrl.u32 v60, $0x3;
	[tilespmem:v59+s17+$0x0] =	vst.idx.msk $0xffff, v41  }
0xc1: {  	v40 =	vadd.s32 v16, v40;
	v47 =	vshll.u32 v62, v1;
	v63 =	vld [tilespmem:s28+$0x70];
	[tilespmem:v37+s17+$0x0] =	vst.idx.msk $0xffff, v38  }
0xc2: {  	v37 =	vbroadcast v47, $0x0;
	v38 =	vld [tilespmem:s25+$0x100]  }
0xc3: {  	s11 =	simm.s32 $0x4;
	v39 =	vadd.s32 v8, v39;
	v48 =	vadd.f32 v42, v34  }
0xc4: {  	v49 =	vmov s11;
	v43 =	vadd.f32 v43, v33;
	v50 =	vadd.s32 v17, v37  }
0xc5: {  	s2 =	simm.s32 $0x1A;
	v42 =	vshrl.u32 v49, $0x3;
	[tilespmem:v61+s17+$0x0] =	vst.idx.msk $0xffff, v48  }
0xc6: {  	v53 =	vmov s2;
	v51 =	vshll.u32 v42, v1;
	v52 =	vld [tilespmem:s28+$0xFFFFFE70];
	v45 =	vadd.f32 v63, v33;
	[tilespmem:v40+s17+$0x0] =	vst.idx.msk $0xffff, v43  }
0xc7: {  	v54 =	vshrl.u32 v53, $0x3;
	v40 =	vbroadcast v51, $0x0;
	v43 =	vld [tilespmem:s25+$0xFFFFFF00];
	v38 =	vadd.f32 v38, v36  }
0xc8: {  	v44 =	vadd.s32 v8, v44;
	v55 =	vshll.u32 v54, v1;
	[tilespmem:v39+s17+$0x0] =	vst.idx.msk $0xffff, v45  }
0xc9: {  	v39 =	vbroadcast v55, $0x0;
	v56 =	vld [tilespmem:s28+$0x80];
	v57 =	vadd.s32 v17, v40;
	[tilespmem:v50+s17+$0x0] =	vst.idx.msk $0xffff, v38  }
0xca: {  	s4 =	simm.s32 $0x12;
	v38 =	vld [tilespmem:s25+$0x110]  }
0xcb: {  	v58 =	vmov s4;
	v42 =	vadd.f32 v52, v33;
	v59 =	vadd.s32 v9, v39  }
0xcc: {  	s5 =	simm.s32 $0x28;
	v46 =	vshrl.u32 v58, $0x3;
	v60 =	vadd.s32 v18, v37;
	v43 =	vadd.f32 v43, v36  }
0xcd: {  	v46 =	vshll.u32 v46, v1;
	v61 =	vmov s5;
	[tilespmem:v44+s17+$0x0] =	vst.idx.msk $0xffff, v42  }
0xce: {  	v44 =	vbroadcast v46, $0x0;
	v42 =	vshrl.u32 v61, $0x3;
	v62 =	vld [tilespmem:s28+$0xFFFFFE80];
	v41 =	vadd.f32 v56, v36;
	[tilespmem:v57+s17+$0x0] =	vst.idx.msk $0xffff, v43  }
0xcf: {  	s11 =	simm.s32 $0xC00;
	v42 =	vshll.u32 v42, v1;
	v43 =	vld [tilespmem:s25+$0xFFFFFF10];
	v38 =	vadd.f32 v38, v35  }
0xd0: {  	s31 =	simm.s32 $0x20;
	v49 =	vld [tilespmem:s11+$0x0];
	v63 =	vadd.s32 v9, v44;
	v42 =	vbroadcast v42, $0x0;
	[tilespmem:v59+s17+$0x0] =	vst.idx.msk $0xffff, v41  }
0xd1: {  	v54 =	vmov s31;
	v50 =	vadd.s32 v18, v40;
	v47 =	vld [tilespmem:s28+$0x90];
	[tilespmem:v60+s17+$0x0] =	vst.idx.msk $0xffff, v38  }
0xd2: {  	v55 =	vshrl.u32 v54, $0x3;
	v56 =	vadd.s32 v0, v42;
	v48 =	vld [tilespmem:s25+$0x120]  }
0xd3: {  	v51 =	vadd.s32 v10, v39;
	v46 =	vadd.f32 v62, v36;
	v38 =	vshll.u32 v55, v1  }
0xd4: {  	v53 =	vadd.s32 v19, v37;
	v52 =	vld [tilespmem:s11+$0xFFFFFE00];
	v43 =	vadd.f32 v43, v35;
	v38 =	vbroadcast v38, $0x0  }
0xd5: {  	v57 =	vadd.f32 v49, v36;
	[tilespmem:v63+s17+$0x0] =	vst.idx.msk $0xffff, v46  }
0xd6: {  	v46 =	vld [tilespmem:s28+$0xFFFFFE90];
	v47 =	vadd.f32 v47, v35;
	[tilespmem:v50+s17+$0x0] =	vst.idx.msk $0xffff, v43;
	v58 =	vadd.s32 v0, v38  }
0xd7: {  	[tilespmem:v56+s17+$0x0] =	vst.idx.msk $0xffff, v57;
	v41 =	vld [tilespmem:s25+$0xFFFFFF20];
	v59 =	vadd.f32 v48, v34  }
0xd8: {  	v45 =	vld [tilespmem:s11+$0x10];
	v60 =	vadd.s32 v10, v44;
	[tilespmem:v51+s17+$0x0] =	vst.idx.msk $0xffff, v47  }
0xd9: {  	v61 =	vadd.f32 v52, v36;
	v63 =	vadd.s32 v19, v40;
	v62 =	vld [tilespmem:s28+$0xA0];
	[tilespmem:v53+s17+$0x0] =	vst.idx.msk $0xffff, v59  }
0xda: {  	v56 =	vadd.s32 v2, v42;
	v57 =	vld [tilespmem:s25+$0x130]  }
0xdb: {  	v46 =	vadd.f32 v46, v35;
	[tilespmem:v58+s17+$0x0] =	vst.idx.msk $0xffff, v61;
	v58 =	vadd.s32 v11, v39  }
0xdc: {  	v37 =	vadd.s32 v20, v37;
	v41 =	vadd.f32 v41, v34;
	v49 =	vld [tilespmem:s11+$0xFFFFFE10]  }
0xdd: {  	v45 =	vadd.f32 v45, v35;
	[tilespmem:v60+s17+$0x0] =	vst.idx.msk $0xffff, v46  }
0xde: {  	s10 =	simm.s32 $0xD;
	v48 =	vld [tilespmem:s28+$0xFFFFFEA0];
	v50 =	vadd.f32 v62, v34;
	v59 =	vadd.s32 v2, v38;
	[tilespmem:v63+s17+$0x0] =	vst.idx.msk $0xffff, v41  }
0xdf: {  	[tilespmem:v56+s17+$0x0] =	vst.idx.msk $0xffff, v45;
	v61 =	vmov s10;
	v41 =	vld [tilespmem:s25+$0xFFFFFF30];
	v60 =	vadd.f32 v57, v33  }
0xe0: {  	v52 =	vadd.s32 v11, v44;
	v40 =	vadd.s32 v20, v40;
	v51 =	vld [tilespmem:s11+$0x20];
	v45 =	vshrl.u32 v61, $0x3;
	[tilespmem:v58+s17+$0x0] =	vst.idx.msk $0xffff, v50  }
0xe1: {  	v55 =	vshll.u32 v45, v1;
	v62 =	vadd.f32 v49, v35;
	v63 =	vld [tilespmem:s28+$0xB0];
	[tilespmem:v37+s17+$0x0] =	vst.idx.msk $0xffff, v60  }
0xe2: {  	v43 =	vadd.s32 v3, v42;
	v37 =	vbroadcast v55, $0x0;
	v56 =	vld [tilespmem:s25+$0x140]  }
0xe3: {  	s2 =	simm.s32 $0x5;
	v39 =	vadd.s32 v12, v39;
	v58 =	vadd.f32 v48, v34;
	[tilespmem:v59+s17+$0x0] =	vst.idx.msk $0xffff, v62  }
0xe4: {  	v57 =	vmov s2;
	v41 =	vadd.f32 v41, v33;
	v60 =	vld [tilespmem:s11+$0xFFFFFE20];
	v61 =	vadd.s32 v21, v37  }
0xe5: {  	s4 =	simm.s32 $0x1B;
	v51 =	vadd.f32 v51, v34;
	[tilespmem:v52+s17+$0x0] =	vst.idx.msk $0xffff, v58;
	v59 =	vshrl.u32 v57, $0x3;
	v62 =	vadd.s32 v3, v38  }
0xe6: {  	v52 =	vld [tilespmem:s28+$0xFFFFFEB0];
	[tilespmem:v40+s17+$0x0] =	vst.idx.msk $0xffff, v41;
	v47 =	vshll.u32 v59, v1;
	v49 =	vadd.f32 v63, v33;
	v63 =	vmov s4  }
0xe7: {  	[tilespmem:v43+s17+$0x0] =	vst.idx.msk $0xffff, v51;
	v54 =	vld [tilespmem:s25+$0xFFFFFF40];
	v40 =	vbroadcast v47, $0x0;
	v53 =	vshrl.u32 v63, $0x3;
	v45 =	vadd.f32 v56, v36  }
0xe8: {  	v44 =	vadd.s32 v12, v44;
	v63 =	vld [tilespmem:s11+$0x30];
	[tilespmem:v39+s17+$0x0] =	vst.idx.msk $0xffff, v49;
	v55 =	vshll.u32 v53, v1  }
0xe9: {  	v58 =	vadd.s32 v21, v40;
	v56 =	vadd.f32 v60, v34;
	v57 =	vld [tilespmem:s28+$0xC0];
	v49 =	vbroadcast v55, $0x0;
	[tilespmem:v61+s17+$0x0] =	vst.idx.msk $0xffff, v45  }
0xea: {  	s5 =	simm.s32 $0x13;
	v42 =	vadd.s32 v4, v42;
	v38 =	vadd.s32 v4, v38;
	v50 =	vld [tilespmem:s25+$0x150]  }
0xeb: {  	v59 =	vmov s5;
	v60 =	vadd.f32 v52, v33;
	[tilespmem:v62+s17+$0x0] =	vst.idx.msk $0xffff, v56;
	v61 =	vadd.s32 v13, v49  }
0xec: {  	s10 =	simm.s32 $0x29;
	v43 =	vadd.f32 v54, v36;
	v52 =	vadd.s32 v22, v37;
	v45 =	vshrl.u32 v59, $0x3;
	v62 =	vld [tilespmem:s11+$0xFFFFFE30]  }
0xed: {  	[tilespmem:v44+s17+$0x0] =	vst.idx.msk $0xffff, v60;
	v45 =	vshll.u32 v45, v1;
	v47 =	vadd.f32 v63, v33;
	v63 =	vmov s10  }
0xee: {  	[tilespmem:v58+s17+$0x0] =	vst.idx.msk $0xffff, v43;
	v41 =	vbroadcast v45, $0x0;
	v56 =	vshrl.u32 v63, $0x3;
	v45 =	vld [tilespmem:s28+$0xFFFFFEC0];
	v48 =	vadd.f32 v57, v36  }
0xef: {  	s2 =	simm.s32 $0x21;
	[tilespmem:v42+s17+$0x0] =	vst.idx.msk $0xffff, v47;
	v57 =	vshll.u32 v56, v1;
	v42 =	vld [tilespmem:s25+$0xFFFFFF50];
	v58 =	vadd.f32 v50, v35  }
0xf0: {  	v59 =	vmov s2;
	v47 =	vld [tilespmem:s11+$0x40];
	v60 =	vadd.s32 v13, v41;
	[tilespmem:v61+s17+$0x0] =	vst.idx.msk $0xffff, v48;
	v50 =	vbroadcast v57, $0x0  }
0xf1: {  	v44 =	vshrl.u32 v59, $0x3;
	v61 =	vadd.f32 v62, v33;
	v48 =	vld [tilespmem:s28+$0xD0];
	v62 =	vadd.s32 v22, v40;
	[tilespmem:v52+s17+$0x0] =	vst.idx.msk $0xffff, v58  }
0xf2: {  	v63 =	vshll.u32 v44, v1;
	v56 =	vadd.s32 v5, v50;
	v52 =	vld [tilespmem:s25+$0x160]  }
0xf3: {  	v57 =	vadd.f32 v45, v36;
	[tilespmem:v38+s17+$0x0] =	vst.idx.msk $0xffff, v61;
	v58 =	vadd.s32 v14, v49  }
0xf4: {  	v59 =	vadd.s32 v23, v37;
	v43 =	vbroadcast v63, $0x0;
	v42 =	vadd.f32 v42, v35;
	v46 =	vld [tilespmem:s11+$0xFFFFFE40]  }
0xf5: {  	v47 =	vadd.f32 v47, v36;
	[tilespmem:v60+s17+$0x0] =	vst.idx.msk $0xffff, v57  }
0xf6: {  	v60 =	vadd.s32 v5, v43;
	v39 =	vld [tilespmem:s28+$0xFFFFFED0];
	v48 =	vadd.f32 v48, v35;
	[tilespmem:v62+s17+$0x0] =	vst.idx.msk $0xffff, v42  }
0xf7: {  	v42 =	vld [tilespmem:s25+$0xFFFFFF60];
	[tilespmem:v56+s17+$0x0] =	vst.idx.msk $0xffff, v47;
	v61 =	vadd.f32 v52, v34  }
0xf8: {  	v62 =	vadd.s32 v14, v41;
	[tilespmem:v58+s17+$0x0] =	vst.idx.msk $0xffff, v48;
	v47 =	vld [tilespmem:s11+$0x50]  }
0xf9: {  	v57 =	vadd.s32 v23, v40;
	v63 =	vadd.f32 v46, v36;
	v56 =	vld [tilespmem:s28+$0xE0];
	[tilespmem:v59+s17+$0x0] =	vst.idx.msk $0xffff, v61  }
0xfa: {  	v58 =	vadd.s32 v6, v50;
	v59 =	vld [tilespmem:s25+$0x170]  }
0xfb: {  	[tilespmem:v60+s17+$0x0] =	vst.idx.msk $0xffff, v63;
	v60 =	vadd.f32 v39, v35;
	v61 =	vadd.s32 v15, v49  }
0xfc: {  	v37 =	vadd.s32 v24, v37;
	v51 =	vadd.s32 v6, v43;
	v45 =	vld [tilespmem:s11+$0xFFFFFE50];
	v42 =	vadd.f32 v42, v34  }
0xfd: {  	v40 =	vadd.s32 v24, v40;
	[tilespmem:v62+s17+$0x0] =	vst.idx.msk $0xffff, v60;
	v47 =	vadd.f32 v47, v35  }
0xfe: {  	s5 =	simm.s32 $0xE;
	s4 =	simm.s32 $0x6;
	v52 =	vadd.s32 v15, v41;
	v63 =	vld [tilespmem:s28+$0xFFFFFEE0];
	v46 =	vadd.f32 v56, v34;
	[tilespmem:v57+s17+$0x0] =	vst.idx.msk $0xffff, v42  }
0xff: {  	v62 =	vmov s4;
	v42 =	vld [tilespmem:s25+$0xFFFFFF70];
	[tilespmem:v58+s17+$0x0] =	vst.idx.msk $0xffff, v47;
	v58 =	vadd.f32 v59, v33;
	v59 =	vmov s5  }
0x100: {  	v38 =	vshrl.u32 v62, $0x3;
	v62 =	vadd.s32 v7, v50;
	[tilespmem:v61+s17+$0x0] =	vst.idx.msk $0xffff, v46;
	v48 =	vld [tilespmem:s11+$0x60];
	v60 =	vshrl.u32 v59, $0x3  }
0x101: {  	v45 =	vadd.f32 v45, v35;
	v54 =	vld [tilespmem:s28+$0xF0];
	[tilespmem:v37+s17+$0x0] =	vst.idx.msk $0xffff, v58;
	v61 =	vshll.u32 v60, v1  }
0x102: {  	s10 =	simm.s32 $0x7;
	v50 =	vadd.s32 v8, v50;
	v38 =	vshll.u32 v38, v1;
	v55 =	vld [tilespmem:s25+$0x180];
	v39 =	vbroadcast v61, $0x0  }
0x103: {  	v56 =	vmov s10;
	[tilespmem:v51+s17+$0x0] =	vst.idx.msk $0xffff, v45;
	v63 =	vadd.f32 v63, v34;
	v45 =	vadd.s32 v16, v49  }
0x104: {  	s4 =	simm.s32 $0x15;
	v56 =	vshrl.u32 v56, $0x3;
	s5 =	simm.s32 $0x14;
	v51 =	vld [tilespmem:s11+$0xFFFFFE60];
	v42 =	vadd.f32 v42, v33;
	v60 =	vadd.s32 v25, v39  }
0x105: {  	v57 =	vmov s5;
	v49 =	vmov s4;
	s4 =	simm.s32 $0x1C;
	[tilespmem:v52+s17+$0x0] =	vst.idx.msk $0xffff, v63;
	v48 =	vadd.f32 v48, v34  }
0x106: {  	v61 =	vadd.s32 v7, v43;
	v59 =	vmov s4;
	v58 =	vld [tilespmem:s28+$0xFFFFFEF0];
	v54 =	vadd.f32 v54, v33;
	[tilespmem:v40+s17+$0x0] =	vst.idx.msk $0xffff, v42  }
0x107: {  	v37 =	vbroadcast v38, $0x0;
	v40 =	vld [tilespmem:s25+$0xFFFFFF80];
	[tilespmem:v62+s17+$0x0] =	vst.idx.msk $0xffff, v48;
	v62 =	vshrl.u32 v59, $0x3;
	v63 =	vadd.f32 v55, v36  }
0x108: {  	v57 =	vshrl.u32 v57, $0x3;
	v48 =	vadd.s32 v16, v41;
	[tilespmem:v45+s17+$0x0] =	vst.idx.msk $0xffff, v54;
	v44 =	vld [tilespmem:s11+$0x70];
	v38 =	vshll.u32 v62, v1  }
0x109: {  	s2 =	simm.s32 $0x30;
	s10 =	simm.s32 $0x23;
	v59 =	vadd.f32 v51, v34;
	v51 =	vld [tilespmem:s28+$0x100];
	v41 =	vbroadcast v38, $0x0;
	v38 =	vadd.s32 v25, v37;
	[tilespmem:v60+s17+$0x0] =	vst.idx.msk $0xffff, v63  }
0x10a: {  	v47 =	vmov s2;
	v46 =	vmov s10;
	v42 =	vshll.u32 v57, v1;
	v53 =	vld [tilespmem:s25+$0x190]  }
0x10b: {  	v47 =	vshrl.u32 v47, $0x3;
	[tilespmem:v61+s17+$0x0] =	vst.idx.msk $0xffff, v59;
	v60 =	vadd.f32 v58, v33;
	v61 =	vadd.s32 v17, v41  }
0x10c: {  	s10 =	simm.s32 $0x2A;
	v42 =	vbroadcast v42, $0x0;
	v58 =	vadd.s32 v26, v39;
	v62 =	vld [tilespmem:s11+$0xFFFFFE70];
	v40 =	vadd.f32 v40, v36  }
0x10d: {  	v55 =	vshll.u32 v47, v1;
	v63 =	vmov s10;
	[tilespmem:v48+s17+$0x0] =	vst.idx.msk $0xffff, v60;
	v44 =	vadd.f32 v44, v33  }
0x10e: {  	s5 =	simm.s32 $0x22;
	v45 =	vshrl.u32 v63, $0x3;
	v48 =	vadd.s32 v8, v43;
	v59 =	vld [tilespmem:s28+$0xFFFFFF00];
	v51 =	vadd.f32 v51, v36;
	[tilespmem:v38+s17+$0x0] =	vst.idx.msk $0xffff, v40  }
0x10f: {  	v54 =	vmov s5;
	[tilespmem:v50+s17+$0x0] =	vst.idx.msk $0xffff, v44;
	v50 =	vshll.u32 v45, v1;
	v43 =	vld [tilespmem:s25+$0xFFFFFF90];
	v60 =	vadd.f32 v53, v35  }
0x110: {  	v45 =	vshrl.u32 v49, $0x3;
	v49 =	vadd.s32 v17, v42;
	v47 =	vbroadcast v50, $0x0;
	[tilespmem:v61+s17+$0x0] =	vst.idx.msk $0xffff, v51;
	v53 =	vld [tilespmem:s11+$0x80]  }
0x111: {  	v40 =	vadd.s32 v26, v37;
	v61 =	vadd.f32 v62, v33;
	v62 =	vshrl.u32 v54, $0x3;
	v50 =	vld [tilespmem:s28+$0x110];
	[tilespmem:v58+s17+$0x0] =	vst.idx.msk $0xffff, v60  }
0x112: {  	v38 =	vshll.u32 v56, v1;
	v63 =	vshll.u32 v62, v1;
	v54 =	vadd.s32 v9, v47;
	v44 =	vld [tilespmem:s25+$0x1A0]  }
0x113: {  	s0 =	simm.s32 $0xC00;
	s4 =	simm.s32 $0x40;
	s10 =	simm.s32 $0x38;
	v51 =	vadd.s32 v18, v41;
	[tilespmem:v48+s17+$0x0] =	vst.idx.msk $0xffff, v61;
	v48 =	vbroadcast v63, $0x0;
	v52 =	vadd.f32 v59, v36  }
.LBB2_3:
0x114: {  	p1 =	slt.u32 s4, $0xF0;
	v56 =	vmov s10;
	v57 =	vld [tilespmem:s11+$0xFFFFFE80];
	v43 =	vadd.f32 v43, v35;
	v58 =	vadd.s32 v27, v39  }
0x115: {  	v56 =	vshrl.u32 v56, $0x3;
	v59 =	vadd.s32 v9, v48;
	v53 =	vadd.f32 v53, v36;
	[tilespmem:v49+s17+$0x0] =	vst.idx.msk $0xffff, v52  }
0x116: {  	s11 =	sadd.s32 $0x400, s11;
	v52 =	vshrl.u32 v46, $0x3;
	v49 =	vshll.u32 v56, v1;
	v56 =	vld [tilespmem:s28+$0xFFFFFF10];
	v50 =	vadd.f32 v50, v35;
	[tilespmem:v40+s17+$0x0] =	vst.idx.msk $0xffff, v43  }
0x117: {  	s10 =	sadd.s32 $0x1, s2;
	v60 =	vld [tilespmem:s11+$0x0];
	v46 =	vbroadcast v49, $0x0;
	[tilespmem:v54+s17+$0x0] =	vst.idx.msk $0xffff, v53;
	v53 =	vshll.u32 v45, v1;
	v40 =	vadd.f32 v44, v34  }
0x118: {  	v43 =	vmov s10;
	v44 =	vshll.u32 v52, v1;
	v49 =	vadd.s32 v18, v42;
	v45 =	vld [tilespmem:s0+$0x90];
	[tilespmem:v51+s17+$0x0] =	vst.idx.msk $0xffff, v50  }
0x119: {  	v43 =	vshrl.u32 v43, $0x3;
	v50 =	vadd.s32 v0, v46;
	v51 =	vadd.f32 v57, v36;
	v52 =	vld [tilespmem:s28+$0x120];
	[tilespmem:v58+s17+$0x0] =	vst.idx.msk $0xffff, v40  }
0x11a: {  	v54 =	vbroadcast v55, $0x0;
	v55 =	vadd.s32 v10, v47;
	v40 =	vshll.u32 v43, v1;
	v57 =	vld [tilespmem:s25+$0x1B0]  }
0x11b: {  	v58 =	vld [tilespmem:s11+$0xFFFFFE00];
	[tilespmem:v59+s17+$0x0] =	vst.idx.msk $0xffff, v51;
	v51 =	vadd.f32 v56, v35;
	v56 =	vadd.s32 v19, v41  }
0x11c: {  	v39 =	vadd.s32 v28, v39;
	v43 =	vadd.s32 v4, v54;
	v59 =	vadd.f32 v60, v36;
	v60 =	vld [tilespmem:s0+$0xFFFFFE90]  }
0x11d: {  	v61 =	vadd.s32 v0, v54;
	v45 =	vadd.f32 v45, v35;
	[tilespmem:v49+s17+$0x0] =	vst.idx.msk $0xffff, v51;
	v49 =	vld [tilespmem:s25+$0xFFFFFFA0]  }
0x11e: {  	s10 =	sadd.s32 $0xF, s29;
	s29 =	smov.u32 s30;
	s30 =	smov.u32 s31;
	v51 =	vadd.s32 v2, v54;
	[tilespmem:v50+s17+$0x0] =	vst.idx.msk $0xffff, v59;
	v50 =	vld [tilespmem:s28+$0xFFFFFF20];
	v52 =	vadd.f32 v52, v34  }
0x11f: {  	v62 =	vadd.s32 v10, v48;
	s31 =	smov.u32 s2;
	s2 =	smov.u32 s4;
	v59 =	vld [tilespmem:s11+$0x10];
	[tilespmem:v55+s17+$0x0] =	vst.idx.msk $0xffff, v45;
	v45 =	vadd.f32 v57, v33;
	v55 =	vmov s10  }
0x120: {  	v63 =	vadd.s32 v19, v42;
	v57 =	vadd.f32 v58, v36;
	v58 =	vld [tilespmem:s0+$0xA0];
	[tilespmem:v56+s17+$0x0] =	vst.idx.msk $0xffff, v52;
	v52 =	vshrl.u32 v55, $0x3  }
0x121: {  	v55 =	vadd.s32 v2, v46;
	v56 =	vld [tilespmem:s28+$0x130];
	[tilespmem:v39+s17+$0x0] =	vst.idx.msk $0xffff, v45;
	v39 =	vshll.u32 v52, v1  }
0x122: {  	v52 =	vadd.f32 v60, v35;
	[tilespmem:v61+s17+$0x0] =	vst.idx.msk $0xffff, v57;
	v57 =	vadd.s32 v11, v47;
	v60 =	vld [tilespmem:s25+$0x1C0];
	v45 =	vbroadcast v39, $0x0  }
0x123: {  	v41 =	vadd.s32 v20, v41;
	v61 =	vadd.f32 v49, v34;
	v39 =	vld [tilespmem:s11+$0xFFFFFE10];
	v50 =	vadd.f32 v50, v34  }
0x124: {  	v49 =	vadd.f32 v59, v35;
	[tilespmem:v62+s17+$0x0] =	vst.idx.msk $0xffff, v52;
	v52 =	vadd.s32 v29, v45  }
0x125: {  	s10 =	sadd.s32 $0xD, s29;
	v59 =	vld [tilespmem:s0+$0xFFFFFEA0];
	v58 =	vadd.f32 v58, v34;
	[tilespmem:v63+s17+$0x0] =	vst.idx.msk $0xffff, v50;
	v50 =	vadd.s32 v27, v37  }
0x126: {  	v42 =	vadd.s32 v20, v42;
	[tilespmem:v55+s17+$0x0] =	vst.idx.msk $0xffff, v49;
	v55 =	vld [tilespmem:s28+$0xFFFFFF30];
	v49 =	vadd.f32 v56, v33;
	v56 =	vmov s10  }
0x127: {  	v63 =	vadd.s32 v11, v48;
	v62 =	vld [tilespmem:s11+$0x20];
	[tilespmem:v57+s17+$0x0] =	vst.idx.msk $0xffff, v58;
	v56 =	vshrl.u32 v56, $0x3;
	v57 =	vadd.f32 v60, v36  }
0x128: {  	v39 =	vadd.f32 v39, v35;
	v58 =	vld [tilespmem:s0+$0xB0];
	[tilespmem:v41+s17+$0x0] =	vst.idx.msk $0xffff, v49;
	v41 =	vshll.u32 v56, v1  }
0x129: {  	v54 =	vadd.s32 v3, v54;
	v56 =	vadd.s32 v3, v46;
	v60 =	vld [tilespmem:s28+$0x140];
	v49 =	vbroadcast v41, $0x0;
	[tilespmem:v52+s17+$0x0] =	vst.idx.msk $0xffff, v57  }
0x12a: {  	v41 =	vadd.s32 v12, v47;
	[tilespmem:v51+s17+$0x0] =	vst.idx.msk $0xffff, v39;
	v39 =	vadd.f32 v59, v34;
	v47 =	vld [tilespmem:s25+$0x1D0]  }
0x12b: {  	v51 =	vld [tilespmem:s11+$0xFFFFFE20];
	v52 =	vadd.f32 v55, v33;
	v55 =	vadd.s32 v21, v49;
	[tilespmem:v50+s17+$0x0] =	vst.idx.msk $0xffff, v61  }
0x12c: {  	s10 =	sadd.s32 $0xB, s30;
	v57 =	vadd.s32 v30, v45;
	v50 =	vadd.f32 v62, v34;
	[tilespmem:v63+s17+$0x0] =	vst.idx.msk $0xffff, v39;
	v39 =	vbroadcast v53, $0x0;
	v53 =	vld [tilespmem:s25+$0xFFFFFFB0]  }
0x12d: {  	v61 =	vmov s10;
	v59 =	vld [tilespmem:s0+$0xFFFFFEB0];
	v58 =	vadd.f32 v58, v33;
	[tilespmem:v42+s17+$0x0] =	vst.idx.msk $0xffff, v52;
	v42 =	vadd.s32 v28, v37  }
0x12e: {  	v48 =	vadd.s32 v12, v48;
	v37 =	vshrl.u32 v61, $0x3;
	[tilespmem:v56+s17+$0x0] =	vst.idx.msk $0xffff, v50;
	v50 =	vld [tilespmem:s28+$0xFFFFFF40];
	v52 =	vadd.f32 v60, v36  }
0x12f: {  	v37 =	vshll.u32 v37, v1;
	v56 =	vld [tilespmem:s11+$0x30];
	[tilespmem:v41+s17+$0x0] =	vst.idx.msk $0xffff, v58;
	v41 =	vadd.f32 v47, v35  }
0x130: {  	v37 =	vbroadcast v37, $0x0;
	v58 =	vadd.s32 v21, v39;
	v47 =	vadd.f32 v51, v34;
	v51 =	vld [tilespmem:s0+$0xC0];
	[tilespmem:v55+s17+$0x0] =	vst.idx.msk $0xffff, v52  }
0x131: {  	v46 =	vadd.s32 v4, v46;
	v52 =	vld [tilespmem:s28+$0x150];
	v53 =	vadd.f32 v53, v33;
	[tilespmem:v57+s17+$0x0] =	vst.idx.msk $0xffff, v41  }
0x132: {  	v38 =	vbroadcast v38, $0x0;
	[tilespmem:v54+s17+$0x0] =	vst.idx.msk $0xffff, v47;
	v47 =	vadd.f32 v59, v33;
	v54 =	vadd.s32 v13, v37;
	v55 =	vld [tilespmem:s25+$0x1E0]  }
0x133: {  	s10 =	sadd.s32 $0x9, s31;
	v41 =	vbroadcast v44, $0x0;
	v57 =	vld [tilespmem:s11+$0xFFFFFE30];
	v44 =	vadd.f32 v50, v36;
	v50 =	vadd.s32 v22, v49;
	[tilespmem:v42+s17+$0x0] =	vst.idx.msk $0xffff, v53  }
0x134: {  	v53 =	vmov s10;
	v42 =	vadd.f32 v56, v33;
	[tilespmem:v48+s17+$0x0] =	vst.idx.msk $0xffff, v47;
	v47 =	vld [tilespmem:s25+$0xFFFFFFC0];
	v48 =	vadd.s32 v31, v45  }
0x135: {  	v53 =	vshrl.u32 v53, $0x3;
	v56 =	vld [tilespmem:s0+$0xFFFFFEC0];
	v51 =	vadd.f32 v51, v36;
	[tilespmem:v58+s17+$0x0] =	vst.idx.msk $0xffff, v44;
	v44 =	vadd.s32 v29, v38  }
0x136: {  	[tilespmem:v46+s17+$0x0] =	vst.idx.msk $0xffff, v42;
	v42 =	vshll.u32 v53, v1;
	v46 =	vld [tilespmem:s28+$0xFFFFFF50];
	v52 =	vadd.f32 v52, v35  }
0x137: {  	v58 =	vadd.s32 v13, v41;
	v53 =	vld [tilespmem:s11+$0x40];
	v42 =	vbroadcast v42, $0x0;
	[tilespmem:v54+s17+$0x0] =	vst.idx.msk $0xffff, v51;
	v51 =	vadd.f32 v55, v34  }
0x138: {  	v54 =	vadd.f32 v57, v33;
	v55 =	vld [tilespmem:s0+$0xD0];
	v57 =	vadd.s32 v22, v39;
	[tilespmem:v50+s17+$0x0] =	vst.idx.msk $0xffff, v52  }
0x139: {  	v50 =	vadd.s32 v5, v42;
	v52 =	vld [tilespmem:s28+$0x160];
	v47 =	vadd.f32 v47, v36;
	[tilespmem:v48+s17+$0x0] =	vst.idx.msk $0xffff, v51  }
0x13a: {  	v48 =	vadd.s32 v14, v37;
	[tilespmem:v43+s17+$0x0] =	vst.idx.msk $0xffff, v54;
	v43 =	vadd.f32 v56, v36;
	v51 =	vld [tilespmem:s25+$0x1F0]  }
0x13b: {  	v40 =	vbroadcast v40, $0x0;
	v56 =	vadd.s32 v23, v49;
	v54 =	vld [tilespmem:s11+$0xFFFFFE40];
	v46 =	vadd.f32 v46, v35;
	[tilespmem:v44+s17+$0x0] =	vst.idx.msk $0xffff, v47  }
0x13c: {  	v45 =	vadd.s32 v32, v45;
	v44 =	vadd.f32 v53, v36;
	[tilespmem:v58+s17+$0x0] =	vst.idx.msk $0xffff, v43;
	v43 =	vld [tilespmem:s25+$0xFFFFFFD0]  }
0x13d: {  	v47 =	vadd.s32 v5, v40;
	v53 =	vld [tilespmem:s0+$0xFFFFFED0];
	v55 =	vadd.f32 v55, v35;
	[tilespmem:v57+s17+$0x0] =	vst.idx.msk $0xffff, v46  }
0x13e: {  	[tilespmem:v50+s17+$0x0] =	vst.idx.msk $0xffff, v44;
	v44 =	vld [tilespmem:s28+$0xFFFFFF60];
	v46 =	vadd.f32 v52, v34;
	v50 =	vadd.s32 v30, v38  }
0x13f: {  	v57 =	vadd.s32 v14, v41;
	v52 =	vld [tilespmem:s11+$0x50];
	[tilespmem:v48+s17+$0x0] =	vst.idx.msk $0xffff, v55;
	v48 =	vadd.f32 v51, v33  }
0x140: {  	v55 =	vadd.s32 v23, v39;
	v51 =	vadd.f32 v54, v36;
	v54 =	vld [tilespmem:s0+$0xE0];
	[tilespmem:v56+s17+$0x0] =	vst.idx.msk $0xffff, v46  }
0x141: {  	s10 =	sadd.s32 $0x6, s29;
	v46 =	vadd.s32 v6, v42;
	v56 =	vld [tilespmem:s28+$0x170];
	v43 =	vadd.f32 v43, v35;
	[tilespmem:v45+s17+$0x0] =	vst.idx.msk $0xffff, v48  }
0x142: {  	v48 =	vmov s10;
	[tilespmem:v47+s17+$0x0] =	vst.idx.msk $0xffff, v51;
	v45 =	vadd.f32 v53, v35;
	v47 =	vadd.s32 v15, v37  }
0x143: {  	v49 =	vadd.s32 v24, v49;
	v48 =	vshrl.u32 v48, $0x3;
	v51 =	vld [tilespmem:s11+$0xFFFFFE50];
	v44 =	vadd.f32 v44, v34;
	[tilespmem:v50+s17+$0x0] =	vst.idx.msk $0xffff, v43  }
0x144: {  	s10 =	sadd.s32 $0x7, s29;
	v43 =	vmov s4;
	v50 =	vadd.f32 v52, v35;
	[tilespmem:v57+s17+$0x0] =	vst.idx.msk $0xffff, v45;
	v45 =	vshll.u32 v48, v1;
	v48 =	vld [tilespmem:s25+$0xFFFFFFE0]  }
0x145: {  	v52 =	vadd.s32 v6, v40;
	v53 =	vld [tilespmem:s0+$0xFFFFFEE0];
	v54 =	vadd.f32 v54, v34;
	[tilespmem:v55+s17+$0x0] =	vst.idx.msk $0xffff, v44;
	v44 =	vmov s10;
	s10 =	sadd.s32 $0xE, s29  }
0x146: {  	[tilespmem:v46+s17+$0x0] =	vst.idx.msk $0xffff, v50;
	v50 =	vld [tilespmem:s28+$0xFFFFFF70];
	v46 =	vadd.f32 v56, v33;
	v55 =	vmov s10;
	v56 =	vadd.s32 v31, v38  }
0x147: {  	v58 =	vadd.s32 v15, v41;
	s10 =	sadd.s32 $0x5, s30;
	v57 =	vld [tilespmem:s11+$0x60];
	[tilespmem:v47+s17+$0x0] =	vst.idx.msk $0xffff, v54;
	v47 =	vadd.s32 v24, v39;
	v39 =	vshrl.u32 v55, $0x3  }
0x148: {  	v54 =	vmov s10;
	v51 =	vadd.f32 v51, v35;
	v55 =	vld [tilespmem:s0+$0xF0];
	[tilespmem:v49+s17+$0x0] =	vst.idx.msk $0xffff, v46;
	v39 =	vshll.u32 v39, v1  }
0x149: {  	s10 =	sadd.s32 $0x4, s30;
	v49 =	vadd.s32 v7, v42;
	v59 =	vld [tilespmem:s28+$0x180];
	v39 =	vbroadcast v39, $0x0;
	v48 =	vadd.f32 v48, v34  }
0x14a: {  	s5 =	sadd.s32 $0x3, s31;
	[tilespmem:v52+s17+$0x0] =	vst.idx.msk $0xffff, v51;
	v51 =	vadd.f32 v53, v34;
	v52 =	vmov s10;
	v53 =	vadd.s32 v16, v37  }
0x14b: {  	v46 =	vmov s5;
	s10 =	sadd.s32 $0x2, s31;
	v60 =	vld [tilespmem:s11+$0xFFFFFE60];
	v50 =	vadd.f32 v50, v33;
	v61 =	vadd.s32 v25, v39;
	[tilespmem:v56+s17+$0x0] =	vst.idx.msk $0xffff, v48  }
0x14c: {  	s5 =	sadd.s32 $0xC, s30;
	v37 =	vbroadcast v45, $0x0;
	v48 =	vmov s10;
	v56 =	vadd.f32 v57, v34;
	[tilespmem:v58+s17+$0x0] =	vst.idx.msk $0xffff, v51;
	v45 =	vld [tilespmem:s25+$0xFFFFFFF0];
	s25 =	smov.u32 s28;
	s28 =	smov.u32 s0  }
0x14d: {  	v51 =	vadd.s32 v7, v40;
	v58 =	vmov s5;
	s0 =	smov.u32 s11;
	v57 =	vld [tilespmem:s28+$0xFFFFFEF0];
	v55 =	vadd.f32 v55, v33;
	[tilespmem:v47+s17+$0x0] =	vst.idx.msk $0xffff, v50  }
0x14e: {  	v38 =	vadd.s32 v32, v38;
	v47 =	vshrl.u32 v58, $0x3;
	[tilespmem:v49+s17+$0x0] =	vst.idx.msk $0xffff, v56;
	v49 =	vld [tilespmem:s25+$0xFFFFFF80];
	v50 =	vadd.f32 v59, v36  }
0x14f: {  	v52 =	vshrl.u32 v52, $0x3;
	v58 =	vadd.s32 v16, v41;
	v41 =	vshll.u32 v47, v1;
	v56 =	vld [tilespmem:s11+$0x70];
	[tilespmem:v53+s17+$0x0] =	vst.idx.msk $0xffff, v55  }
0x150: {  	v41 =	vbroadcast v41, $0x0;
	v55 =	vadd.s32 v25, v37;
	v47 =	vadd.f32 v60, v34;
	v53 =	vld [tilespmem:s28+$0x100];
	[tilespmem:v61+s17+$0x0] =	vst.idx.msk $0xffff, v50  }
0x151: {  	v50 =	vadd.s32 v8, v42;
	v42 =	vshll.u32 v52, v1;
	v52 =	vld [tilespmem:s25+$0x190];
	v45 =	vadd.f32 v45, v33  }
0x152: {  	v59 =	vshrl.u32 v43, $0x3;
	[tilespmem:v51+s17+$0x0] =	vst.idx.msk $0xffff, v47;
	v43 =	vadd.f32 v57, v33;
	v51 =	vadd.s32 v17, v41  }
0x153: {  	v44 =	vshrl.u32 v44, $0x3;
	s5 =	sadd.s32 $0xA, s31;
	v60 =	vadd.s32 v26, v39;
	v57 =	vld [tilespmem:s11+$0xFFFFFE70];
	v47 =	vadd.f32 v49, v36;
	[tilespmem:v38+s17+$0x0] =	vst.idx.msk $0xffff, v45  }
0x154: {  	v42 =	vbroadcast v42, $0x0;
	v45 =	vmov s5;
	v38 =	vadd.f32 v56, v33;
	[tilespmem:v58+s17+$0x0] =	vst.idx.msk $0xffff, v43  }
0x155: {  	v56 =	vadd.s32 v8, v40;
	v40 =	vshrl.u32 v45, $0x3;
	v58 =	vld [tilespmem:s28+$0xFFFFFF00];
	v61 =	vadd.f32 v53, v36;
	[tilespmem:v55+s17+$0x0] =	vst.idx.msk $0xffff, v47  }
.Ltmp0:
0x156: {  	v45 =	vshrl.u32 v54, $0x3;
	[tilespmem:v50+s17+$0x0] =	vst.idx.msk $0xffff, v38;
	v38 =	vshll.u32 v40, v1;
	v43 =	vld [tilespmem:s25+$0xFFFFFF90];
	v52 =	vadd.f32 v52, v35;
	(pc) =	sbr.rel @p1 .LBB2_3-.Ltmp0, $4  }
0x157: {  	v49 =	vadd.s32 v17, v42;
	v55 =	vshll.u32 v59, v1;
	v53 =	vld [tilespmem:s11+$0x80];
	v47 =	vbroadcast v38, $0x0;
	[tilespmem:v51+s17+$0x0] =	vst.idx.msk $0xffff, v61  }
0x158: {  	v40 =	vadd.s32 v26, v37;
	v38 =	vshrl.u32 v48, $0x3;
	v51 =	vadd.f32 v57, v33;
	v50 =	vld [tilespmem:s28+$0x110];
	[tilespmem:v60+s17+$0x0] =	vst.idx.msk $0xffff, v52  }
0x159: {  	v48 =	vshll.u32 v38, v1;
	v38 =	vshll.u32 v44, v1;
	v54 =	vadd.s32 v9, v47;
	v44 =	vld [tilespmem:s25+$0x1A0]  }
0x15a: {  	s4 =	sadd.s32 $0x10, s4;
	s10 =	sadd.s32 $0x8, s2;
	v48 =	vbroadcast v48, $0x0;
	[tilespmem:v56+s17+$0x0] =	vst.idx.msk $0xffff, v51;
	v52 =	vadd.f32 v58, v36;
	v51 =	vadd.s32 v18, v41  }
0x15b: {  	v56 =	vmov s10  }
0x15c: {  	v56 =	vshrl.u32 v56, $0x3  }
0x15d: {  	s4 =	sadd.s32 $0x400, s11;
	v56 =	vshll.u32 v56, v1  }
0x15e: {  	v57 =	vld [tilespmem:s4+$0x0];
	v56 =	vbroadcast v56, $0x0  }
0x15f: {  	v55 =	vbroadcast v55, $0x0;
	v58 =	vld [tilespmem:s4+$0xFFFFFE00]  }
0x160: {  	v59 =	vadd.s32 v0, v56  }
0x161: {  	v60 =	vadd.s32 v0, v55;
	_ =	sdelay $0x1  }
0x162: {  	v57 =	vadd.f32 v57, v36  }
0x163: {  	v58 =	vadd.f32 v58, v36  }
0x164: {  	[tilespmem:v59+s17+$0x0] =	vst.idx.msk $0xffff, v57  }
0x165: {  	[tilespmem:v60+s17+$0x0] =	vst.idx.msk $0xffff, v58;
	v57 =	vld [tilespmem:s4+$0x10]  }
0x166: {  	v58 =	vld [tilespmem:s4+$0xFFFFFE10]  }
0x167: {  	v59 =	vadd.s32 v2, v56  }
0x168: {  	v60 =	vadd.s32 v2, v55;
	_ =	sdelay $0x1  }
0x169: {  	v57 =	vadd.f32 v57, v35  }
0x16a: {  	v58 =	vadd.f32 v58, v35  }
0x16b: {  	[tilespmem:v59+s17+$0x0] =	vst.idx.msk $0xffff, v57  }
0x16c: {  	[tilespmem:v60+s17+$0x0] =	vst.idx.msk $0xffff, v58;
	v57 =	vld [tilespmem:s4+$0x20]  }
0x16d: {  	v58 =	vld [tilespmem:s4+$0xFFFFFE20]  }
0x16e: {  	v59 =	vadd.s32 v3, v56  }
0x16f: {  	v60 =	vadd.s32 v3, v55;
	_ =	sdelay $0x1  }
0x170: {  	v57 =	vadd.f32 v57, v34  }
0x171: {  	v58 =	vadd.f32 v58, v34  }
0x172: {  	[tilespmem:v59+s17+$0x0] =	vst.idx.msk $0xffff, v57  }
0x173: {  	[tilespmem:v60+s17+$0x0] =	vst.idx.msk $0xffff, v58;
	v57 =	vld [tilespmem:s4+$0x30]  }
0x174: {  	v58 =	vld [tilespmem:s4+$0xFFFFFE30]  }
0x175: {  	v56 =	vadd.s32 v4, v56  }
0x176: {  	v55 =	vadd.s32 v4, v55  }
0x177: {  	s5 =	sadd.s32 $0x9, s2  }
0x178: {  	s10 =	sadd.s32 $0x1, s2;
	v59 =	vmov s5;
	v57 =	vadd.f32 v57, v33  }
0x179: {  	v60 =	vmov s10;
	v59 =	vshrl.u32 v59, $0x3;
	v58 =	vadd.f32 v58, v33  }
0x17a: {  	v60 =	vshrl.u32 v60, $0x3;
	v61 =	vshll.u32 v59, v1;
	[tilespmem:v56+s17+$0x0] =	vst.idx.msk $0xffff, v57  }
0x17b: {  	v62 =	vshll.u32 v60, v1;
	[tilespmem:v55+s17+$0x0] =	vst.idx.msk $0xffff, v58;
	v56 =	vbroadcast v61, $0x0;
	v59 =	vld [tilespmem:s4+$0x40]  }
0x17c: {  	v55 =	vld [tilespmem:s4+$0xFFFFFE40];
	v57 =	vbroadcast v62, $0x0  }
0x17d: {  	v58 =	vadd.s32 v5, v56  }
0x17e: {  	v60 =	vadd.s32 v5, v57;
	_ =	sdelay $0x1  }
0x17f: {  	v59 =	vadd.f32 v59, v36  }
0x180: {  	v55 =	vadd.f32 v55, v36  }
0x181: {  	[tilespmem:v58+s17+$0x0] =	vst.idx.msk $0xffff, v59  }
0x182: {  	[tilespmem:v60+s17+$0x0] =	vst.idx.msk $0xffff, v55;
	v58 =	vld [tilespmem:s4+$0x50]  }
0x183: {  	v55 =	vld [tilespmem:s4+$0xFFFFFE50]  }
0x184: {  	v59 =	vadd.s32 v6, v56  }
0x185: {  	v60 =	vadd.s32 v6, v57;
	_ =	sdelay $0x1  }
0x186: {  	v58 =	vadd.f32 v58, v35  }
0x187: {  	v55 =	vadd.f32 v55, v35  }
0x188: {  	[tilespmem:v59+s17+$0x0] =	vst.idx.msk $0xffff, v58  }
0x189: {  	[tilespmem:v60+s17+$0x0] =	vst.idx.msk $0xffff, v55;
	v58 =	vld [tilespmem:s4+$0x60]  }
0x18a: {  	v55 =	vld [tilespmem:s4+$0xFFFFFE60]  }
0x18b: {  	v59 =	vadd.s32 v7, v56  }
0x18c: {  	v60 =	vadd.s32 v7, v57;
	_ =	sdelay $0x1  }
0x18d: {  	v58 =	vadd.f32 v58, v34  }
0x18e: {  	v55 =	vadd.f32 v55, v34  }
0x18f: {  	[tilespmem:v59+s17+$0x0] =	vst.idx.msk $0xffff, v58  }
0x190: {  	[tilespmem:v60+s17+$0x0] =	vst.idx.msk $0xffff, v55;
	v58 =	vld [tilespmem:s4+$0x70]  }
0x191: {  	v55 =	vld [tilespmem:s4+$0xFFFFFE70]  }
0x192: {  	v56 =	vadd.s32 v8, v56  }
0x193: {  	v57 =	vadd.s32 v8, v57  }
0x194: {  	s10 =	sadd.s32 $0xA, s2  }
0x195: {  	v59 =	vmov s10;
	s10 =	sadd.s32 $0x2, s2;
	v58 =	vadd.f32 v58, v33  }
0x196: {  	v60 =	vmov s10;
	v59 =	vshrl.u32 v59, $0x3;
	v55 =	vadd.f32 v55, v33  }
0x197: {  	v61 =	vld [tilespmem:s11+$0xFFFFFE80];
	v63 =	vshll.u32 v59, v1;
	v62 =	vshrl.u32 v60, $0x3;
	[tilespmem:v56+s17+$0x0] =	vst.idx.msk $0xffff, v58  }
0x198: {  	[tilespmem:v57+s17+$0x0] =	vst.idx.msk $0xffff, v55;
	v56 =	vbroadcast v63, $0x0;
	v58 =	vshll.u32 v62, v1;
	v59 =	vld [tilespmem:s4+$0x80]  }
0x199: {  	v55 =	vadd.s32 v9, v48;
	v57 =	vbroadcast v58, $0x0;
	v58 =	vld [tilespmem:s4+$0xFFFFFE80]  }
0x19a: {  	v60 =	vadd.s32 v9, v56  }
0x19b: {  	v53 =	vadd.f32 v53, v36;
	v62 =	vadd.s32 v9, v57  }
0x19c: {  	v61 =	vadd.f32 v61, v36  }
0x19d: {  	[tilespmem:v54+s17+$0x0] =	vst.idx.msk $0xffff, v53;
	v63 =	vadd.f32 v59, v36  }
0x19e: {  	v54 =	vld [tilespmem:s0+$0x90];
	[tilespmem:v55+s17+$0x0] =	vst.idx.msk $0xffff, v61;
	v61 =	vadd.f32 v58, v36  }
0x19f: {  	v58 =	vld [tilespmem:s0+$0xFFFFFE90];
	[tilespmem:v60+s17+$0x0] =	vst.idx.msk $0xffff, v63  }
0x1a0: {  	v53 =	vadd.s32 v10, v47;
	[tilespmem:v62+s17+$0x0] =	vst.idx.msk $0xffff, v61;
	v59 =	vld [tilespmem:s4+$0x90]  }
0x1a1: {  	v55 =	vadd.s32 v10, v48;
	v60 =	vld [tilespmem:s4+$0xFFFFFE90]  }
0x1a2: {  	v61 =	vadd.s32 v10, v56  }
0x1a3: {  	v54 =	vadd.f32 v54, v35;
	v62 =	vadd.s32 v10, v57  }
0x1a4: {  	v58 =	vadd.f32 v58, v35  }
0x1a5: {  	[tilespmem:v53+s17+$0x0] =	vst.idx.msk $0xffff, v54;
	v63 =	vadd.f32 v59, v35  }
0x1a6: {  	v54 =	vld [tilespmem:s0+$0xA0];
	[tilespmem:v55+s17+$0x0] =	vst.idx.msk $0xffff, v58;
	v60 =	vadd.f32 v60, v35  }
0x1a7: {  	v58 =	vld [tilespmem:s0+$0xFFFFFEA0];
	[tilespmem:v61+s17+$0x0] =	vst.idx.msk $0xffff, v63  }
0x1a8: {  	v53 =	vadd.s32 v11, v47;
	[tilespmem:v62+s17+$0x0] =	vst.idx.msk $0xffff, v60;
	v59 =	vld [tilespmem:s4+$0xA0]  }
0x1a9: {  	v55 =	vadd.s32 v11, v48;
	v60 =	vld [tilespmem:s4+$0xFFFFFEA0]  }
0x1aa: {  	v61 =	vadd.s32 v11, v56  }
0x1ab: {  	v54 =	vadd.f32 v54, v34;
	v62 =	vadd.s32 v11, v57  }
0x1ac: {  	v58 =	vadd.f32 v58, v34  }
0x1ad: {  	[tilespmem:v53+s17+$0x0] =	vst.idx.msk $0xffff, v54;
	v53 =	vadd.f32 v59, v34  }
0x1ae: {  	v54 =	vld [tilespmem:s0+$0xB0];
	[tilespmem:v55+s17+$0x0] =	vst.idx.msk $0xffff, v58;
	v63 =	vadd.f32 v60, v34  }
0x1af: {  	v58 =	vld [tilespmem:s0+$0xFFFFFEB0];
	[tilespmem:v61+s17+$0x0] =	vst.idx.msk $0xffff, v53  }
0x1b0: {  	v60 =	vadd.s32 v12, v47;
	[tilespmem:v62+s17+$0x0] =	vst.idx.msk $0xffff, v63;
	v53 =	vld [tilespmem:s4+$0xB0]  }
0x1b1: {  	s11 =	sadd.s32 $0xB, s31;
	v61 =	vadd.s32 v12, v48;
	v55 =	vld [tilespmem:s4+$0xFFFFFEB0]  }
0x1b2: {  	v46 =	vshrl.u32 v46, $0x3;
	v56 =	vadd.s32 v12, v56;
	v62 =	vmov s11  }
0x1b3: {  	v54 =	vadd.f32 v54, v33;
	v57 =	vadd.s32 v12, v57;
	v59 =	vshrl.u32 v62, $0x3  }
0x1b4: {  	v46 =	vshll.u32 v46, v1;
	s10 =	sadd.s32 $0xB, s2;
	v59 =	vshll.u32 v59, v1;
	v58 =	vadd.f32 v58, v33  }
0x1b5: {  	v63 =	vmov s10;
	s11 =	sadd.s32 $0x3, s2;
	[tilespmem:v60+s17+$0x0] =	vst.idx.msk $0xffff, v54;
	v47 =	vbroadcast v59, $0x0;
	v53 =	vadd.f32 v53, v33  }
0x1b6: {  	v60 =	vmov s11;
	v54 =	vshrl.u32 v63, $0x3;
	v59 =	vld [tilespmem:s0+$0xC0];
	[tilespmem:v61+s17+$0x0] =	vst.idx.msk $0xffff, v58;
	v55 =	vadd.f32 v55, v33  }
0x1b7: {  	v46 =	vbroadcast v46, $0x0;
	v48 =	vshrl.u32 v60, $0x3;
	v61 =	vshll.u32 v54, v1;
	v58 =	vld [tilespmem:s0+$0xFFFFFEC0];
	[tilespmem:v56+s17+$0x0] =	vst.idx.msk $0xffff, v53  }
0x1b8: {  	v54 =	vadd.s32 v13, v47;
	v48 =	vshll.u32 v48, v1;
	v53 =	vbroadcast v61, $0x0;
	[tilespmem:v57+s17+$0x0] =	vst.idx.msk $0xffff, v55;
	v56 =	vld [tilespmem:s4+$0xC0]  }
0x1b9: {  	v48 =	vbroadcast v48, $0x0;
	v55 =	vadd.s32 v13, v46;
	v57 =	vld [tilespmem:s4+$0xFFFFFEC0]  }
0x1ba: {  	v60 =	vadd.s32 v13, v53  }
0x1bb: {  	v61 =	vadd.s32 v13, v48;
	v59 =	vadd.f32 v59, v36  }
0x1bc: {  	v58 =	vadd.f32 v58, v36  }
0x1bd: {  	[tilespmem:v54+s17+$0x0] =	vst.idx.msk $0xffff, v59;
	v62 =	vadd.f32 v56, v36  }
0x1be: {  	[tilespmem:v55+s17+$0x0] =	vst.idx.msk $0xffff, v58;
	v56 =	vld [tilespmem:s0+$0xD0];
	v63 =	vadd.f32 v57, v36  }
0x1bf: {  	v57 =	vld [tilespmem:s0+$0xFFFFFED0];
	[tilespmem:v60+s17+$0x0] =	vst.idx.msk $0xffff, v62  }
0x1c0: {  	v54 =	vadd.s32 v14, v47;
	[tilespmem:v61+s17+$0x0] =	vst.idx.msk $0xffff, v63;
	v58 =	vld [tilespmem:s4+$0xD0]  }
0x1c1: {  	v55 =	vadd.s32 v14, v46;
	v59 =	vld [tilespmem:s4+$0xFFFFFED0]  }
0x1c2: {  	v60 =	vadd.s32 v14, v53  }
0x1c3: {  	v61 =	vadd.s32 v14, v48;
	v56 =	vadd.f32 v56, v35  }
0x1c4: {  	v57 =	vadd.f32 v57, v35  }
0x1c5: {  	[tilespmem:v54+s17+$0x0] =	vst.idx.msk $0xffff, v56;
	v62 =	vadd.f32 v58, v35  }
0x1c6: {  	[tilespmem:v55+s17+$0x0] =	vst.idx.msk $0xffff, v57;
	v56 =	vld [tilespmem:s0+$0xE0];
	v63 =	vadd.f32 v59, v35  }
0x1c7: {  	v57 =	vld [tilespmem:s0+$0xFFFFFEE0];
	[tilespmem:v60+s17+$0x0] =	vst.idx.msk $0xffff, v62  }
0x1c8: {  	v54 =	vadd.s32 v15, v47;
	[tilespmem:v61+s17+$0x0] =	vst.idx.msk $0xffff, v63;
	v58 =	vld [tilespmem:s4+$0xE0]  }
0x1c9: {  	[tilespmem:v49+s17+$0x0] =	vst.idx.msk $0xffff, v52;
	v62 =	vadd.f32 v50, v35;
	v50 =	vadd.s32 v15, v46;
	v52 =	vld [tilespmem:s4+$0xFFFFFEE0]  }
0x1ca: {  	v59 =	vadd.s32 v15, v53  }
0x1cb: {  	v60 =	vadd.s32 v15, v48;
	v63 =	vadd.f32 v56, v34  }
0x1cc: {  	v55 =	vld [tilespmem:s28+$0xFFFFFF10];
	[tilespmem:v51+s17+$0x0] =	vst.idx.msk $0xffff, v62;
	v57 =	vadd.f32 v57, v34  }
0x1cd: {  	v61 =	vld [tilespmem:s28+$0x120];
	[tilespmem:v54+s17+$0x0] =	vst.idx.msk $0xffff, v63;
	v62 =	vadd.f32 v58, v34  }
0x1ce: {  	[tilespmem:v50+s17+$0x0] =	vst.idx.msk $0xffff, v57;
	v54 =	vld [tilespmem:s0+$0xF0];
	v63 =	vadd.f32 v52, v34  }
0x1cf: {  	v49 =	vadd.s32 v19, v41;
	v47 =	vadd.s32 v16, v47;
	v57 =	vld [tilespmem:s0+$0xFFFFFEF0];
	[tilespmem:v59+s17+$0x0] =	vst.idx.msk $0xffff, v62  }
0x1d0: {  	v53 =	vadd.s32 v16, v53;
	v46 =	vadd.s32 v16, v46;
	[tilespmem:v60+s17+$0x0] =	vst.idx.msk $0xffff, v63;
	v58 =	vld [tilespmem:s4+$0xF0]  }
0x1d1: {  	s10 =	sadd.s32 $0xC, s31;
	s11 =	sadd.s32 $0x4, s31;
	v48 =	vadd.s32 v16, v48;
	v55 =	vadd.f32 v55, v35;
	v52 =	vadd.s32 v18, v42;
	v56 =	vld [tilespmem:s4+$0xFFFFFEF0]  }
0x1d2: {  	v50 =	vadd.f32 v61, v34;
	v60 =	vmov s10;
	v61 =	vmov s11  }
0x1d3: {  	s10 =	sadd.s32 $0xC, s2;
	v51 =	vshrl.u32 v60, $0x3;
	v59 =	vshrl.u32 v61, $0x3;
	v54 =	vadd.f32 v54, v33  }
0x1d4: {  	s11 =	sadd.s32 $0x4, s2;
	v63 =	vmov s10;
	v51 =	vshll.u32 v51, v1;
	v57 =	vadd.f32 v57, v33  }
0x1d5: {  	v61 =	vmov s11;
	v62 =	vshll.u32 v59, v1;
	[tilespmem:v47+s17+$0x0] =	vst.idx.msk $0xffff, v54;
	v58 =	vadd.f32 v58, v33  }
0x1d6: {  	v51 =	vbroadcast v51, $0x0;
	[tilespmem:v46+s17+$0x0] =	vst.idx.msk $0xffff, v57;
	v54 =	vshrl.u32 v63, $0x3;
	v60 =	vld [tilespmem:s0+$0x100];
	v56 =	vadd.f32 v56, v33  }
0x1d7: {  	v47 =	vbroadcast v62, $0x0;
	v46 =	vshrl.u32 v61, $0x3;
	v57 =	vld [tilespmem:s0+$0xFFFFFF00];
	v62 =	vshll.u32 v54, v1;
	[tilespmem:v53+s17+$0x0] =	vst.idx.msk $0xffff, v58  }
0x1d8: {  	v54 =	vadd.s32 v17, v51;
	v46 =	vshll.u32 v46, v1;
	v53 =	vbroadcast v62, $0x0;
	[tilespmem:v48+s17+$0x0] =	vst.idx.msk $0xffff, v56;
	v58 =	vld [tilespmem:s4+$0x100]  }
0x1d9: {  	[tilespmem:v52+s17+$0x0] =	vst.idx.msk $0xffff, v55;
	v46 =	vbroadcast v46, $0x0;
	v48 =	vadd.s32 v17, v47;
	v52 =	vld [tilespmem:s4+$0xFFFFFF00]  }
0x1da: {  	[tilespmem:v49+s17+$0x0] =	vst.idx.msk $0xffff, v50;
	v55 =	vld [tilespmem:s28+$0xFFFFFF20];
	v49 =	vadd.s32 v17, v53  }
0x1db: {  	v59 =	vadd.s32 v17, v46;
	v56 =	vadd.f32 v60, v36  }
0x1dc: {  	v50 =	vld [tilespmem:s28+$0x130];
	v60 =	vadd.s32 v19, v42;
	v57 =	vadd.f32 v57, v36  }
0x1dd: {  	[tilespmem:v54+s17+$0x0] =	vst.idx.msk $0xffff, v56;
	v63 =	vadd.f32 v58, v36  }
0x1de: {  	v41 =	vadd.s32 v20, v41;
	[tilespmem:v48+s17+$0x0] =	vst.idx.msk $0xffff, v57;
	v56 =	vld [tilespmem:s0+$0x110];
	v48 =	vadd.f32 v52, v36  }
0x1df: {  	v61 =	vadd.f32 v55, v34;
	v55 =	vld [tilespmem:s0+$0xFFFFFF10];
	[tilespmem:v49+s17+$0x0] =	vst.idx.msk $0xffff, v63  }
0x1e0: {  	v54 =	vadd.s32 v18, v51;
	[tilespmem:v59+s17+$0x0] =	vst.idx.msk $0xffff, v48;
	v57 =	vld [tilespmem:s4+$0x110]  }
0x1e1: {  	s10 =	sadd.s32 $0xD, s30;
	v62 =	vadd.f32 v50, v33;
	v50 =	vadd.s32 v18, v47;
	[tilespmem:v60+s17+$0x0] =	vst.idx.msk $0xffff, v61;
	v52 =	vld [tilespmem:s4+$0xFFFFFF10]  }
0x1e2: {  	v63 =	vmov s10;
	v48 =	vadd.s32 v18, v53;
	v58 =	vld [tilespmem:s28+$0xFFFFFF30]  }
0x1e3: {  	[tilespmem:v41+s17+$0x0] =	vst.idx.msk $0xffff, v62;
	v59 =	vadd.s32 v18, v46;
	v61 =	vshrl.u32 v63, $0x3;
	v56 =	vadd.f32 v56, v35  }
0x1e4: {  	v42 =	vadd.s32 v20, v42;
	v62 =	vshll.u32 v61, v1;
	v55 =	vadd.f32 v55, v35  }
0x1e5: {  	v49 =	vld [tilespmem:s28+$0x140];
	v41 =	vbroadcast v62, $0x0;
	[tilespmem:v54+s17+$0x0] =	vst.idx.msk $0xffff, v56;
	v63 =	vadd.f32 v57, v35  }
0x1e6: {  	[tilespmem:v50+s17+$0x0] =	vst.idx.msk $0xffff, v55;
	v56 =	vld [tilespmem:s0+$0x120];
	v57 =	vadd.f32 v52, v35  }
0x1e7: {  	v60 =	vadd.s32 v21, v41;
	v61 =	vadd.f32 v58, v33;
	v55 =	vld [tilespmem:s0+$0xFFFFFF20];
	[tilespmem:v48+s17+$0x0] =	vst.idx.msk $0xffff, v63  }
0x1e8: {  	v63 =	vadd.s32 v19, v51;
	[tilespmem:v59+s17+$0x0] =	vst.idx.msk $0xffff, v57;
	v54 =	vld [tilespmem:s4+$0x120]  }
0x1e9: {  	[tilespmem:v42+s17+$0x0] =	vst.idx.msk $0xffff, v61;
	v42 =	vadd.s32 v19, v47;
	v50 =	vld [tilespmem:s4+$0xFFFFFF20]  }
0x1ea: {  	v62 =	vadd.f32 v49, v36;
	v48 =	vadd.s32 v19, v53  }
0x1eb: {  	v45 =	vshll.u32 v45, v1;
	v61 =	vadd.s32 v19, v46;
	v56 =	vadd.f32 v56, v34  }
0x1ec: {  	v45 =	vbroadcast v45, $0x0;
	v52 =	vld [tilespmem:s28+$0xFFFFFF40];
	[tilespmem:v60+s17+$0x0] =	vst.idx.msk $0xffff, v62;
	v55 =	vadd.f32 v55, v34  }
0x1ed: {  	v57 =	vld [tilespmem:s28+$0x150];
	[tilespmem:v63+s17+$0x0] =	vst.idx.msk $0xffff, v56;
	v62 =	vadd.f32 v54, v34  }
0x1ee: {  	v63 =	vadd.s32 v21, v45;
	[tilespmem:v42+s17+$0x0] =	vst.idx.msk $0xffff, v55;
	v56 =	vld [tilespmem:s0+$0x130];
	v59 =	vadd.f32 v50, v34  }
0x1ef: {  	v49 =	vadd.s32 v20, v51;
	v47 =	vadd.s32 v20, v47;
	v55 =	vld [tilespmem:s0+$0xFFFFFF30];
	[tilespmem:v48+s17+$0x0] =	vst.idx.msk $0xffff, v62  }
0x1f0: {  	v53 =	vadd.s32 v20, v53;
	v46 =	vadd.s32 v20, v46;
	[tilespmem:v61+s17+$0x0] =	vst.idx.msk $0xffff, v59;
	v51 =	vld [tilespmem:s4+$0x130]  }
0x1f1: {  	s11 =	sadd.s32 $0x5, s31;
	s10 =	sadd.s32 $0xD, s31;
	v42 =	vadd.s32 v22, v45;
	v60 =	vadd.f32 v52, v36;
	v52 =	vadd.s32 v22, v41;
	v58 =	vld [tilespmem:s4+$0xFFFFFF30]  }
0x1f2: {  	v48 =	vadd.f32 v57, v35;
	v61 =	vmov s11;
	v62 =	vmov s10;
	s11 =	sadd.s32 $0xD, s2  }
0x1f3: {  	v57 =	vshrl.u32 v61, $0x3;
	v61 =	vmov s11;
	[tilespmem:v63+s17+$0x0] =	vst.idx.msk $0xffff, v60;
	v63 =	vadd.f32 v56, v33  }
0x1f4: {  	s10 =	sadd.s32 $0x5, s2;
	v60 =	vshrl.u32 v62, $0x3;
	v57 =	vshll.u32 v57, v1;
	v56 =	vld [tilespmem:s28+$0xFFFFFF50];
	v55 =	vadd.f32 v55, v33  }
0x1f5: {  	v62 =	vmov s10;
	v54 =	vshll.u32 v60, v1;
	[tilespmem:v49+s17+$0x0] =	vst.idx.msk $0xffff, v63;
	v51 =	vadd.f32 v51, v33  }
0x1f6: {  	v50 =	vshrl.u32 v61, $0x3;
	v49 =	vbroadcast v54, $0x0;
	[tilespmem:v47+s17+$0x0] =	vst.idx.msk $0xffff, v55;
	v54 =	vld [tilespmem:s0+$0x140];
	v63 =	vadd.f32 v58, v33  }
0x1f7: {  	v57 =	vbroadcast v57, $0x0;
	v50 =	vshll.u32 v50, v1;
	v47 =	vshrl.u32 v62, $0x3;
	v58 =	vld [tilespmem:s0+$0xFFFFFF40];
	[tilespmem:v53+s17+$0x0] =	vst.idx.msk $0xffff, v51  }
0x1f8: {  	v50 =	vbroadcast v50, $0x0;
	v47 =	vshll.u32 v47, v1;
	v60 =	vadd.s32 v21, v49;
	[tilespmem:v46+s17+$0x0] =	vst.idx.msk $0xffff, v63;
	v53 =	vld [tilespmem:s4+$0x140]  }
0x1f9: {  	[tilespmem:v52+s17+$0x0] =	vst.idx.msk $0xffff, v48;
	v48 =	vadd.s32 v21, v57;
	v47 =	vbroadcast v47, $0x0;
	v61 =	vadd.f32 v56, v35;
	v62 =	vld [tilespmem:s4+$0xFFFFFF40]  }
0x1fa: {  	v55 =	vld [tilespmem:s28+$0x160];
	v56 =	vadd.s32 v21, v50  }
0x1fb: {  	v46 =	vadd.s32 v21, v47;
	[tilespmem:v42+s17+$0x0] =	vst.idx.msk $0xffff, v61;
	v63 =	vadd.f32 v54, v36  }
0x1fc: {  	v54 =	vadd.s32 v23, v41;
	v59 =	vld [tilespmem:s28+$0xFFFFFF60];
	v58 =	vadd.f32 v58, v36  }
0x1fd: {  	[tilespmem:v60+s17+$0x0] =	vst.idx.msk $0xffff, v63;
	v60 =	vadd.f32 v53, v36  }
0x1fe: {  	v51 =	vadd.s32 v23, v45;
	[tilespmem:v48+s17+$0x0] =	vst.idx.msk $0xffff, v58;
	v61 =	vld [tilespmem:s0+$0x150];
	v62 =	vadd.f32 v62, v36  }
0x1ff: {  	v63 =	vadd.f32 v55, v34;
	v55 =	vld [tilespmem:s0+$0xFFFFFF50];
	[tilespmem:v56+s17+$0x0] =	vst.idx.msk $0xffff, v60  }
0x200: {  	v42 =	vadd.s32 v22, v49;
	[tilespmem:v46+s17+$0x0] =	vst.idx.msk $0xffff, v62;
	v56 =	vld [tilespmem:s4+$0x150]  }
0x201: {  	v48 =	vadd.s32 v22, v57;
	[tilespmem:v54+s17+$0x0] =	vst.idx.msk $0xffff, v63;
	v60 =	vadd.f32 v59, v34;
	v52 =	vld [tilespmem:s4+$0xFFFFFF50]  }
0x202: {  	v58 =	vadd.s32 v22, v50;
	v54 =	vld [tilespmem:s28+$0x170]  }
0x203: {  	v62 =	vadd.s32 v22, v47;
	[tilespmem:v51+s17+$0x0] =	vst.idx.msk $0xffff, v60;
	v61 =	vadd.f32 v61, v35  }
0x204: {  	v41 =	vadd.s32 v24, v41;
	v63 =	vld [tilespmem:s28+$0xFFFFFF70];
	v55 =	vadd.f32 v55, v35  }
0x205: {  	[tilespmem:v42+s17+$0x0] =	vst.idx.msk $0xffff, v61;
	v60 =	vadd.f32 v56, v35  }
0x206: {  	v45 =	vadd.s32 v24, v45;
	[tilespmem:v48+s17+$0x0] =	vst.idx.msk $0xffff, v55;
	v46 =	vld [tilespmem:s0+$0x160];
	v61 =	vadd.f32 v52, v35  }
0x207: {  	v43 =	vadd.f32 v43, v35;
	v54 =	vadd.f32 v54, v33;
	v55 =	vld [tilespmem:s0+$0xFFFFFF60];
	[tilespmem:v58+s17+$0x0] =	vst.idx.msk $0xffff, v60  }
0x208: {  	v42 =	vadd.f32 v44, v34;
	v44 =	vadd.s32 v23, v49;
	[tilespmem:v62+s17+$0x0] =	vst.idx.msk $0xffff, v61;
	v56 =	vld [tilespmem:s4+$0x160]  }
0x209: {  	v51 =	vadd.s32 v23, v57;
	[tilespmem:v41+s17+$0x0] =	vst.idx.msk $0xffff, v54;
	v63 =	vadd.f32 v63, v33;
	v53 =	vld [tilespmem:s4+$0xFFFFFF60]  }
0x20a: {  	s11 =	sadd.s32 $0x6, s30;
	v59 =	vadd.s32 v23, v50;
	v52 =	vadd.s32 v27, v39;
	v54 =	vadd.s32 v28, v39;
	v58 =	vld [tilespmem:s28+$0x180]  }
0x20b: {  	s10 =	sadd.s32 $0xE, s30;
	v62 =	vmov s11;
	[tilespmem:v45+s17+$0x0] =	vst.idx.msk $0xffff, v63;
	v45 =	vadd.s32 v23, v47;
	v61 =	vadd.f32 v46, v34  }
0x20c: {  	v60 =	vmov s10;
	v62 =	vshrl.u32 v62, $0x3;
	v55 =	vadd.f32 v55, v34  }
0x20d: {  	v39 =	vshrl.u32 v60, $0x3;
	v63 =	vld [tilespmem:s28+$0xFFFFFF80];
	v46 =	vshll.u32 v62, v1;
	[tilespmem:v44+s17+$0x0] =	vst.idx.msk $0xffff, v61;
	v60 =	vadd.f32 v56, v34  }
0x20e: {  	v39 =	vshll.u32 v39, v1;
	v41 =	vbroadcast v46, $0x0;
	[tilespmem:v51+s17+$0x0] =	vst.idx.msk $0xffff, v55;
	v46 =	vld [tilespmem:s0+$0x170];
	v61 =	vadd.f32 v53, v34  }
0x20f: {  	v49 =	vadd.s32 v24, v49;
	s11 =	sadd.s32 $0x6, s31;
	v39 =	vbroadcast v39, $0x0;
	v55 =	vadd.f32 v58, v36;
	v58 =	vld [tilespmem:s0+$0xFFFFFF70];
	[tilespmem:v59+s17+$0x0] =	vst.idx.msk $0xffff, v60  }
0x210: {  	v48 =	vadd.s32 v24, v50;
	v62 =	vmov s11;
	v51 =	vadd.s32 v24, v57;
	[tilespmem:v45+s17+$0x0] =	vst.idx.msk $0xffff, v61;
	v59 =	vld [tilespmem:s4+$0x170]  }
0x211: {  	s10 =	sadd.s32 $0xE, s31;
	v56 =	vadd.s32 v27, v37;
	v53 =	vadd.s32 v25, v39;
	v44 =	vadd.s32 v25, v41;
	v57 =	vld [tilespmem:s4+$0xFFFFFF70]  }
0x212: {  	[tilespmem:v40+s17+$0x0] =	vst.idx.msk $0xffff, v43;
	v45 =	vadd.f32 v63, v36;
	v63 =	vshrl.u32 v62, $0x3;
	v60 =	vmov s10  }
0x213: {  	[tilespmem:v52+s17+$0x0] =	vst.idx.msk $0xffff, v42;
	v43 =	vshrl.u32 v60, $0x3;
	v61 =	vadd.f32 v46, v33;
	v46 =	vadd.s32 v24, v47  }
0x214: {  	s11 =	sadd.s32 $0xE, s2;
	v40 =	vshll.u32 v63, v1;
	v43 =	vshll.u32 v43, v1;
	v47 =	vld [tilespmem:s25+$0xFFFFFFA0];
	v62 =	vadd.f32 v58, v33  }
0x215: {  	v52 =	vld [tilespmem:s25+$0x1B0];
	s10 =	sadd.s32 $0x6, s2;
	v63 =	vmov s11;
	v42 =	vbroadcast v43, $0x0;
	[tilespmem:v49+s17+$0x0] =	vst.idx.msk $0xffff, v61;
	v61 =	vadd.f32 v59, v33  }
0x216: {  	v43 =	vshrl.u32 v63, $0x3;
	[tilespmem:v51+s17+$0x0] =	vst.idx.msk $0xffff, v62;
	v62 =	vmov s10;
	v60 =	vld [tilespmem:s0+$0x180];
	v63 =	vadd.f32 v57, v33  }
0x217: {  	v43 =	vshll.u32 v43, v1;
	v57 =	vbroadcast v40, $0x0;
	v59 =	vld [tilespmem:s0+$0xFFFFFF80];
	v50 =	vshrl.u32 v62, $0x3;
	[tilespmem:v48+s17+$0x0] =	vst.idx.msk $0xffff, v61  }
0x218: {  	v43 =	vbroadcast v43, $0x0;
	v48 =	vadd.s32 v25, v42;
	v61 =	vshll.u32 v50, v1;
	[tilespmem:v46+s17+$0x0] =	vst.idx.msk $0xffff, v63;
	v50 =	vld [tilespmem:s4+$0x180]  }
0x219: {  	[tilespmem:v53+s17+$0x0] =	vst.idx.msk $0xffff, v55;
	v62 =	vadd.f32 v47, v34;
	v63 =	vadd.s32 v25, v57;
	v49 =	vbroadcast v61, $0x0;
	v51 =	vld [tilespmem:s4+$0xFFFFFF80]  }
0x21a: {  	v52 =	vadd.f32 v52, v33;
	[tilespmem:v44+s17+$0x0] =	vst.idx.msk $0xffff, v45;
	v53 =	vld [tilespmem:s28+$0x190];
	v44 =	vadd.s32 v25, v43  }
0x21b: {  	v45 =	vld [tilespmem:s28+$0xFFFFFF90];
	[tilespmem:v56+s17+$0x0] =	vst.idx.msk $0xffff, v62;
	v60 =	vadd.f32 v60, v36;
	v55 =	vadd.s32 v25, v49  }
0x21c: {  	s11 =	sadd.s32 $0xF, s29;
	[tilespmem:v54+s17+$0x0] =	vst.idx.msk $0xffff, v52;
	v54 =	vadd.s32 v26, v39;
	v52 =	vld [tilespmem:s25+$0xFFFFFFB0];
	v40 =	vadd.f32 v59, v36  }
0x21d: {  	v58 =	vld [tilespmem:s25+$0x1C0];
	v61 =	vmov s11;
	v59 =	vadd.s32 v26, v41;
	[tilespmem:v48+s17+$0x0] =	vst.idx.msk $0xffff, v60;
	v46 =	vadd.f32 v50, v36  }
0x21e: {  	v62 =	vshrl.u32 v61, $0x3;
	[tilespmem:v63+s17+$0x0] =	vst.idx.msk $0xffff, v40;
	v50 =	vadd.s32 v28, v37;
	v56 =	vld [tilespmem:s0+$0x190];
	v63 =	vadd.f32 v51, v36  }
0x21f: {  	v61 =	vadd.f32 v53, v35;
	v60 =	vshll.u32 v62, v1;
	v48 =	vld [tilespmem:s0+$0xFFFFFF90];
	[tilespmem:v44+s17+$0x0] =	vst.idx.msk $0xffff, v46  }
0x220: {  	v62 =	vadd.f32 v45, v35;
	v45 =	vadd.s32 v26, v42;
	[tilespmem:v55+s17+$0x0] =	vst.idx.msk $0xffff, v63;
	v46 =	vld [tilespmem:s4+$0x190]  }
0x221: {  	v47 =	vadd.s32 v26, v57;
	[tilespmem:v54+s17+$0x0] =	vst.idx.msk $0xffff, v61;
	v63 =	vadd.f32 v52, v33;
	v52 =	vld [tilespmem:s4+$0xFFFFFF90]  }
0x222: {  	v40 =	vld [tilespmem:s28+$0x1A0];
	v37 =	vbroadcast v60, $0x0;
	[tilespmem:v59+s17+$0x0] =	vst.idx.msk $0xffff, v62;
	v44 =	vadd.s32 v26, v43  }
0x223: {  	v53 =	vadd.s32 v26, v49;
	[tilespmem:v50+s17+$0x0] =	vst.idx.msk $0xffff, v63;
	v50 =	vld [tilespmem:s28+$0xFFFFFFA0];
	v60 =	vadd.f32 v56, v35  }
0x224: {  	v54 =	vadd.s32 v29, v37;
	v62 =	vadd.s32 v27, v39;
	v48 =	vadd.f32 v48, v35  }
0x225: {  	v59 =	vadd.s32 v27, v41;
	v61 =	vld [tilespmem:s25+$0xFFFFFFC0];
	[tilespmem:v45+s17+$0x0] =	vst.idx.msk $0xffff, v60;
	v63 =	vadd.f32 v46, v35  }
0x226: {  	[tilespmem:v47+s17+$0x0] =	vst.idx.msk $0xffff, v48;
	v46 =	vadd.f32 v58, v36;
	v51 =	vld [tilespmem:s0+$0x1A0];
	v58 =	vadd.f32 v52, v35  }
0x227: {  	v38 =	vbroadcast v38, $0x0;
	v41 =	vadd.s32 v28, v41;
	v40 =	vadd.f32 v40, v34;
	v52 =	vld [tilespmem:s0+$0xFFFFFFA0];
	[tilespmem:v44+s17+$0x0] =	vst.idx.msk $0xffff, v63  }
0x228: {  	v45 =	vadd.s32 v27, v42;
	v60 =	vadd.f32 v50, v34;
	[tilespmem:v53+s17+$0x0] =	vst.idx.msk $0xffff, v58;
	v50 =	vld [tilespmem:s4+$0x1A0]  }
0x229: {  	s29 =	sadd.s32 $0x7, s30;
	s30 =	sadd.s32 $0xF, s30;
	v48 =	vadd.s32 v29, v38;
	[tilespmem:v62+s17+$0x0] =	vst.idx.msk $0xffff, v40;
	v40 =	vadd.s32 v27, v57;
	v55 =	vld [tilespmem:s4+$0xFFFFFFA0]  }
0x22a: {  	v62 =	vmov s30;
	v44 =	vadd.s32 v27, v43;
	v47 =	vadd.f32 v61, v36  }
0x22b: {  	v56 =	vld [tilespmem:s28+$0x1B0];
	v58 =	vshrl.u32 v62, $0x3;
	[tilespmem:v59+s17+$0x0] =	vst.idx.msk $0xffff, v60;
	v60 =	vadd.s32 v27, v49;
	v51 =	vadd.f32 v51, v34  }
0x22c: {  	v61 =	vmov s29;
	v58 =	vshll.u32 v58, v1;
	v59 =	vld [tilespmem:s28+$0xFFFFFFB0];
	v52 =	vadd.f32 v52, v34  }
0x22d: {  	v53 =	vshrl.u32 v61, $0x3;
	v61 =	vadd.s32 v28, v39;
	[tilespmem:v45+s17+$0x0] =	vst.idx.msk $0xffff, v51;
	v63 =	vadd.f32 v50, v34  }
0x22e: {  	v39 =	vbroadcast v58, $0x0;
	v53 =	vshll.u32 v53, v1;
	[tilespmem:v40+s17+$0x0] =	vst.idx.msk $0xffff, v52;
	v50 =	vld [tilespmem:s0+$0x1B0];
	v58 =	vadd.f32 v55, v34  }
0x22f: {  	v42 =	vadd.s32 v28, v42;
	v57 =	vadd.s32 v28, v57;
	v40 =	vbroadcast v53, $0x0;
	v53 =	vld [tilespmem:s0+$0xFFFFFFB0];
	[tilespmem:v44+s17+$0x0] =	vst.idx.msk $0xffff, v63  }
0x230: {  	v43 =	vadd.s32 v28, v43;
	v62 =	vadd.f32 v56, v33;
	[tilespmem:v60+s17+$0x0] =	vst.idx.msk $0xffff, v58;
	v45 =	vld [tilespmem:s4+$0x1B0]  }
0x231: {  	s10 =	sadd.s32 $0x7, s31;
	s11 =	sadd.s32 $0xF, s31;
	v49 =	vadd.s32 v28, v49;
	v55 =	vadd.s32 v29, v39;
	v63 =	vadd.f32 v59, v33;
	v58 =	vld [tilespmem:s4+$0xFFFFFFB0]  }
0x232: {  	v51 =	vadd.s32 v29, v40;
	[tilespmem:v61+s17+$0x0] =	vst.idx.msk $0xffff, v62;
	v62 =	vmov s11;
	v60 =	vmov s10  }
0x233: {  	s29 =	sadd.s32 $0xF, s2;
	v61 =	vshrl.u32 v60, $0x3;
	v60 =	vshrl.u32 v62, $0x3;
	[tilespmem:v41+s17+$0x0] =	vst.idx.msk $0xffff, v63;
	v63 =	vadd.f32 v50, v33  }
0x234: {  	v62 =	vmov s29;
	v44 =	vshll.u32 v60, v1;
	v50 =	vld [tilespmem:s28+$0x1C0];
	v53 =	vadd.f32 v53, v33  }
0x235: {  	s30 =	sadd.s32 $0x7, s2;
	v52 =	vshll.u32 v61, v1;
	v56 =	vld [tilespmem:s28+$0xFFFFFFC0];
	v41 =	vbroadcast v44, $0x0;
	[tilespmem:v42+s17+$0x0] =	vst.idx.msk $0xffff, v63;
	v61 =	vadd.f32 v45, v33  }
0x236: {  	v44 =	vshrl.u32 v62, $0x3;
	[tilespmem:v57+s17+$0x0] =	vst.idx.msk $0xffff, v53;
	v63 =	vmov s30;
	v45 =	vld [tilespmem:s0+$0x1C0];
	v60 =	vadd.f32 v58, v33  }
0x237: {  	v52 =	vbroadcast v52, $0x0;
	v58 =	vld [tilespmem:s0+$0xFFFFFFC0];
	v53 =	vshrl.u32 v63, $0x3;
	[tilespmem:v43+s17+$0x0] =	vst.idx.msk $0xffff, v61;
	v61 =	vshll.u32 v44, v1  }
0x238: {  	v62 =	vshll.u32 v53, v1;
	v43 =	vadd.s32 v29, v41;
	[tilespmem:v49+s17+$0x0] =	vst.idx.msk $0xffff, v60;
	v53 =	vld [tilespmem:s4+$0x1C0];
	v42 =	vbroadcast v61, $0x0  }
0x239: {  	[tilespmem:v54+s17+$0x0] =	vst.idx.msk $0xffff, v46;
	v63 =	vadd.f32 v50, v36;
	v49 =	vadd.s32 v29, v52;
	v44 =	vbroadcast v62, $0x0;
	v50 =	vld [tilespmem:s4+$0xFFFFFFC0]  }
0x23a: {  	v54 =	vld [tilespmem:s25+$0x1D0];
	[tilespmem:v48+s17+$0x0] =	vst.idx.msk $0xffff, v47;
	v60 =	vadd.f32 v56, v36;
	v48 =	vadd.s32 v29, v42  }
0x23b: {  	v61 =	vld [tilespmem:s25+$0xFFFFFFD0];
	[tilespmem:v55+s17+$0x0] =	vst.idx.msk $0xffff, v63;
	v46 =	vadd.s32 v29, v44;
	v45 =	vadd.f32 v45, v36  }
0x23c: {  	v55 =	vadd.s32 v30, v37;
	[tilespmem:v51+s17+$0x0] =	vst.idx.msk $0xffff, v60;
	v57 =	vld [tilespmem:s28+$0x1D0];
	v62 =	vadd.f32 v58, v36  }
0x23d: {  	v51 =	vadd.s32 v30, v38;
	v58 =	vld [tilespmem:s28+$0xFFFFFFD0];
	[tilespmem:v43+s17+$0x0] =	vst.idx.msk $0xffff, v45;
	v63 =	vadd.f32 v53, v36  }
0x23e: {  	v45 =	vadd.s32 v30, v39;
	[tilespmem:v49+s17+$0x0] =	vst.idx.msk $0xffff, v62;
	v53 =	vld [tilespmem:s0+$0x1D0];
	v59 =	vadd.f32 v50, v36  }
0x23f: {  	v60 =	vadd.f32 v54, v35;
	v49 =	vadd.s32 v30, v40;
	v50 =	vld [tilespmem:s0+$0xFFFFFFD0];
	[tilespmem:v48+s17+$0x0] =	vst.idx.msk $0xffff, v63  }
0x240: {  	v61 =	vadd.f32 v61, v35;
	v48 =	vadd.s32 v30, v41;
	[tilespmem:v46+s17+$0x0] =	vst.idx.msk $0xffff, v59;
	v54 =	vld [tilespmem:s4+$0x1D0]  }
0x241: {  	[tilespmem:v55+s17+$0x0] =	vst.idx.msk $0xffff, v60;
	v62 =	vadd.f32 v57, v35;
	v46 =	vadd.s32 v30, v52;
	v47 =	vld [tilespmem:s4+$0xFFFFFFD0]  }
0x242: {  	v55 =	vld [tilespmem:s25+$0x1E0];
	[tilespmem:v51+s17+$0x0] =	vst.idx.msk $0xffff, v61;
	v63 =	vadd.f32 v58, v35;
	v51 =	vadd.s32 v30, v42  }
0x243: {  	v56 =	vld [tilespmem:s25+$0xFFFFFFE0];
	[tilespmem:v45+s17+$0x0] =	vst.idx.msk $0xffff, v62;
	v45 =	vadd.s32 v30, v44;
	v60 =	vadd.f32 v53, v35  }
0x244: {  	[tilespmem:v49+s17+$0x0] =	vst.idx.msk $0xffff, v63;
	v53 =	vadd.s32 v31, v37;
	v57 =	vld [tilespmem:s28+$0x1E0];
	v61 =	vadd.f32 v50, v35  }
0x245: {  	v49 =	vadd.s32 v31, v38;
	v50 =	vld [tilespmem:s28+$0xFFFFFFE0];
	[tilespmem:v48+s17+$0x0] =	vst.idx.msk $0xffff, v60;
	v62 =	vadd.f32 v54, v35  }
0x246: {  	v48 =	vadd.s32 v31, v39;
	[tilespmem:v46+s17+$0x0] =	vst.idx.msk $0xffff, v61;
	v54 =	vld [tilespmem:s0+$0x1E0];
	v63 =	vadd.f32 v47, v35  }
0x247: {  	v58 =	vadd.f32 v55, v34;
	v46 =	vadd.s32 v31, v40;
	v47 =	vld [tilespmem:s0+$0xFFFFFFE0];
	[tilespmem:v51+s17+$0x0] =	vst.idx.msk $0xffff, v62  }
0x248: {  	v59 =	vadd.f32 v56, v34;
	v51 =	vadd.s32 v31, v41;
	[tilespmem:v45+s17+$0x0] =	vst.idx.msk $0xffff, v63;
	v60 =	vld [tilespmem:s4+$0x1E0]  }
0x249: {  	v43 =	vadd.s32 v31, v52;
	[tilespmem:v53+s17+$0x0] =	vst.idx.msk $0xffff, v58;
	v61 =	vadd.f32 v57, v34;
	v45 =	vld [tilespmem:s4+$0xFFFFFFE0]  }
0x24a: {  	[tilespmem:v49+s17+$0x0] =	vst.idx.msk $0xffff, v59;
	v62 =	vadd.f32 v50, v34;
	v49 =	vadd.s32 v31, v42;
	v53 =	vld [tilespmem:s25+$0x1F0]  }
0x24b: {  	v57 =	vadd.s32 v31, v44;
	v50 =	vld [tilespmem:s25+$0xFFFFFFF0];
	[tilespmem:v48+s17+$0x0] =	vst.idx.msk $0xffff, v61;
	v63 =	vadd.f32 v54, v34  }
0x24c: {  	v37 =	vadd.s32 v32, v37;
	[tilespmem:v46+s17+$0x0] =	vst.idx.msk $0xffff, v62;
	v58 =	vld [tilespmem:s28+$0x1F0];
	v59 =	vadd.f32 v47, v34  }
0x24d: {  	v38 =	vadd.s32 v32, v38;
	v46 =	vld [tilespmem:s28+$0xFFFFFFF0];
	[tilespmem:v51+s17+$0x0] =	vst.idx.msk $0xffff, v63;
	v60 =	vadd.f32 v60, v34  }
0x24e: {  	v39 =	vadd.s32 v32, v39;
	[tilespmem:v43+s17+$0x0] =	vst.idx.msk $0xffff, v59;
	v61 =	vld [tilespmem:s0+$0x1F0];
	v62 =	vadd.f32 v45, v34  }
0x24f: {  	v40 =	vadd.s32 v32, v40;
	v63 =	vadd.f32 v53, v33;
	v43 =	vld [tilespmem:s0+$0xFFFFFFF0];
	[tilespmem:v49+s17+$0x0] =	vst.idx.msk $0xffff, v60  }
0x250: {  	v41 =	vadd.s32 v32, v41;
	v51 =	vadd.f32 v50, v33;
	[tilespmem:v57+s17+$0x0] =	vst.idx.msk $0xffff, v62;
	v53 =	vld [tilespmem:s4+$0x1F0]  }
0x251: {  	v55 =	vadd.s32 v32, v52;
	[tilespmem:v37+s17+$0x0] =	vst.idx.msk $0xffff, v63;
	v54 =	vadd.f32 v58, v33;
	v56 =	vld [tilespmem:s4+$0xFFFFFFF0]  }
0x252: {  	[tilespmem:v38+s17+$0x0] =	vst.idx.msk $0xffff, v51;
	v57 =	vadd.f32 v46, v33;
	v58 =	vadd.s32 v32, v42  }
0x253: {  	v60 =	vadd.s32 v32, v44;
	[tilespmem:v39+s17+$0x0] =	vst.idx.msk $0xffff, v54;
	v59 =	vadd.f32 v61, v33  }
0x254: {  	[tilespmem:v40+s17+$0x0] =	vst.idx.msk $0xffff, v57;
	v61 =	vadd.f32 v43, v33  }
0x255: {  	[tilespmem:v41+s17+$0x0] =	vst.idx.msk $0xffff, v59;
	v62 =	vadd.f32 v53, v33  }
0x256: {  	[tilespmem:v55+s17+$0x0] =	vst.idx.msk $0xffff, v61;
	v63 =	vadd.f32 v56, v33  }
0x257: {  	s25 =	sshll.u32 s23, $0x11;
	[tilespmem:v58+s17+$0x0] =	vst.idx.msk $0xffff, v62  }
0x258: {  	s31 =	simm.s32 $0x8200;
	s2 =	simm.s32 $0x420;
	s0 =	sadd.s32 s25, s7;
	[tilespmem:v60+s17+$0x0] =	vst.idx.msk $0xffff, v63  }
0x259: {  	[hbm4b:s0+s1] =	stream.linear.scatter [tilespmem:s31], [sflag:$0x3], $0x100, $0x38;
	[tilespmem:$0x11280] =	vst v63  }
.LBB2_5:
0x25a: {  	p1 =	sne.s32 s2, $0x103E0  }
.Ltmp1:
0x25b: {  	_ = 	snop;
	(pc) =	sbr.rel @p1 .LBB2_5-.Ltmp1, $4  }
0x25c: {  	_ = 	snop  }
0x25d: {  	s4 =	sshra.s32 s2, $0x2;
	s2 =	sadd.s32 $0x420, s2  }
0x25e: {  	s0 =	sadd.s32 $0x800, s0;
	s4 =	sadd.s32 $0x8200, s4  }
0x25f: {  	[hbm4b:s0+s1] =	stream.linear.scatter [tilespmem:s4], [sflag:$0x3], $0x100, $0x38;
	[tilespmem:$0x11280] =	vst v63  }
0x260: {  	p1 =	sne.s32 s23, $0x31  }
.Ltmp2:
0x261: {  	_ = 	snop;
	(pc) =	sbr.rel @p1 .LBB2_8-.Ltmp2, $1  }
0x262: {  	_ =	sdelay $0x3  }
.Ltmp3:
0x263: {  	(pc) =	sbr.rel .LBB2_9-.Ltmp3, $4  }
0x264: {  	_ = 	snop  }
0x265: {  	_ =	swait.ge [sflag:s18], $0x4000  }
0x266: {  	[sflag:s18] =	ssyncset.done $0x0  }
0x267: {  	[sflag:s18] =	ssyncadd.s32 $0xFFFFC000  }
.LBB2_8:
0x268: {  	s0 =	sadd.s32 s26, s8  }
0x269: {  	[tilespmem:s1], [sflag:$0x5] =	stream.linear.gather [hbm4b:s0+s1], $0x100, $0x38;
	[tilespmem:$0x11280] =	vst v63  }
0x26a: {  	_ =	swait.ge [sflag:s12], $0x100  }
0x26b: {  	[sflag:s12] =	ssyncset.done $0x0  }
0x26c: {  	[sflag:s12] =	ssyncadd.s32 $0xFFFFFF00  }
0x26d: {  	v33 =	vld [tilespmem:$0x0]  }
0x26e: {  	v34 =	vld [tilespmem:$0x10]  }
0x26f: {  	v35 =	vld [tilespmem:$0x20]  }
0x270: {  	v36 =	vld [tilespmem:$0x30]  }
0x271: {  	v37 =	vld [tilespmem:$0x40]  }
0x272: {  	v38 =	vld [tilespmem:$0x50];
	v33 =	vshll.u32 v33, $0x1  }
0x273: {  	v40 =	vld [tilespmem:$0x60];
	v39 =	vshll.u32 v34, $0x1;
	[tilespmem:$0x0] =	vst v33  }
0x274: {  	v42 =	vld [tilespmem:$0x70];
	v41 =	vshll.u32 v35, $0x1;
	[tilespmem:$0x10] =	vst v39  }
0x275: {  	v44 =	vld [tilespmem:$0x80];
	v43 =	vshll.u32 v36, $0x1;
	[tilespmem:$0x20] =	vst v41  }
0x276: {  	v46 =	vld [tilespmem:$0x90];
	v45 =	vshll.u32 v37, $0x1;
	[tilespmem:$0x30] =	vst v43  }
0x277: {  	v48 =	vld [tilespmem:$0xA0];
	v47 =	vshll.u32 v38, $0x1;
	[tilespmem:$0x40] =	vst v45  }
0x278: {  	v50 =	vld [tilespmem:$0xB0];
	v49 =	vshll.u32 v40, $0x1;
	[tilespmem:$0x50] =	vst v47  }
0x279: {  	v52 =	vld [tilespmem:$0xC0];
	v51 =	vshll.u32 v42, $0x1;
	[tilespmem:$0x60] =	vst v49  }
0x27a: {  	v54 =	vld [tilespmem:$0xD0];
	v53 =	vshll.u32 v44, $0x1;
	[tilespmem:$0x70] =	vst v51  }
0x27b: {  	v56 =	vld [tilespmem:$0xE0];
	v55 =	vshll.u32 v46, $0x1;
	[tilespmem:$0x80] =	vst v53  }
0x27c: {  	v58 =	vld [tilespmem:$0xF0];
	v57 =	vshll.u32 v48, $0x1;
	[tilespmem:$0x90] =	vst v55  }
0x27d: {  	v59 =	vshll.u32 v50, $0x1;
	[tilespmem:$0xA0] =	vst v57  }
0x27e: {  	v60 =	vshll.u32 v52, $0x1;
	[tilespmem:$0xB0] =	vst v59  }
0x27f: {  	v61 =	vshll.u32 v54, $0x1;
	[tilespmem:$0xC0] =	vst v60  }
0x280: {  	v62 =	vshll.u32 v56, $0x1;
	[tilespmem:$0xD0] =	vst v61  }
0x281: {  	v63 =	vshll.u32 v58, $0x1;
	[tilespmem:$0xE0] =	vst v62  }
.Ltmp4:
0x282: {  	[tilespmem:$0xF0] =	vst v63;
	(pc) =	sbr.rel @p0 .LBB2_10-.Ltmp4, $4  }
0x283: {  	[tilespmem:s14], [sflag:$0x1] =	stream.indirect.gather [hbm4b:s3+s13], $0x40, s1, s13, $0xb8;
	[tilespmem:$0x11280] =	vst v63  }
0x284: {  	_ =	swait.ge [sflag:s18], $0x4000  }
0x285: {  	[sflag:s18] =	ssyncset.done $0x0  }
0x286: {  	[sflag:s18] =	ssyncadd.s32 $0xFFFFC000  }
.LBB2_9:
0x287: {  	_ =	swait.ge [sflag:s19], $0x4000  }
0x288: {  	[sflag:s19] =	ssyncset.done $0x0  }
0x289: {  	[sflag:s19] =	ssyncadd.s32 $0xFFFFC000  }
.LBB2_10:
0x28a: {  	s0 =	simm.s32 $0x8  }
0x28b: {  	v33 =	vmov s0  }
0x28c: {  	v33 =	vshrl.u32 v33, $0x3  }
0x28d: {  	v36 =	vld [tilespmem:s24+$0x10600];
	s26 =	simm.s32 $0x45F0;
	v33 =	vshll.u32 v33, v1  }
0x28e: {  	v37 =	vld [tilespmem:s26+$0xFFFFFE10];
	v38 =	vbroadcast v33, $0x0  }
0x28f: {  	s28 =	simm.s32 $0x0  }
0x290: {  	v51 =	vmov s28;
	v39 =	vadd.s32 v0, v38  }
0x291: {  	v33 =	vshrl.u32 v51, $0x3  }
0x292: {  	v35 =	vld [tilespmem:s24+$0x10610];
	v33 =	vshll.u32 v33, v1  }
0x293: {  	v41 =	vld [tilespmem:s26+$0xFFFFFC10];
	v40 =	vbroadcast v33, $0x0;
	v37 =	vadd.f32 v37, v36  }
0x294: {  	v34 =	vld [tilespmem:s24+$0x10620]  }
0x295: {  	v33 =	vld [tilespmem:s24+$0x10630];
	v42 =	vadd.s32 v0, v40;
	[tilespmem:v39+s20+$0x0] =	vst.idx.msk $0xffff, v37  }
0x296: {  	v37 =	vld [tilespmem:s26+$0xFFFFFE20];
	_ =	sdelay $0x1  }
0x297: {  	v52 =	vadd.f32 v41, v36;
	v53 =	vadd.s32 v2, v38;
	_ =	sdelay $0x1  }
0x298: {  	[tilespmem:v42+s20+$0x0] =	vst.idx.msk $0xffff, v52  }
0x299: {  	v39 =	vld [tilespmem:s26+$0xFFFFFC20];
	v37 =	vadd.f32 v37, v35;
	_ =	sdelay $0x1  }
0x29a: {  	v54 =	vadd.s32 v2, v40;
	[tilespmem:v53+s20+$0x0] =	vst.idx.msk $0xffff, v37  }
0x29b: {  	v37 =	vld [tilespmem:s26+$0xFFFFFE30];
	_ =	sdelay $0x1  }
0x29c: {  	v55 =	vadd.s32 v3, v38;
	v39 =	vadd.f32 v39, v35;
	_ =	sdelay $0x1  }
0x29d: {  	[tilespmem:v54+s20+$0x0] =	vst.idx.msk $0xffff, v39  }
0x29e: {  	v39 =	vld [tilespmem:s26+$0xFFFFFC30];
	v37 =	vadd.f32 v37, v34;
	_ =	sdelay $0x1  }
0x29f: {  	v56 =	vadd.s32 v3, v40;
	[tilespmem:v55+s20+$0x0] =	vst.idx.msk $0xffff, v37  }
0x2a0: {  	v37 =	vld [tilespmem:s26+$0xFFFFFE40];
	_ =	sdelay $0x1  }
0x2a1: {  	v38 =	vadd.s32 v4, v38;
	v39 =	vadd.f32 v39, v34;
	_ =	sdelay $0x1  }
0x2a2: {  	s11 =	simm.s32 $0x9;
	[tilespmem:v56+s20+$0x0] =	vst.idx.msk $0xffff, v39  }
0x2a3: {  	v57 =	vmov s11;
	v39 =	vld [tilespmem:s26+$0xFFFFFC40];
	v37 =	vadd.f32 v37, v33  }
0x2a4: {  	v41 =	vshrl.u32 v57, $0x3  }
0x2a5: {  	v58 =	vshll.u32 v41, v1;
	v40 =	vadd.s32 v4, v40;
	[tilespmem:v38+s20+$0x0] =	vst.idx.msk $0xffff, v37  }
0x2a6: {  	v37 =	vbroadcast v58, $0x0;
	v38 =	vld [tilespmem:s26+$0xFFFFFE50]  }
0x2a7: {  	s24 =	simm.s32 $0x1  }
0x2a8: {  	v59 =	vmov s24;
	v39 =	vadd.f32 v39, v33;
	v60 =	vadd.s32 v5, v37  }
0x2a9: {  	v41 =	vshrl.u32 v59, $0x3  }
0x2aa: {  	v41 =	vshll.u32 v41, v1;
	[tilespmem:v40+s20+$0x0] =	vst.idx.msk $0xffff, v39  }
0x2ab: {  	v61 =	vbroadcast v41, $0x0;
	v39 =	vld [tilespmem:s26+$0xFFFFFC50];
	v38 =	vadd.f32 v38, v36;
	_ =	sdelay $0x1  }
0x2ac: {  	v41 =	vadd.s32 v5, v61;
	[tilespmem:v60+s20+$0x0] =	vst.idx.msk $0xffff, v38  }
0x2ad: {  	v38 =	vld [tilespmem:s26+$0xFFFFFE60];
	_ =	sdelay $0x1  }
0x2ae: {  	v62 =	vadd.s32 v6, v37;
	v39 =	vadd.f32 v39, v36;
	_ =	sdelay $0x1  }
0x2af: {  	[tilespmem:v41+s20+$0x0] =	vst.idx.msk $0xffff, v39  }
0x2b0: {  	v39 =	vld [tilespmem:s26+$0xFFFFFC60];
	v38 =	vadd.f32 v38, v35;
	_ =	sdelay $0x1  }
0x2b1: {  	v63 =	vadd.s32 v6, v61;
	[tilespmem:v62+s20+$0x0] =	vst.idx.msk $0xffff, v38  }
0x2b2: {  	v38 =	vld [tilespmem:s26+$0xFFFFFE70];
	_ =	sdelay $0x1  }
0x2b3: {  	v45 =	vadd.s32 v7, v37;
	v39 =	vadd.f32 v39, v35;
	_ =	sdelay $0x1  }
0x2b4: {  	[tilespmem:v63+s20+$0x0] =	vst.idx.msk $0xffff, v39  }
0x2b5: {  	v39 =	vld [tilespmem:s26+$0xFFFFFC70];
	v38 =	vadd.f32 v38, v34;
	_ =	sdelay $0x1  }
0x2b6: {  	v46 =	vadd.s32 v7, v61;
	[tilespmem:v45+s20+$0x0] =	vst.idx.msk $0xffff, v38  }
0x2b7: {  	v38 =	vld [tilespmem:s26+$0xFFFFFE80];
	_ =	sdelay $0x1  }
0x2b8: {  	v37 =	vadd.s32 v8, v37;
	v39 =	vadd.f32 v39, v34;
	_ =	sdelay $0x1  }
0x2b9: {  	s31 =	simm.s32 $0xA;
	[tilespmem:v46+s20+$0x0] =	vst.idx.msk $0xffff, v39  }
0x2ba: {  	v47 =	vmov s31;
	v39 =	vld [tilespmem:s26+$0xFFFFFC80];
	v38 =	vadd.f32 v38, v33  }
0x2bb: {  	v41 =	vshrl.u32 v47, $0x3  }
0x2bc: {  	v40 =	vadd.s32 v8, v61;
	v48 =	vshll.u32 v41, v1;
	[tilespmem:v37+s20+$0x0] =	vst.idx.msk $0xffff, v38  }
0x2bd: {  	v37 =	vbroadcast v48, $0x0;
	v38 =	vld [tilespmem:s26+$0xFFFFFE90]  }
0x2be: {  	s2 =	simm.s32 $0x2  }
0x2bf: {  	v49 =	vmov s2;
	v39 =	vadd.f32 v39, v33;
	v50 =	vadd.s32 v9, v37  }
0x2c0: {  	s4 =	simm.s32 $0x18;
	v41 =	vshrl.u32 v49, $0x3  }
0x2c1: {  	v51 =	vmov s4;
	v41 =	vshll.u32 v41, v1;
	[tilespmem:v40+s20+$0x0] =	vst.idx.msk $0xffff, v39  }
0x2c2: {  	v52 =	vbroadcast v41, $0x0;
	v39 =	vshrl.u32 v51, $0x3;
	v53 =	vld [tilespmem:s26+$0xFFFFFC90];
	v38 =	vadd.f32 v38, v36  }
0x2c3: {  	s24 =	simm.s32 $0x49F0;
	v39 =	vshll.u32 v39, v1  }
0x2c4: {  	v44 =	vld [tilespmem:s24+$0xFFFFFE10];
	v43 =	vadd.s32 v9, v52;
	v39 =	vbroadcast v39, $0x0;
	[tilespmem:v50+s20+$0x0] =	vst.idx.msk $0xffff, v38  }
0x2c5: {  	s29 =	simm.s32 $0x10;
	v38 =	vld [tilespmem:s26+$0xFFFFFEA0]  }
0x2c6: {  	v54 =	vmov s29;
	v45 =	vadd.s32 v0, v39  }
0x2c7: {  	v42 =	vshrl.u32 v54, $0x3;
	v46 =	vadd.s32 v10, v37;
	v41 =	vadd.f32 v53, v36  }
0x2c8: {  	v42 =	vshll.u32 v42, v1  }
0x2c9: {  	v42 =	vbroadcast v42, $0x0;
	v55 =	vadd.f32 v44, v36;
	v47 =	vld [tilespmem:s24+$0xFFFFFC10];
	[tilespmem:v43+s20+$0x0] =	vst.idx.msk $0xffff, v41  }
0x2ca: {  	v43 =	vld [tilespmem:s26+$0xFFFFFCA0];
	v38 =	vadd.f32 v38, v35  }
0x2cb: {  	v56 =	vadd.s32 v0, v42;
	[tilespmem:v45+s20+$0x0] =	vst.idx.msk $0xffff, v55  }
0x2cc: {  	v57 =	vadd.s32 v10, v52;
	v41 =	vld [tilespmem:s24+$0xFFFFFE20];
	[tilespmem:v46+s20+$0x0] =	vst.idx.msk $0xffff, v38  }
0x2cd: {  	v38 =	vld [tilespmem:s26+$0xFFFFFEB0]  }
0x2ce: {  	v58 =	vadd.f32 v47, v36;
	v59 =	vadd.s32 v2, v39  }
0x2cf: {  	v48 =	vadd.s32 v11, v37;
	v43 =	vadd.f32 v43, v35  }
0x2d0: {  	[tilespmem:v56+s20+$0x0] =	vst.idx.msk $0xffff, v58  }
0x2d1: {  	v44 =	vld [tilespmem:s24+$0xFFFFFC20];
	v41 =	vadd.f32 v41, v35;
	[tilespmem:v57+s20+$0x0] =	vst.idx.msk $0xffff, v43  }
0x2d2: {  	v43 =	vld [tilespmem:s26+$0xFFFFFCB0];
	v38 =	vadd.f32 v38, v34  }
0x2d3: {  	v60 =	vadd.s32 v2, v42;
	[tilespmem:v59+s20+$0x0] =	vst.idx.msk $0xffff, v41  }
0x2d4: {  	v61 =	vadd.s32 v11, v52;
	v41 =	vld [tilespmem:s24+$0xFFFFFE30];
	[tilespmem:v48+s20+$0x0] =	vst.idx.msk $0xffff, v38  }
0x2d5: {  	v38 =	vld [tilespmem:s26+$0xFFFFFEC0]  }
0x2d6: {  	v44 =	vadd.f32 v44, v35;
	v62 =	vadd.s32 v3, v39  }
0x2d7: {  	v37 =	vadd.s32 v12, v37;
	v43 =	vadd.f32 v43, v34  }
0x2d8: {  	[tilespmem:v60+s20+$0x0] =	vst.idx.msk $0xffff, v44  }
0x2d9: {  	s5 =	simm.s32 $0xB;
	v44 =	vld [tilespmem:s24+$0xFFFFFC30];
	v41 =	vadd.f32 v41, v34;
	[tilespmem:v61+s20+$0x0] =	vst.idx.msk $0xffff, v43  }
0x2da: {  	v63 =	vmov s5;
	v43 =	vld [tilespmem:s26+$0xFFFFFCC0];
	v38 =	vadd.f32 v38, v33  }
0x2db: {  	v49 =	vshrl.u32 v63, $0x3;
	v48 =	vadd.s32 v3, v42;
	[tilespmem:v62+s20+$0x0] =	vst.idx.msk $0xffff, v41  }
0x2dc: {  	v40 =	vadd.s32 v12, v52;
	v51 =	vshll.u32 v49, v1;
	v50 =	vld [tilespmem:s24+$0xFFFFFE40];
	[tilespmem:v37+s20+$0x0] =	vst.idx.msk $0xffff, v38  }
0x2dd: {  	v37 =	vbroadcast v51, $0x0;
	v38 =	vld [tilespmem:s26+$0xFFFFFED0]  }
0x2de: {  	s10 =	simm.s32 $0x3;
	v52 =	vadd.f32 v44, v34;
	v39 =	vadd.s32 v4, v39  }
0x2df: {  	v53 =	vmov s10;
	v43 =	vadd.f32 v43, v33;
	v54 =	vadd.s32 v13, v37  }
0x2e0: {  	s11 =	simm.s32 $0x19;
	v44 =	vshrl.u32 v53, $0x3;
	[tilespmem:v48+s20+$0x0] =	vst.idx.msk $0xffff, v52  }
0x2e1: {  	v55 =	vshll.u32 v44, v1;
	v57 =	vmov s11;
	v56 =	vld [tilespmem:s24+$0xFFFFFC40];
	v45 =	vadd.f32 v50, v33;
	[tilespmem:v40+s20+$0x0] =	vst.idx.msk $0xffff, v43  }
0x2e2: {  	v58 =	vshrl.u32 v57, $0x3;
	v40 =	vbroadcast v55, $0x0;
	v43 =	vld [tilespmem:s26+$0xFFFFFCD0];
	v38 =	vadd.f32 v38, v36  }
0x2e3: {  	v59 =	vshll.u32 v58, v1;
	v42 =	vadd.s32 v4, v42;
	[tilespmem:v39+s20+$0x0] =	vst.idx.msk $0xffff, v45  }
0x2e4: {  	v39 =	vbroadcast v59, $0x0;
	v60 =	vld [tilespmem:s24+$0xFFFFFE50];
	v61 =	vadd.s32 v13, v40;
	[tilespmem:v54+s20+$0x0] =	vst.idx.msk $0xffff, v38  }
0x2e5: {  	s31 =	simm.s32 $0x11;
	v38 =	vld [tilespmem:s26+$0xFFFFFEE0]  }
0x2e6: {  	v62 =	vmov s31;
	v44 =	vadd.f32 v56, v33;
	v63 =	vadd.s32 v5, v39  }
0x2e7: {  	v46 =	vshrl.u32 v62, $0x3;
	v52 =	vadd.s32 v14, v37;
	v43 =	vadd.f32 v43, v36  }
0x2e8: {  	v46 =	vshll.u32 v46, v1;
	[tilespmem:v42+s20+$0x0] =	vst.idx.msk $0xffff, v44  }
0x2e9: {  	v44 =	vbroadcast v46, $0x0;
	v42 =	vld [tilespmem:s24+$0xFFFFFC50];
	v41 =	vadd.f32 v60, v36;
	[tilespmem:v61+s20+$0x0] =	vst.idx.msk $0xffff, v43  }
0x2ea: {  	v43 =	vld [tilespmem:s26+$0xFFFFFCE0];
	v38 =	vadd.f32 v38, v35  }
0x2eb: {  	v53 =	vadd.s32 v5, v44;
	[tilespmem:v63+s20+$0x0] =	vst.idx.msk $0xffff, v41  }
0x2ec: {  	v54 =	vadd.s32 v14, v40;
	v41 =	vld [tilespmem:s24+$0xFFFFFE60];
	[tilespmem:v52+s20+$0x0] =	vst.idx.msk $0xffff, v38  }
0x2ed: {  	v38 =	vld [tilespmem:s26+$0xFFFFFEF0]  }
0x2ee: {  	v55 =	vadd.s32 v6, v39;
	v42 =	vadd.f32 v42, v36  }
0x2ef: {  	v56 =	vadd.s32 v15, v37;
	v43 =	vadd.f32 v43, v35  }
0x2f0: {  	[tilespmem:v53+s20+$0x0] =	vst.idx.msk $0xffff, v42  }
0x2f1: {  	v42 =	vld [tilespmem:s24+$0xFFFFFC60];
	v41 =	vadd.f32 v41, v35;
	[tilespmem:v54+s20+$0x0] =	vst.idx.msk $0xffff, v43  }
0x2f2: {  	v43 =	vld [tilespmem:s26+$0xFFFFFCF0];
	v38 =	vadd.f32 v38, v34  }
0x2f3: {  	v57 =	vadd.s32 v6, v44;
	[tilespmem:v55+s20+$0x0] =	vst.idx.msk $0xffff, v41  }
0x2f4: {  	v58 =	vadd.s32 v15, v40;
	v41 =	vld [tilespmem:s24+$0xFFFFFE70];
	[tilespmem:v56+s20+$0x0] =	vst.idx.msk $0xffff, v38  }
0x2f5: {  	v38 =	vld [tilespmem:s26+$0xFFFFFF00]  }
0x2f6: {  	v59 =	vadd.s32 v7, v39;
	v42 =	vadd.f32 v42, v35  }
0x2f7: {  	v37 =	vadd.s32 v16, v37;
	v43 =	vadd.f32 v43, v34  }
0x2f8: {  	[tilespmem:v57+s20+$0x0] =	vst.idx.msk $0xffff, v42  }
0x2f9: {  	s2 =	simm.s32 $0xC;
	v42 =	vld [tilespmem:s24+$0xFFFFFC70];
	v41 =	vadd.f32 v41, v34;
	[tilespmem:v58+s20+$0x0] =	vst.idx.msk $0xffff, v43  }
0x2fa: {  	v60 =	vmov s2;
	v43 =	vld [tilespmem:s26+$0xFFFFFD00];
	v38 =	vadd.f32 v38, v33  }
0x2fb: {  	v61 =	vadd.s32 v7, v44;
	v62 =	vshrl.u32 v60, $0x3;
	[tilespmem:v59+s20+$0x0] =	vst.idx.msk $0xffff, v41  }
0x2fc: {  	v40 =	vadd.s32 v16, v40;
	v47 =	vshll.u32 v62, v1;
	v63 =	vld [tilespmem:s24+$0xFFFFFE80];
	[tilespmem:v37+s20+$0x0] =	vst.idx.msk $0xffff, v38  }
0x2fd: {  	v37 =	vbroadcast v47, $0x0;
	v38 =	vld [tilespmem:s26+$0xFFFFFF10]  }
0x2fe: {  	s4 =	simm.s32 $0x4;
	v39 =	vadd.s32 v8, v39;
	v48 =	vadd.f32 v42, v34  }
0x2ff: {  	v49 =	vmov s4;
	v43 =	vadd.f32 v43, v33;
	v50 =	vadd.s32 v17, v37  }
0x300: {  	s5 =	simm.s32 $0x1A;
	v42 =	vshrl.u32 v49, $0x3;
	[tilespmem:v61+s20+$0x0] =	vst.idx.msk $0xffff, v48  }
0x301: {  	v53 =	vmov s5;
	v51 =	vshll.u32 v42, v1;
	v52 =	vld [tilespmem:s24+$0xFFFFFC80];
	v45 =	vadd.f32 v63, v33;
	[tilespmem:v40+s20+$0x0] =	vst.idx.msk $0xffff, v43  }
0x302: {  	v54 =	vshrl.u32 v53, $0x3;
	v40 =	vbroadcast v51, $0x0;
	v43 =	vld [tilespmem:s26+$0xFFFFFD10];
	v38 =	vadd.f32 v38, v36  }
0x303: {  	v44 =	vadd.s32 v8, v44;
	v55 =	vshll.u32 v54, v1;
	[tilespmem:v39+s20+$0x0] =	vst.idx.msk $0xffff, v45  }
0x304: {  	v39 =	vbroadcast v55, $0x0;
	v56 =	vld [tilespmem:s24+$0xFFFFFE90];
	v57 =	vadd.s32 v17, v40;
	[tilespmem:v50+s20+$0x0] =	vst.idx.msk $0xffff, v38  }
0x305: {  	s10 =	simm.s32 $0x12;
	v38 =	vld [tilespmem:s26+$0xFFFFFF20]  }
0x306: {  	v58 =	vmov s10;
	v42 =	vadd.f32 v52, v33;
	v59 =	vadd.s32 v9, v39  }
0x307: {  	s11 =	simm.s32 $0x28;
	v46 =	vshrl.u32 v58, $0x3;
	v60 =	vadd.s32 v18, v37;
	v43 =	vadd.f32 v43, v36  }
0x308: {  	v46 =	vshll.u32 v46, v1;
	v61 =	vmov s11;
	[tilespmem:v44+s20+$0x0] =	vst.idx.msk $0xffff, v42  }
0x309: {  	v44 =	vbroadcast v46, $0x0;
	v42 =	vshrl.u32 v61, $0x3;
	v62 =	vld [tilespmem:s24+$0xFFFFFC90];
	v41 =	vadd.f32 v56, v36;
	[tilespmem:v57+s20+$0x0] =	vst.idx.msk $0xffff, v43  }
0x30a: {  	s11 =	simm.s32 $0x4DF0;
	v42 =	vshll.u32 v42, v1;
	v43 =	vld [tilespmem:s26+$0xFFFFFD20];
	v38 =	vadd.f32 v38, v35  }
0x30b: {  	s30 =	simm.s32 $0x20;
	v49 =	vld [tilespmem:s11+$0xFFFFFE10];
	v63 =	vadd.s32 v9, v44;
	v42 =	vbroadcast v42, $0x0;
	[tilespmem:v59+s20+$0x0] =	vst.idx.msk $0xffff, v41  }
0x30c: {  	v54 =	vmov s30;
	v50 =	vadd.s32 v18, v40;
	v47 =	vld [tilespmem:s24+$0xFFFFFEA0];
	[tilespmem:v60+s20+$0x0] =	vst.idx.msk $0xffff, v38  }
0x30d: {  	v55 =	vshrl.u32 v54, $0x3;
	v56 =	vadd.s32 v0, v42;
	v48 =	vld [tilespmem:s26+$0xFFFFFF30]  }
0x30e: {  	v51 =	vadd.s32 v10, v39;
	v46 =	vadd.f32 v62, v36;
	v38 =	vshll.u32 v55, v1  }
0x30f: {  	v53 =	vadd.s32 v19, v37;
	v52 =	vld [tilespmem:s11+$0xFFFFFC10];
	v43 =	vadd.f32 v43, v35;
	v38 =	vbroadcast v38, $0x0  }
0x310: {  	v57 =	vadd.f32 v49, v36;
	[tilespmem:v63+s20+$0x0] =	vst.idx.msk $0xffff, v46  }
0x311: {  	v46 =	vld [tilespmem:s24+$0xFFFFFCA0];
	v47 =	vadd.f32 v47, v35;
	[tilespmem:v50+s20+$0x0] =	vst.idx.msk $0xffff, v43;
	v58 =	vadd.s32 v0, v38  }
0x312: {  	[tilespmem:v56+s20+$0x0] =	vst.idx.msk $0xffff, v57;
	v41 =	vld [tilespmem:s26+$0xFFFFFD30];
	v59 =	vadd.f32 v48, v34  }
0x313: {  	v45 =	vld [tilespmem:s11+$0xFFFFFE20];
	v60 =	vadd.s32 v10, v44;
	[tilespmem:v51+s20+$0x0] =	vst.idx.msk $0xffff, v47  }
0x314: {  	v61 =	vadd.f32 v52, v36;
	v63 =	vadd.s32 v19, v40;
	v62 =	vld [tilespmem:s24+$0xFFFFFEB0];
	[tilespmem:v53+s20+$0x0] =	vst.idx.msk $0xffff, v59  }
0x315: {  	v56 =	vadd.s32 v2, v42;
	v57 =	vld [tilespmem:s26+$0xFFFFFF40]  }
0x316: {  	v46 =	vadd.f32 v46, v35;
	[tilespmem:v58+s20+$0x0] =	vst.idx.msk $0xffff, v61;
	v58 =	vadd.s32 v11, v39  }
0x317: {  	v37 =	vadd.s32 v20, v37;
	v41 =	vadd.f32 v41, v34;
	v49 =	vld [tilespmem:s11+$0xFFFFFC20]  }
0x318: {  	v45 =	vadd.f32 v45, v35;
	[tilespmem:v60+s20+$0x0] =	vst.idx.msk $0xffff, v46  }
0x319: {  	s31 =	simm.s32 $0xD;
	v48 =	vld [tilespmem:s24+$0xFFFFFCB0];
	v59 =	vadd.s32 v2, v38;
	v50 =	vadd.f32 v62, v34;
	[tilespmem:v63+s20+$0x0] =	vst.idx.msk $0xffff, v41  }
0x31a: {  	[tilespmem:v56+s20+$0x0] =	vst.idx.msk $0xffff, v45;
	v61 =	vmov s31;
	v41 =	vld [tilespmem:s26+$0xFFFFFD40];
	v60 =	vadd.f32 v57, v33  }
0x31b: {  	v52 =	vadd.s32 v11, v44;
	v40 =	vadd.s32 v20, v40;
	v51 =	vld [tilespmem:s11+$0xFFFFFE30];
	v45 =	vshrl.u32 v61, $0x3;
	[tilespmem:v58+s20+$0x0] =	vst.idx.msk $0xffff, v50  }
0x31c: {  	v55 =	vshll.u32 v45, v1;
	v62 =	vadd.f32 v49, v35;
	v63 =	vld [tilespmem:s24+$0xFFFFFEC0];
	[tilespmem:v37+s20+$0x0] =	vst.idx.msk $0xffff, v60  }
0x31d: {  	v43 =	vadd.s32 v3, v42;
	v37 =	vbroadcast v55, $0x0;
	v56 =	vld [tilespmem:s26+$0xFFFFFF50]  }
0x31e: {  	s2 =	simm.s32 $0x5;
	v39 =	vadd.s32 v12, v39;
	v58 =	vadd.f32 v48, v34;
	[tilespmem:v59+s20+$0x0] =	vst.idx.msk $0xffff, v62  }
0x31f: {  	v57 =	vmov s2;
	v41 =	vadd.f32 v41, v33;
	v60 =	vld [tilespmem:s11+$0xFFFFFC30];
	v61 =	vadd.s32 v21, v37  }
0x320: {  	s4 =	simm.s32 $0x1B;
	v51 =	vadd.f32 v51, v34;
	[tilespmem:v52+s20+$0x0] =	vst.idx.msk $0xffff, v58;
	v59 =	vshrl.u32 v57, $0x3;
	v62 =	vadd.s32 v3, v38  }
0x321: {  	v52 =	vld [tilespmem:s24+$0xFFFFFCC0];
	v47 =	vshll.u32 v59, v1;
	[tilespmem:v40+s20+$0x0] =	vst.idx.msk $0xffff, v41;
	v49 =	vadd.f32 v63, v33;
	v63 =	vmov s4  }
0x322: {  	[tilespmem:v43+s20+$0x0] =	vst.idx.msk $0xffff, v51;
	v40 =	vbroadcast v47, $0x0;
	v54 =	vld [tilespmem:s26+$0xFFFFFD50];
	v53 =	vshrl.u32 v63, $0x3;
	v45 =	vadd.f32 v56, v36  }
0x323: {  	v44 =	vadd.s32 v12, v44;
	v63 =	vld [tilespmem:s11+$0xFFFFFE40];
	[tilespmem:v39+s20+$0x0] =	vst.idx.msk $0xffff, v49;
	v55 =	vshll.u32 v53, v1  }
0x324: {  	v58 =	vadd.s32 v21, v40;
	v56 =	vadd.f32 v60, v34;
	v57 =	vld [tilespmem:s24+$0xFFFFFED0];
	v49 =	vbroadcast v55, $0x0;
	[tilespmem:v61+s20+$0x0] =	vst.idx.msk $0xffff, v45  }
0x325: {  	s5 =	simm.s32 $0x13;
	v42 =	vadd.s32 v4, v42;
	v38 =	vadd.s32 v4, v38;
	v50 =	vld [tilespmem:s26+$0xFFFFFF60]  }
0x326: {  	v59 =	vmov s5;
	v60 =	vadd.f32 v52, v33;
	[tilespmem:v62+s20+$0x0] =	vst.idx.msk $0xffff, v56;
	v61 =	vadd.s32 v13, v49  }
0x327: {  	s10 =	simm.s32 $0x29;
	v52 =	vadd.s32 v22, v37;
	v45 =	vshrl.u32 v59, $0x3;
	v43 =	vadd.f32 v54, v36;
	v62 =	vld [tilespmem:s11+$0xFFFFFC40]  }
0x328: {  	[tilespmem:v44+s20+$0x0] =	vst.idx.msk $0xffff, v60;
	v45 =	vshll.u32 v45, v1;
	v47 =	vadd.f32 v63, v33;
	v63 =	vmov s10  }
0x329: {  	v41 =	vbroadcast v45, $0x0;
	v56 =	vshrl.u32 v63, $0x3;
	v45 =	vld [tilespmem:s24+$0xFFFFFCD0];
	[tilespmem:v58+s20+$0x0] =	vst.idx.msk $0xffff, v43;
	v48 =	vadd.f32 v57, v36  }
0x32a: {  	s31 =	simm.s32 $0x21;
	[tilespmem:v42+s20+$0x0] =	vst.idx.msk $0xffff, v47;
	v57 =	vshll.u32 v56, v1;
	v42 =	vld [tilespmem:s26+$0xFFFFFD60];
	v58 =	vadd.f32 v50, v35  }
0x32b: {  	v59 =	vmov s31;
	v47 =	vld [tilespmem:s11+$0xFFFFFE50];
	v60 =	vadd.s32 v13, v41;
	[tilespmem:v61+s20+$0x0] =	vst.idx.msk $0xffff, v48;
	v50 =	vbroadcast v57, $0x0  }
0x32c: {  	v44 =	vshrl.u32 v59, $0x3;
	v61 =	vadd.f32 v62, v33;
	v48 =	vld [tilespmem:s24+$0xFFFFFEE0];
	v62 =	vadd.s32 v22, v40;
	[tilespmem:v52+s20+$0x0] =	vst.idx.msk $0xffff, v58  }
0x32d: {  	v63 =	vshll.u32 v44, v1;
	v56 =	vadd.s32 v5, v50;
	v52 =	vld [tilespmem:s26+$0xFFFFFF70]  }
0x32e: {  	v57 =	vadd.f32 v45, v36;
	[tilespmem:v38+s20+$0x0] =	vst.idx.msk $0xffff, v61;
	v58 =	vadd.s32 v14, v49  }
0x32f: {  	v59 =	vadd.s32 v23, v37;
	v43 =	vbroadcast v63, $0x0;
	v42 =	vadd.f32 v42, v35;
	v46 =	vld [tilespmem:s11+$0xFFFFFC50]  }
0x330: {  	v47 =	vadd.f32 v47, v36;
	[tilespmem:v60+s20+$0x0] =	vst.idx.msk $0xffff, v57  }
0x331: {  	v60 =	vadd.s32 v5, v43;
	v39 =	vld [tilespmem:s24+$0xFFFFFCE0];
	v48 =	vadd.f32 v48, v35;
	[tilespmem:v62+s20+$0x0] =	vst.idx.msk $0xffff, v42  }
0x332: {  	v42 =	vld [tilespmem:s26+$0xFFFFFD70];
	[tilespmem:v56+s20+$0x0] =	vst.idx.msk $0xffff, v47;
	v61 =	vadd.f32 v52, v34  }
0x333: {  	v62 =	vadd.s32 v14, v41;
	[tilespmem:v58+s20+$0x0] =	vst.idx.msk $0xffff, v48;
	v47 =	vld [tilespmem:s11+$0xFFFFFE60]  }
0x334: {  	v57 =	vadd.s32 v23, v40;
	v63 =	vadd.f32 v46, v36;
	v56 =	vld [tilespmem:s24+$0xFFFFFEF0];
	[tilespmem:v59+s20+$0x0] =	vst.idx.msk $0xffff, v61  }
0x335: {  	v58 =	vadd.s32 v6, v50;
	v59 =	vld [tilespmem:s26+$0xFFFFFF80]  }
0x336: {  	[tilespmem:v60+s20+$0x0] =	vst.idx.msk $0xffff, v63;
	v60 =	vadd.f32 v39, v35;
	v61 =	vadd.s32 v15, v49  }
0x337: {  	v37 =	vadd.s32 v24, v37;
	v51 =	vadd.s32 v6, v43;
	v45 =	vld [tilespmem:s11+$0xFFFFFC60];
	v42 =	vadd.f32 v42, v34  }
0x338: {  	v40 =	vadd.s32 v24, v40;
	[tilespmem:v62+s20+$0x0] =	vst.idx.msk $0xffff, v60;
	v47 =	vadd.f32 v47, v35  }
0x339: {  	s2 =	simm.s32 $0x6;
	s4 =	simm.s32 $0xE;
	v52 =	vadd.s32 v15, v41;
	v63 =	vld [tilespmem:s24+$0xFFFFFCF0];
	v46 =	vadd.f32 v56, v34;
	[tilespmem:v57+s20+$0x0] =	vst.idx.msk $0xffff, v42  }
0x33a: {  	v62 =	vmov s2;
	v42 =	vld [tilespmem:s26+$0xFFFFFD80];
	[tilespmem:v58+s20+$0x0] =	vst.idx.msk $0xffff, v47;
	v58 =	vadd.f32 v59, v33;
	v59 =	vmov s4  }
0x33b: {  	v38 =	vshrl.u32 v62, $0x3;
	v62 =	vadd.s32 v7, v50;
	[tilespmem:v61+s20+$0x0] =	vst.idx.msk $0xffff, v46;
	v48 =	vld [tilespmem:s11+$0xFFFFFE70];
	v60 =	vshrl.u32 v59, $0x3  }
0x33c: {  	s5 =	simm.s32 $0x7;
	v45 =	vadd.f32 v45, v35;
	v54 =	vld [tilespmem:s24+$0xFFFFFF00];
	[tilespmem:v37+s20+$0x0] =	vst.idx.msk $0xffff, v58;
	v61 =	vshll.u32 v60, v1  }
0x33d: {  	s31 =	simm.s32 $0x14;
	v56 =	vmov s5;
	v50 =	vadd.s32 v8, v50;
	v55 =	vld [tilespmem:s26+$0xFFFFFF90];
	v39 =	vbroadcast v61, $0x0  }
0x33e: {  	v57 =	vmov s31;
	[tilespmem:v51+s20+$0x0] =	vst.idx.msk $0xffff, v45;
	v63 =	vadd.f32 v63, v34;
	v45 =	vadd.s32 v16, v49  }
0x33f: {  	v38 =	vshll.u32 v38, v1;
	v51 =	vld [tilespmem:s11+$0xFFFFFC70];
	v42 =	vadd.f32 v42, v33;
	v60 =	vadd.s32 v25, v39  }
0x340: {  	s5 =	simm.s32 $0x1C;
	v57 =	vshrl.u32 v57, $0x3;
	v56 =	vshrl.u32 v56, $0x3;
	[tilespmem:v52+s20+$0x0] =	vst.idx.msk $0xffff, v63;
	v48 =	vadd.f32 v48, v34  }
0x341: {  	v59 =	vmov s5;
	v61 =	vadd.s32 v7, v43;
	v58 =	vld [tilespmem:s24+$0xFFFFFD00];
	v54 =	vadd.f32 v54, v33;
	[tilespmem:v40+s20+$0x0] =	vst.idx.msk $0xffff, v42  }
0x342: {  	s2 =	simm.s32 $0x30;
	v37 =	vbroadcast v38, $0x0;
	v40 =	vld [tilespmem:s26+$0xFFFFFD90];
	[tilespmem:v62+s20+$0x0] =	vst.idx.msk $0xffff, v48;
	v62 =	vshrl.u32 v59, $0x3;
	v63 =	vadd.f32 v55, v36  }
0x343: {  	v47 =	vmov s2;
	v48 =	vadd.s32 v16, v41;
	[tilespmem:v45+s20+$0x0] =	vst.idx.msk $0xffff, v54;
	v44 =	vld [tilespmem:s11+$0xFFFFFE80];
	v38 =	vshll.u32 v62, v1  }
0x344: {  	s4 =	simm.s32 $0x23;
	v59 =	vadd.f32 v51, v34;
	v51 =	vld [tilespmem:s24+$0xFFFFFF10];
	v41 =	vbroadcast v38, $0x0;
	v38 =	vadd.s32 v25, v37;
	[tilespmem:v60+s20+$0x0] =	vst.idx.msk $0xffff, v63  }
0x345: {  	s10 =	simm.s32 $0x15;
	v47 =	vshrl.u32 v47, $0x3;
	v46 =	vmov s4;
	v42 =	vshll.u32 v57, v1;
	v53 =	vld [tilespmem:s26+$0xFFFFFFA0]  }
0x346: {  	v49 =	vmov s10;
	[tilespmem:v61+s20+$0x0] =	vst.idx.msk $0xffff, v59;
	v60 =	vadd.f32 v58, v33;
	v61 =	vadd.s32 v17, v41  }
0x347: {  	s31 =	simm.s32 $0x2A;
	v42 =	vbroadcast v42, $0x0;
	v58 =	vadd.s32 v26, v39;
	v62 =	vld [tilespmem:s11+$0xFFFFFC80];
	v40 =	vadd.f32 v40, v36  }
0x348: {  	v55 =	vshll.u32 v47, v1;
	v63 =	vmov s31;
	[tilespmem:v48+s20+$0x0] =	vst.idx.msk $0xffff, v60;
	v44 =	vadd.f32 v44, v33  }
0x349: {  	s10 =	simm.s32 $0x22;
	v45 =	vshrl.u32 v63, $0x3;
	v48 =	vadd.s32 v8, v43;
	v59 =	vld [tilespmem:s24+$0xFFFFFD10];
	v51 =	vadd.f32 v51, v36;
	[tilespmem:v38+s20+$0x0] =	vst.idx.msk $0xffff, v40  }
0x34a: {  	v54 =	vmov s10;
	[tilespmem:v50+s20+$0x0] =	vst.idx.msk $0xffff, v44;
	v50 =	vshll.u32 v45, v1;
	v43 =	vld [tilespmem:s26+$0xFFFFFDA0];
	v60 =	vadd.f32 v53, v35  }
0x34b: {  	v45 =	vshrl.u32 v49, $0x3;
	v49 =	vadd.s32 v17, v42;
	v47 =	vbroadcast v50, $0x0;
	[tilespmem:v61+s20+$0x0] =	vst.idx.msk $0xffff, v51;
	v53 =	vld [tilespmem:s11+$0xFFFFFE90]  }
0x34c: {  	v40 =	vadd.s32 v26, v37;
	v61 =	vadd.f32 v62, v33;
	v62 =	vshrl.u32 v54, $0x3;
	v50 =	vld [tilespmem:s24+$0xFFFFFF20];
	[tilespmem:v58+s20+$0x0] =	vst.idx.msk $0xffff, v60  }
0x34d: {  	v38 =	vshll.u32 v56, v1;
	v63 =	vshll.u32 v62, v1;
	v54 =	vadd.s32 v9, v47;
	v44 =	vld [tilespmem:s26+$0xFFFFFFB0]  }
0x34e: {  	s0 =	simm.s32 $0x4DF0;
	s4 =	simm.s32 $0x40;
	s10 =	simm.s32 $0x38;
	v51 =	vadd.s32 v18, v41;
	[tilespmem:v48+s20+$0x0] =	vst.idx.msk $0xffff, v61;
	v48 =	vbroadcast v63, $0x0;
	v52 =	vadd.f32 v59, v36  }
.LBB2_11:
0x34f: {  	p0 =	slt.u32 s4, $0xF0;
	v56 =	vmov s10;
	v57 =	vld [tilespmem:s11+$0xFFFFFC90];
	v43 =	vadd.f32 v43, v35;
	v58 =	vadd.s32 v27, v39  }
0x350: {  	v56 =	vshrl.u32 v56, $0x3;
	v59 =	vadd.s32 v9, v48;
	v53 =	vadd.f32 v53, v36;
	[tilespmem:v49+s20+$0x0] =	vst.idx.msk $0xffff, v52  }
0x351: {  	s11 =	sadd.s32 $0x400, s11;
	v52 =	vshrl.u32 v46, $0x3;
	v49 =	vshll.u32 v56, v1;
	v56 =	vld [tilespmem:s24+$0xFFFFFD20];
	v50 =	vadd.f32 v50, v35;
	[tilespmem:v40+s20+$0x0] =	vst.idx.msk $0xffff, v43  }
0x352: {  	s5 =	sadd.s32 $0x1, s2;
	v60 =	vld [tilespmem:s11+$0xFFFFFE10];
	v46 =	vbroadcast v49, $0x0;
	[tilespmem:v54+s20+$0x0] =	vst.idx.msk $0xffff, v53;
	v53 =	vshll.u32 v45, v1;
	v40 =	vadd.f32 v44, v34  }
0x353: {  	v43 =	vmov s5;
	v44 =	vshll.u32 v52, v1;
	v49 =	vadd.s32 v18, v42;
	v45 =	vld [tilespmem:s0+$0xFFFFFEA0];
	[tilespmem:v51+s20+$0x0] =	vst.idx.msk $0xffff, v50  }
0x354: {  	v43 =	vshrl.u32 v43, $0x3;
	v50 =	vadd.s32 v0, v46;
	v51 =	vadd.f32 v57, v36;
	v52 =	vld [tilespmem:s24+$0xFFFFFF30];
	[tilespmem:v58+s20+$0x0] =	vst.idx.msk $0xffff, v40  }
0x355: {  	v54 =	vbroadcast v55, $0x0;
	v55 =	vadd.s32 v10, v47;
	v40 =	vshll.u32 v43, v1;
	v57 =	vld [tilespmem:s26+$0xFFFFFFC0]  }
0x356: {  	v58 =	vld [tilespmem:s11+$0xFFFFFC10];
	[tilespmem:v59+s20+$0x0] =	vst.idx.msk $0xffff, v51;
	v51 =	vadd.f32 v56, v35;
	v56 =	vadd.s32 v19, v41  }
0x357: {  	v39 =	vadd.s32 v28, v39;
	v43 =	vadd.s32 v4, v54;
	v59 =	vadd.f32 v60, v36;
	v60 =	vld [tilespmem:s0+$0xFFFFFCA0]  }
0x358: {  	v61 =	vadd.s32 v0, v54;
	v45 =	vadd.f32 v45, v35;
	[tilespmem:v49+s20+$0x0] =	vst.idx.msk $0xffff, v51;
	v49 =	vld [tilespmem:s26+$0xFFFFFDB0]  }
0x359: {  	s5 =	sadd.s32 $0xF, s28;
	s28 =	smov.u32 s29;
	s29 =	smov.u32 s30;
	v51 =	vadd.s32 v2, v54;
	[tilespmem:v50+s20+$0x0] =	vst.idx.msk $0xffff, v59;
	v50 =	vld [tilespmem:s24+$0xFFFFFD30];
	v52 =	vadd.f32 v52, v34  }
0x35a: {  	v62 =	vadd.s32 v10, v48;
	s30 =	smov.u32 s2;
	s2 =	smov.u32 s4;
	v59 =	vld [tilespmem:s11+$0xFFFFFE20];
	[tilespmem:v55+s20+$0x0] =	vst.idx.msk $0xffff, v45;
	v45 =	vadd.f32 v57, v33;
	v55 =	vmov s5  }
0x35b: {  	v63 =	vadd.s32 v19, v42;
	v57 =	vadd.f32 v58, v36;
	v58 =	vld [tilespmem:s0+$0xFFFFFEB0];
	[tilespmem:v56+s20+$0x0] =	vst.idx.msk $0xffff, v52;
	v52 =	vshrl.u32 v55, $0x3  }
0x35c: {  	v55 =	vadd.s32 v2, v46;
	v56 =	vld [tilespmem:s24+$0xFFFFFF40];
	[tilespmem:v39+s20+$0x0] =	vst.idx.msk $0xffff, v45;
	v39 =	vshll.u32 v52, v1  }
0x35d: {  	v52 =	vadd.f32 v60, v35;
	[tilespmem:v61+s20+$0x0] =	vst.idx.msk $0xffff, v57;
	v57 =	vadd.s32 v11, v47;
	v60 =	vld [tilespmem:s26+$0xFFFFFFD0];
	v45 =	vbroadcast v39, $0x0  }
0x35e: {  	v41 =	vadd.s32 v20, v41;
	v61 =	vadd.f32 v49, v34;
	v39 =	vld [tilespmem:s11+$0xFFFFFC20];
	v50 =	vadd.f32 v50, v34  }
0x35f: {  	v49 =	vadd.f32 v59, v35;
	[tilespmem:v62+s20+$0x0] =	vst.idx.msk $0xffff, v52;
	v52 =	vadd.s32 v29, v45  }
0x360: {  	s5 =	sadd.s32 $0xD, s28;
	v59 =	vld [tilespmem:s0+$0xFFFFFCB0];
	v58 =	vadd.f32 v58, v34;
	[tilespmem:v63+s20+$0x0] =	vst.idx.msk $0xffff, v50;
	v50 =	vadd.s32 v27, v37  }
0x361: {  	v42 =	vadd.s32 v20, v42;
	[tilespmem:v55+s20+$0x0] =	vst.idx.msk $0xffff, v49;
	v55 =	vld [tilespmem:s24+$0xFFFFFD40];
	v49 =	vadd.f32 v56, v33;
	v56 =	vmov s5  }
0x362: {  	v63 =	vadd.s32 v11, v48;
	v62 =	vld [tilespmem:s11+$0xFFFFFE30];
	[tilespmem:v57+s20+$0x0] =	vst.idx.msk $0xffff, v58;
	v56 =	vshrl.u32 v56, $0x3;
	v57 =	vadd.f32 v60, v36  }
0x363: {  	v39 =	vadd.f32 v39, v35;
	v58 =	vld [tilespmem:s0+$0xFFFFFEC0];
	[tilespmem:v41+s20+$0x0] =	vst.idx.msk $0xffff, v49;
	v41 =	vshll.u32 v56, v1  }
0x364: {  	v54 =	vadd.s32 v3, v54;
	v56 =	vadd.s32 v3, v46;
	v60 =	vld [tilespmem:s24+$0xFFFFFF50];
	v49 =	vbroadcast v41, $0x0;
	[tilespmem:v52+s20+$0x0] =	vst.idx.msk $0xffff, v57  }
0x365: {  	v41 =	vadd.s32 v12, v47;
	[tilespmem:v51+s20+$0x0] =	vst.idx.msk $0xffff, v39;
	v39 =	vadd.f32 v59, v34;
	v47 =	vld [tilespmem:s26+$0xFFFFFFE0]  }
0x366: {  	v51 =	vld [tilespmem:s11+$0xFFFFFC30];
	v52 =	vadd.f32 v55, v33;
	v55 =	vadd.s32 v21, v49;
	[tilespmem:v50+s20+$0x0] =	vst.idx.msk $0xffff, v61  }
0x367: {  	s5 =	sadd.s32 $0xB, s29;
	v57 =	vadd.s32 v30, v45;
	v50 =	vadd.f32 v62, v34;
	[tilespmem:v63+s20+$0x0] =	vst.idx.msk $0xffff, v39;
	v39 =	vbroadcast v53, $0x0;
	v53 =	vld [tilespmem:s26+$0xFFFFFDC0]  }
0x368: {  	v61 =	vmov s5;
	v59 =	vld [tilespmem:s0+$0xFFFFFCC0];
	v58 =	vadd.f32 v58, v33;
	[tilespmem:v42+s20+$0x0] =	vst.idx.msk $0xffff, v52;
	v42 =	vadd.s32 v28, v37  }
0x369: {  	v48 =	vadd.s32 v12, v48;
	v37 =	vshrl.u32 v61, $0x3;
	[tilespmem:v56+s20+$0x0] =	vst.idx.msk $0xffff, v50;
	v50 =	vld [tilespmem:s24+$0xFFFFFD50];
	v52 =	vadd.f32 v60, v36  }
0x36a: {  	v37 =	vshll.u32 v37, v1;
	v56 =	vld [tilespmem:s11+$0xFFFFFE40];
	[tilespmem:v41+s20+$0x0] =	vst.idx.msk $0xffff, v58;
	v41 =	vadd.f32 v47, v35  }
0x36b: {  	v37 =	vbroadcast v37, $0x0;
	v58 =	vadd.s32 v21, v39;
	v47 =	vadd.f32 v51, v34;
	v51 =	vld [tilespmem:s0+$0xFFFFFED0];
	[tilespmem:v55+s20+$0x0] =	vst.idx.msk $0xffff, v52  }
0x36c: {  	v46 =	vadd.s32 v4, v46;
	v52 =	vld [tilespmem:s24+$0xFFFFFF60];
	v53 =	vadd.f32 v53, v33;
	[tilespmem:v57+s20+$0x0] =	vst.idx.msk $0xffff, v41  }
0x36d: {  	v38 =	vbroadcast v38, $0x0;
	[tilespmem:v54+s20+$0x0] =	vst.idx.msk $0xffff, v47;
	v47 =	vadd.f32 v59, v33;
	v54 =	vadd.s32 v13, v37;
	v55 =	vld [tilespmem:s26+$0xFFFFFFF0]  }
0x36e: {  	s5 =	sadd.s32 $0x9, s30;
	v41 =	vbroadcast v44, $0x0;
	v57 =	vld [tilespmem:s11+$0xFFFFFC40];
	v44 =	vadd.f32 v50, v36;
	v50 =	vadd.s32 v22, v49;
	[tilespmem:v42+s20+$0x0] =	vst.idx.msk $0xffff, v53  }
0x36f: {  	v53 =	vmov s5;
	v42 =	vadd.f32 v56, v33;
	[tilespmem:v48+s20+$0x0] =	vst.idx.msk $0xffff, v47;
	v47 =	vld [tilespmem:s26+$0xFFFFFDD0];
	v48 =	vadd.s32 v31, v45  }
0x370: {  	v53 =	vshrl.u32 v53, $0x3;
	v56 =	vld [tilespmem:s0+$0xFFFFFCD0];
	v51 =	vadd.f32 v51, v36;
	[tilespmem:v58+s20+$0x0] =	vst.idx.msk $0xffff, v44;
	v44 =	vadd.s32 v29, v38  }
0x371: {  	[tilespmem:v46+s20+$0x0] =	vst.idx.msk $0xffff, v42;
	v42 =	vshll.u32 v53, v1;
	v46 =	vld [tilespmem:s24+$0xFFFFFD60];
	v52 =	vadd.f32 v52, v35  }
0x372: {  	v58 =	vadd.s32 v13, v41;
	v53 =	vld [tilespmem:s11+$0xFFFFFE50];
	v42 =	vbroadcast v42, $0x0;
	[tilespmem:v54+s20+$0x0] =	vst.idx.msk $0xffff, v51;
	v51 =	vadd.f32 v55, v34  }
0x373: {  	v54 =	vadd.f32 v57, v33;
	v55 =	vld [tilespmem:s0+$0xFFFFFEE0];
	v57 =	vadd.s32 v22, v39;
	[tilespmem:v50+s20+$0x0] =	vst.idx.msk $0xffff, v52  }
0x374: {  	v50 =	vadd.s32 v5, v42;
	v52 =	vld [tilespmem:s24+$0xFFFFFF70];
	v47 =	vadd.f32 v47, v36;
	[tilespmem:v48+s20+$0x0] =	vst.idx.msk $0xffff, v51  }
0x375: {  	v48 =	vadd.s32 v14, v37;
	[tilespmem:v43+s20+$0x0] =	vst.idx.msk $0xffff, v54;
	v43 =	vadd.f32 v56, v36;
	v51 =	vld [tilespmem:s26+$0x0]  }
0x376: {  	v40 =	vbroadcast v40, $0x0;
	v56 =	vadd.s32 v23, v49;
	v54 =	vld [tilespmem:s11+$0xFFFFFC50];
	v46 =	vadd.f32 v46, v35;
	[tilespmem:v44+s20+$0x0] =	vst.idx.msk $0xffff, v47  }
0x377: {  	v45 =	vadd.s32 v32, v45;
	v44 =	vadd.f32 v53, v36;
	[tilespmem:v58+s20+$0x0] =	vst.idx.msk $0xffff, v43;
	v43 =	vld [tilespmem:s26+$0xFFFFFDE0]  }
0x378: {  	v47 =	vadd.s32 v5, v40;
	v53 =	vld [tilespmem:s0+$0xFFFFFCE0];
	v55 =	vadd.f32 v55, v35;
	[tilespmem:v57+s20+$0x0] =	vst.idx.msk $0xffff, v46  }
0x379: {  	[tilespmem:v50+s20+$0x0] =	vst.idx.msk $0xffff, v44;
	v44 =	vld [tilespmem:s24+$0xFFFFFD70];
	v46 =	vadd.f32 v52, v34;
	v50 =	vadd.s32 v30, v38  }
0x37a: {  	v57 =	vadd.s32 v14, v41;
	v52 =	vld [tilespmem:s11+$0xFFFFFE60];
	[tilespmem:v48+s20+$0x0] =	vst.idx.msk $0xffff, v55;
	v48 =	vadd.f32 v51, v33  }
0x37b: {  	v55 =	vadd.s32 v23, v39;
	v51 =	vadd.f32 v54, v36;
	v54 =	vld [tilespmem:s0+$0xFFFFFEF0];
	[tilespmem:v56+s20+$0x0] =	vst.idx.msk $0xffff, v46  }
0x37c: {  	s5 =	sadd.s32 $0x6, s28;
	v46 =	vadd.s32 v6, v42;
	v56 =	vld [tilespmem:s24+$0xFFFFFF80];
	v43 =	vadd.f32 v43, v35;
	[tilespmem:v45+s20+$0x0] =	vst.idx.msk $0xffff, v48  }
0x37d: {  	v48 =	vmov s5;
	[tilespmem:v47+s20+$0x0] =	vst.idx.msk $0xffff, v51;
	v45 =	vadd.f32 v53, v35;
	v47 =	vadd.s32 v15, v37  }
0x37e: {  	v49 =	vadd.s32 v24, v49;
	v48 =	vshrl.u32 v48, $0x3;
	v51 =	vld [tilespmem:s11+$0xFFFFFC60];
	v44 =	vadd.f32 v44, v34;
	[tilespmem:v50+s20+$0x0] =	vst.idx.msk $0xffff, v43  }
0x37f: {  	s5 =	sadd.s32 $0x7, s28;
	v43 =	vmov s4;
	v50 =	vadd.f32 v52, v35;
	[tilespmem:v57+s20+$0x0] =	vst.idx.msk $0xffff, v45;
	v45 =	vshll.u32 v48, v1;
	v48 =	vld [tilespmem:s26+$0xFFFFFDF0]  }
0x380: {  	v52 =	vadd.s32 v6, v40;
	v53 =	vld [tilespmem:s0+$0xFFFFFCF0];
	v54 =	vadd.f32 v54, v34;
	[tilespmem:v55+s20+$0x0] =	vst.idx.msk $0xffff, v44;
	v44 =	vmov s5;
	s5 =	sadd.s32 $0xE, s28  }
0x381: {  	[tilespmem:v46+s20+$0x0] =	vst.idx.msk $0xffff, v50;
	v50 =	vld [tilespmem:s24+$0xFFFFFD80];
	v46 =	vadd.f32 v56, v33;
	v55 =	vmov s5;
	v56 =	vadd.s32 v31, v38  }
0x382: {  	v58 =	vadd.s32 v15, v41;
	s5 =	sadd.s32 $0x5, s29;
	v57 =	vld [tilespmem:s11+$0xFFFFFE70];
	[tilespmem:v47+s20+$0x0] =	vst.idx.msk $0xffff, v54;
	v47 =	vadd.s32 v24, v39;
	v39 =	vshrl.u32 v55, $0x3  }
0x383: {  	v54 =	vmov s5;
	v51 =	vadd.f32 v51, v35;
	v55 =	vld [tilespmem:s0+$0xFFFFFF00];
	[tilespmem:v49+s20+$0x0] =	vst.idx.msk $0xffff, v46;
	v39 =	vshll.u32 v39, v1  }
0x384: {  	s5 =	sadd.s32 $0x4, s29;
	v49 =	vadd.s32 v7, v42;
	v59 =	vld [tilespmem:s24+$0xFFFFFF90];
	v39 =	vbroadcast v39, $0x0;
	v48 =	vadd.f32 v48, v34  }
0x385: {  	s10 =	sadd.s32 $0x3, s30;
	[tilespmem:v52+s20+$0x0] =	vst.idx.msk $0xffff, v51;
	v51 =	vadd.f32 v53, v34;
	v52 =	vmov s5;
	v53 =	vadd.s32 v16, v37  }
0x386: {  	v46 =	vmov s10;
	s5 =	sadd.s32 $0x2, s30;
	v60 =	vld [tilespmem:s11+$0xFFFFFC70];
	v50 =	vadd.f32 v50, v33;
	v61 =	vadd.s32 v25, v39;
	[tilespmem:v56+s20+$0x0] =	vst.idx.msk $0xffff, v48  }
0x387: {  	v37 =	vbroadcast v45, $0x0;
	v48 =	vmov s5;
	s5 =	sadd.s32 $0xC, s29;
	v56 =	vadd.f32 v57, v34;
	[tilespmem:v58+s20+$0x0] =	vst.idx.msk $0xffff, v51;
	v45 =	vld [tilespmem:s26+$0xFFFFFE00];
	s26 =	smov.u32 s24;
	s24 =	smov.u32 s0  }
0x388: {  	v51 =	vadd.s32 v7, v40;
	v58 =	vmov s5;
	s0 =	smov.u32 s11;
	v57 =	vld [tilespmem:s24+$0xFFFFFD00];
	v55 =	vadd.f32 v55, v33;
	[tilespmem:v47+s20+$0x0] =	vst.idx.msk $0xffff, v50  }
0x389: {  	v38 =	vadd.s32 v32, v38;
	v47 =	vshrl.u32 v58, $0x3;
	[tilespmem:v49+s20+$0x0] =	vst.idx.msk $0xffff, v56;
	v49 =	vld [tilespmem:s26+$0xFFFFFD90];
	v50 =	vadd.f32 v59, v36  }
0x38a: {  	v52 =	vshrl.u32 v52, $0x3;
	v58 =	vadd.s32 v16, v41;
	v41 =	vshll.u32 v47, v1;
	v56 =	vld [tilespmem:s11+$0xFFFFFE80];
	[tilespmem:v53+s20+$0x0] =	vst.idx.msk $0xffff, v55  }
0x38b: {  	v41 =	vbroadcast v41, $0x0;
	v55 =	vadd.s32 v25, v37;
	v47 =	vadd.f32 v60, v34;
	v53 =	vld [tilespmem:s24+$0xFFFFFF10];
	[tilespmem:v61+s20+$0x0] =	vst.idx.msk $0xffff, v50  }
0x38c: {  	v50 =	vadd.s32 v8, v42;
	v42 =	vshll.u32 v52, v1;
	v52 =	vld [tilespmem:s26+$0xFFFFFFA0];
	v45 =	vadd.f32 v45, v33  }
0x38d: {  	v59 =	vshrl.u32 v43, $0x3;
	[tilespmem:v51+s20+$0x0] =	vst.idx.msk $0xffff, v47;
	v43 =	vadd.f32 v57, v33;
	v51 =	vadd.s32 v17, v41  }
0x38e: {  	v44 =	vshrl.u32 v44, $0x3;
	s5 =	sadd.s32 $0xA, s30;
	v60 =	vadd.s32 v26, v39;
	v57 =	vld [tilespmem:s11+$0xFFFFFC80];
	v47 =	vadd.f32 v49, v36;
	[tilespmem:v38+s20+$0x0] =	vst.idx.msk $0xffff, v45  }
0x38f: {  	v42 =	vbroadcast v42, $0x0;
	v45 =	vmov s5;
	v38 =	vadd.f32 v56, v33;
	[tilespmem:v58+s20+$0x0] =	vst.idx.msk $0xffff, v43  }
0x390: {  	v56 =	vadd.s32 v8, v40;
	v40 =	vshrl.u32 v45, $0x3;
	v58 =	vld [tilespmem:s24+$0xFFFFFD10];
	v61 =	vadd.f32 v53, v36;
	[tilespmem:v55+s20+$0x0] =	vst.idx.msk $0xffff, v47  }
.Ltmp5:
0x391: {  	v45 =	vshrl.u32 v54, $0x3;
	[tilespmem:v50+s20+$0x0] =	vst.idx.msk $0xffff, v38;
	v38 =	vshll.u32 v40, v1;
	v43 =	vld [tilespmem:s26+$0xFFFFFDA0];
	v52 =	vadd.f32 v52, v35;
	(pc) =	sbr.rel @p0 .LBB2_11-.Ltmp5, $4  }
0x392: {  	v49 =	vadd.s32 v17, v42;
	v55 =	vshll.u32 v59, v1;
	v53 =	vld [tilespmem:s11+$0xFFFFFE90];
	v47 =	vbroadcast v38, $0x0;
	[tilespmem:v51+s20+$0x0] =	vst.idx.msk $0xffff, v61  }
0x393: {  	v40 =	vadd.s32 v26, v37;
	v38 =	vshrl.u32 v48, $0x3;
	v51 =	vadd.f32 v57, v33;
	v50 =	vld [tilespmem:s24+$0xFFFFFF20];
	[tilespmem:v60+s20+$0x0] =	vst.idx.msk $0xffff, v52  }
0x394: {  	v48 =	vshll.u32 v38, v1;
	v38 =	vshll.u32 v44, v1;
	v54 =	vadd.s32 v9, v47;
	v44 =	vld [tilespmem:s26+$0xFFFFFFB0]  }
0x395: {  	s4 =	sadd.s32 $0x10, s4;
	s10 =	sadd.s32 $0x8, s2;
	v48 =	vbroadcast v48, $0x0;
	[tilespmem:v56+s20+$0x0] =	vst.idx.msk $0xffff, v51;
	v52 =	vadd.f32 v58, v36;
	v51 =	vadd.s32 v18, v41  }
0x396: {  	v56 =	vmov s10  }
0x397: {  	v56 =	vshrl.u32 v56, $0x3  }
0x398: {  	s4 =	sadd.s32 $0x400, s11;
	v56 =	vshll.u32 v56, v1  }
0x399: {  	v57 =	vld [tilespmem:s4+$0xFFFFFE10];
	v56 =	vbroadcast v56, $0x0  }
0x39a: {  	v55 =	vbroadcast v55, $0x0;
	v58 =	vld [tilespmem:s4+$0xFFFFFC10]  }
0x39b: {  	v59 =	vadd.s32 v0, v56  }
0x39c: {  	v60 =	vadd.s32 v0, v55;
	_ =	sdelay $0x1  }
0x39d: {  	v57 =	vadd.f32 v57, v36  }
0x39e: {  	v58 =	vadd.f32 v58, v36  }
0x39f: {  	[tilespmem:v59+s20+$0x0] =	vst.idx.msk $0xffff, v57  }
0x3a0: {  	[tilespmem:v60+s20+$0x0] =	vst.idx.msk $0xffff, v58;
	v57 =	vld [tilespmem:s4+$0xFFFFFE20]  }
0x3a1: {  	v58 =	vld [tilespmem:s4+$0xFFFFFC20]  }
0x3a2: {  	v59 =	vadd.s32 v2, v56  }
0x3a3: {  	v60 =	vadd.s32 v2, v55;
	_ =	sdelay $0x1  }
0x3a4: {  	v57 =	vadd.f32 v57, v35  }
0x3a5: {  	v58 =	vadd.f32 v58, v35  }
0x3a6: {  	[tilespmem:v59+s20+$0x0] =	vst.idx.msk $0xffff, v57  }
0x3a7: {  	[tilespmem:v60+s20+$0x0] =	vst.idx.msk $0xffff, v58;
	v57 =	vld [tilespmem:s4+$0xFFFFFE30]  }
0x3a8: {  	v58 =	vld [tilespmem:s4+$0xFFFFFC30]  }
0x3a9: {  	v59 =	vadd.s32 v3, v56  }
0x3aa: {  	v60 =	vadd.s32 v3, v55;
	_ =	sdelay $0x1  }
0x3ab: {  	v57 =	vadd.f32 v57, v34  }
0x3ac: {  	v58 =	vadd.f32 v58, v34  }
0x3ad: {  	[tilespmem:v59+s20+$0x0] =	vst.idx.msk $0xffff, v57  }
0x3ae: {  	[tilespmem:v60+s20+$0x0] =	vst.idx.msk $0xffff, v58;
	v57 =	vld [tilespmem:s4+$0xFFFFFE40]  }
0x3af: {  	v58 =	vld [tilespmem:s4+$0xFFFFFC40]  }
0x3b0: {  	v56 =	vadd.s32 v4, v56  }
0x3b1: {  	v55 =	vadd.s32 v4, v55  }
0x3b2: {  	s5 =	sadd.s32 $0x9, s2  }
0x3b3: {  	s10 =	sadd.s32 $0x1, s2;
	v59 =	vmov s5;
	v57 =	vadd.f32 v57, v33  }
0x3b4: {  	v60 =	vmov s10;
	v59 =	vshrl.u32 v59, $0x3;
	v58 =	vadd.f32 v58, v33  }
0x3b5: {  	v60 =	vshrl.u32 v60, $0x3;
	v61 =	vshll.u32 v59, v1;
	[tilespmem:v56+s20+$0x0] =	vst.idx.msk $0xffff, v57  }
0x3b6: {  	v62 =	vshll.u32 v60, v1;
	[tilespmem:v55+s20+$0x0] =	vst.idx.msk $0xffff, v58;
	v56 =	vbroadcast v61, $0x0;
	v59 =	vld [tilespmem:s4+$0xFFFFFE50]  }
0x3b7: {  	v55 =	vld [tilespmem:s4+$0xFFFFFC50];
	v57 =	vbroadcast v62, $0x0  }
0x3b8: {  	v58 =	vadd.s32 v5, v56  }
0x3b9: {  	v60 =	vadd.s32 v5, v57;
	_ =	sdelay $0x1  }
0x3ba: {  	v59 =	vadd.f32 v59, v36  }
0x3bb: {  	v55 =	vadd.f32 v55, v36  }
0x3bc: {  	[tilespmem:v58+s20+$0x0] =	vst.idx.msk $0xffff, v59  }
0x3bd: {  	[tilespmem:v60+s20+$0x0] =	vst.idx.msk $0xffff, v55;
	v58 =	vld [tilespmem:s4+$0xFFFFFE60]  }
0x3be: {  	v55 =	vld [tilespmem:s4+$0xFFFFFC60]  }
0x3bf: {  	v59 =	vadd.s32 v6, v56  }
0x3c0: {  	v60 =	vadd.s32 v6, v57;
	_ =	sdelay $0x1  }
0x3c1: {  	v58 =	vadd.f32 v58, v35  }
0x3c2: {  	v55 =	vadd.f32 v55, v35  }
0x3c3: {  	[tilespmem:v59+s20+$0x0] =	vst.idx.msk $0xffff, v58  }
0x3c4: {  	[tilespmem:v60+s20+$0x0] =	vst.idx.msk $0xffff, v55;
	v58 =	vld [tilespmem:s4+$0xFFFFFE70]  }
0x3c5: {  	v55 =	vld [tilespmem:s4+$0xFFFFFC70]  }
0x3c6: {  	v59 =	vadd.s32 v7, v56  }
0x3c7: {  	v60 =	vadd.s32 v7, v57;
	_ =	sdelay $0x1  }
0x3c8: {  	v58 =	vadd.f32 v58, v34  }
0x3c9: {  	v55 =	vadd.f32 v55, v34  }
0x3ca: {  	[tilespmem:v59+s20+$0x0] =	vst.idx.msk $0xffff, v58  }
0x3cb: {  	[tilespmem:v60+s20+$0x0] =	vst.idx.msk $0xffff, v55;
	v58 =	vld [tilespmem:s4+$0xFFFFFE80]  }
0x3cc: {  	v55 =	vld [tilespmem:s4+$0xFFFFFC80]  }
0x3cd: {  	v56 =	vadd.s32 v8, v56  }
0x3ce: {  	v57 =	vadd.s32 v8, v57  }
0x3cf: {  	s31 =	sadd.s32 $0xA, s2  }
0x3d0: {  	s10 =	sadd.s32 $0x2, s2;
	v59 =	vmov s31;
	v58 =	vadd.f32 v58, v33  }
0x3d1: {  	v60 =	vmov s10;
	v59 =	vshrl.u32 v59, $0x3;
	v55 =	vadd.f32 v55, v33  }
0x3d2: {  	v61 =	vld [tilespmem:s11+$0xFFFFFC90];
	v62 =	vshrl.u32 v60, $0x3;
	v63 =	vshll.u32 v59, v1;
	[tilespmem:v56+s20+$0x0] =	vst.idx.msk $0xffff, v58  }
0x3d3: {  	[tilespmem:v57+s20+$0x0] =	vst.idx.msk $0xffff, v55;
	v56 =	vbroadcast v63, $0x0;
	v58 =	vshll.u32 v62, v1;
	v59 =	vld [tilespmem:s4+$0xFFFFFE90]  }
0x3d4: {  	v55 =	vadd.s32 v9, v48;
	v57 =	vbroadcast v58, $0x0;
	v58 =	vld [tilespmem:s4+$0xFFFFFC90]  }
0x3d5: {  	v60 =	vadd.s32 v9, v56  }
0x3d6: {  	v53 =	vadd.f32 v53, v36;
	v62 =	vadd.s32 v9, v57  }
0x3d7: {  	v61 =	vadd.f32 v61, v36  }
0x3d8: {  	[tilespmem:v54+s20+$0x0] =	vst.idx.msk $0xffff, v53;
	v63 =	vadd.f32 v59, v36  }
0x3d9: {  	v54 =	vld [tilespmem:s0+$0xFFFFFEA0];
	[tilespmem:v55+s20+$0x0] =	vst.idx.msk $0xffff, v61;
	v61 =	vadd.f32 v58, v36  }
0x3da: {  	v58 =	vld [tilespmem:s0+$0xFFFFFCA0];
	[tilespmem:v60+s20+$0x0] =	vst.idx.msk $0xffff, v63  }
0x3db: {  	v53 =	vadd.s32 v10, v47;
	[tilespmem:v62+s20+$0x0] =	vst.idx.msk $0xffff, v61;
	v59 =	vld [tilespmem:s4+$0xFFFFFEA0]  }
0x3dc: {  	v55 =	vadd.s32 v10, v48;
	v60 =	vld [tilespmem:s4+$0xFFFFFCA0]  }
0x3dd: {  	v61 =	vadd.s32 v10, v56  }
0x3de: {  	v54 =	vadd.f32 v54, v35;
	v62 =	vadd.s32 v10, v57  }
0x3df: {  	v58 =	vadd.f32 v58, v35  }
0x3e0: {  	[tilespmem:v53+s20+$0x0] =	vst.idx.msk $0xffff, v54;
	v63 =	vadd.f32 v59, v35  }
0x3e1: {  	v54 =	vld [tilespmem:s0+$0xFFFFFEB0];
	[tilespmem:v55+s20+$0x0] =	vst.idx.msk $0xffff, v58;
	v60 =	vadd.f32 v60, v35  }
0x3e2: {  	v58 =	vld [tilespmem:s0+$0xFFFFFCB0];
	[tilespmem:v61+s20+$0x0] =	vst.idx.msk $0xffff, v63  }
0x3e3: {  	v53 =	vadd.s32 v11, v47;
	[tilespmem:v62+s20+$0x0] =	vst.idx.msk $0xffff, v60;
	v59 =	vld [tilespmem:s4+$0xFFFFFEB0]  }
0x3e4: {  	v55 =	vadd.s32 v11, v48;
	v60 =	vld [tilespmem:s4+$0xFFFFFCB0]  }
0x3e5: {  	v61 =	vadd.s32 v11, v56  }
0x3e6: {  	v54 =	vadd.f32 v54, v34;
	v62 =	vadd.s32 v11, v57  }
0x3e7: {  	v58 =	vadd.f32 v58, v34  }
0x3e8: {  	[tilespmem:v53+s20+$0x0] =	vst.idx.msk $0xffff, v54;
	v53 =	vadd.f32 v59, v34  }
0x3e9: {  	v54 =	vld [tilespmem:s0+$0xFFFFFEC0];
	[tilespmem:v55+s20+$0x0] =	vst.idx.msk $0xffff, v58;
	v63 =	vadd.f32 v60, v34  }
0x3ea: {  	v58 =	vld [tilespmem:s0+$0xFFFFFCC0];
	[tilespmem:v61+s20+$0x0] =	vst.idx.msk $0xffff, v53  }
0x3eb: {  	v60 =	vadd.s32 v12, v47;
	[tilespmem:v62+s20+$0x0] =	vst.idx.msk $0xffff, v63;
	v53 =	vld [tilespmem:s4+$0xFFFFFEC0]  }
0x3ec: {  	s31 =	sadd.s32 $0xB, s30;
	v61 =	vadd.s32 v12, v48;
	v55 =	vld [tilespmem:s4+$0xFFFFFCC0]  }
0x3ed: {  	v46 =	vshrl.u32 v46, $0x3;
	v56 =	vadd.s32 v12, v56;
	v62 =	vmov s31  }
0x3ee: {  	v54 =	vadd.f32 v54, v33;
	v57 =	vadd.s32 v12, v57;
	v59 =	vshrl.u32 v62, $0x3  }
0x3ef: {  	v46 =	vshll.u32 v46, v1;
	s10 =	sadd.s32 $0xB, s2;
	v59 =	vshll.u32 v59, v1;
	v58 =	vadd.f32 v58, v33  }
0x3f0: {  	s11 =	sadd.s32 $0x3, s2;
	v63 =	vmov s10;
	[tilespmem:v60+s20+$0x0] =	vst.idx.msk $0xffff, v54;
	v47 =	vbroadcast v59, $0x0;
	v53 =	vadd.f32 v53, v33  }
0x3f1: {  	v60 =	vmov s11;
	v54 =	vshrl.u32 v63, $0x3;
	v59 =	vld [tilespmem:s0+$0xFFFFFED0];
	[tilespmem:v61+s20+$0x0] =	vst.idx.msk $0xffff, v58;
	v55 =	vadd.f32 v55, v33  }
0x3f2: {  	v46 =	vbroadcast v46, $0x0;
	v48 =	vshrl.u32 v60, $0x3;
	v61 =	vshll.u32 v54, v1;
	v58 =	vld [tilespmem:s0+$0xFFFFFCD0];
	[tilespmem:v56+s20+$0x0] =	vst.idx.msk $0xffff, v53  }
0x3f3: {  	v54 =	vadd.s32 v13, v47;
	v48 =	vshll.u32 v48, v1;
	v53 =	vbroadcast v61, $0x0;
	[tilespmem:v57+s20+$0x0] =	vst.idx.msk $0xffff, v55;
	v56 =	vld [tilespmem:s4+$0xFFFFFED0]  }
0x3f4: {  	v48 =	vbroadcast v48, $0x0;
	v55 =	vadd.s32 v13, v46;
	v57 =	vld [tilespmem:s4+$0xFFFFFCD0]  }
0x3f5: {  	v60 =	vadd.s32 v13, v53  }
0x3f6: {  	v61 =	vadd.s32 v13, v48;
	v59 =	vadd.f32 v59, v36  }
0x3f7: {  	v58 =	vadd.f32 v58, v36  }
0x3f8: {  	[tilespmem:v54+s20+$0x0] =	vst.idx.msk $0xffff, v59;
	v62 =	vadd.f32 v56, v36  }
0x3f9: {  	[tilespmem:v55+s20+$0x0] =	vst.idx.msk $0xffff, v58;
	v56 =	vld [tilespmem:s0+$0xFFFFFEE0];
	v63 =	vadd.f32 v57, v36  }
0x3fa: {  	v57 =	vld [tilespmem:s0+$0xFFFFFCE0];
	[tilespmem:v60+s20+$0x0] =	vst.idx.msk $0xffff, v62  }
0x3fb: {  	v54 =	vadd.s32 v14, v47;
	[tilespmem:v61+s20+$0x0] =	vst.idx.msk $0xffff, v63;
	v58 =	vld [tilespmem:s4+$0xFFFFFEE0]  }
0x3fc: {  	v55 =	vadd.s32 v14, v46;
	v59 =	vld [tilespmem:s4+$0xFFFFFCE0]  }
0x3fd: {  	v60 =	vadd.s32 v14, v53  }
0x3fe: {  	v61 =	vadd.s32 v14, v48;
	v56 =	vadd.f32 v56, v35  }
0x3ff: {  	v57 =	vadd.f32 v57, v35  }
0x400: {  	[tilespmem:v54+s20+$0x0] =	vst.idx.msk $0xffff, v56;
	v62 =	vadd.f32 v58, v35  }
0x401: {  	[tilespmem:v55+s20+$0x0] =	vst.idx.msk $0xffff, v57;
	v56 =	vld [tilespmem:s0+$0xFFFFFEF0];
	v63 =	vadd.f32 v59, v35  }
0x402: {  	v57 =	vld [tilespmem:s0+$0xFFFFFCF0];
	[tilespmem:v60+s20+$0x0] =	vst.idx.msk $0xffff, v62  }
0x403: {  	v54 =	vadd.s32 v15, v47;
	[tilespmem:v61+s20+$0x0] =	vst.idx.msk $0xffff, v63;
	v58 =	vld [tilespmem:s4+$0xFFFFFEF0]  }
0x404: {  	[tilespmem:v49+s20+$0x0] =	vst.idx.msk $0xffff, v52;
	v62 =	vadd.f32 v50, v35;
	v50 =	vadd.s32 v15, v46;
	v52 =	vld [tilespmem:s4+$0xFFFFFCF0]  }
0x405: {  	v59 =	vadd.s32 v15, v53  }
0x406: {  	v60 =	vadd.s32 v15, v48;
	v63 =	vadd.f32 v56, v34  }
0x407: {  	v55 =	vld [tilespmem:s24+$0xFFFFFD20];
	[tilespmem:v51+s20+$0x0] =	vst.idx.msk $0xffff, v62;
	v57 =	vadd.f32 v57, v34  }
0x408: {  	v61 =	vld [tilespmem:s24+$0xFFFFFF30];
	[tilespmem:v54+s20+$0x0] =	vst.idx.msk $0xffff, v63;
	v62 =	vadd.f32 v58, v34  }
0x409: {  	[tilespmem:v50+s20+$0x0] =	vst.idx.msk $0xffff, v57;
	v54 =	vld [tilespmem:s0+$0xFFFFFF00];
	v63 =	vadd.f32 v52, v34  }
0x40a: {  	v49 =	vadd.s32 v19, v41;
	v47 =	vadd.s32 v16, v47;
	v57 =	vld [tilespmem:s0+$0xFFFFFD00];
	[tilespmem:v59+s20+$0x0] =	vst.idx.msk $0xffff, v62  }
0x40b: {  	v53 =	vadd.s32 v16, v53;
	v46 =	vadd.s32 v16, v46;
	[tilespmem:v60+s20+$0x0] =	vst.idx.msk $0xffff, v63;
	v58 =	vld [tilespmem:s4+$0xFFFFFF00]  }
0x40c: {  	s31 =	sadd.s32 $0xC, s30;
	s10 =	sadd.s32 $0x4, s30;
	v48 =	vadd.s32 v16, v48;
	v55 =	vadd.f32 v55, v35;
	v52 =	vadd.s32 v18, v42;
	v56 =	vld [tilespmem:s4+$0xFFFFFD00]  }
0x40d: {  	s11 =	sadd.s32 $0xC, s2;
	v50 =	vadd.f32 v61, v34;
	v60 =	vmov s31;
	v61 =	vmov s10  }
0x40e: {  	v63 =	vmov s11;
	v51 =	vshrl.u32 v60, $0x3;
	v54 =	vadd.f32 v54, v33  }
0x40f: {  	s31 =	sadd.s32 $0x4, s2;
	v59 =	vshrl.u32 v61, $0x3;
	v51 =	vshll.u32 v51, v1;
	v57 =	vadd.f32 v57, v33  }
0x410: {  	v61 =	vmov s31;
	v62 =	vshll.u32 v59, v1;
	[tilespmem:v47+s20+$0x0] =	vst.idx.msk $0xffff, v54;
	v58 =	vadd.f32 v58, v33  }
0x411: {  	v51 =	vbroadcast v51, $0x0;
	[tilespmem:v46+s20+$0x0] =	vst.idx.msk $0xffff, v57;
	v54 =	vshrl.u32 v63, $0x3;
	v60 =	vld [tilespmem:s0+$0xFFFFFF10];
	v56 =	vadd.f32 v56, v33  }
0x412: {  	v47 =	vbroadcast v62, $0x0;
	v46 =	vshrl.u32 v61, $0x3;
	v57 =	vld [tilespmem:s0+$0xFFFFFD10];
	v62 =	vshll.u32 v54, v1;
	[tilespmem:v53+s20+$0x0] =	vst.idx.msk $0xffff, v58  }
0x413: {  	v54 =	vadd.s32 v17, v51;
	v46 =	vshll.u32 v46, v1;
	v53 =	vbroadcast v62, $0x0;
	[tilespmem:v48+s20+$0x0] =	vst.idx.msk $0xffff, v56;
	v58 =	vld [tilespmem:s4+$0xFFFFFF10]  }
0x414: {  	[tilespmem:v52+s20+$0x0] =	vst.idx.msk $0xffff, v55;
	v46 =	vbroadcast v46, $0x0;
	v48 =	vadd.s32 v17, v47;
	v52 =	vld [tilespmem:s4+$0xFFFFFD10]  }
0x415: {  	[tilespmem:v49+s20+$0x0] =	vst.idx.msk $0xffff, v50;
	v55 =	vld [tilespmem:s24+$0xFFFFFD30];
	v49 =	vadd.s32 v17, v53  }
0x416: {  	v59 =	vadd.s32 v17, v46;
	v56 =	vadd.f32 v60, v36  }
0x417: {  	v50 =	vld [tilespmem:s24+$0xFFFFFF40];
	v60 =	vadd.s32 v19, v42;
	v57 =	vadd.f32 v57, v36  }
0x418: {  	[tilespmem:v54+s20+$0x0] =	vst.idx.msk $0xffff, v56;
	v63 =	vadd.f32 v58, v36  }
0x419: {  	v41 =	vadd.s32 v20, v41;
	[tilespmem:v48+s20+$0x0] =	vst.idx.msk $0xffff, v57;
	v56 =	vld [tilespmem:s0+$0xFFFFFF20];
	v48 =	vadd.f32 v52, v36  }
0x41a: {  	v61 =	vadd.f32 v55, v34;
	v55 =	vld [tilespmem:s0+$0xFFFFFD20];
	[tilespmem:v49+s20+$0x0] =	vst.idx.msk $0xffff, v63  }
0x41b: {  	v54 =	vadd.s32 v18, v51;
	[tilespmem:v59+s20+$0x0] =	vst.idx.msk $0xffff, v48;
	v57 =	vld [tilespmem:s4+$0xFFFFFF20]  }
0x41c: {  	s10 =	sadd.s32 $0xD, s29;
	v62 =	vadd.f32 v50, v33;
	v50 =	vadd.s32 v18, v47;
	[tilespmem:v60+s20+$0x0] =	vst.idx.msk $0xffff, v61;
	v52 =	vld [tilespmem:s4+$0xFFFFFD20]  }
0x41d: {  	v63 =	vmov s10;
	v48 =	vadd.s32 v18, v53;
	v58 =	vld [tilespmem:s24+$0xFFFFFD40]  }
0x41e: {  	[tilespmem:v41+s20+$0x0] =	vst.idx.msk $0xffff, v62;
	v59 =	vadd.s32 v18, v46;
	v61 =	vshrl.u32 v63, $0x3;
	v56 =	vadd.f32 v56, v35  }
0x41f: {  	v42 =	vadd.s32 v20, v42;
	v62 =	vshll.u32 v61, v1;
	v55 =	vadd.f32 v55, v35  }
0x420: {  	v49 =	vld [tilespmem:s24+$0xFFFFFF50];
	v41 =	vbroadcast v62, $0x0;
	[tilespmem:v54+s20+$0x0] =	vst.idx.msk $0xffff, v56;
	v63 =	vadd.f32 v57, v35  }
0x421: {  	[tilespmem:v50+s20+$0x0] =	vst.idx.msk $0xffff, v55;
	v56 =	vld [tilespmem:s0+$0xFFFFFF30];
	v57 =	vadd.f32 v52, v35  }
0x422: {  	v60 =	vadd.s32 v21, v41;
	v61 =	vadd.f32 v58, v33;
	v55 =	vld [tilespmem:s0+$0xFFFFFD30];
	[tilespmem:v48+s20+$0x0] =	vst.idx.msk $0xffff, v63  }
0x423: {  	v63 =	vadd.s32 v19, v51;
	[tilespmem:v59+s20+$0x0] =	vst.idx.msk $0xffff, v57;
	v54 =	vld [tilespmem:s4+$0xFFFFFF30]  }
0x424: {  	[tilespmem:v42+s20+$0x0] =	vst.idx.msk $0xffff, v61;
	v42 =	vadd.s32 v19, v47;
	v50 =	vld [tilespmem:s4+$0xFFFFFD30]  }
0x425: {  	v62 =	vadd.f32 v49, v36;
	v48 =	vadd.s32 v19, v53  }
0x426: {  	v45 =	vshll.u32 v45, v1;
	v61 =	vadd.s32 v19, v46;
	v56 =	vadd.f32 v56, v34  }
0x427: {  	v45 =	vbroadcast v45, $0x0;
	v52 =	vld [tilespmem:s24+$0xFFFFFD50];
	[tilespmem:v60+s20+$0x0] =	vst.idx.msk $0xffff, v62;
	v55 =	vadd.f32 v55, v34  }
0x428: {  	v57 =	vld [tilespmem:s24+$0xFFFFFF60];
	[tilespmem:v63+s20+$0x0] =	vst.idx.msk $0xffff, v56;
	v62 =	vadd.f32 v54, v34  }
0x429: {  	v63 =	vadd.s32 v21, v45;
	[tilespmem:v42+s20+$0x0] =	vst.idx.msk $0xffff, v55;
	v56 =	vld [tilespmem:s0+$0xFFFFFF40];
	v59 =	vadd.f32 v50, v34  }
0x42a: {  	v49 =	vadd.s32 v20, v51;
	v47 =	vadd.s32 v20, v47;
	v55 =	vld [tilespmem:s0+$0xFFFFFD40];
	[tilespmem:v48+s20+$0x0] =	vst.idx.msk $0xffff, v62  }
0x42b: {  	v53 =	vadd.s32 v20, v53;
	v46 =	vadd.s32 v20, v46;
	[tilespmem:v61+s20+$0x0] =	vst.idx.msk $0xffff, v59;
	v51 =	vld [tilespmem:s4+$0xFFFFFF40]  }
0x42c: {  	s11 =	sadd.s32 $0x5, s30;
	s31 =	sadd.s32 $0xD, s30;
	v42 =	vadd.s32 v22, v45;
	v60 =	vadd.f32 v52, v36;
	v52 =	vadd.s32 v22, v41;
	v58 =	vld [tilespmem:s4+$0xFFFFFD40]  }
0x42d: {  	s10 =	sadd.s32 $0xD, s2;
	v48 =	vadd.f32 v57, v35;
	v61 =	vmov s11;
	v62 =	vmov s31  }
0x42e: {  	v57 =	vshrl.u32 v61, $0x3;
	v61 =	vmov s10;
	[tilespmem:v63+s20+$0x0] =	vst.idx.msk $0xffff, v60;
	v63 =	vadd.f32 v56, v33  }
0x42f: {  	s11 =	sadd.s32 $0x5, s2;
	v60 =	vshrl.u32 v62, $0x3;
	v57 =	vshll.u32 v57, v1;
	v56 =	vld [tilespmem:s24+$0xFFFFFD60];
	v55 =	vadd.f32 v55, v33  }
0x430: {  	v62 =	vmov s11;
	v54 =	vshll.u32 v60, v1;
	[tilespmem:v49+s20+$0x0] =	vst.idx.msk $0xffff, v63;
	v51 =	vadd.f32 v51, v33  }
0x431: {  	v50 =	vshrl.u32 v61, $0x3;
	v49 =	vbroadcast v54, $0x0;
	[tilespmem:v47+s20+$0x0] =	vst.idx.msk $0xffff, v55;
	v54 =	vld [tilespmem:s0+$0xFFFFFF50];
	v63 =	vadd.f32 v58, v33  }
0x432: {  	v57 =	vbroadcast v57, $0x0;
	v50 =	vshll.u32 v50, v1;
	v47 =	vshrl.u32 v62, $0x3;
	v58 =	vld [tilespmem:s0+$0xFFFFFD50];
	[tilespmem:v53+s20+$0x0] =	vst.idx.msk $0xffff, v51  }
0x433: {  	v50 =	vbroadcast v50, $0x0;
	v47 =	vshll.u32 v47, v1;
	v60 =	vadd.s32 v21, v49;
	[tilespmem:v46+s20+$0x0] =	vst.idx.msk $0xffff, v63;
	v53 =	vld [tilespmem:s4+$0xFFFFFF50]  }
0x434: {  	[tilespmem:v52+s20+$0x0] =	vst.idx.msk $0xffff, v48;
	v48 =	vadd.s32 v21, v57;
	v47 =	vbroadcast v47, $0x0;
	v61 =	vadd.f32 v56, v35;
	v62 =	vld [tilespmem:s4+$0xFFFFFD50]  }
0x435: {  	v55 =	vld [tilespmem:s24+$0xFFFFFF70];
	v56 =	vadd.s32 v21, v50  }
0x436: {  	v46 =	vadd.s32 v21, v47;
	[tilespmem:v42+s20+$0x0] =	vst.idx.msk $0xffff, v61;
	v63 =	vadd.f32 v54, v36  }
0x437: {  	v54 =	vadd.s32 v23, v41;
	v59 =	vld [tilespmem:s24+$0xFFFFFD70];
	v58 =	vadd.f32 v58, v36  }
0x438: {  	[tilespmem:v60+s20+$0x0] =	vst.idx.msk $0xffff, v63;
	v60 =	vadd.f32 v53, v36  }
0x439: {  	v51 =	vadd.s32 v23, v45;
	[tilespmem:v48+s20+$0x0] =	vst.idx.msk $0xffff, v58;
	v61 =	vld [tilespmem:s0+$0xFFFFFF60];
	v62 =	vadd.f32 v62, v36  }
0x43a: {  	v63 =	vadd.f32 v55, v34;
	v55 =	vld [tilespmem:s0+$0xFFFFFD60];
	[tilespmem:v56+s20+$0x0] =	vst.idx.msk $0xffff, v60  }
0x43b: {  	v42 =	vadd.s32 v22, v49;
	[tilespmem:v46+s20+$0x0] =	vst.idx.msk $0xffff, v62;
	v56 =	vld [tilespmem:s4+$0xFFFFFF60]  }
0x43c: {  	v48 =	vadd.s32 v22, v57;
	[tilespmem:v54+s20+$0x0] =	vst.idx.msk $0xffff, v63;
	v60 =	vadd.f32 v59, v34;
	v52 =	vld [tilespmem:s4+$0xFFFFFD60]  }
0x43d: {  	v58 =	vadd.s32 v22, v50;
	v54 =	vld [tilespmem:s24+$0xFFFFFF80]  }
0x43e: {  	v62 =	vadd.s32 v22, v47;
	[tilespmem:v51+s20+$0x0] =	vst.idx.msk $0xffff, v60;
	v61 =	vadd.f32 v61, v35  }
0x43f: {  	v41 =	vadd.s32 v24, v41;
	v63 =	vld [tilespmem:s24+$0xFFFFFD80];
	v55 =	vadd.f32 v55, v35  }
0x440: {  	[tilespmem:v42+s20+$0x0] =	vst.idx.msk $0xffff, v61;
	v60 =	vadd.f32 v56, v35  }
0x441: {  	v45 =	vadd.s32 v24, v45;
	[tilespmem:v48+s20+$0x0] =	vst.idx.msk $0xffff, v55;
	v46 =	vld [tilespmem:s0+$0xFFFFFF70];
	v61 =	vadd.f32 v52, v35  }
0x442: {  	v43 =	vadd.f32 v43, v35;
	v54 =	vadd.f32 v54, v33;
	v55 =	vld [tilespmem:s0+$0xFFFFFD70];
	[tilespmem:v58+s20+$0x0] =	vst.idx.msk $0xffff, v60  }
0x443: {  	v42 =	vadd.f32 v44, v34;
	v44 =	vadd.s32 v23, v49;
	[tilespmem:v62+s20+$0x0] =	vst.idx.msk $0xffff, v61;
	v56 =	vld [tilespmem:s4+$0xFFFFFF70]  }
0x444: {  	v51 =	vadd.s32 v23, v57;
	[tilespmem:v41+s20+$0x0] =	vst.idx.msk $0xffff, v54;
	v63 =	vadd.f32 v63, v33;
	v53 =	vld [tilespmem:s4+$0xFFFFFD70]  }
0x445: {  	s31 =	sadd.s32 $0x6, s29;
	v59 =	vadd.s32 v23, v50;
	v52 =	vadd.s32 v27, v39;
	v54 =	vadd.s32 v28, v39;
	v58 =	vld [tilespmem:s24+$0xFFFFFF90]  }
0x446: {  	s10 =	sadd.s32 $0xE, s29;
	v62 =	vmov s31;
	[tilespmem:v45+s20+$0x0] =	vst.idx.msk $0xffff, v63;
	v45 =	vadd.s32 v23, v47;
	v61 =	vadd.f32 v46, v34  }
0x447: {  	v60 =	vmov s10;
	v62 =	vshrl.u32 v62, $0x3;
	v55 =	vadd.f32 v55, v34  }
0x448: {  	v39 =	vshrl.u32 v60, $0x3;
	v63 =	vld [tilespmem:s24+$0xFFFFFD90];
	v46 =	vshll.u32 v62, v1;
	[tilespmem:v44+s20+$0x0] =	vst.idx.msk $0xffff, v61;
	v60 =	vadd.f32 v56, v34  }
0x449: {  	v39 =	vshll.u32 v39, v1;
	v41 =	vbroadcast v46, $0x0;
	[tilespmem:v51+s20+$0x0] =	vst.idx.msk $0xffff, v55;
	v46 =	vld [tilespmem:s0+$0xFFFFFF80];
	v61 =	vadd.f32 v53, v34  }
0x44a: {  	s11 =	sadd.s32 $0x6, s30;
	v49 =	vadd.s32 v24, v49;
	v39 =	vbroadcast v39, $0x0;
	v55 =	vadd.f32 v58, v36;
	v58 =	vld [tilespmem:s0+$0xFFFFFD80];
	[tilespmem:v59+s20+$0x0] =	vst.idx.msk $0xffff, v60  }
0x44b: {  	v48 =	vadd.s32 v24, v50;
	v62 =	vmov s11;
	v51 =	vadd.s32 v24, v57;
	[tilespmem:v45+s20+$0x0] =	vst.idx.msk $0xffff, v61;
	v59 =	vld [tilespmem:s4+$0xFFFFFF80]  }
0x44c: {  	s31 =	sadd.s32 $0xE, s30;
	v56 =	vadd.s32 v27, v37;
	v53 =	vadd.s32 v25, v39;
	v44 =	vadd.s32 v25, v41;
	v57 =	vld [tilespmem:s4+$0xFFFFFD80]  }
0x44d: {  	[tilespmem:v40+s20+$0x0] =	vst.idx.msk $0xffff, v43;
	v45 =	vadd.f32 v63, v36;
	v63 =	vshrl.u32 v62, $0x3;
	v60 =	vmov s31  }
0x44e: {  	[tilespmem:v52+s20+$0x0] =	vst.idx.msk $0xffff, v42;
	v43 =	vshrl.u32 v60, $0x3;
	v61 =	vadd.f32 v46, v33;
	v46 =	vadd.s32 v24, v47  }
0x44f: {  	s10 =	sadd.s32 $0xE, s2;
	v40 =	vshll.u32 v63, v1;
	v43 =	vshll.u32 v43, v1;
	v47 =	vld [tilespmem:s26+$0xFFFFFDB0];
	v62 =	vadd.f32 v58, v33  }
0x450: {  	s11 =	sadd.s32 $0x6, s2;
	v52 =	vld [tilespmem:s26+$0xFFFFFFC0];
	v63 =	vmov s10;
	v42 =	vbroadcast v43, $0x0;
	[tilespmem:v49+s20+$0x0] =	vst.idx.msk $0xffff, v61;
	v61 =	vadd.f32 v59, v33  }
0x451: {  	v43 =	vshrl.u32 v63, $0x3;
	[tilespmem:v51+s20+$0x0] =	vst.idx.msk $0xffff, v62;
	v62 =	vmov s11;
	v60 =	vld [tilespmem:s0+$0xFFFFFF90];
	v63 =	vadd.f32 v57, v33  }
0x452: {  	v43 =	vshll.u32 v43, v1;
	v57 =	vbroadcast v40, $0x0;
	v59 =	vld [tilespmem:s0+$0xFFFFFD90];
	v50 =	vshrl.u32 v62, $0x3;
	[tilespmem:v48+s20+$0x0] =	vst.idx.msk $0xffff, v61  }
0x453: {  	v43 =	vbroadcast v43, $0x0;
	v48 =	vadd.s32 v25, v42;
	v61 =	vshll.u32 v50, v1;
	[tilespmem:v46+s20+$0x0] =	vst.idx.msk $0xffff, v63;
	v50 =	vld [tilespmem:s4+$0xFFFFFF90]  }
0x454: {  	[tilespmem:v53+s20+$0x0] =	vst.idx.msk $0xffff, v55;
	v62 =	vadd.f32 v47, v34;
	v63 =	vadd.s32 v25, v57;
	v49 =	vbroadcast v61, $0x0;
	v51 =	vld [tilespmem:s4+$0xFFFFFD90]  }
0x455: {  	v52 =	vadd.f32 v52, v33;
	[tilespmem:v44+s20+$0x0] =	vst.idx.msk $0xffff, v45;
	v53 =	vld [tilespmem:s24+$0xFFFFFFA0];
	v44 =	vadd.s32 v25, v43  }
0x456: {  	v45 =	vld [tilespmem:s24+$0xFFFFFDA0];
	[tilespmem:v56+s20+$0x0] =	vst.idx.msk $0xffff, v62;
	v60 =	vadd.f32 v60, v36;
	v55 =	vadd.s32 v25, v49  }
0x457: {  	s28 =	sadd.s32 $0xF, s28;
	[tilespmem:v54+s20+$0x0] =	vst.idx.msk $0xffff, v52;
	v54 =	vadd.s32 v26, v39;
	v52 =	vld [tilespmem:s26+$0xFFFFFDC0];
	v40 =	vadd.f32 v59, v36  }
0x458: {  	v58 =	vld [tilespmem:s26+$0xFFFFFFD0];
	v61 =	vmov s28;
	v59 =	vadd.s32 v26, v41;
	[tilespmem:v48+s20+$0x0] =	vst.idx.msk $0xffff, v60;
	v46 =	vadd.f32 v50, v36  }
0x459: {  	v62 =	vshrl.u32 v61, $0x3;
	[tilespmem:v63+s20+$0x0] =	vst.idx.msk $0xffff, v40;
	v50 =	vadd.s32 v28, v37;
	v56 =	vld [tilespmem:s0+$0xFFFFFFA0];
	v63 =	vadd.f32 v51, v36  }
0x45a: {  	v61 =	vadd.f32 v53, v35;
	v60 =	vshll.u32 v62, v1;
	v48 =	vld [tilespmem:s0+$0xFFFFFDA0];
	[tilespmem:v44+s20+$0x0] =	vst.idx.msk $0xffff, v46  }
0x45b: {  	v62 =	vadd.f32 v45, v35;
	v45 =	vadd.s32 v26, v42;
	[tilespmem:v55+s20+$0x0] =	vst.idx.msk $0xffff, v63;
	v46 =	vld [tilespmem:s4+$0xFFFFFFA0]  }
0x45c: {  	v47 =	vadd.s32 v26, v57;
	[tilespmem:v54+s20+$0x0] =	vst.idx.msk $0xffff, v61;
	v63 =	vadd.f32 v52, v33;
	v52 =	vld [tilespmem:s4+$0xFFFFFDA0]  }
0x45d: {  	v40 =	vld [tilespmem:s24+$0xFFFFFFB0];
	v37 =	vbroadcast v60, $0x0;
	[tilespmem:v59+s20+$0x0] =	vst.idx.msk $0xffff, v62;
	v44 =	vadd.s32 v26, v43  }
0x45e: {  	v53 =	vadd.s32 v26, v49;
	[tilespmem:v50+s20+$0x0] =	vst.idx.msk $0xffff, v63;
	v50 =	vld [tilespmem:s24+$0xFFFFFDB0];
	v60 =	vadd.f32 v56, v35  }
0x45f: {  	v54 =	vadd.s32 v29, v37;
	v62 =	vadd.s32 v27, v39;
	v48 =	vadd.f32 v48, v35  }
0x460: {  	v59 =	vadd.s32 v27, v41;
	v61 =	vld [tilespmem:s26+$0xFFFFFDD0];
	[tilespmem:v45+s20+$0x0] =	vst.idx.msk $0xffff, v60;
	v63 =	vadd.f32 v46, v35  }
0x461: {  	[tilespmem:v47+s20+$0x0] =	vst.idx.msk $0xffff, v48;
	v46 =	vadd.f32 v58, v36;
	v51 =	vld [tilespmem:s0+$0xFFFFFFB0];
	v58 =	vadd.f32 v52, v35  }
0x462: {  	v38 =	vbroadcast v38, $0x0;
	v41 =	vadd.s32 v28, v41;
	v40 =	vadd.f32 v40, v34;
	v52 =	vld [tilespmem:s0+$0xFFFFFDB0];
	[tilespmem:v44+s20+$0x0] =	vst.idx.msk $0xffff, v63  }
0x463: {  	v45 =	vadd.s32 v27, v42;
	v60 =	vadd.f32 v50, v34;
	[tilespmem:v53+s20+$0x0] =	vst.idx.msk $0xffff, v58;
	v50 =	vld [tilespmem:s4+$0xFFFFFFB0]  }
0x464: {  	s10 =	sadd.s32 $0xF, s29;
	v48 =	vadd.s32 v29, v38;
	[tilespmem:v62+s20+$0x0] =	vst.idx.msk $0xffff, v40;
	v40 =	vadd.s32 v27, v57;
	v55 =	vld [tilespmem:s4+$0xFFFFFDB0]  }
0x465: {  	v62 =	vmov s10;
	v44 =	vadd.s32 v27, v43;
	v47 =	vadd.f32 v61, v36  }
0x466: {  	s31 =	sadd.s32 $0x7, s29;
	v56 =	vld [tilespmem:s24+$0xFFFFFFC0];
	v58 =	vshrl.u32 v62, $0x3;
	[tilespmem:v59+s20+$0x0] =	vst.idx.msk $0xffff, v60;
	v60 =	vadd.s32 v27, v49;
	v51 =	vadd.f32 v51, v34  }
0x467: {  	v61 =	vmov s31;
	v58 =	vshll.u32 v58, v1;
	v59 =	vld [tilespmem:s24+$0xFFFFFDC0];
	v52 =	vadd.f32 v52, v34  }
0x468: {  	v53 =	vshrl.u32 v61, $0x3;
	v61 =	vadd.s32 v28, v39;
	[tilespmem:v45+s20+$0x0] =	vst.idx.msk $0xffff, v51;
	v63 =	vadd.f32 v50, v34  }
0x469: {  	v39 =	vbroadcast v58, $0x0;
	v53 =	vshll.u32 v53, v1;
	[tilespmem:v40+s20+$0x0] =	vst.idx.msk $0xffff, v52;
	v50 =	vld [tilespmem:s0+$0xFFFFFFC0];
	v58 =	vadd.f32 v55, v34  }
0x46a: {  	v42 =	vadd.s32 v28, v42;
	v57 =	vadd.s32 v28, v57;
	v40 =	vbroadcast v53, $0x0;
	v53 =	vld [tilespmem:s0+$0xFFFFFDC0];
	[tilespmem:v44+s20+$0x0] =	vst.idx.msk $0xffff, v63  }
0x46b: {  	v43 =	vadd.s32 v28, v43;
	v62 =	vadd.f32 v56, v33;
	[tilespmem:v60+s20+$0x0] =	vst.idx.msk $0xffff, v58;
	v45 =	vld [tilespmem:s4+$0xFFFFFFC0]  }
0x46c: {  	s11 =	sadd.s32 $0x7, s30;
	s28 =	sadd.s32 $0xF, s30;
	v49 =	vadd.s32 v28, v49;
	v55 =	vadd.s32 v29, v39;
	v63 =	vadd.f32 v59, v33;
	v58 =	vld [tilespmem:s4+$0xFFFFFDC0]  }
0x46d: {  	v51 =	vadd.s32 v29, v40;
	[tilespmem:v61+s20+$0x0] =	vst.idx.msk $0xffff, v62;
	v62 =	vmov s28;
	v60 =	vmov s11  }
0x46e: {  	s29 =	sadd.s32 $0xF, s2;
	v61 =	vshrl.u32 v60, $0x3;
	v60 =	vshrl.u32 v62, $0x3;
	[tilespmem:v41+s20+$0x0] =	vst.idx.msk $0xffff, v63;
	v63 =	vadd.f32 v50, v33  }
0x46f: {  	v62 =	vmov s29;
	v44 =	vshll.u32 v60, v1;
	v50 =	vld [tilespmem:s24+$0xFFFFFFD0];
	v53 =	vadd.f32 v53, v33  }
0x470: {  	s30 =	sadd.s32 $0x7, s2;
	v52 =	vshll.u32 v61, v1;
	v56 =	vld [tilespmem:s24+$0xFFFFFDD0];
	v41 =	vbroadcast v44, $0x0;
	[tilespmem:v42+s20+$0x0] =	vst.idx.msk $0xffff, v63;
	v61 =	vadd.f32 v45, v33  }
0x471: {  	v44 =	vshrl.u32 v62, $0x3;
	[tilespmem:v57+s20+$0x0] =	vst.idx.msk $0xffff, v53;
	v63 =	vmov s30;
	v45 =	vld [tilespmem:s0+$0xFFFFFFD0];
	v60 =	vadd.f32 v58, v33  }
0x472: {  	v52 =	vbroadcast v52, $0x0;
	v58 =	vld [tilespmem:s0+$0xFFFFFDD0];
	v53 =	vshrl.u32 v63, $0x3;
	[tilespmem:v43+s20+$0x0] =	vst.idx.msk $0xffff, v61;
	v61 =	vshll.u32 v44, v1  }
0x473: {  	v62 =	vshll.u32 v53, v1;
	v43 =	vadd.s32 v29, v41;
	[tilespmem:v49+s20+$0x0] =	vst.idx.msk $0xffff, v60;
	v53 =	vld [tilespmem:s4+$0xFFFFFFD0];
	v42 =	vbroadcast v61, $0x0  }
0x474: {  	[tilespmem:v54+s20+$0x0] =	vst.idx.msk $0xffff, v46;
	v63 =	vadd.f32 v50, v36;
	v49 =	vadd.s32 v29, v52;
	v44 =	vbroadcast v62, $0x0;
	v50 =	vld [tilespmem:s4+$0xFFFFFDD0]  }
0x475: {  	v54 =	vld [tilespmem:s26+$0xFFFFFFE0];
	[tilespmem:v48+s20+$0x0] =	vst.idx.msk $0xffff, v47;
	v60 =	vadd.f32 v56, v36;
	v48 =	vadd.s32 v29, v42  }
0x476: {  	v61 =	vld [tilespmem:s26+$0xFFFFFDE0];
	[tilespmem:v55+s20+$0x0] =	vst.idx.msk $0xffff, v63;
	v46 =	vadd.s32 v29, v44;
	v45 =	vadd.f32 v45, v36  }
0x477: {  	v55 =	vadd.s32 v30, v37;
	[tilespmem:v51+s20+$0x0] =	vst.idx.msk $0xffff, v60;
	v57 =	vld [tilespmem:s24+$0xFFFFFFE0];
	v62 =	vadd.f32 v58, v36  }
0x478: {  	v51 =	vadd.s32 v30, v38;
	v58 =	vld [tilespmem:s24+$0xFFFFFDE0];
	[tilespmem:v43+s20+$0x0] =	vst.idx.msk $0xffff, v45;
	v63 =	vadd.f32 v53, v36  }
0x479: {  	v45 =	vadd.s32 v30, v39;
	[tilespmem:v49+s20+$0x0] =	vst.idx.msk $0xffff, v62;
	v53 =	vld [tilespmem:s0+$0xFFFFFFE0];
	v59 =	vadd.f32 v50, v36  }
0x47a: {  	v60 =	vadd.f32 v54, v35;
	v49 =	vadd.s32 v30, v40;
	v50 =	vld [tilespmem:s0+$0xFFFFFDE0];
	[tilespmem:v48+s20+$0x0] =	vst.idx.msk $0xffff, v63  }
0x47b: {  	v61 =	vadd.f32 v61, v35;
	v48 =	vadd.s32 v30, v41;
	[tilespmem:v46+s20+$0x0] =	vst.idx.msk $0xffff, v59;
	v54 =	vld [tilespmem:s4+$0xFFFFFFE0]  }
0x47c: {  	[tilespmem:v55+s20+$0x0] =	vst.idx.msk $0xffff, v60;
	v62 =	vadd.f32 v57, v35;
	v46 =	vadd.s32 v30, v52;
	v47 =	vld [tilespmem:s4+$0xFFFFFDE0]  }
0x47d: {  	v55 =	vld [tilespmem:s26+$0xFFFFFFF0];
	[tilespmem:v51+s20+$0x0] =	vst.idx.msk $0xffff, v61;
	v63 =	vadd.f32 v58, v35;
	v51 =	vadd.s32 v30, v42  }
0x47e: {  	v56 =	vld [tilespmem:s26+$0xFFFFFDF0];
	[tilespmem:v45+s20+$0x0] =	vst.idx.msk $0xffff, v62;
	v45 =	vadd.s32 v30, v44;
	v60 =	vadd.f32 v53, v35  }
0x47f: {  	[tilespmem:v49+s20+$0x0] =	vst.idx.msk $0xffff, v63;
	v53 =	vadd.s32 v31, v37;
	v57 =	vld [tilespmem:s24+$0xFFFFFFF0];
	v61 =	vadd.f32 v50, v35  }
0x480: {  	v49 =	vadd.s32 v31, v38;
	v50 =	vld [tilespmem:s24+$0xFFFFFDF0];
	[tilespmem:v48+s20+$0x0] =	vst.idx.msk $0xffff, v60;
	v62 =	vadd.f32 v54, v35  }
0x481: {  	v48 =	vadd.s32 v31, v39;
	[tilespmem:v46+s20+$0x0] =	vst.idx.msk $0xffff, v61;
	v54 =	vld [tilespmem:s0+$0xFFFFFFF0];
	v63 =	vadd.f32 v47, v35  }
0x482: {  	v58 =	vadd.f32 v55, v34;
	v46 =	vadd.s32 v31, v40;
	v47 =	vld [tilespmem:s0+$0xFFFFFDF0];
	[tilespmem:v51+s20+$0x0] =	vst.idx.msk $0xffff, v62  }
0x483: {  	v59 =	vadd.f32 v56, v34;
	v51 =	vadd.s32 v31, v41;
	[tilespmem:v45+s20+$0x0] =	vst.idx.msk $0xffff, v63;
	v60 =	vld [tilespmem:s4+$0xFFFFFFF0]  }
0x484: {  	v43 =	vadd.s32 v31, v52;
	[tilespmem:v53+s20+$0x0] =	vst.idx.msk $0xffff, v58;
	v61 =	vadd.f32 v57, v34;
	v45 =	vld [tilespmem:s4+$0xFFFFFDF0]  }
0x485: {  	[tilespmem:v49+s20+$0x0] =	vst.idx.msk $0xffff, v59;
	v62 =	vadd.f32 v50, v34;
	v49 =	vadd.s32 v31, v42;
	v53 =	vld [tilespmem:s26+$0x0]  }
0x486: {  	v57 =	vadd.s32 v31, v44;
	v50 =	vld [tilespmem:s26+$0xFFFFFE00];
	[tilespmem:v48+s20+$0x0] =	vst.idx.msk $0xffff, v61;
	v63 =	vadd.f32 v54, v34  }
0x487: {  	v37 =	vadd.s32 v32, v37;
	[tilespmem:v46+s20+$0x0] =	vst.idx.msk $0xffff, v62;
	v58 =	vld [tilespmem:s24+$0x0];
	v59 =	vadd.f32 v47, v34  }
0x488: {  	v38 =	vadd.s32 v32, v38;
	v46 =	vld [tilespmem:s24+$0xFFFFFE00];
	[tilespmem:v51+s20+$0x0] =	vst.idx.msk $0xffff, v63;
	v60 =	vadd.f32 v60, v34  }
0x489: {  	v39 =	vadd.s32 v32, v39;
	[tilespmem:v43+s20+$0x0] =	vst.idx.msk $0xffff, v59;
	v61 =	vld [tilespmem:s0+$0x0];
	v62 =	vadd.f32 v45, v34  }
0x48a: {  	v40 =	vadd.s32 v32, v40;
	v63 =	vadd.f32 v53, v33;
	v43 =	vld [tilespmem:s0+$0xFFFFFE00];
	[tilespmem:v49+s20+$0x0] =	vst.idx.msk $0xffff, v60  }
0x48b: {  	v41 =	vadd.s32 v32, v41;
	v51 =	vadd.f32 v50, v33;
	[tilespmem:v57+s20+$0x0] =	vst.idx.msk $0xffff, v62;
	v53 =	vld [tilespmem:s4+$0x0]  }
0x48c: {  	v55 =	vadd.s32 v32, v52;
	[tilespmem:v37+s20+$0x0] =	vst.idx.msk $0xffff, v63;
	v54 =	vadd.f32 v58, v33;
	v56 =	vld [tilespmem:s4+$0xFFFFFE00]  }
0x48d: {  	[tilespmem:v38+s20+$0x0] =	vst.idx.msk $0xffff, v51;
	v57 =	vadd.f32 v46, v33;
	v58 =	vadd.s32 v32, v42  }
0x48e: {  	v60 =	vadd.s32 v32, v44;
	[tilespmem:v39+s20+$0x0] =	vst.idx.msk $0xffff, v54;
	v59 =	vadd.f32 v61, v33  }
0x48f: {  	[tilespmem:v40+s20+$0x0] =	vst.idx.msk $0xffff, v57;
	v61 =	vadd.f32 v43, v33  }
0x490: {  	[tilespmem:v41+s20+$0x0] =	vst.idx.msk $0xffff, v59;
	v62 =	vadd.f32 v53, v33  }
0x491: {  	[tilespmem:v55+s20+$0x0] =	vst.idx.msk $0xffff, v61;
	v63 =	vadd.f32 v56, v33  }
0x492: {  	[tilespmem:v58+s20+$0x0] =	vst.idx.msk $0xffff, v62  }
0x493: {  	s2 =	simm.s32 $0x420;
	s31 =	simm.s32 $0xC400;
	s0 =	sadd.s32 s25, s9;
	[tilespmem:v60+s20+$0x0] =	vst.idx.msk $0xffff, v63  }
0x494: {  	[hbm4b:s0+s1] =	stream.linear.scatter [tilespmem:s31], [sflag:$0x4], $0x100, $0x38;
	[tilespmem:$0x11280] =	vst v63  }
.LBB2_13:
0x495: {  	p0 =	sne.s32 s2, $0x103E0  }
.Ltmp6:
0x496: {  	_ = 	snop;
	(pc) =	sbr.rel @p0 .LBB2_13-.Ltmp6, $4  }
0x497: {  	_ = 	snop  }
0x498: {  	s4 =	sshra.s32 s2, $0x2;
	s2 =	sadd.s32 $0x420, s2  }
0x499: {  	s0 =	sadd.s32 $0x800, s0;
	s4 =	sadd.s32 $0xC400, s4  }
0x49a: {  	[hbm4b:s0+s1] =	stream.linear.scatter [tilespmem:s4], [sflag:$0x4], $0x100, $0x38;
	[tilespmem:$0x11280] =	vst v63  }
0x49b: {  	s23 =	sadd.s32 $0x1, s23  }
0x49c: {  	p0 =	sne.s32 s23, $0x32  }
.Ltmp7:
0x49d: {  	_ = 	snop;
	(pc) =	sbr.rel @p0 .LBB2_2-.Ltmp7, $1  }
0x49e: {  	_ =	sdelay $0x3  }
0x49f: {  	_ =	swait.ge [sflag:s21], $0x4000  }
0x4a0: {  	[sflag:s21] =	ssyncset.done $0x0  }
0x4a1: {  	[sflag:s21] =	ssyncadd.s32 $0xFFFFC000  }
0x4a2: {  	_ =	swait.ge [sflag:s19], $0x4000  }
0x4a3: {  	s22 =	sadd.s32 $0x1, s22;
	s0 =	rddreg [dreg:$0x5]  }
0x4a4: {  	p0 =	sne.s32 s22, s0  }
.Ltmp8:
0x4a5: {  	_ = 	snop;
	(pc) =	sbr.rel @p0 .LBB2_1-.Ltmp8, $3  }
0x4a6: {  	_ =	sdelay $0x1  }
0x4a7: {  	[sflag:s19] =	ssyncset.done $0x0  }
0x4a8: {  	[sflag:s19] =	ssyncadd.s32 $0xFFFFC000  }
0x4a9: {  	_ =	sfence.sel $0x180000  }
0x4aa: {  	[bflag:$0x0] =	sbarrier.arrive $0xFFFF  }
0x4ab: {  	_ =	strace $0x9000004A  }
0x4ac: {  	s0 =	stileid.u32;
	[bflag:$0x2] =	sbarrier.arrive $0xFFFF  }
0x4ad: {  	p0 =	sne.s32 s0, $0x0;
	s0 =	rddreg [dreg:$0x2]  }
0x4ae: {  	s0 =	sadd.s32 @!p0 $0x100000, s0  }
0x4af: {  	[sflag:s0] =	ssyncadd.tile.s32 @!p0 $0x1;
	_ =	shalt  }
.Lfunc_end2:
_tile_overlayer_lowered:
.L_overlay_start_2:
0x4b0: {  	(tag) =	ssettag $0x2  }
0x4b1: {  	s0 =	rddreg [dreg:$0x0];
	s2 =	stileid.u32  }
0x4b2: {  	s1 =	rddreg [dreg:$0x1];
	p0 =	sne.s32 s2, $0x0  }
0x4b3: {  	s3 =	rddreg [dreg:$0x2];
	[bflag:$0x3] =	sbarrier.arrive $0xFFFF;
	s2 =	simm.s32 @!p0 $0x1C05  }
0x4b4: {  	[timem:s3], [sflag:s2] =	dma.local @!p0 [hbm:s0], s1  }
0x4b5: {  	s0 =	simm.s32 @!p0 $0x5  }
0x4b6: {  	_ =	swait.ge @!p0 [sflag:s0], s1  }
0x4b7: {  	s1 =	ssub.s32 @!p0 $0x0, s1;
	[sflag:s0] =	ssyncset.done @!p0 $0x0  }
0x4b8: {  	[sflag:s0] =	ssyncadd.s32 @!p0 s1  }
0x4b9: {  	[bflag:$0x3] =	sbarrier.arrive $0xFFFF  }
0x4ba: {  	_ =	shalt  }

// kernel: sparse-core-data-format-call.cloned.1.call-start
scs
called_computation_lowered:
.L_overlay_start_0:
0x0: {  	s2 =	sld [smem:$0x3FD9]  }
0x1: {  	s3 =	sld [smem:$0x3FFE];
	_ =	sdelay $0x1  }
0x2: {  	s1 =	srdreg.scid  }
0x3: {  	s0 =	sand.u32 $0x1, s1  }
0x4: {  	s18 =	sshll.u32 s0, $0xA;
	s2 =	sadd.s32 s3, s2  }
0x5: {  	s2 =	sadd.s32 s2, s18  }
0x6: {  	[smem:$0x3FC6] =	sst s2  }
0x7: {  	_ = 	snop  }
0x8: {  	s2 =	sld [smem:$0x3FC8];
	(tm) =	ssettm $0x1  }
0x9: {  	s19 =	sld [smem:$0x3FFB];
	_ =	sdelay $0x3  }
0xa: {  	_ =	strace s19  }
0xb: {  	s3 =	sld [smem:$0x3FFC];
	_ =	sdelay $0x3  }
0xc: {  	_ =	strace s3  }
0xd: {  	s3 =	sld [smem:$0x3FFD];
	_ =	sdelay $0x3  }
0xe: {  	_ =	strace s3  }
0xf: {  	_ =	strace $0x8FFFFFFF  }
0x10: {  	s20 =	sld [smem:$0x3FDB];
	_ =	sdelay $0x1  }
0x11: {  	s4 =	simm.s32 $_scs_section_size  }
0x12: {  	s5 =	simm.s32 $_size__tile_overlayer_lowered;
	s6 =	simm.s32 $_tile_overlayer_lowered  }
0x13: {  	s23 =	simm.s32 $0x1BFF;
	s22 =	sshll.u32 s6, $0x1;
	s3 =	sadd.s32 s4, s20  }
0x14: {  	s7 =	simm.s32 $0x0;
	s21 =	sshll.u32 s5, $0x1;
	s5 =	sadd.s32 s22, s3  }
0x15: {  	[timem:s7], [sflag:s23] =	dma.local [hbm:s5], s21  }
0x16: {  	_ =	swait.ge [sflag:s23], s21  }
0x17: {  	s4 =	ssub.s32 $0x0, s21;
	[sflag:s23] =	ssyncset.done $0x0  }
0x18: {  	[sflag:s23] =	ssyncadd.s32 s4;
	_ =	sdelay $0x1  }
0x19: {  	s24 =	simm.s32 $0x1B8B  }
0x1a: {  	_ =	swait.ge [sflag:s24], $0x1  }
0x1b: {  	[sflag:s24] =	ssyncset.done $0x0  }
0x1c: {  	s26 =	simm.s32 $0x1B8E;
	s25 =	sld [smem:$0x3FFE];
	[sflag:s24] =	ssyncadd.s32 $0xFFFFFFFF  }
0x1d: {  	s27 =	simm.s32 $execute0_lowered;
	[smem:$0x3FD2] =	sst s26  }
0x1e: {  	s5 =	sshll.u32 s27, $0x1;
	_ =	strace $0x80000046;
	[dreg:$0x1] =	wrdreg $0xFFFFFFFF  }
0x1f: {  	s28 =	simm.s32 $_size_execute0_lowered;
	s3 =	sadd.s32 s3, s5;
	[dreg:$0x0] =	wrdreg $0x0  }
0x20: {  	s5 =	sshll.u32 s28, $0x1;
	[dreg:$0x2] =	wrdreg s3  }
0x21: {  	[dreg:$0x3] =	wrdreg s5  }
0x22: {  	[dreg:$0x4] =	wrdreg $0xC0  }
0x23: {  	_ =	task [dreg:s7], $0x5FFFF  }
0x24: {  	[dreg:$0x1] =	wrdreg $0xFFFFFFFF  }
0x25: {  	[dreg:$0x0] =	wrdreg $0x60  }
0x26: {  	[dreg:$0x2] =	wrdreg s2  }
0x27: {  	[dreg:$0x3] =	wrdreg s25  }
0x28: {  	[dreg:$0x4] =	wrdreg $0x9  }
0x29: {  	_ =	task.clear_ibuf [dreg:s7], $0x5FFFF;
	_ =	strace $0x90000046  }
0x2a: {  	s29 =	simm.s32 $0x9;
	_ =	strace $0x80000048  }
0x2b: {  	_ =	swait.ge [sflag:s29], $0x1  }
0x2c: {  	[sflag:s29] =	ssyncadd.s32 $0xFFFFFFFF  }
0x2d: {  	_ =	strace $0x90000048  }
0x2e: {  	_ =	sfence  }
0x2f: {  	s30 =	sld [smem:$0x0];
	_ =	sdelay $0x2  }
0x30: {  	s31 =	sshll.u32 s1, $0xD;
	s1 =	sshrl.u32 s1, $0x2  }
0x31: {  	s3 =	sand.u32 $0x4000, s31;
	s1 =	sadd.s32 s1, s30  }
0x32: {  	s0 =	sor.u32 s3, s0;
	s1 =	sshll.u32 s1, $0x11  }
0x33: {  	s0 =	sor.u32 s1, s0  }
0x34: {  	s0 =	sadd.s32 $0x8F2B, s0  }
0x35: {  	[sflag:s0] =	ssyncadd.remote.s32 $0x1  }
0x36: {  	_ =	sfence.sel $0xFFFF  }
0x37: {  	[dreg:$0x0] =	wrdreg $0xFFFFFFFF;
	(pc) =	sbr.abs _section_cstart, $3  }
0x38: {  	[dreg:$0x1] =	wrdreg $0xFFFFFFFF  }
0x39: {  	_ =	task.clear_ibuf [dreg:s7], $0x2FFFF;
	_ =	strace $0x9FFFFFFF  }
0x3a: {  	(tm) =	ssettm $0x7FFFFFFF  }
0x3b: {  	_ =	shalt  }
tec
execute0_lowered:
.L_overlay_start_1:
0x0: {  	(tag) =	ssettag $0x1  }
0x1: {  	s0 =	srdreg.scid;
	s2 =	rddreg [dreg:$0x0]  }
0x2: {  	s5 =	rddreg [dreg:$0x1];
	s1 =	stileid.u32  }
0x3: {  	s4 =	simm.s32 $0x1;
	s6 =	simm.s32 $0x2;
	s15 =	simm.s32 $0x0  }
0x4: {  	p0 =	por $0x0, $0x0;
	s8 =	simm.s32 $0x80;
	s0 =	sshll.u32 s0, $0x4  }
0x5: {  	s14 =	simm.s32 $0x0;
	s9 =	simm.s32 $0x0;
	s3 =	sand.u32 $0x10, s0  }
.Ltmp0:
0x6: {  	s10 =	simm.s32 $0x0;
	s3 =	sor.u32 s1, s3;
	(pc) =	sbr.rel .LBB1_1-.Ltmp0, $4  }
0x7: {  	s0 =	rddreg [dreg:$0x2];
	_ =	strace $0x80000047;
	s3 =	sshll.u32 s3, $0x7  }
0x8: {  	s12 =	simm.s32 $0x0;
	[sflag:s4] =	ssyncpa.u1 $0x0;
	s7 =	ssub.s32 $0xF4200, s3  }
0x9: {  	s13 =	simm.s32 $0x0;
	[sflag:s6] =	ssyncpa.u1 $0x0;
	s6 =	sshrl.u32 s7, $0xC  }
0xa: {  	s5 =	sadd.s32 $0xC00, s5;
	s11 =	smov.u32 s3;
	s7 =	sadd.s32 $0x2, s6  }
.LBB1_5:
0xb: {  	p1 =	slt.u32 s13, $0x2  }
0xc: {  	s17 =	smov.u32 s15;
	p2 =	sgt.s32 @!p1 s15, $0xF41C0;
	s16 =	sshra.s32 @!p1 s15, $0x1F  }
0xd: {  	p3 =	sgt.s32 @!p1 s14, $0x40;
	s18 =	sshra.s32 @!p1 s14, $0x1F;
	p2 =	por !p2, p1  }
0xe: {  	s15 =	sand.u32 @!p1 s16, s15;
	p3 =	por !p3, p1;
	s16 =	smov.u32 s14  }
0xf: {  	s14 =	sand.u32 @!p1 s18, s14;
	s17 =	simm.s32 @p2 $0xF41C0;
	s16 =	simm.s32 @p3 $0x40  }
0x10: {  	s15 =	ssub.s32 @!p1 s17, s15;
	s14 =	ssub.s32 @!p1 s16, s14  }
0x11: {  	s18 =	smov.u32 s12;
	s16 =	sadd.s32 @!p1 $0xFFF0BE40, s15;
	s17 =	sadd.s32 @!p1 $0xFFFFFFC0, s14  }
0x12: {  	s15 =	ssub.s32 @!p1 $0xF4240, s15;
	p2 =	sgt.s32 @!p1 s16, $0x7F;
	p3 =	sgt.s32 @!p1 s17, $0x3F  }
0x13: {  	s14 =	ssub.s32 @!p1 $0x80, s14;
	p2 =	por !p2, p1;
	p3 =	por !p3, p1  }
0x14: {  	s16 =	sadd.s32 $0x1000, s11;
	s15 =	simm.s32 @!p2 $0x0;
	s14 =	simm.s32 @!p3 $0x0  }
0x15: {  	p2 =	sgt.s32 s16, $0xF423F;
	s14 =	smul.u32 @!p1 s14, s15;
	s15 =	sadd.s32 $0x40, s12  }
0x16: {  	s18 =	smov.u32 @p2 s15  }
0x17: {  	s16 =	smov.u32 @p2 s3;
	p2 =	sgt.s32 s18, $0x3F  }
0x18: {  	s18 =	simm.s32 @p2 $0x0;
	p2 =	sne.s32 s13, s7  }
.Ltmp1:
0x19: {  	p0 =	por !p0, !p0;
	s17 =	simm.s32 @!p1 $0x2;
	(pc) =	sbr.rel @!p2 .LBB1_6-.Ltmp1, $4  }
0x1a: {  	s15 =	smov.u32 s9;
	s9 =	smov.u32 s11;
	s14 =	sand.u32 @!p1 $0x3FFFFFFF, s14  }
0x1b: {  	s11 =	smov.u32 s16;
	_ =	swait.ge @!p1 [sflag:s17], s14;
	s19 =	ssub.s32 @!p1 $0x0, s14  }
0x1c: {  	s14 =	smov.u32 s10;
	s13 =	sadd.s32 $0x1, s13;
	[sflag:s17] =	ssyncset.done @!p1 $0x0  }
0x1d: {  	s10 =	smov.u32 s12;
	s12 =	smov.u32 s18;
	[sflag:s17] =	ssyncadd.s32 @!p1 s19  }
.LBB1_1:
0x1e: {  	p1 =	sgt.u32 s13, s6  }
0x1f: {  	s16 =	sshrl.u32 @!p1 s12, $0x3  }
0x20: {  	s17 =	sshll.u32 @!p1 s11, $0x3;
	s16 =	smul.u32 @!p1 $0x7A1400, s16  }
0x21: {  	s18 =	sshll.u32 @!p1 s12, $0x7;
	s17 =	sand.u32 @!p1 $0xFFFFFC00, s17  }
0x22: {  	s16 =	sadd.s32 @!p1 s16, s17;
	s17 =	sand.u32 @!p1 $0x380, s18  }
0x23: {  	s18 =	sand.u32 @!p1 $0x7F, s11;
	s16 =	sor.u32 @!p1 s17, s16  }
0x24: {  	s17 =	sor.u32 @!p1 s18, s16  }
0x25: {  	s18 =	smulhi.u32 @!p1 $0x218D6287, s17;
	_ =	sdelay $0x1  }
0x26: {  	s16 =	smulhi.u32 @!p1 $0x218D6287, s16;
	s18 =	sshrl.u32 @!p1 s18, $0x11  }
0x27: {  	s18 =	smul.u32 @!p1 $0xF4280, s18  }
0x28: {  	s19 =	sxor.u32 @!p1 $0xFFFFFFFF, s13;
	s16 =	sshrl.u32 @!p1 s16, $0x11  }
0x29: {  	s19 =	sshll.u32 @!p1 s19, $0xD;
	s16 =	sand.u32 @!p1 $0x3F, s16;
	s17 =	ssub.s32 @!p1 s17, s18  }
0x2a: {  	s16 =	smul.u32 @!p1 $0x1E850, s16;
	s18 =	sshrl.u32 @!p1 s17, $0x3;
	s17 =	sand.u32 @!p1 $0x7, s17  }
0x2b: {  	s19 =	sand.u32 @!p1 $0x2000, s19;
	s18 =	sadd.s32 @!p1 s2, s18;
	s17 =	sshll.u32 @!p1 s17, $0x12  }
0x2c: {  	s16 =	sadd.s32 @!p1 s16, s18;
	s17 =	sor.u32 @!p1 $0x400, s17;
	s18 =	simm.s32 @!p1 $0x7A1400  }
0x2d: {  	[tilespmem:s19], [sflag:$0x1] =	stream.strided.gather @!p1 [hbm4b:s16+s17], $0x2000, s18, s17, $0x38;
	[tilespmem:$0x8100] =	vst v63  }
0x2e: {  	p1 =	seq.s32 s13, $0x0  }
0x2f: {  	p2 =	sge.u32 @!p1 s13, s7  }
0x30: {  	p1 =	por p1, p2  }
.Ltmp2:
0x31: {  	_ = 	snop;
	(pc) =	sbr.rel @p1 .LBB1_5-.Ltmp2, $1  }
0x32: {  	_ =	sdelay $0x3  }
0x33: {  	s16 =	simm.s32 $0x1  }
0x34: {  	_ =	swait.ge [sflag:s4], $0x2000;
	s16 =	simm.s32 @!p0 $0x0  }
0x35: {  	[sflag:s4] =	ssyncset.done $0x0;
	s17 =	sshll.u32 s16, $0xD  }
0x36: {  	[sflag:s4] =	ssyncadd.s32 $0xFFFFE000;
	s17 =	sor.u32 $0x40, s17  }
0x37: {  	s16 =	smul.u32 $0x8200, s16;
	v0 =	vld [tilespmem:s17+$0x30]  }
0x38: {  	v1 =	vld [tilespmem:s17+$0xFFFFFFD0]  }
0x39: {  	s16 =	sshrl.u32 s16, $0x2;
	v5 =	vld [tilespmem:s17+$0xFFFFFFE0]  }
0x3a: {  	v6 =	vld [tilespmem:s17+$0xFFFFFFF0];
	s19 =	sor.u32 $0x4000, s16  }
0x3b: {  	s31 =	sand.u32 $0x1, s13;
	v4 =	vld [tilespmem:s17+$0x0];
	s18 =	sadd.s32 $0x0, s19  }
0x3c: {  	v3 =	vld [tilespmem:s17+$0x10];
	s16 =	smul.u32 $0x8200, s31;
	[tilespmem:s18+$0x1C70 ss:$0x41] =	vst.msk $0xffff, v0  }
0x3d: {  	v2 =	vld [tilespmem:s17+$0x20];
	[tilespmem:s18+$0x410 ss:$0x41] =	vst.msk $0xffff, v1  }
0x3e: {  	s16 =	sshrl.u32 s16, $0x2;
	v1 =	vld [tilespmem:s17+$0xFFFFFFC0];
	[tilespmem:s18+$0x820 ss:$0x41] =	vst.msk $0xffff, v5;
	s17 =	sadd.s32 $0x80, s17  }
0x3f: {  	s20 =	simm.s32 $0x4;
	s21 =	simm.s32 $0x8;
	s16 =	sor.u32 $0x4000, s16;
	[tilespmem:s18+$0xC30 ss:$0x41] =	vst.msk $0xffff, v6;
	v0 =	vld [tilespmem:s17+$0x30]  }
.LBB1_3:
0x40: {  	p1 =	sne.s32 s21, $0xFC;
	v5 =	vld [tilespmem:s17+$0xFFFFFFD0];
	[tilespmem:s18+$0x1040 ss:$0x41] =	vst.msk $0xffff, v4  }
0x41: {  	v6 =	vld [tilespmem:s17+$0xFFFFFFE0];
	[tilespmem:s18+$0x1450 ss:$0x41] =	vst.msk $0xffff, v3  }
0x42: {  	s22 =	sshra.s32 s20, $0x2;
	s20 =	smov.u32 s21;
	v7 =	vld [tilespmem:s17+$0xFFFFFFF0];
	[tilespmem:s18+$0x1860 ss:$0x41] =	vst.msk $0xffff, v2  }
.Ltmp3:
0x43: {  	v4 =	vld [tilespmem:s17+$0x0];
	[tilespmem:s18+$0x0 ss:$0x41] =	vst.msk $0xffff, v1;
	s18 =	sadd.s32 s22, s19;
	(pc) =	sbr.rel @p1 .LBB1_3-.Ltmp3, $4  }
0x44: {  	v3 =	vld [tilespmem:s17+$0x10];
	[tilespmem:s18+$0x1C70 ss:$0x41] =	vst.msk $0xffff, v0  }
0x45: {  	[tilespmem:s18+$0x410 ss:$0x41] =	vst.msk $0xffff, v5;
	v2 =	vld [tilespmem:s17+$0x20]  }
0x46: {  	v1 =	vld [tilespmem:s17+$0xFFFFFFC0];
	[tilespmem:s18+$0x820 ss:$0x41] =	vst.msk $0xffff, v6;
	s17 =	sadd.s32 $0x80, s17  }
0x47: {  	s21 =	sadd.s32 $0x4, s21;
	v0 =	vld [tilespmem:s17+$0x30];
	[tilespmem:s18+$0xC30 ss:$0x41] =	vst.msk $0xffff, v7  }
0x48: {  	s21 =	sshll.u32 s9, $0x7;
	s22 =	sshll.u32 s10, $0x3;
	s20 =	sshra.s32 s20, $0x2  }
0x49: {  	p1 =	sgt.s32 s9, $0xF41C0;
	s30 =	sshra.s32 s9, $0x1F;
	s25 =	sshra.s32 s10, $0x1F  }
0x4a: {  	v5 =	vld [tilespmem:s17+$0xFFFFFFD0];
	s28 =	sshrl.u32 s10, $0x3;
	s23 =	sand.u32 $0xFFFFFC00, s21;
	s22 =	sand.u32 $0xFFFFFC00, s22  }
0x4b: {  	[tilespmem:s18+$0x1040 ss:$0x41] =	vst.msk $0xffff, v4;
	v58 =	vld [tilespmem:s17+$0xFFFFFFE0];
	s21 =	sand.u32 $0x380, s21;
	s19 =	sadd.s32 s20, s19;
	s22 =	sadd.s32 s22, s23  }
0x4c: {  	v59 =	vld [tilespmem:s17+$0xFFFFFFF0];
	[tilespmem:s18+$0x1450 ss:$0x41] =	vst.msk $0xffff, v3;
	s29 =	sor.u32 s21, s22;
	s21 =	smov.u32 s9;
	s22 =	sand.u32 s30, s9  }
0x4d: {  	v60 =	vld [tilespmem:s17+$0x0];
	[tilespmem:s18+$0x1860 ss:$0x41] =	vst.msk $0xffff, v2;
	s30 =	sand.u32 $0x7, s10;
	s20 =	sshrl.u32 s29, $0x7;
	s21 =	simm.s32 @!p1 $0xF41C0  }
0x4e: {  	v61 =	vld [tilespmem:s17+$0x10];
	[tilespmem:s18+$0x0 ss:$0x41] =	vst.msk $0xffff, v1;
	p1 =	sgt.s32 s10, $0x40;
	s24 =	ssub.s32 s21, s22;
	s21 =	smov.u32 s10  }
0x4f: {  	v62 =	vld [tilespmem:s17+$0x20];
	[tilespmem:s19+$0x1C70 ss:$0x41] =	vst.msk $0xffff, v0;
	s31 =	smulhi.u32 $0x218DEF5, s20;
	s22 =	sand.u32 s25, s10;
	s21 =	simm.s32 @!p1 $0x40  }
0x50: {  	v63 =	vld [tilespmem:s17+$0xFFFFFFC0];
	[tilespmem:s19+$0x410 ss:$0x41] =	vst.msk $0xffff, v5;
	s26 =	sadd.s32 $0xFFF0BE40, s24;
	s17 =	ssub.s32 $0xF4240, s24;
	s21 =	ssub.s32 s21, s22  }
0x51: {  	[tilespmem:s19+$0x820 ss:$0x41] =	vst.msk $0xffff, v58;
	s23 =	sshrl.u32 s31, $0xD;
	p1 =	sgt.s32 s26, $0x7F;
	s27 =	sadd.s32 $0xFFFFFFC0, s21  }
0x52: {  	[tilespmem:s19+$0xC30 ss:$0x41] =	vst.msk $0xffff, v59;
	s23 =	smul.u32 $0xF4240, s23;
	s18 =	ssub.s32 $0x80, s21;
	p2 =	sgt.s32 s27, $0x3F  }
.Ltmp4:
0x53: {  	[tilespmem:s19+$0x1040 ss:$0x41] =	vst.msk $0xffff, v60;
	s17 =	simm.s32 @p1 $0x0;
	s18 =	simm.s32 @p2 $0x0;
	(pc) =	sbr.rel .LBB1_5-.Ltmp4, $4  }
0x54: {  	s29 =	sand.u32 $0xF, s28;
	[tilespmem:s19+$0x1450 ss:$0x41] =	vst.msk $0xffff, v61;
	s20 =	ssub.s32 s20, s23;
	s17 =	smul.u32 s18, s17  }
0x55: {  	[tilespmem:s19+$0x1860 ss:$0x41] =	vst.msk $0xffff, v62;
	s21 =	sshll.u32 s30, $0x12;
	s20 =	sshll.u32 s20, $0x4;
	s18 =	sadd.s32 s5, s29  }
0x56: {  	[tilespmem:s19+$0x0 ss:$0x41] =	vst.msk $0xffff, v63;
	s31 =	sor.u32 $0x40, s21;
	s18 =	sadd.s32 s20, s18;
	s17 =	sand.u32 $0x3FFFFFFF, s17  }
0x57: {  	[hbm4b:s18+s31] =	stream.strided.scatter [tilespmem:s16], [sflag:$0x2], s17, s8, s31, $0x18;
	[tilespmem:$0x8100] =	vst v63  }
.LBB1_6:
0x58: {  	_ =	sfence.sel $0x180000  }
0x59: {  	s2 =	simm.s32 $0x1;
	[bflag:$0x0] =	sbarrier.arrive $0xFFFF  }
0x5a: {  	s31 =	simm.s32 $0x2;
	[sflag:s2] =	ssyncpa.u1 $0x1  }
0x5b: {  	[sflag:s31] =	ssyncpa.u1 $0x1  }
0x5c: {  	p0 =	sne.s32 s1, $0x0;
	_ =	strace $0x90000047  }
0x5d: {  	s0 =	sadd.s32 @!p0 $0x100000, s0;
	[bflag:$0x2] =	sbarrier.arrive $0xFFFF  }
0x5e: {  	[sflag:s0] =	ssyncadd.tile.s32 @!p0 $0x1;
	_ =	shalt  }
.Lfunc_end1:
_tile_overlayer_lowered:
.L_overlay_start_2:
0x5f: {  	(tag) =	ssettag $0x2  }
0x60: {  	s0 =	rddreg [dreg:$0x0];
	s2 =	stileid.u32  }
0x61: {  	s1 =	rddreg [dreg:$0x1];
	p0 =	sne.s32 s2, $0x0  }
0x62: {  	s3 =	rddreg [dreg:$0x2];
	[bflag:$0x3] =	sbarrier.arrive $0xFFFF;
	s2 =	simm.s32 @!p0 $0x1C01  }
0x63: {  	[timem:s3], [sflag:s2] =	dma.local @!p0 [hbm:s0], s1  }
0x64: {  	s0 =	simm.s32 @!p0 $0x1  }
0x65: {  	_ =	swait.ge @!p0 [sflag:s0], s1  }
0x66: {  	s1 =	ssub.s32 @!p0 $0x0, s1;
	[sflag:s0] =	ssyncset.done @!p0 $0x0  }
0x67: {  	[sflag:s0] =	ssyncadd.s32 @!p0 s1  }
0x68: {  	[bflag:$0x3] =	sbarrier.arrive $0xFFFF  }
0x69: {  	_ =	shalt  }

</sc_bundles>
